<compile_context>
chip_gen: v7x
topology: tpu7x:2x2x1
jax: 0.10.2.dev20260603
libtpu: 0.0.44.dev20260713+nightly
codegen_flags: <defaults>
</compile_context>

<pallas_src>
import jax
import jax.numpy as jnp
from jax import lax
from jax.experimental import pallas as pl
from jax.experimental.pallas import tpu as pltpu
from jax.experimental.pallas import tpu_sc as plsc

N = 10000
E = 320000
D1 = 128
D2 = 64
NC = 2
NS = 16
K = 80
BC = 12
NBLK = 21
CT = NBLK * BC
EP = NS * CT * K
NSLOT = 6
PRE = 3
RPT = 632
NP = NS * RPT
CW = 16

_mesh = plsc.VectorSubcoreMesh(core_axis_name="c", subcore_axis_name="s")


def _make_sc_agg(DH, with_counts):
    out_type = [jax.ShapeDtypeStruct((NC, NP, DH), jnp.float32)]
    scratch = [
        pltpu.VMEM((BC, K), jnp.int32),
        pltpu.VMEM((BC, K), jnp.int32),
        pltpu.VMEM((NSLOT, K, DH), jnp.float32),
        pltpu.VMEM_SHARED((NP, DH), jnp.float32),
        pltpu.SemaphoreType.DMA((NSLOT,)),
        pltpu.SemaphoreType.DMA((NSLOT,)),
    ]
    if with_counts:
        out_type.append(jax.ShapeDtypeStruct((NP, CW), jnp.float32))
        scratch += [
            pltpu.VMEM((K, CW), jnp.float32),
            pltpu.VMEM_SHARED((NP, CW), jnp.float32),
            pltpu.SemaphoreType.DMA((NSLOT,)),
        ]

    def body(src_hbm, dst_hbm, feat_hbm, zf_hbm, *rest):
        if with_counts:
            (zc_hbm, sum_out, cnt_out, src_v, dst_v, rows_v, sum_sh,
             sem_g, sem_s, ones_v, cnt_sh, sem_o) = rest
        else:
            (sum_out, src_v, dst_v, rows_v, sum_sh, sem_g, sem_s) = rest
        cid = lax.axis_index("c")
        sid = lax.axis_index("s")

        pltpu.sync_copy(zf_hbm.at[pl.ds(sid * RPT, RPT)],
                        sum_sh.at[pl.ds(sid * RPT, RPT)])
        if with_counts:
            pltpu.sync_copy(zc_hbm.at[pl.ds(sid * RPT, RPT)],
                            cnt_sh.at[pl.ds(sid * RPT, RPT)])
            ones = jnp.ones((CW,), jnp.float32)

            def fill(i, carry):
                ones_v[i] = ones
                return carry

            lax.fori_loop(0, K, fill, 0)
        plsc.subcore_barrier()

        def start_gather(i, s):
            pltpu.async_copy(feat_hbm.at[src_v.at[i]],
                             rows_v.at[s], sem_g.at[s])

        def wait_gather(s):
            pltpu.make_async_copy(feat_hbm.at[src_v.at[0]],
                                  rows_v.at[s], sem_g.at[s]).wait()

        def start_scatter(i, s):
            pltpu.async_copy(rows_v.at[s], sum_sh.at[dst_v.at[i]],
                             sem_s.at[s], add=True)
            if with_counts:
                @pl.when(cid == 0)
                def _():
                    pltpu.async_copy(ones_v, cnt_sh.at[dst_v.at[i]],
                                     sem_o.at[s], add=True)

        def wait_scatter(s):
            pltpu.make_async_copy(rows_v.at[s], sum_sh.at[dst_v.at[0]],
                                  sem_s.at[s]).wait()
            if with_counts:
                @pl.when(cid == 0)
                def _():
                    pltpu.make_async_copy(ones_v, cnt_sh.at[dst_v.at[0]],
                                          sem_o.at[s]).wait()

        def block(b, carry):
            pltpu.sync_copy(src_hbm.at[cid, sid, b], src_v)
            pltpu.sync_copy(dst_hbm.at[sid, b], dst_v)
            for i in range(PRE):
                start_gather(i, i)
            for i in range(BC):
                s = i % NSLOT
                if i + PRE < BC:
                    t = (i + PRE) % NSLOT
                    if i + PRE >= NSLOT:
                        wait_scatter(t)
                    start_gather(i + PRE, t)
                wait_gather(s)
                start_scatter(i, s)
            for s in range(NSLOT):
                wait_scatter(s)
            return carry

        lax.fori_loop(0, NBLK, block, 0)
        plsc.subcore_barrier()

        pltpu.sync_copy(sum_sh.at[pl.ds(sid * RPT, RPT)],
                        sum_out.at[cid, pl.ds(sid * RPT, RPT)])
        if with_counts:
            @pl.when(cid == 0)
            def _():
                pltpu.sync_copy(cnt_sh.at[pl.ds(sid * RPT, RPT)],
                                cnt_out.at[pl.ds(sid * RPT, RPT)])

    return pl.kernel(body, out_type=out_type, mesh=_mesh,
                     scratch_types=scratch,
                     compiler_params=pltpu.CompilerParams(
                         use_tc_tiling_on_sc=False))


_sc_agg_l1 = _make_sc_agg(D1 // NC, with_counts=True)
_sc_agg_l2 = _make_sc_agg(D2 // NC, with_counts=False)


def _tcr1_body(x, w1r, b1, xr_out):
    xr_out[...] = (jnp.dot(x[...], w1r[...],
                           preferred_element_type=jnp.float32) + b1[...])


def _tc1_body(s, c, xr, w1l, g1, be1, w2l, h1_out, y2_out):
    cnt = jnp.maximum(c[:N, 0:1], 1.0)
    h = (jnp.dot(s[0, :N] / cnt, w1l[0:D1 // 2, :],
                 preferred_element_type=jnp.float32)
         + jnp.dot(s[1, :N] / cnt, w1l[D1 // 2:, :],
                   preferred_element_type=jnp.float32)
         + xr[...])
    mean = jnp.mean(h, axis=0, keepdims=True)
    var = jnp.mean((h - mean) ** 2, axis=0, keepdims=True)
    h = g1[...] * (h - mean) * lax.rsqrt(var + 1e-5) + be1[...]
    h = jnp.maximum(h, 0.0)
    h1_out[...] = h
    y2_out[...] = jnp.dot(h, w2l[...], preferred_element_type=jnp.float32)


def _tcr2_body(h1, w2r, b2, hr_out):
    hr_out[...] = (jnp.dot(h1[...], w2r[...],
                           preferred_element_type=jnp.float32) + b2[...])


def _tc2_body(s, c, hr, g2, be2, out):
    cnt = jnp.maximum(c[:N, 0:1], 1.0)
    aggp = jnp.concatenate([s[0, :N], s[1, :N]], axis=1) / cnt
    h = aggp + hr[...]
    mean = jnp.mean(h, axis=0, keepdims=True)
    var = jnp.mean((h - mean) ** 2, axis=0, keepdims=True)
    h = g2[...] * (h - mean) * lax.rsqrt(var + 1e-5) + be2[...]
    out[...] = jnp.maximum(h, 0.0)


_tcr1 = pl.pallas_call(
    _tcr1_body,
    out_shape=jax.ShapeDtypeStruct((N, D1), jnp.float32),
)

_tc1 = pl.pallas_call(
    _tc1_body,
    out_shape=[jax.ShapeDtypeStruct((N, D1), jnp.float32),
               jax.ShapeDtypeStruct((N, D2), jnp.float32)],
)

_tcr2 = pl.pallas_call(
    _tcr2_body,
    out_shape=jax.ShapeDtypeStruct((N, D2), jnp.float32),
)

_tc2 = pl.pallas_call(
    _tc2_body,
    out_shape=jax.ShapeDtypeStruct((N, D2), jnp.float32),
)


def kernel(x, edge_index, W1_l, W1_r, b1, g1, be1, W2_l, W2_r, b2, g2, be2):
    pad = EP - E
    src = jnp.concatenate(
        [edge_index[0].astype(jnp.int32), jnp.zeros((pad,), jnp.int32)]
    ).reshape(NS, NBLK, BC, K)
    srcx = jnp.stack([2 * src, 2 * src + 1])
    dst = jnp.concatenate(
        [edge_index[1].astype(jnp.int32), jnp.full((pad,), N, jnp.int32)]
    ).reshape(NS, NBLK, BC, K)
    zf1 = jnp.zeros((NP, D1 // NC), jnp.float32)
    zc = jnp.zeros((NP, CW), jnp.float32)
    zf2 = jnp.zeros((NP, D2 // NC), jnp.float32)

    xr = _tcr1(x, W1_r, b1.reshape(1, D1))
    sum1, cnt = _sc_agg_l1(srcx, dst, x.reshape(NC * N, D1 // NC), zf1, zc)
    h1, y2 = _tc1(sum1, cnt, xr,
                  W1_l, g1.reshape(1, D1), be1.reshape(1, D1), W2_l)
    hr = _tcr2(h1, W2_r, b2.reshape(1, D2))
    (sum2,) = _sc_agg_l2(srcx, dst, y2.reshape(NC * N, D2 // NC), zf2)
    out = _tc2(sum2, cnt, hr, g2.reshape(1, D2), be2.reshape(1, D2))
    return out

# --- scband reference (transcript-rebuilt; emitter-appended) ---
"""Pipeline reference for scband-view-encoder-42580305772801 (READ-ONLY COPY).

The authoritative reference and input builder live on the scoring server;
editing this copy changes nothing except your own understanding.
"""

import jax, jax.numpy as jnp
import numpy as np

N_NODES = 10000
N_EDGES = 320000
IN_DIM = 128
REP_DIM = 64
HID = REP_DIM * 2  # 128


def setup_inputs(seed: int = 0) -> dict:
    key = jax.random.key(seed)
    ks = jax.random.split(key, 12)
    x = jax.random.normal(ks[0], (N_NODES, IN_DIM), dtype=jnp.float32)
    edge_index = jax.random.randint(ks[1], (2, N_EDGES), 0, N_NODES, dtype=jnp.int64)
    # SAGEConv layer 1: lin_l (on aggregated, with bias), lin_r (on root, no bias)
    s = 1.0 / np.sqrt(IN_DIM)
    W1_l = jax.random.uniform(ks[2], (IN_DIM, HID), minval=-s, maxval=s, dtype=jnp.float32)
    W1_r = jax.random.uniform(ks[3], (IN_DIM, HID), minval=-s, maxval=s, dtype=jnp.float32)
    b1 = jax.random.uniform(ks[4], (HID,), minval=-s, maxval=s, dtype=jnp.float32)
    # BN1 params
    g1 = jnp.ones((HID,), dtype=jnp.float32)
    be1 = jnp.zeros((HID,), dtype=jnp.float32)
    # SAGEConv layer 2
    s2 = 1.0 / np.sqrt(HID)
    W2_l = jax.random.uniform(ks[5], (HID, REP_DIM), minval=-s2, maxval=s2, dtype=jnp.float32)
    W2_r = jax.random.uniform(ks[6], (HID, REP_DIM), minval=-s2, maxval=s2, dtype=jnp.float32)
    b2 = jax.random.uniform(ks[7], (REP_DIM,), minval=-s2, maxval=s2, dtype=jnp.float32)
    g2 = jnp.ones((REP_DIM,), dtype=jnp.float32)
    be2 = jnp.zeros((REP_DIM,), dtype=jnp.float32)
    return {"x": x, "edge_index": edge_index,
            "W1_l": W1_l, "W1_r": W1_r, "b1": b1, "g1": g1, "be1": be1,
            "W2_l": W2_l, "W2_r": W2_r, "b2": b2, "g2": g2, "be2": be2}


def _sage_conv(x, src, dst, Wl, Wr, b, n_nodes):
    # mean aggregation of source-node features onto destination nodes
    msgs = jnp.take(x, src, axis=0)
    summed = jax.ops.segment_sum(msgs, dst, num_segments=n_nodes)
    cnt = jax.ops.segment_sum(jnp.ones((src.shape[0], 1), dtype=x.dtype), dst, num_segments=n_nodes)
    agg = summed / jnp.maximum(cnt, 1.0)
    return agg @ Wl + x @ Wr + b


def _batch_norm(h, gamma, beta, eps=1e-5):
    mean = jnp.mean(h, axis=0)
    var = jnp.mean((h - mean) ** 2, axis=0)
    return gamma * (h - mean) / jnp.sqrt(var + eps) + beta


def reference(x, edge_index, W1_l, W1_r, b1, g1, be1, W2_l, W2_r, b2, g2, be2):
    src = edge_index[0]
    dst = edge_index[1]
    h = _sage_conv(x, src, dst, W1_l, W1_r, b1, N_NODES)
    h = jax.nn.relu(_batch_norm(h, g1, be1))
    # dropout is identity in deterministic/eval reference
    h = _sage_conv(h, src, dst, W2_l, W2_r, b2, N_NODES)
    return jax.nn.relu(_batch_norm(h, g2, be2))

if __name__ == "__main__":
    import jax
    _d = setup_inputs()
    print(jax.jit(kernel)(*tuple(_d.values())))

</pallas_src>

<mosaic_0001>
#map = affine_map<(d0, d1) -> (0, 0, 0, 0, 0)>
#map1 = affine_map<(d0, d1) -> (0, 0, 0, 0)>
#map2 = affine_map<(d0, d1) -> (0, 0)>
#map3 = affine_map<(d0, d1) -> (0, 0, 0)>
module attributes {stable_mosaic.version = 14 : i64} {
  func.func @body(%arg0: i32, %arg1: i32, %arg2: memref<2x16x21x12x80xi32, #tpu.memory_space<hbm>>, %arg3: memref<16x21x12x80xi32, #tpu.memory_space<hbm>>, %arg4: memref<20000x64xf32, #tpu.memory_space<hbm>>, %arg5: memref<10112x64xf32, #tpu.memory_space<hbm>>, %arg6: memref<10112x16xf32, #tpu.memory_space<hbm>>, %arg7: memref<2x10112x64xf32, #tpu.memory_space<hbm>>, %arg8: memref<10112x16xf32, #tpu.memory_space<hbm>>, %arg9: memref<12x80xi32, #tpu.memory_space<vmem>>, %arg10: memref<12x80xi32, #tpu.memory_space<vmem>>, %arg11: memref<6x80x64xf32, #tpu.memory_space<vmem>>, %arg12: memref<10112x64xf32, #tpu.memory_space<vmem_shared>>, %arg13: memref<6x!tpu.dma_semaphore, #tpu.memory_space<semaphore_mem>>, %arg14: memref<6x!tpu.dma_semaphore, #tpu.memory_space<semaphore_mem>>, %arg15: memref<80x16xf32, #tpu.memory_space<vmem>>, %arg16: memref<10112x16xf32, #tpu.memory_space<vmem_shared>>, %arg17: memref<6x!tpu.dma_semaphore, #tpu.memory_space<semaphore_mem>>) attributes {dimension_semantics = [#tpu.dimension_semantics<core_parallel>, #tpu.dimension_semantics<subcore_parallel>], iteration_bounds = array<i64: 2, 16>, scalar_prefetch = 0 : i64, scratch_operands = 9 : i64, tpu.core_type = #tpu.core_type<sc_vector_subcore>, window_params = [{transform_indices = #map}, {transform_indices = #map1}, {transform_indices = #map2}, {transform_indices = #map2}, {transform_indices = #map2}, {transform_indices = #map3}, {transform_indices = #map2}]} {
    %mul3A = arith.constant 632 : i32
    %mul3A_0 = arith.muli %arg1, %mul3A : i32
    %mul3A_1 = arith.constant 632 : i32
    %mul3A_2 = arith.muli %arg1, %mul3A_1 : i32
    "tpu.region"() ({
      %run_scoped3A = tpu.sem_alloc : memref<!tpu.dma_semaphore, #tpu.memory_space<semaphore_mem>>
      %dma_start3A = arith.constant 0 : i32
      %dma_start3A_26 = tpu.memref_slice %arg12[%mul3A_2, %dma_start3A] : memref<10112x64xf32, #tpu.memory_space<vmem_shared>> -> memref<632x64xf32, #tpu.memory_space<vmem_shared>>
      %dma_start3A_27 = arith.constant 0 : i32
      %dma_start3A_28 = tpu.memref_slice %arg5[%mul3A_0, %dma_start3A_27] : memref<10112x64xf32, #tpu.memory_space<hbm>> -> memref<632x64xf32, #tpu.memory_space<hbm>>
      tpu.enqueue_dma source(%dma_start3A_28 : memref<632x64xf32, #tpu.memory_space<hbm>>) target(%dma_start3A_26 : memref<632x64xf32, #tpu.memory_space<vmem_shared>>) target_semaphore(%run_scoped3A : memref<!tpu.dma_semaphore, #tpu.memory_space<semaphore_mem>>)
      %dma_wait3A = arith.constant 0 : i32
      %dma_wait3A_29 = tpu.memref_slice %arg12[%mul3A_2, %dma_wait3A] : memref<10112x64xf32, #tpu.memory_space<vmem_shared>> -> memref<632x64xf32, #tpu.memory_space<vmem_shared>>
      %dma_wait3A_30 = arith.constant 0 : i32
      %dma_wait3A_31 = tpu.memref_slice %arg5[%mul3A_0, %dma_wait3A_30] : memref<10112x64xf32, #tpu.memory_space<hbm>> -> memref<632x64xf32, #tpu.memory_space<hbm>>
      tpu.wait_dma2 semaphore(%run_scoped3A : memref<!tpu.dma_semaphore, #tpu.memory_space<semaphore_mem>>) src(%dma_wait3A_31 : memref<632x64xf32, #tpu.memory_space<hbm>>) dst(%dma_wait3A_29 : memref<632x64xf32, #tpu.memory_space<vmem_shared>>)
      tpu.yield
    }) : () -> ()
    %mul3A_3 = arith.constant 632 : i32
    %mul3A_4 = arith.muli %arg1, %mul3A_3 : i32
    %mul3A_5 = arith.constant 632 : i32
    %mul3A_6 = arith.muli %arg1, %mul3A_5 : i32
    "tpu.region"() ({
      %run_scoped3A = tpu.sem_alloc : memref<!tpu.dma_semaphore, #tpu.memory_space<semaphore_mem>>
      %dma_start3A = arith.constant 0 : i32
      %dma_start3A_26 = tpu.memref_slice %arg16[%mul3A_6, %dma_start3A] : memref<10112x16xf32, #tpu.memory_space<vmem_shared>> -> memref<632x16xf32, #tpu.memory_space<vmem_shared>>
      %dma_start3A_27 = arith.constant 0 : i32
      %dma_start3A_28 = tpu.memref_slice %arg6[%mul3A_4, %dma_start3A_27] : memref<10112x16xf32, #tpu.memory_space<hbm>> -> memref<632x16xf32, #tpu.memory_space<hbm>>
      tpu.enqueue_dma source(%dma_start3A_28 : memref<632x16xf32, #tpu.memory_space<hbm>>) target(%dma_start3A_26 : memref<632x16xf32, #tpu.memory_space<vmem_shared>>) target_semaphore(%run_scoped3A : memref<!tpu.dma_semaphore, #tpu.memory_space<semaphore_mem>>)
      %dma_wait3A = arith.constant 0 : i32
      %dma_wait3A_29 = tpu.memref_slice %arg16[%mul3A_6, %dma_wait3A] : memref<10112x16xf32, #tpu.memory_space<vmem_shared>> -> memref<632x16xf32, #tpu.memory_space<vmem_shared>>
      %dma_wait3A_30 = arith.constant 0 : i32
      %dma_wait3A_31 = tpu.memref_slice %arg6[%mul3A_4, %dma_wait3A_30] : memref<10112x16xf32, #tpu.memory_space<hbm>> -> memref<632x16xf32, #tpu.memory_space<hbm>>
      tpu.wait_dma2 semaphore(%run_scoped3A : memref<!tpu.dma_semaphore, #tpu.memory_space<semaphore_mem>>) src(%dma_wait3A_31 : memref<632x16xf32, #tpu.memory_space<hbm>>) dst(%dma_wait3A_29 : memref<632x16xf32, #tpu.memory_space<vmem_shared>>)
      tpu.yield
    }) : () -> ()
    %broadcast_in_dim3A = arith.constant 1.000000e+00 : f32
    %broadcast_in_dim3A_7 = vector.broadcast %broadcast_in_dim3A : f32 to vector<16xf32>
    %scan3A = arith.constant 0 : i32
    %scan3A_8 = arith.constant 0 : i32
    %scan3A_9 = arith.constant 80 : i32
    %scan3A_10 = arith.addi %scan3A_8, %scan3A_9 : i32
    %scan3A_11 = arith.constant 1 : i32
    scf.for %scan3A_26 = %scan3A_8 to %scan3A_10 step %scan3A_11  : i32 {
      %swap3A = arith.index_cast %scan3A_26 : i32 to index
      %swap3A_27 = arith.constant 0 : index
      %swap3A_28 = tpu.vector_load %arg15[%swap3A, %swap3A_27] {strides = array<i32>} : memref<80x16xf32, #tpu.memory_space<vmem>>, vector<1x16xf32>,
      %swap3A_29 = vector.shape_cast %swap3A_28 : vector<1x16xf32> to vector<16xf32>
      %swap3A_30 = vector.shape_cast %broadcast_in_dim3A_7 : vector<16xf32> to vector<1x16xf32>
      tpu.vector_store %arg15[%swap3A, %swap3A_27], %swap3A_30 {strides = array<i32>} : memref<80x16xf32, #tpu.memory_space<vmem>>, vector<1x16xf32>,
    }
    %scan3A_12 = arith.constant 80 : i32
    %barrier3A = arith.constant 0 : index
    tpu.barrier barrier_id(%barrier3A)
    %scan3A_13 = arith.constant 0 : i32
    %scan3A_14 = arith.constant 0 : i32
    %scan3A_15 = arith.constant 21 : i32
    %scan3A_16 = arith.addi %scan3A_14, %scan3A_15 : i32
    %scan3A_17 = arith.constant 1 : i32
    scf.for %scan3A_26 = %scan3A_14 to %scan3A_16 step %scan3A_17  : i32 {
      "tpu.region"() ({
        %run_scoped3A = tpu.sem_alloc : memref<!tpu.dma_semaphore, #tpu.memory_space<semaphore_mem>>
        %dma_start3A_865 = arith.constant 0 : i32
        %dma_start3A_866 = arith.constant 0 : i32
        %dma_start3A_867 = tpu.memref_slice %arg2[%arg0, %arg1, %scan3A_26, %dma_start3A_865, %dma_start3A_866] : memref<2x16x21x12x80xi32, #tpu.memory_space<hbm>> -> memref<1x1x1x12x80xi32, #tpu.memory_space<hbm>>
        %dma_start3A_868 = tpu.memref_squeeze %dma_start3A_867 : memref<1x1x1x12x80xi32, #tpu.memory_space<hbm>> -> memref<12x80xi32, #tpu.memory_space<hbm>>
        %dma_start3A_869 = arith.constant 0 : i32
        %dma_start3A_870 = arith.constant 0 : i32
        %dma_start3A_871 = tpu.memref_slice %arg2[%arg0, %arg1, %scan3A_26, %dma_start3A_869, %dma_start3A_870] : memref<2x16x21x12x80xi32, #tpu.memory_space<hbm>> -> memref<1x1x1x12x80xi32, #tpu.memory_space<hbm>>
        %dma_start3A_872 = tpu.memref_squeeze %dma_start3A_871 : memref<1x1x1x12x80xi32, #tpu.memory_space<hbm>> -> memref<12x80xi32, #tpu.memory_space<hbm>>
        tpu.enqueue_dma source(%dma_start3A_872 : memref<12x80xi32, #tpu.memory_space<hbm>>) target(%arg9 : memref<12x80xi32, #tpu.memory_space<vmem>>) target_semaphore(%run_scoped3A : memref<!tpu.dma_semaphore, #tpu.memory_space<semaphore_mem>>)
        %dma_wait3A_873 = arith.constant 0 : i32
        %dma_wait3A_874 = arith.constant 0 : i32
        %dma_wait3A_875 = tpu.memref_slice %arg2[%arg0, %arg1, %scan3A_26, %dma_wait3A_873, %dma_wait3A_874] : memref<2x16x21x12x80xi32, #tpu.memory_space<hbm>> -> memref<1x1x1x12x80xi32, #tpu.memory_space<hbm>>
        %dma_wait3A_876 = tpu.memref_squeeze %dma_wait3A_875 : memref<1x1x1x12x80xi32, #tpu.memory_space<hbm>> -> memref<12x80xi32, #tpu.memory_space<hbm>>
        %dma_wait3A_877 = arith.constant 0 : i32
        %dma_wait3A_878 = arith.constant 0 : i32
        %dma_wait3A_879 = tpu.memref_slice %arg2[%arg0, %arg1, %scan3A_26, %dma_wait3A_877, %dma_wait3A_878] : memref<2x16x21x12x80xi32, #tpu.memory_space<hbm>> -> memref<1x1x1x12x80xi32, #tpu.memory_space<hbm>>
        %dma_wait3A_880 = tpu.memref_squeeze %dma_wait3A_879 : memref<1x1x1x12x80xi32, #tpu.memory_space<hbm>> -> memref<12x80xi32, #tpu.memory_space<hbm>>
        tpu.wait_dma2 semaphore(%run_scoped3A : memref<!tpu.dma_semaphore, #tpu.memory_space<semaphore_mem>>) src(%dma_wait3A_880 : memref<12x80xi32, #tpu.memory_space<hbm>>) dst(%arg9 : memref<12x80xi32, #tpu.memory_space<vmem>>)
        tpu.yield
      }) : () -> ()
      "tpu.region"() ({
        %run_scoped3A = tpu.sem_alloc : memref<!tpu.dma_semaphore, #tpu.memory_space<semaphore_mem>>
        %dma_start3A_865 = arith.constant 0 : i32
        %dma_start3A_866 = arith.constant 0 : i32
        %dma_start3A_867 = tpu.memref_slice %arg3[%arg1, %scan3A_26, %dma_start3A_865, %dma_start3A_866] : memref<16x21x12x80xi32, #tpu.memory_space<hbm>> -> memref<1x1x12x80xi32, #tpu.memory_space<hbm>>
        %dma_start3A_868 = tpu.memref_squeeze %dma_start3A_867 : memref<1x1x12x80xi32, #tpu.memory_space<hbm>> -> memref<12x80xi32, #tpu.memory_space<hbm>>
        %dma_start3A_869 = arith.constant 0 : i32
        %dma_start3A_870 = arith.constant 0 : i32
        %dma_start3A_871 = tpu.memref_slice %arg3[%arg1, %scan3A_26, %dma_start3A_869, %dma_start3A_870] : memref<16x21x12x80xi32, #tpu.memory_space<hbm>> -> memref<1x1x12x80xi32, #tpu.memory_space<hbm>>
        %dma_start3A_872 = tpu.memref_squeeze %dma_start3A_871 : memref<1x1x12x80xi32, #tpu.memory_space<hbm>> -> memref<12x80xi32, #tpu.memory_space<hbm>>
        tpu.enqueue_dma source(%dma_start3A_872 : memref<12x80xi32, #tpu.memory_space<hbm>>) target(%arg10 : memref<12x80xi32, #tpu.memory_space<vmem>>) target_semaphore(%run_scoped3A : memref<!tpu.dma_semaphore, #tpu.memory_space<semaphore_mem>>)
        %dma_wait3A_873 = arith.constant 0 : i32
        %dma_wait3A_874 = arith.constant 0 : i32
        %dma_wait3A_875 = tpu.memref_slice %arg3[%arg1, %scan3A_26, %dma_wait3A_873, %dma_wait3A_874] : memref<16x21x12x80xi32, #tpu.memory_space<hbm>> -> memref<1x1x12x80xi32, #tpu.memory_space<hbm>>
        %dma_wait3A_876 = tpu.memref_squeeze %dma_wait3A_875 : memref<1x1x12x80xi32, #tpu.memory_space<hbm>> -> memref<12x80xi32, #tpu.memory_space<hbm>>
        %dma_wait3A_877 = arith.constant 0 : i32
        %dma_wait3A_878 = arith.constant 0 : i32
        %dma_wait3A_879 = tpu.memref_slice %arg3[%arg1, %scan3A_26, %dma_wait3A_877, %dma_wait3A_878] : memref<16x21x12x80xi32, #tpu.memory_space<hbm>> -> memref<1x1x12x80xi32, #tpu.memory_space<hbm>>
        %dma_wait3A_880 = tpu.memref_squeeze %dma_wait3A_879 : memref<1x1x12x80xi32, #tpu.memory_space<hbm>> -> memref<12x80xi32, #tpu.memory_space<hbm>>
        tpu.wait_dma2 semaphore(%run_scoped3A : memref<!tpu.dma_semaphore, #tpu.memory_space<semaphore_mem>>) src(%dma_wait3A_880 : memref<12x80xi32, #tpu.memory_space<hbm>>) dst(%arg10 : memref<12x80xi32, #tpu.memory_space<vmem>>)
        tpu.yield
      }) : () -> ()
      %dma_start3A = arith.constant 0 : i32
      %dma_start3A_27 = arith.constant 0 : i32
      %dma_start3A_28 = arith.constant 0 : i32
      %dma_start3A_29 = arith.constant 0 : i32
      %dma_start3A_30 = arith.constant 0 : i32
      %dma_start3A_31 = tpu.memref_slice %arg11[%dma_start3A_27, %dma_start3A_29, %dma_start3A_30] : memref<6x80x64xf32, #tpu.memory_space<vmem>> -> memref<1x80x64xf32, #tpu.memory_space<vmem>>
      %dma_start3A_32 = tpu.memref_squeeze %dma_start3A_31 : memref<1x80x64xf32, #tpu.memory_space<vmem>> -> memref<80x64xf32, #tpu.memory_space<vmem>>
      %dma_start3A_33 = arith.constant 0 : i32
      %dma_start3A_34 = tpu.memref_slice %arg9[%dma_start3A, %dma_start3A_33] : memref<12x80xi32, #tpu.memory_space<vmem>> -> memref<1x80xi32, #tpu.memory_space<vmem>>
      %dma_start3A_35 = tpu.memref_squeeze %dma_start3A_34 : memref<1x80xi32, #tpu.memory_space<vmem>> -> memref<80xi32, #tpu.memory_space<vmem>>
      %dma_start3A_36 = arith.constant 0 : i32
      %dma_start3A_37 = arith.constant 0 : i32
      %dma_start3A_38 = tpu.memref_slice %arg4[%dma_start3A_36, %dma_start3A_37] : memref<20000x64xf32, #tpu.memory_space<hbm>> -> memref<20000x64xf32, #tpu.memory_space<hbm>>
      %dma_start3A_39 = tpu.memref_slice %arg13[%dma_start3A_28] : memref<6x!tpu.dma_semaphore, #tpu.memory_space<semaphore_mem>> -> memref<1x!tpu.dma_semaphore, #tpu.memory_space<semaphore_mem>>
      %dma_start3A_40 = tpu.memref_squeeze %dma_start3A_39 : memref<1x!tpu.dma_semaphore, #tpu.memory_space<semaphore_mem>> -> memref<!tpu.dma_semaphore, #tpu.memory_space<semaphore_mem>>
      tpu.enqueue_indirect_dma source(%dma_start3A_38 : memref<20000x64xf32, #tpu.memory_space<hbm>>) target(%dma_start3A_32 : memref<80x64xf32, #tpu.memory_space<vmem>>) offsets(%dma_start3A_35 : memref<80xi32, #tpu.memory_space<vmem>>) semaphore(%dma_start3A_40 : memref<!tpu.dma_semaphore, #tpu.memory_space<semaphore_mem>>)
      %dma_start3A_41 = arith.constant 1 : i32
      %dma_start3A_42 = arith.constant 1 : i32
      %dma_start3A_43 = arith.constant 1 : i32
      %dma_start3A_44 = arith.constant 0 : i32
      %dma_start3A_45 = arith.constant 0 : i32
      %dma_start3A_46 = tpu.memref_slice %arg11[%dma_start3A_42, %dma_start3A_44, %dma_start3A_45] : memref<6x80x64xf32, #tpu.memory_space<vmem>> -> memref<1x80x64xf32, #tpu.memory_space<vmem>>
      %dma_start3A_47 = tpu.memref_squeeze %dma_start3A_46 : memref<1x80x64xf32, #tpu.memory_space<vmem>> -> memref<80x64xf32, #tpu.memory_space<vmem>>
      %dma_start3A_48 = arith.constant 0 : i32
      %dma_start3A_49 = tpu.memref_slice %arg9[%dma_start3A_41, %dma_start3A_48] : memref<12x80xi32, #tpu.memory_space<vmem>> -> memref<1x80xi32, #tpu.memory_space<vmem>>
      %dma_start3A_50 = tpu.memref_squeeze %dma_start3A_49 : memref<1x80xi32, #tpu.memory_space<vmem>> -> memref<80xi32, #tpu.memory_space<vmem>>
      %dma_start3A_51 = arith.constant 0 : i32
      %dma_start3A_52 = arith.constant 0 : i32
      %dma_start3A_53 = tpu.memref_slice %arg4[%dma_start3A_51, %dma_start3A_52] : memref<20000x64xf32, #tpu.memory_space<hbm>> -> memref<20000x64xf32, #tpu.memory_space<hbm>>
      %dma_start3A_54 = tpu.memref_slice %arg13[%dma_start3A_43] : memref<6x!tpu.dma_semaphore, #tpu.memory_space<semaphore_mem>> -> memref<1x!tpu.dma_semaphore, #tpu.memory_space<semaphore_mem>>
      %dma_start3A_55 = tpu.memref_squeeze %dma_start3A_54 : memref<1x!tpu.dma_semaphore, #tpu.memory_space<semaphore_mem>> -> memref<!tpu.dma_semaphore, #tpu.memory_space<semaphore_mem>>
      tpu.enqueue_indirect_dma source(%dma_start3A_53 : memref<20000x64xf32, #tpu.memory_space<hbm>>) target(%dma_start3A_47 : memref<80x64xf32, #tpu.memory_space<vmem>>) offsets(%dma_start3A_50 : memref<80xi32, #tpu.memory_space<vmem>>) semaphore(%dma_start3A_55 : memref<!tpu.dma_semaphore, #tpu.memory_space<semaphore_mem>>)
      %dma_start3A_56 = arith.constant 2 : i32
      %dma_start3A_57 = arith.constant 2 : i32
      %dma_start3A_58 = arith.constant 2 : i32
      %dma_start3A_59 = arith.constant 0 : i32
      %dma_start3A_60 = arith.constant 0 : i32
      %dma_start3A_61 = tpu.memref_slice %arg11[%dma_start3A_57, %dma_start3A_59, %dma_start3A_60] : memref<6x80x64xf32, #tpu.memory_space<vmem>> -> memref<1x80x64xf32, #tpu.memory_space<vmem>>
      %dma_start3A_62 = tpu.memref_squeeze %dma_start3A_61 : memref<1x80x64xf32, #tpu.memory_space<vmem>> -> memref<80x64xf32, #tpu.memory_space<vmem>>
      %dma_start3A_63 = arith.constant 0 : i32
      %dma_start3A_64 = tpu.memref_slice %arg9[%dma_start3A_56, %dma_start3A_63] : memref<12x80xi32, #tpu.memory_space<vmem>> -> memref<1x80xi32, #tpu.memory_space<vmem>>
      %dma_start3A_65 = tpu.memref_squeeze %dma_start3A_64 : memref<1x80xi32, #tpu.memory_space<vmem>> -> memref<80xi32, #tpu.memory_space<vmem>>
      %dma_start3A_66 = arith.constant 0 : i32
      %dma_start3A_67 = arith.constant 0 : i32
      %dma_start3A_68 = tpu.memref_slice %arg4[%dma_start3A_66, %dma_start3A_67] : memref<20000x64xf32, #tpu.memory_space<hbm>> -> memref<20000x64xf32, #tpu.memory_space<hbm>>
      %dma_start3A_69 = tpu.memref_slice %arg13[%dma_start3A_58] : memref<6x!tpu.dma_semaphore, #tpu.memory_space<semaphore_mem>> -> memref<1x!tpu.dma_semaphore, #tpu.memory_space<semaphore_mem>>
      %dma_start3A_70 = tpu.memref_squeeze %dma_start3A_69 : memref<1x!tpu.dma_semaphore, #tpu.memory_space<semaphore_mem>> -> memref<!tpu.dma_semaphore, #tpu.memory_space<semaphore_mem>>
      tpu.enqueue_indirect_dma source(%dma_start3A_68 : memref<20000x64xf32, #tpu.memory_space<hbm>>) target(%dma_start3A_62 : memref<80x64xf32, #tpu.memory_space<vmem>>) offsets(%dma_start3A_65 : memref<80xi32, #tpu.memory_space<vmem>>) semaphore(%dma_start3A_70 : memref<!tpu.dma_semaphore, #tpu.memory_space<semaphore_mem>>)
      %dma_start3A_71 = arith.constant 3 : i32
      %dma_start3A_72 = arith.constant 3 : i32
      %dma_start3A_73 = arith.constant 3 : i32
      %dma_start3A_74 = arith.constant 0 : i32
      %dma_start3A_75 = arith.constant 0 : i32
      %dma_start3A_76 = tpu.memref_slice %arg11[%dma_start3A_72, %dma_start3A_74, %dma_start3A_75] : memref<6x80x64xf32, #tpu.memory_space<vmem>> -> memref<1x80x64xf32, #tpu.memory_space<vmem>>
      %dma_start3A_77 = tpu.memref_squeeze %dma_start3A_76 : memref<1x80x64xf32, #tpu.memory_space<vmem>> -> memref<80x64xf32, #tpu.memory_space<vmem>>
      %dma_start3A_78 = arith.constant 0 : i32
      %dma_start3A_79 = tpu.memref_slice %arg9[%dma_start3A_71, %dma_start3A_78] : memref<12x80xi32, #tpu.memory_space<vmem>> -> memref<1x80xi32, #tpu.memory_space<vmem>>
      %dma_start3A_80 = tpu.memref_squeeze %dma_start3A_79 : memref<1x80xi32, #tpu.memory_space<vmem>> -> memref<80xi32, #tpu.memory_space<vmem>>
      %dma_start3A_81 = arith.constant 0 : i32
      %dma_start3A_82 = arith.constant 0 : i32
      %dma_start3A_83 = tpu.memref_slice %arg4[%dma_start3A_81, %dma_start3A_82] : memref<20000x64xf32, #tpu.memory_space<hbm>> -> memref<20000x64xf32, #tpu.memory_space<hbm>>
      %dma_start3A_84 = tpu.memref_slice %arg13[%dma_start3A_73] : memref<6x!tpu.dma_semaphore, #tpu.memory_space<semaphore_mem>> -> memref<1x!tpu.dma_semaphore, #tpu.memory_space<semaphore_mem>>
      %dma_start3A_85 = tpu.memref_squeeze %dma_start3A_84 : memref<1x!tpu.dma_semaphore, #tpu.memory_space<semaphore_mem>> -> memref<!tpu.dma_semaphore, #tpu.memory_space<semaphore_mem>>
      tpu.enqueue_indirect_dma source(%dma_start3A_83 : memref<20000x64xf32, #tpu.memory_space<hbm>>) target(%dma_start3A_77 : memref<80x64xf32, #tpu.memory_space<vmem>>) offsets(%dma_start3A_80 : memref<80xi32, #tpu.memory_space<vmem>>) semaphore(%dma_start3A_85 : memref<!tpu.dma_semaphore, #tpu.memory_space<semaphore_mem>>)
      %dma_wait3A = arith.constant 0 : i32
      %dma_wait3A_86 = arith.constant 0 : i32
      %dma_wait3A_87 = arith.constant 0 : i32
      %dma_wait3A_88 = arith.constant 0 : i32
      %dma_wait3A_89 = arith.constant 0 : i32
      %dma_wait3A_90 = tpu.memref_slice %arg11[%dma_wait3A_86, %dma_wait3A_88, %dma_wait3A_89] : memref<6x80x64xf32, #tpu.memory_space<vmem>> -> memref<1x80x64xf32, #tpu.memory_space<vmem>>
      %dma_wait3A_91 = tpu.memref_squeeze %dma_wait3A_90 : memref<1x80x64xf32, #tpu.memory_space<vmem>> -> memref<80x64xf32, #tpu.memory_space<vmem>>
      %dma_wait3A_92 = arith.constant 0 : i32
      %dma_wait3A_93 = tpu.memref_slice %arg9[%dma_wait3A, %dma_wait3A_92] : memref<12x80xi32, #tpu.memory_space<vmem>> -> memref<1x80xi32, #tpu.memory_space<vmem>>
      %dma_wait3A_94 = tpu.memref_squeeze %dma_wait3A_93 : memref<1x80xi32, #tpu.memory_space<vmem>> -> memref<80xi32, #tpu.memory_space<vmem>>
      %dma_wait3A_95 = arith.constant 0 : i32
      %dma_wait3A_96 = arith.constant 0 : i32
      %dma_wait3A_97 = tpu.memref_slice %arg4[%dma_wait3A_95, %dma_wait3A_96] : memref<20000x64xf32, #tpu.memory_space<hbm>> -> memref<20000x64xf32, #tpu.memory_space<hbm>>
      %dma_wait3A_98 = tpu.memref_slice %arg13[%dma_wait3A_87] : memref<6x!tpu.dma_semaphore, #tpu.memory_space<semaphore_mem>> -> memref<1x!tpu.dma_semaphore, #tpu.memory_space<semaphore_mem>>
      %dma_wait3A_99 = tpu.memref_squeeze %dma_wait3A_98 : memref<1x!tpu.dma_semaphore, #tpu.memory_space<semaphore_mem>> -> memref<!tpu.dma_semaphore, #tpu.memory_space<semaphore_mem>>
      tpu.wait_indirect_dma semaphore(%dma_wait3A_99 : memref<!tpu.dma_semaphore, #tpu.memory_space<semaphore_mem>>) src(%dma_wait3A_97 : memref<20000x64xf32, #tpu.memory_space<hbm>>) dst(%dma_wait3A_91 : memref<80x64xf32, #tpu.memory_space<vmem>>)
      %dma_start3A_100 = arith.constant 0 : i32
      %dma_start3A_101 = arith.constant 0 : i32
      %dma_start3A_102 = arith.constant 0 : i32
      %dma_start3A_103 = arith.constant 0 : i32
      %dma_start3A_104 = arith.constant 0 : i32
      %dma_start3A_105 = tpu.memref_slice %arg11[%dma_start3A_100, %dma_start3A_103, %dma_start3A_104] : memref<6x80x64xf32, #tpu.memory_space<vmem>> -> memref<1x80x64xf32, #tpu.memory_space<vmem>>
      %dma_start3A_106 = tpu.memref_squeeze %dma_start3A_105 : memref<1x80x64xf32, #tpu.memory_space<vmem>> -> memref<80x64xf32, #tpu.memory_space<vmem>>
      %dma_start3A_107 = arith.constant 0 : i32
      %dma_start3A_108 = tpu.memref_slice %arg10[%dma_start3A_101, %dma_start3A_107] : memref<12x80xi32, #tpu.memory_space<vmem>> -> memref<1x80xi32, #tpu.memory_space<vmem>>
      %dma_start3A_109 = tpu.memref_squeeze %dma_start3A_108 : memref<1x80xi32, #tpu.memory_space<vmem>> -> memref<80xi32, #tpu.memory_space<vmem>>
      %dma_start3A_110 = arith.constant 0 : i32
      %dma_start3A_111 = arith.constant 0 : i32
      %dma_start3A_112 = tpu.memref_slice %arg12[%dma_start3A_110, %dma_start3A_111] : memref<10112x64xf32, #tpu.memory_space<vmem_shared>> -> memref<10112x64xf32, #tpu.memory_space<vmem_shared>>
      %dma_start3A_113 = tpu.memref_slice %arg14[%dma_start3A_102] : memref<6x!tpu.dma_semaphore, #tpu.memory_space<semaphore_mem>> -> memref<1x!tpu.dma_semaphore, #tpu.memory_space<semaphore_mem>>
      %dma_start3A_114 = tpu.memref_squeeze %dma_start3A_113 : memref<1x!tpu.dma_semaphore, #tpu.memory_space<semaphore_mem>> -> memref<!tpu.dma_semaphore, #tpu.memory_space<semaphore_mem>>
      tpu.enqueue_indirect_dma source(%dma_start3A_106 : memref<80x64xf32, #tpu.memory_space<vmem>>) target(%dma_start3A_112 : memref<10112x64xf32, #tpu.memory_space<vmem_shared>>) offsets(%dma_start3A_109 : memref<80xi32, #tpu.memory_space<vmem>>) semaphore(%dma_start3A_114 : memref<!tpu.dma_semaphore, #tpu.memory_space<semaphore_mem>>) {add = true}
      %eq3A_115 = arith.constant 0 : i32
      %eq3A_116 = arith.cmpi eq, %arg0, %eq3A_115 : i32
      %convert_element_type3A_117 = arith.extui %eq3A_116 : i1 to i32
      %cond3A_118 = arith.constant 0 : i32
      %cond3A_119 = arith.cmpi ne, %convert_element_type3A_117, %cond3A_118 : i32
      scf.if %cond3A_119 {
        %dma_start3A_865 = arith.constant 0 : i32
        %dma_start3A_866 = arith.constant 0 : i32
        %dma_start3A_867 = arith.constant 0 : i32
        %dma_start3A_868 = tpu.memref_slice %arg10[%dma_start3A_865, %dma_start3A_867] : memref<12x80xi32, #tpu.memory_space<vmem>> -> memref<1x80xi32, #tpu.memory_space<vmem>>
        %dma_start3A_869 = tpu.memref_squeeze %dma_start3A_868 : memref<1x80xi32, #tpu.memory_space<vmem>> -> memref<80xi32, #tpu.memory_space<vmem>>
        %dma_start3A_870 = arith.constant 0 : i32
        %dma_start3A_871 = arith.constant 0 : i32
        %dma_start3A_872 = tpu.memref_slice %arg16[%dma_start3A_870, %dma_start3A_871] : memref<10112x16xf32, #tpu.memory_space<vmem_shared>> -> memref<10112x16xf32, #tpu.memory_space<vmem_shared>>
        %dma_start3A_873 = tpu.memref_slice %arg17[%dma_start3A_866] : memref<6x!tpu.dma_semaphore, #tpu.memory_space<semaphore_mem>> -> memref<1x!tpu.dma_semaphore, #tpu.memory_space<semaphore_mem>>
        %dma_start3A_874 = tpu.memref_squeeze %dma_start3A_873 : memref<1x!tpu.dma_semaphore, #tpu.memory_space<semaphore_mem>> -> memref<!tpu.dma_semaphore, #tpu.memory_space<semaphore_mem>>
        tpu.enqueue_indirect_dma source(%arg15 : memref<80x16xf32, #tpu.memory_space<vmem>>) target(%dma_start3A_872 : memref<10112x16xf32, #tpu.memory_space<vmem_shared>>) offsets(%dma_start3A_869 : memref<80xi32, #tpu.memory_space<vmem>>) semaphore(%dma_start3A_874 : memref<!tpu.dma_semaphore, #tpu.memory_space<semaphore_mem>>) {add = true}
      } else {
      }
      %dma_start3A_120 = arith.constant 4 : i32
      %dma_start3A_121 = arith.constant 4 : i32
      %dma_start3A_122 = arith.constant 4 : i32
      %dma_start3A_123 = arith.constant 0 : i32
      %dma_start3A_124 = arith.constant 0 : i32
      %dma_start3A_125 = tpu.memref_slice %arg11[%dma_start3A_121, %dma_start3A_123, %dma_start3A_124] : memref<6x80x64xf32, #tpu.memory_space<vmem>> -> memref<1x80x64xf32, #tpu.memory_space<vmem>>
      %dma_start3A_126 = tpu.memref_squeeze %dma_start3A_125 : memref<1x80x64xf32, #tpu.memory_space<vmem>> -> memref<80x64xf32, #tpu.memory_space<vmem>>
      %dma_start3A_127 = arith.constant 0 : i32
      %dma_start3A_128 = tpu.memref_slice %arg9[%dma_start3A_120, %dma_start3A_127] : memref<12x80xi32, #tpu.memory_space<vmem>> -> memref<1x80xi32, #tpu.memory_space<vmem>>
      %dma_start3A_129 = tpu.memref_squeeze %dma_start3A_128 : memref<1x80xi32, #tpu.memory_space<vmem>> -> memref<80xi32, #tpu.memory_space<vmem>>
      %dma_start3A_130 = arith.constant 0 : i32
      %dma_start3A_131 = arith.constant 0 : i32
      %dma_start3A_132 = tpu.memref_slice %arg4[%dma_start3A_130, %dma_start3A_131] : memref<20000x64xf32, #tpu.memory_space<hbm>> -> memref<20000x64xf32, #tpu.memory_space<hbm>>
      %dma_start3A_133 = tpu.memref_slice %arg13[%dma_start3A_122] : memref<6x!tpu.dma_semaphore, #tpu.memory_space<semaphore_mem>> -> memref<1x!tpu.dma_semaphore, #tpu.memory_space<semaphore_mem>>
      %dma_start3A_134 = tpu.memref_squeeze %dma_start3A_133 : memref<1x!tpu.dma_semaphore, #tpu.memory_space<semaphore_mem>> -> memref<!tpu.dma_semaphore, #tpu.memory_space<semaphore_mem>>
      tpu.enqueue_indirect_dma source(%dma_start3A_132 : memref<20000x64xf32, #tpu.memory_space<hbm>>) target(%dma_start3A_126 : memref<80x64xf32, #tpu.memory_space<vmem>>) offsets(%dma_start3A_129 : memref<80xi32, #tpu.memory_space<vmem>>) semaphore(%dma_start3A_134 : memref<!tpu.dma_semaphore, #tpu.memory_space<semaphore_mem>>)
      %dma_wait3A_135 = arith.constant 0 : i32
      %dma_wait3A_136 = arith.constant 1 : i32
      %dma_wait3A_137 = arith.constant 1 : i32
      %dma_wait3A_138 = arith.constant 0 : i32
      %dma_wait3A_139 = arith.constant 0 : i32
      %dma_wait3A_140 = tpu.memref_slice %arg11[%dma_wait3A_136, %dma_wait3A_138, %dma_wait3A_139] : memref<6x80x64xf32, #tpu.memory_space<vmem>> -> memref<1x80x64xf32, #tpu.memory_space<vmem>>
      %dma_wait3A_141 = tpu.memref_squeeze %dma_wait3A_140 : memref<1x80x64xf32, #tpu.memory_space<vmem>> -> memref<80x64xf32, #tpu.memory_space<vmem>>
      %dma_wait3A_142 = arith.constant 0 : i32
      %dma_wait3A_143 = tpu.memref_slice %arg9[%dma_wait3A_135, %dma_wait3A_142] : memref<12x80xi32, #tpu.memory_space<vmem>> -> memref<1x80xi32, #tpu.memory_space<vmem>>
      %dma_wait3A_144 = tpu.memref_squeeze %dma_wait3A_143 : memref<1x80xi32, #tpu.memory_space<vmem>> -> memref<80xi32, #tpu.memory_space<vmem>>
      %dma_wait3A_145 = arith.constant 0 : i32
      %dma_wait3A_146 = arith.constant 0 : i32
      %dma_wait3A_147 = tpu.memref_slice %arg4[%dma_wait3A_145, %dma_wait3A_146] : memref<20000x64xf32, #tpu.memory_space<hbm>> -> memref<20000x64xf32, #tpu.memory_space<hbm>>
      %dma_wait3A_148 = tpu.memref_slice %arg13[%dma_wait3A_137] : memref<6x!tpu.dma_semaphore, #tpu.memory_space<semaphore_mem>> -> memref<1x!tpu.dma_semaphore, #tpu.memory_space<semaphore_mem>>
      %dma_wait3A_149 = tpu.memref_squeeze %dma_wait3A_148 : memref<1x!tpu.dma_semaphore, #tpu.memory_space<semaphore_mem>> -> memref<!tpu.dma_semaphore, #tpu.memory_space<semaphore_mem>>
      tpu.wait_indirect_dma semaphore(%dma_wait3A_149 : memref<!tpu.dma_semaphore, #tpu.memory_space<semaphore_mem>>) src(%dma_wait3A_147 : memref<20000x64xf32, #tpu.memory_space<hbm>>) dst(%dma_wait3A_141 : memref<80x64xf32, #tpu.memory_space<vmem>>)
      %dma_start3A_150 = arith.constant 1 : i32
      %dma_start3A_151 = arith.constant 1 : i32
      %dma_start3A_152 = arith.constant 1 : i32
      %dma_start3A_153 = arith.constant 0 : i32
      %dma_start3A_154 = arith.constant 0 : i32
      %dma_start3A_155 = tpu.memref_slice %arg11[%dma_start3A_150, %dma_start3A_153, %dma_start3A_154] : memref<6x80x64xf32, #tpu.memory_space<vmem>> -> memref<1x80x64xf32, #tpu.memory_space<vmem>>
      %dma_start3A_156 = tpu.memref_squeeze %dma_start3A_155 : memref<1x80x64xf32, #tpu.memory_space<vmem>> -> memref<80x64xf32, #tpu.memory_space<vmem>>
      %dma_start3A_157 = arith.constant 0 : i32
      %dma_start3A_158 = tpu.memref_slice %arg10[%dma_start3A_151, %dma_start3A_157] : memref<12x80xi32, #tpu.memory_space<vmem>> -> memref<1x80xi32, #tpu.memory_space<vmem>>
      %dma_start3A_159 = tpu.memref_squeeze %dma_start3A_158 : memref<1x80xi32, #tpu.memory_space<vmem>> -> memref<80xi32, #tpu.memory_space<vmem>>
      %dma_start3A_160 = arith.constant 0 : i32
      %dma_start3A_161 = arith.constant 0 : i32
      %dma_start3A_162 = tpu.memref_slice %arg12[%dma_start3A_160, %dma_start3A_161] : memref<10112x64xf32, #tpu.memory_space<vmem_shared>> -> memref<10112x64xf32, #tpu.memory_space<vmem_shared>>
      %dma_start3A_163 = tpu.memref_slice %arg14[%dma_start3A_152] : memref<6x!tpu.dma_semaphore, #tpu.memory_space<semaphore_mem>> -> memref<1x!tpu.dma_semaphore, #tpu.memory_space<semaphore_mem>>
      %dma_start3A_164 = tpu.memref_squeeze %dma_start3A_163 : memref<1x!tpu.dma_semaphore, #tpu.memory_space<semaphore_mem>> -> memref<!tpu.dma_semaphore, #tpu.memory_space<semaphore_mem>>
      tpu.enqueue_indirect_dma source(%dma_start3A_156 : memref<80x64xf32, #tpu.memory_space<vmem>>) target(%dma_start3A_162 : memref<10112x64xf32, #tpu.memory_space<vmem_shared>>) offsets(%dma_start3A_159 : memref<80xi32, #tpu.memory_space<vmem>>) semaphore(%dma_start3A_164 : memref<!tpu.dma_semaphore, #tpu.memory_space<semaphore_mem>>) {add = true}
      %eq3A_165 = arith.constant 0 : i32
      %eq3A_166 = arith.cmpi eq, %arg0, %eq3A_165 : i32
      %convert_element_type3A_167 = arith.extui %eq3A_166 : i1 to i32
      %cond3A_168 = arith.constant 0 : i32
      %cond3A_169 = arith.cmpi ne, %convert_element_type3A_167, %cond3A_168 : i32
      scf.if %cond3A_169 {
        %dma_start3A_865 = arith.constant 1 : i32
        %dma_start3A_866 = arith.constant 1 : i32
        %dma_start3A_867 = arith.constant 0 : i32
        %dma_start3A_868 = tpu.memref_slice %arg10[%dma_start3A_865, %dma_start3A_867] : memref<12x80xi32, #tpu.memory_space<vmem>> -> memref<1x80xi32, #tpu.memory_space<vmem>>
        %dma_start3A_869 = tpu.memref_squeeze %dma_start3A_868 : memref<1x80xi32, #tpu.memory_space<vmem>> -> memref<80xi32, #tpu.memory_space<vmem>>
        %dma_start3A_870 = arith.constant 0 : i32
        %dma_start3A_871 = arith.constant 0 : i32
        %dma_start3A_872 = tpu.memref_slice %arg16[%dma_start3A_870, %dma_start3A_871] : memref<10112x16xf32, #tpu.memory_space<vmem_shared>> -> memref<10112x16xf32, #tpu.memory_space<vmem_shared>>
        %dma_start3A_873 = tpu.memref_slice %arg17[%dma_start3A_866] : memref<6x!tpu.dma_semaphore, #tpu.memory_space<semaphore_mem>> -> memref<1x!tpu.dma_semaphore, #tpu.memory_space<semaphore_mem>>
        %dma_start3A_874 = tpu.memref_squeeze %dma_start3A_873 : memref<1x!tpu.dma_semaphore, #tpu.memory_space<semaphore_mem>> -> memref<!tpu.dma_semaphore, #tpu.memory_space<semaphore_mem>>
        tpu.enqueue_indirect_dma source(%arg15 : memref<80x16xf32, #tpu.memory_space<vmem>>) target(%dma_start3A_872 : memref<10112x16xf32, #tpu.memory_space<vmem_shared>>) offsets(%dma_start3A_869 : memref<80xi32, #tpu.memory_space<vmem>>) semaphore(%dma_start3A_874 : memref<!tpu.dma_semaphore, #tpu.memory_space<semaphore_mem>>) {add = true}
      } else {
      }
      %dma_start3A_170 = arith.constant 5 : i32
      %dma_start3A_171 = arith.constant 5 : i32
      %dma_start3A_172 = arith.constant 5 : i32
      %dma_start3A_173 = arith.constant 0 : i32
      %dma_start3A_174 = arith.constant 0 : i32
      %dma_start3A_175 = tpu.memref_slice %arg11[%dma_start3A_171, %dma_start3A_173, %dma_start3A_174] : memref<6x80x64xf32, #tpu.memory_space<vmem>> -> memref<1x80x64xf32, #tpu.memory_space<vmem>>
      %dma_start3A_176 = tpu.memref_squeeze %dma_start3A_175 : memref<1x80x64xf32, #tpu.memory_space<vmem>> -> memref<80x64xf32, #tpu.memory_space<vmem>>
      %dma_start3A_177 = arith.constant 0 : i32
      %dma_start3A_178 = tpu.memref_slice %arg9[%dma_start3A_170, %dma_start3A_177] : memref<12x80xi32, #tpu.memory_space<vmem>> -> memref<1x80xi32, #tpu.memory_space<vmem>>
      %dma_start3A_179 = tpu.memref_squeeze %dma_start3A_178 : memref<1x80xi32, #tpu.memory_space<vmem>> -> memref<80xi32, #tpu.memory_space<vmem>>
      %dma_start3A_180 = arith.constant 0 : i32
      %dma_start3A_181 = arith.constant 0 : i32
      %dma_start3A_182 = tpu.memref_slice %arg4[%dma_start3A_180, %dma_start3A_181] : memref<20000x64xf32, #tpu.memory_space<hbm>> -> memref<20000x64xf32, #tpu.memory_space<hbm>>
      %dma_start3A_183 = tpu.memref_slice %arg13[%dma_start3A_172] : memref<6x!tpu.dma_semaphore, #tpu.memory_space<semaphore_mem>> -> memref<1x!tpu.dma_semaphore, #tpu.memory_space<semaphore_mem>>
      %dma_start3A_184 = tpu.memref_squeeze %dma_start3A_183 : memref<1x!tpu.dma_semaphore, #tpu.memory_space<semaphore_mem>> -> memref<!tpu.dma_semaphore, #tpu.memory_space<semaphore_mem>>
      tpu.enqueue_indirect_dma source(%dma_start3A_182 : memref<20000x64xf32, #tpu.memory_space<hbm>>) target(%dma_start3A_176 : memref<80x64xf32, #tpu.memory_space<vmem>>) offsets(%dma_start3A_179 : memref<80xi32, #tpu.memory_space<vmem>>) semaphore(%dma_start3A_184 : memref<!tpu.dma_semaphore, #tpu.memory_space<semaphore_mem>>)
      %dma_wait3A_185 = arith.constant 0 : i32
      %dma_wait3A_186 = arith.constant 2 : i32
      %dma_wait3A_187 = arith.constant 2 : i32
      %dma_wait3A_188 = arith.constant 0 : i32
      %dma_wait3A_189 = arith.constant 0 : i32
      %dma_wait3A_190 = tpu.memref_slice %arg11[%dma_wait3A_186, %dma_wait3A_188, %dma_wait3A_189] : memref<6x80x64xf32, #tpu.memory_space<vmem>> -> memref<1x80x64xf32, #tpu.memory_space<vmem>>
      %dma_wait3A_191 = tpu.memref_squeeze %dma_wait3A_190 : memref<1x80x64xf32, #tpu.memory_space<vmem>> -> memref<80x64xf32, #tpu.memory_space<vmem>>
      %dma_wait3A_192 = arith.constant 0 : i32
      %dma_wait3A_193 = tpu.memref_slice %arg9[%dma_wait3A_185, %dma_wait3A_192] : memref<12x80xi32, #tpu.memory_space<vmem>> -> memref<1x80xi32, #tpu.memory_space<vmem>>
      %dma_wait3A_194 = tpu.memref_squeeze %dma_wait3A_193 : memref<1x80xi32, #tpu.memory_space<vmem>> -> memref<80xi32, #tpu.memory_space<vmem>>
      %dma_wait3A_195 = arith.constant 0 : i32
      %dma_wait3A_196 = arith.constant 0 : i32
      %dma_wait3A_197 = tpu.memref_slice %arg4[%dma_wait3A_195, %dma_wait3A_196] : memref<20000x64xf32, #tpu.memory_space<hbm>> -> memref<20000x64xf32, #tpu.memory_space<hbm>>
      %dma_wait3A_198 = tpu.memref_slice %arg13[%dma_wait3A_187] : memref<6x!tpu.dma_semaphore, #tpu.memory_space<semaphore_mem>> -> memref<1x!tpu.dma_semaphore, #tpu.memory_space<semaphore_mem>>
      %dma_wait3A_199 = tpu.memref_squeeze %dma_wait3A_198 : memref<1x!tpu.dma_semaphore, #tpu.memory_space<semaphore_mem>> -> memref<!tpu.dma_semaphore, #tpu.memory_space<semaphore_mem>>
      tpu.wait_indirect_dma semaphore(%dma_wait3A_199 : memref<!tpu.dma_semaphore, #tpu.memory_space<semaphore_mem>>) src(%dma_wait3A_197 : memref<20000x64xf32, #tpu.memory_space<hbm>>) dst(%dma_wait3A_191 : memref<80x64xf32, #tpu.memory_space<vmem>>)
      %dma_start3A_200 = arith.constant 2 : i32
      %dma_start3A_201 = arith.constant 2 : i32
      %dma_start3A_202 = arith.constant 2 : i32
      %dma_start3A_203 = arith.constant 0 : i32
      %dma_start3A_204 = arith.constant 0 : i32
      %dma_start3A_205 = tpu.memref_slice %arg11[%dma_start3A_200, %dma_start3A_203, %dma_start3A_204] : memref<6x80x64xf32, #tpu.memory_space<vmem>> -> memref<1x80x64xf32, #tpu.memory_space<vmem>>
      %dma_start3A_206 = tpu.memref_squeeze %dma_start3A_205 : memref<1x80x64xf32, #tpu.memory_space<vmem>> -> memref<80x64xf32, #tpu.memory_space<vmem>>
      %dma_start3A_207 = arith.constant 0 : i32
      %dma_start3A_208 = tpu.memref_slice %arg10[%dma_start3A_201, %dma_start3A_207] : memref<12x80xi32, #tpu.memory_space<vmem>> -> memref<1x80xi32, #tpu.memory_space<vmem>>
      %dma_start3A_209 = tpu.memref_squeeze %dma_start3A_208 : memref<1x80xi32, #tpu.memory_space<vmem>> -> memref<80xi32, #tpu.memory_space<vmem>>
      %dma_start3A_210 = arith.constant 0 : i32
      %dma_start3A_211 = arith.constant 0 : i32
      %dma_start3A_212 = tpu.memref_slice %arg12[%dma_start3A_210, %dma_start3A_211] : memref<10112x64xf32, #tpu.memory_space<vmem_shared>> -> memref<10112x64xf32, #tpu.memory_space<vmem_shared>>
      %dma_start3A_213 = tpu.memref_slice %arg14[%dma_start3A_202] : memref<6x!tpu.dma_semaphore, #tpu.memory_space<semaphore_mem>> -> memref<1x!tpu.dma_semaphore, #tpu.memory_space<semaphore_mem>>
      %dma_start3A_214 = tpu.memref_squeeze %dma_start3A_213 : memref<1x!tpu.dma_semaphore, #tpu.memory_space<semaphore_mem>> -> memref<!tpu.dma_semaphore, #tpu.memory_space<semaphore_mem>>
      tpu.enqueue_indirect_dma source(%dma_start3A_206 : memref<80x64xf32, #tpu.memory_space<vmem>>) target(%dma_start3A_212 : memref<10112x64xf32, #tpu.memory_space<vmem_shared>>) offsets(%dma_start3A_209 : memref<80xi32, #tpu.memory_space<vmem>>) semaphore(%dma_start3A_214 : memref<!tpu.dma_semaphore, #tpu.memory_space<semaphore_mem>>) {add = true}
      %eq3A_215 = arith.constant 0 : i32
      %eq3A_216 = arith.cmpi eq, %arg0, %eq3A_215 : i32
      %convert_element_type3A_217 = arith.extui %eq3A_216 : i1 to i32
      %cond3A_218 = arith.constant 0 : i32
      %cond3A_219 = arith.cmpi ne, %convert_element_type3A_217, %cond3A_218 : i32
      scf.if %cond3A_219 {
        %dma_start3A_865 = arith.constant 2 : i32
        %dma_start3A_866 = arith.constant 2 : i32
        %dma_start3A_867 = arith.constant 0 : i32
        %dma_start3A_868 = tpu.memref_slice %arg10[%dma_start3A_865, %dma_start3A_867] : memref<12x80xi32, #tpu.memory_space<vmem>> -> memref<1x80xi32, #tpu.memory_space<vmem>>
        %dma_start3A_869 = tpu.memref_squeeze %dma_start3A_868 : memref<1x80xi32, #tpu.memory_space<vmem>> -> memref<80xi32, #tpu.memory_space<vmem>>
        %dma_start3A_870 = arith.constant 0 : i32
        %dma_start3A_871 = arith.constant 0 : i32
        %dma_start3A_872 = tpu.memref_slice %arg16[%dma_start3A_870, %dma_start3A_871] : memref<10112x16xf32, #tpu.memory_space<vmem_shared>> -> memref<10112x16xf32, #tpu.memory_space<vmem_shared>>
        %dma_start3A_873 = tpu.memref_slice %arg17[%dma_start3A_866] : memref<6x!tpu.dma_semaphore, #tpu.memory_space<semaphore_mem>> -> memref<1x!tpu.dma_semaphore, #tpu.memory_space<semaphore_mem>>
        %dma_start3A_874 = tpu.memref_squeeze %dma_start3A_873 : memref<1x!tpu.dma_semaphore, #tpu.memory_space<semaphore_mem>> -> memref<!tpu.dma_semaphore, #tpu.memory_space<semaphore_mem>>
        tpu.enqueue_indirect_dma source(%arg15 : memref<80x16xf32, #tpu.memory_space<vmem>>) target(%dma_start3A_872 : memref<10112x16xf32, #tpu.memory_space<vmem_shared>>) offsets(%dma_start3A_869 : memref<80xi32, #tpu.memory_space<vmem>>) semaphore(%dma_start3A_874 : memref<!tpu.dma_semaphore, #tpu.memory_space<semaphore_mem>>) {add = true}
      } else {
      }
      %dma_wait3A_220 = arith.constant 0 : i32
      %dma_wait3A_221 = arith.constant 0 : i32
      %dma_wait3A_222 = arith.constant 0 : i32
      %dma_wait3A_223 = arith.constant 0 : i32
      %dma_wait3A_224 = arith.constant 0 : i32
      %dma_wait3A_225 = tpu.memref_slice %arg11[%dma_wait3A_220, %dma_wait3A_223, %dma_wait3A_224] : memref<6x80x64xf32, #tpu.memory_space<vmem>> -> memref<1x80x64xf32, #tpu.memory_space<vmem>>
      %dma_wait3A_226 = tpu.memref_squeeze %dma_wait3A_225 : memref<1x80x64xf32, #tpu.memory_space<vmem>> -> memref<80x64xf32, #tpu.memory_space<vmem>>
      %dma_wait3A_227 = arith.constant 0 : i32
      %dma_wait3A_228 = tpu.memref_slice %arg10[%dma_wait3A_221, %dma_wait3A_227] : memref<12x80xi32, #tpu.memory_space<vmem>> -> memref<1x80xi32, #tpu.memory_space<vmem>>
      %dma_wait3A_229 = tpu.memref_squeeze %dma_wait3A_228 : memref<1x80xi32, #tpu.memory_space<vmem>> -> memref<80xi32, #tpu.memory_space<vmem>>
      %dma_wait3A_230 = arith.constant 0 : i32
      %dma_wait3A_231 = arith.constant 0 : i32
      %dma_wait3A_232 = tpu.memref_slice %arg12[%dma_wait3A_230, %dma_wait3A_231] : memref<10112x64xf32, #tpu.memory_space<vmem_shared>> -> memref<10112x64xf32, #tpu.memory_space<vmem_shared>>
      %dma_wait3A_233 = tpu.memref_slice %arg14[%dma_wait3A_222] : memref<6x!tpu.dma_semaphore, #tpu.memory_space<semaphore_mem>> -> memref<1x!tpu.dma_semaphore, #tpu.memory_space<semaphore_mem>>
      %dma_wait3A_234 = tpu.memref_squeeze %dma_wait3A_233 : memref<1x!tpu.dma_semaphore, #tpu.memory_space<semaphore_mem>> -> memref<!tpu.dma_semaphore, #tpu.memory_space<semaphore_mem>>
      tpu.wait_indirect_dma semaphore(%dma_wait3A_234 : memref<!tpu.dma_semaphore, #tpu.memory_space<semaphore_mem>>) src(%dma_wait3A_226 : memref<80x64xf32, #tpu.memory_space<vmem>>) dst(%dma_wait3A_232 : memref<10112x64xf32, #tpu.memory_space<vmem_shared>>)
      %eq3A_235 = arith.constant 0 : i32
      %eq3A_236 = arith.cmpi eq, %arg0, %eq3A_235 : i32
      %convert_element_type3A_237 = arith.extui %eq3A_236 : i1 to i32
      %cond3A_238 = arith.constant 0 : i32
      %cond3A_239 = arith.cmpi ne, %convert_element_type3A_237, %cond3A_238 : i32
      scf.if %cond3A_239 {
        %dma_wait3A_865 = arith.constant 0 : i32
        %dma_wait3A_866 = arith.constant 0 : i32
        %dma_wait3A_867 = arith.constant 0 : i32
        %dma_wait3A_868 = tpu.memref_slice %arg10[%dma_wait3A_865, %dma_wait3A_867] : memref<12x80xi32, #tpu.memory_space<vmem>> -> memref<1x80xi32, #tpu.memory_space<vmem>>
        %dma_wait3A_869 = tpu.memref_squeeze %dma_wait3A_868 : memref<1x80xi32, #tpu.memory_space<vmem>> -> memref<80xi32, #tpu.memory_space<vmem>>
        %dma_wait3A_870 = arith.constant 0 : i32
        %dma_wait3A_871 = arith.constant 0 : i32
        %dma_wait3A_872 = tpu.memref_slice %arg16[%dma_wait3A_870, %dma_wait3A_871] : memref<10112x16xf32, #tpu.memory_space<vmem_shared>> -> memref<10112x16xf32, #tpu.memory_space<vmem_shared>>
        %dma_wait3A_873 = tpu.memref_slice %arg17[%dma_wait3A_866] : memref<6x!tpu.dma_semaphore, #tpu.memory_space<semaphore_mem>> -> memref<1x!tpu.dma_semaphore, #tpu.memory_space<semaphore_mem>>
        %dma_wait3A_874 = tpu.memref_squeeze %dma_wait3A_873 : memref<1x!tpu.dma_semaphore, #tpu.memory_space<semaphore_mem>> -> memref<!tpu.dma_semaphore, #tpu.memory_space<semaphore_mem>>
        tpu.wait_indirect_dma semaphore(%dma_wait3A_874 : memref<!tpu.dma_semaphore, #tpu.memory_space<semaphore_mem>>) src(%arg15 : memref<80x16xf32, #tpu.memory_space<vmem>>) dst(%dma_wait3A_872 : memref<10112x16xf32, #tpu.memory_space<vmem_shared>>)
      } else {
      }
      %dma_start3A_240 = arith.constant 6 : i32
      %dma_start3A_241 = arith.constant 0 : i32
      %dma_start3A_242 = arith.constant 0 : i32
      %dma_start3A_243 = arith.constant 0 : i32
      %dma_start3A_244 = arith.constant 0 : i32
      %dma_start3A_245 = tpu.memref_slice %arg11[%dma_start3A_241, %dma_start3A_243, %dma_start3A_244] : memref<6x80x64xf32, #tpu.memory_space<vmem>> -> memref<1x80x64xf32, #tpu.memory_space<vmem>>
      %dma_start3A_246 = tpu.memref_squeeze %dma_start3A_245 : memref<1x80x64xf32, #tpu.memory_space<vmem>> -> memref<80x64xf32, #tpu.memory_space<vmem>>
      %dma_start3A_247 = arith.constant 0 : i32
      %dma_start3A_248 = tpu.memref_slice %arg9[%dma_start3A_240, %dma_start3A_247] : memref<12x80xi32, #tpu.memory_space<vmem>> -> memref<1x80xi32, #tpu.memory_space<vmem>>
      %dma_start3A_249 = tpu.memref_squeeze %dma_start3A_248 : memref<1x80xi32, #tpu.memory_space<vmem>> -> memref<80xi32, #tpu.memory_space<vmem>>
      %dma_start3A_250 = arith.constant 0 : i32
      %dma_start3A_251 = arith.constant 0 : i32
      %dma_start3A_252 = tpu.memref_slice %arg4[%dma_start3A_250, %dma_start3A_251] : memref<20000x64xf32, #tpu.memory_space<hbm>> -> memref<20000x64xf32, #tpu.memory_space<hbm>>
      %dma_start3A_253 = tpu.memref_slice %arg13[%dma_start3A_242] : memref<6x!tpu.dma_semaphore, #tpu.memory_space<semaphore_mem>> -> memref<1x!tpu.dma_semaphore, #tpu.memory_space<semaphore_mem>>
      %dma_start3A_254 = tpu.memref_squeeze %dma_start3A_253 : memref<1x!tpu.dma_semaphore, #tpu.memory_space<semaphore_mem>> -> memref<!tpu.dma_semaphore, #tpu.memory_space<semaphore_mem>>
      tpu.enqueue_indirect_dma source(%dma_start3A_252 : memref<20000x64xf32, #tpu.memory_space<hbm>>) target(%dma_start3A_246 : memref<80x64xf32, #tpu.memory_space<vmem>>) offsets(%dma_start3A_249 : memref<80xi32, #tpu.memory_space<vmem>>) semaphore(%dma_start3A_254 : memref<!tpu.dma_semaphore, #tpu.memory_space<semaphore_mem>>)
      %dma_wait3A_255 = arith.constant 0 : i32
      %dma_wait3A_256 = arith.constant 3 : i32
      %dma_wait3A_257 = arith.constant 3 : i32
      %dma_wait3A_258 = arith.constant 0 : i32
      %dma_wait3A_259 = arith.constant 0 : i32
      %dma_wait3A_260 = tpu.memref_slice %arg11[%dma_wait3A_256, %dma_wait3A_258, %dma_wait3A_259] : memref<6x80x64xf32, #tpu.memory_space<vmem>> -> memref<1x80x64xf32, #tpu.memory_space<vmem>>
      %dma_wait3A_261 = tpu.memref_squeeze %dma_wait3A_260 : memref<1x80x64xf32, #tpu.memory_space<vmem>> -> memref<80x64xf32, #tpu.memory_space<vmem>>
      %dma_wait3A_262 = arith.constant 0 : i32
      %dma_wait3A_263 = tpu.memref_slice %arg9[%dma_wait3A_255, %dma_wait3A_262] : memref<12x80xi32, #tpu.memory_space<vmem>> -> memref<1x80xi32, #tpu.memory_space<vmem>>
      %dma_wait3A_264 = tpu.memref_squeeze %dma_wait3A_263 : memref<1x80xi32, #tpu.memory_space<vmem>> -> memref<80xi32, #tpu.memory_space<vmem>>
      %dma_wait3A_265 = arith.constant 0 : i32
      %dma_wait3A_266 = arith.constant 0 : i32
      %dma_wait3A_267 = tpu.memref_slice %arg4[%dma_wait3A_265, %dma_wait3A_266] : memref<20000x64xf32, #tpu.memory_space<hbm>> -> memref<20000x64xf32, #tpu.memory_space<hbm>>
      %dma_wait3A_268 = tpu.memref_slice %arg13[%dma_wait3A_257] : memref<6x!tpu.dma_semaphore, #tpu.memory_space<semaphore_mem>> -> memref<1x!tpu.dma_semaphore, #tpu.memory_space<semaphore_mem>>
      %dma_wait3A_269 = tpu.memref_squeeze %dma_wait3A_268 : memref<1x!tpu.dma_semaphore, #tpu.memory_space<semaphore_mem>> -> memref<!tpu.dma_semaphore, #tpu.memory_space<semaphore_mem>>
      tpu.wait_indirect_dma semaphore(%dma_wait3A_269 : memref<!tpu.dma_semaphore, #tpu.memory_space<semaphore_mem>>) src(%dma_wait3A_267 : memref<20000x64xf32, #tpu.memory_space<hbm>>) dst(%dma_wait3A_261 : memref<80x64xf32, #tpu.memory_space<vmem>>)
      %dma_start3A_270 = arith.constant 3 : i32
      %dma_start3A_271 = arith.constant 3 : i32
      %dma_start3A_272 = arith.constant 3 : i32
      %dma_start3A_273 = arith.constant 0 : i32
      %dma_start3A_274 = arith.constant 0 : i32
      %dma_start3A_275 = tpu.memref_slice %arg11[%dma_start3A_270, %dma_start3A_273, %dma_start3A_274] : memref<6x80x64xf32, #tpu.memory_space<vmem>> -> memref<1x80x64xf32, #tpu.memory_space<vmem>>
      %dma_start3A_276 = tpu.memref_squeeze %dma_start3A_275 : memref<1x80x64xf32, #tpu.memory_space<vmem>> -> memref<80x64xf32, #tpu.memory_space<vmem>>
      %dma_start3A_277 = arith.constant 0 : i32
      %dma_start3A_278 = tpu.memref_slice %arg10[%dma_start3A_271, %dma_start3A_277] : memref<12x80xi32, #tpu.memory_space<vmem>> -> memref<1x80xi32, #tpu.memory_space<vmem>>
      %dma_start3A_279 = tpu.memref_squeeze %dma_start3A_278 : memref<1x80xi32, #tpu.memory_space<vmem>> -> memref<80xi32, #tpu.memory_space<vmem>>
      %dma_start3A_280 = arith.constant 0 : i32
      %dma_start3A_281 = arith.constant 0 : i32
      %dma_start3A_282 = tpu.memref_slice %arg12[%dma_start3A_280, %dma_start3A_281] : memref<10112x64xf32, #tpu.memory_space<vmem_shared>> -> memref<10112x64xf32, #tpu.memory_space<vmem_shared>>
      %dma_start3A_283 = tpu.memref_slice %arg14[%dma_start3A_272] : memref<6x!tpu.dma_semaphore, #tpu.memory_space<semaphore_mem>> -> memref<1x!tpu.dma_semaphore, #tpu.memory_space<semaphore_mem>>
      %dma_start3A_284 = tpu.memref_squeeze %dma_start3A_283 : memref<1x!tpu.dma_semaphore, #tpu.memory_space<semaphore_mem>> -> memref<!tpu.dma_semaphore, #tpu.memory_space<semaphore_mem>>
      tpu.enqueue_indirect_dma source(%dma_start3A_276 : memref<80x64xf32, #tpu.memory_space<vmem>>) target(%dma_start3A_282 : memref<10112x64xf32, #tpu.memory_space<vmem_shared>>) offsets(%dma_start3A_279 : memref<80xi32, #tpu.memory_space<vmem>>) semaphore(%dma_start3A_284 : memref<!tpu.dma_semaphore, #tpu.memory_space<semaphore_mem>>) {add = true}
      %eq3A_285 = arith.constant 0 : i32
      %eq3A_286 = arith.cmpi eq, %arg0, %eq3A_285 : i32
      %convert_element_type3A_287 = arith.extui %eq3A_286 : i1 to i32
      %cond3A_288 = arith.constant 0 : i32
      %cond3A_289 = arith.cmpi ne, %convert_element_type3A_287, %cond3A_288 : i32
      scf.if %cond3A_289 {
        %dma_start3A_865 = arith.constant 3 : i32
        %dma_start3A_866 = arith.constant 3 : i32
        %dma_start3A_867 = arith.constant 0 : i32
        %dma_start3A_868 = tpu.memref_slice %arg10[%dma_start3A_865, %dma_start3A_867] : memref<12x80xi32, #tpu.memory_space<vmem>> -> memref<1x80xi32, #tpu.memory_space<vmem>>
        %dma_start3A_869 = tpu.memref_squeeze %dma_start3A_868 : memref<1x80xi32, #tpu.memory_space<vmem>> -> memref<80xi32, #tpu.memory_space<vmem>>
        %dma_start3A_870 = arith.constant 0 : i32
        %dma_start3A_871 = arith.constant 0 : i32
        %dma_start3A_872 = tpu.memref_slice %arg16[%dma_start3A_870, %dma_start3A_871] : memref<10112x16xf32, #tpu.memory_space<vmem_shared>> -> memref<10112x16xf32, #tpu.memory_space<vmem_shared>>
        %dma_start3A_873 = tpu.memref_slice %arg17[%dma_start3A_866] : memref<6x!tpu.dma_semaphore, #tpu.memory_space<semaphore_mem>> -> memref<1x!tpu.dma_semaphore, #tpu.memory_space<semaphore_mem>>
        %dma_start3A_874 = tpu.memref_squeeze %dma_start3A_873 : memref<1x!tpu.dma_semaphore, #tpu.memory_space<semaphore_mem>> -> memref<!tpu.dma_semaphore, #tpu.memory_space<semaphore_mem>>
        tpu.enqueue_indirect_dma source(%arg15 : memref<80x16xf32, #tpu.memory_space<vmem>>) target(%dma_start3A_872 : memref<10112x16xf32, #tpu.memory_space<vmem_shared>>) offsets(%dma_start3A_869 : memref<80xi32, #tpu.memory_space<vmem>>) semaphore(%dma_start3A_874 : memref<!tpu.dma_semaphore, #tpu.memory_space<semaphore_mem>>) {add = true}
      } else {
      }
      %dma_wait3A_290 = arith.constant 1 : i32
      %dma_wait3A_291 = arith.constant 0 : i32
      %dma_wait3A_292 = arith.constant 1 : i32
      %dma_wait3A_293 = arith.constant 0 : i32
      %dma_wait3A_294 = arith.constant 0 : i32
      %dma_wait3A_295 = tpu.memref_slice %arg11[%dma_wait3A_290, %dma_wait3A_293, %dma_wait3A_294] : memref<6x80x64xf32, #tpu.memory_space<vmem>> -> memref<1x80x64xf32, #tpu.memory_space<vmem>>
      %dma_wait3A_296 = tpu.memref_squeeze %dma_wait3A_295 : memref<1x80x64xf32, #tpu.memory_space<vmem>> -> memref<80x64xf32, #tpu.memory_space<vmem>>
      %dma_wait3A_297 = arith.constant 0 : i32
      %dma_wait3A_298 = tpu.memref_slice %arg10[%dma_wait3A_291, %dma_wait3A_297] : memref<12x80xi32, #tpu.memory_space<vmem>> -> memref<1x80xi32, #tpu.memory_space<vmem>>
      %dma_wait3A_299 = tpu.memref_squeeze %dma_wait3A_298 : memref<1x80xi32, #tpu.memory_space<vmem>> -> memref<80xi32, #tpu.memory_space<vmem>>
      %dma_wait3A_300 = arith.constant 0 : i32
      %dma_wait3A_301 = arith.constant 0 : i32
      %dma_wait3A_302 = tpu.memref_slice %arg12[%dma_wait3A_300, %dma_wait3A_301] : memref<10112x64xf32, #tpu.memory_space<vmem_shared>> -> memref<10112x64xf32, #tpu.memory_space<vmem_shared>>
      %dma_wait3A_303 = tpu.memref_slice %arg14[%dma_wait3A_292] : memref<6x!tpu.dma_semaphore, #tpu.memory_space<semaphore_mem>> -> memref<1x!tpu.dma_semaphore, #tpu.memory_space<semaphore_mem>>
      %dma_wait3A_304 = tpu.memref_squeeze %dma_wait3A_303 : memref<1x!tpu.dma_semaphore, #tpu.memory_space<semaphore_mem>> -> memref<!tpu.dma_semaphore, #tpu.memory_space<semaphore_mem>>
      tpu.wait_indirect_dma semaphore(%dma_wait3A_304 : memref<!tpu.dma_semaphore, #tpu.memory_space<semaphore_mem>>) src(%dma_wait3A_296 : memref<80x64xf32, #tpu.memory_space<vmem>>) dst(%dma_wait3A_302 : memref<10112x64xf32, #tpu.memory_space<vmem_shared>>)
      %eq3A_305 = arith.constant 0 : i32
      %eq3A_306 = arith.cmpi eq, %arg0, %eq3A_305 : i32
      %convert_element_type3A_307 = arith.extui %eq3A_306 : i1 to i32
      %cond3A_308 = arith.constant 0 : i32
      %cond3A_309 = arith.cmpi ne, %convert_element_type3A_307, %cond3A_308 : i32
      scf.if %cond3A_309 {
        %dma_wait3A_865 = arith.constant 0 : i32
        %dma_wait3A_866 = arith.constant 1 : i32
        %dma_wait3A_867 = arith.constant 0 : i32
        %dma_wait3A_868 = tpu.memref_slice %arg10[%dma_wait3A_865, %dma_wait3A_867] : memref<12x80xi32, #tpu.memory_space<vmem>> -> memref<1x80xi32, #tpu.memory_space<vmem>>
        %dma_wait3A_869 = tpu.memref_squeeze %dma_wait3A_868 : memref<1x80xi32, #tpu.memory_space<vmem>> -> memref<80xi32, #tpu.memory_space<vmem>>
        %dma_wait3A_870 = arith.constant 0 : i32
        %dma_wait3A_871 = arith.constant 0 : i32
        %dma_wait3A_872 = tpu.memref_slice %arg16[%dma_wait3A_870, %dma_wait3A_871] : memref<10112x16xf32, #tpu.memory_space<vmem_shared>> -> memref<10112x16xf32, #tpu.memory_space<vmem_shared>>
        %dma_wait3A_873 = tpu.memref_slice %arg17[%dma_wait3A_866] : memref<6x!tpu.dma_semaphore, #tpu.memory_space<semaphore_mem>> -> memref<1x!tpu.dma_semaphore, #tpu.memory_space<semaphore_mem>>
        %dma_wait3A_874 = tpu.memref_squeeze %dma_wait3A_873 : memref<1x!tpu.dma_semaphore, #tpu.memory_space<semaphore_mem>> -> memref<!tpu.dma_semaphore, #tpu.memory_space<semaphore_mem>>
        tpu.wait_indirect_dma semaphore(%dma_wait3A_874 : memref<!tpu.dma_semaphore, #tpu.memory_space<semaphore_mem>>) src(%arg15 : memref<80x16xf32, #tpu.memory_space<vmem>>) dst(%dma_wait3A_872 : memref<10112x16xf32, #tpu.memory_space<vmem_shared>>)
      } else {
      }
      %dma_start3A_310 = arith.constant 7 : i32
      %dma_start3A_311 = arith.constant 1 : i32
      %dma_start3A_312 = arith.constant 1 : i32
      %dma_start3A_313 = arith.constant 0 : i32
      %dma_start3A_314 = arith.constant 0 : i32
      %dma_start3A_315 = tpu.memref_slice %arg11[%dma_start3A_311, %dma_start3A_313, %dma_start3A_314] : memref<6x80x64xf32, #tpu.memory_space<vmem>> -> memref<1x80x64xf32, #tpu.memory_space<vmem>>
      %dma_start3A_316 = tpu.memref_squeeze %dma_start3A_315 : memref<1x80x64xf32, #tpu.memory_space<vmem>> -> memref<80x64xf32, #tpu.memory_space<vmem>>
      %dma_start3A_317 = arith.constant 0 : i32
      %dma_start3A_318 = tpu.memref_slice %arg9[%dma_start3A_310, %dma_start3A_317] : memref<12x80xi32, #tpu.memory_space<vmem>> -> memref<1x80xi32, #tpu.memory_space<vmem>>
      %dma_start3A_319 = tpu.memref_squeeze %dma_start3A_318 : memref<1x80xi32, #tpu.memory_space<vmem>> -> memref<80xi32, #tpu.memory_space<vmem>>
      %dma_start3A_320 = arith.constant 0 : i32
      %dma_start3A_321 = arith.constant 0 : i32
      %dma_start3A_322 = tpu.memref_slice %arg4[%dma_start3A_320, %dma_start3A_321] : memref<20000x64xf32, #tpu.memory_space<hbm>> -> memref<20000x64xf32, #tpu.memory_space<hbm>>
      %dma_start3A_323 = tpu.memref_slice %arg13[%dma_start3A_312] : memref<6x!tpu.dma_semaphore, #tpu.memory_space<semaphore_mem>> -> memref<1x!tpu.dma_semaphore, #tpu.memory_space<semaphore_mem>>
      %dma_start3A_324 = tpu.memref_squeeze %dma_start3A_323 : memref<1x!tpu.dma_semaphore, #tpu.memory_space<semaphore_mem>> -> memref<!tpu.dma_semaphore, #tpu.memory_space<semaphore_mem>>
      tpu.enqueue_indirect_dma source(%dma_start3A_322 : memref<20000x64xf32, #tpu.memory_space<hbm>>) target(%dma_start3A_316 : memref<80x64xf32, #tpu.memory_space<vmem>>) offsets(%dma_start3A_319 : memref<80xi32, #tpu.memory_space<vmem>>) semaphore(%dma_start3A_324 : memref<!tpu.dma_semaphore, #tpu.memory_space<semaphore_mem>>)
      %dma_wait3A_325 = arith.constant 0 : i32
      %dma_wait3A_326 = arith.constant 4 : i32
      %dma_wait3A_327 = arith.constant 4 : i32
      %dma_wait3A_328 = arith.constant 0 : i32
      %dma_wait3A_329 = arith.constant 0 : i32
      %dma_wait3A_330 = tpu.memref_slice %arg11[%dma_wait3A_326, %dma_wait3A_328, %dma_wait3A_329] : memref<6x80x64xf32, #tpu.memory_space<vmem>> -> memref<1x80x64xf32, #tpu.memory_space<vmem>>
      %dma_wait3A_331 = tpu.memref_squeeze %dma_wait3A_330 : memref<1x80x64xf32, #tpu.memory_space<vmem>> -> memref<80x64xf32, #tpu.memory_space<vmem>>
      %dma_wait3A_332 = arith.constant 0 : i32
      %dma_wait3A_333 = tpu.memref_slice %arg9[%dma_wait3A_325, %dma_wait3A_332] : memref<12x80xi32, #tpu.memory_space<vmem>> -> memref<1x80xi32, #tpu.memory_space<vmem>>
      %dma_wait3A_334 = tpu.memref_squeeze %dma_wait3A_333 : memref<1x80xi32, #tpu.memory_space<vmem>> -> memref<80xi32, #tpu.memory_space<vmem>>
      %dma_wait3A_335 = arith.constant 0 : i32
      %dma_wait3A_336 = arith.constant 0 : i32
      %dma_wait3A_337 = tpu.memref_slice %arg4[%dma_wait3A_335, %dma_wait3A_336] : memref<20000x64xf32, #tpu.memory_space<hbm>> -> memref<20000x64xf32, #tpu.memory_space<hbm>>
      %dma_wait3A_338 = tpu.memref_slice %arg13[%dma_wait3A_327] : memref<6x!tpu.dma_semaphore, #tpu.memory_space<semaphore_mem>> -> memref<1x!tpu.dma_semaphore, #tpu.memory_space<semaphore_mem>>
      %dma_wait3A_339 = tpu.memref_squeeze %dma_wait3A_338 : memref<1x!tpu.dma_semaphore, #tpu.memory_space<semaphore_mem>> -> memref<!tpu.dma_semaphore, #tpu.memory_space<semaphore_mem>>
      tpu.wait_indirect_dma semaphore(%dma_wait3A_339 : memref<!tpu.dma_semaphore, #tpu.memory_space<semaphore_mem>>) src(%dma_wait3A_337 : memref<20000x64xf32, #tpu.memory_space<hbm>>) dst(%dma_wait3A_331 : memref<80x64xf32, #tpu.memory_space<vmem>>)
      %dma_start3A_340 = arith.constant 4 : i32
      %dma_start3A_341 = arith.constant 4 : i32
      %dma_start3A_342 = arith.constant 4 : i32
      %dma_start3A_343 = arith.constant 0 : i32
      %dma_start3A_344 = arith.constant 0 : i32
      %dma_start3A_345 = tpu.memref_slice %arg11[%dma_start3A_340, %dma_start3A_343, %dma_start3A_344] : memref<6x80x64xf32, #tpu.memory_space<vmem>> -> memref<1x80x64xf32, #tpu.memory_space<vmem>>
      %dma_start3A_346 = tpu.memref_squeeze %dma_start3A_345 : memref<1x80x64xf32, #tpu.memory_space<vmem>> -> memref<80x64xf32, #tpu.memory_space<vmem>>
      %dma_start3A_347 = arith.constant 0 : i32
      %dma_start3A_348 = tpu.memref_slice %arg10[%dma_start3A_341, %dma_start3A_347] : memref<12x80xi32, #tpu.memory_space<vmem>> -> memref<1x80xi32, #tpu.memory_space<vmem>>
      %dma_start3A_349 = tpu.memref_squeeze %dma_start3A_348 : memref<1x80xi32, #tpu.memory_space<vmem>> -> memref<80xi32, #tpu.memory_space<vmem>>
      %dma_start3A_350 = arith.constant 0 : i32
      %dma_start3A_351 = arith.constant 0 : i32
      %dma_start3A_352 = tpu.memref_slice %arg12[%dma_start3A_350, %dma_start3A_351] : memref<10112x64xf32, #tpu.memory_space<vmem_shared>> -> memref<10112x64xf32, #tpu.memory_space<vmem_shared>>
      %dma_start3A_353 = tpu.memref_slice %arg14[%dma_start3A_342] : memref<6x!tpu.dma_semaphore, #tpu.memory_space<semaphore_mem>> -> memref<1x!tpu.dma_semaphore, #tpu.memory_space<semaphore_mem>>
      %dma_start3A_354 = tpu.memref_squeeze %dma_start3A_353 : memref<1x!tpu.dma_semaphore, #tpu.memory_space<semaphore_mem>> -> memref<!tpu.dma_semaphore, #tpu.memory_space<semaphore_mem>>
      tpu.enqueue_indirect_dma source(%dma_start3A_346 : memref<80x64xf32, #tpu.memory_space<vmem>>) target(%dma_start3A_352 : memref<10112x64xf32, #tpu.memory_space<vmem_shared>>) offsets(%dma_start3A_349 : memref<80xi32, #tpu.memory_space<vmem>>) semaphore(%dma_start3A_354 : memref<!tpu.dma_semaphore, #tpu.memory_space<semaphore_mem>>) {add = true}
      %eq3A_355 = arith.constant 0 : i32
      %eq3A_356 = arith.cmpi eq, %arg0, %eq3A_355 : i32
      %convert_element_type3A_357 = arith.extui %eq3A_356 : i1 to i32
      %cond3A_358 = arith.constant 0 : i32
      %cond3A_359 = arith.cmpi ne, %convert_element_type3A_357, %cond3A_358 : i32
      scf.if %cond3A_359 {
        %dma_start3A_865 = arith.constant 4 : i32
        %dma_start3A_866 = arith.constant 4 : i32
        %dma_start3A_867 = arith.constant 0 : i32
        %dma_start3A_868 = tpu.memref_slice %arg10[%dma_start3A_865, %dma_start3A_867] : memref<12x80xi32, #tpu.memory_space<vmem>> -> memref<1x80xi32, #tpu.memory_space<vmem>>
        %dma_start3A_869 = tpu.memref_squeeze %dma_start3A_868 : memref<1x80xi32, #tpu.memory_space<vmem>> -> memref<80xi32, #tpu.memory_space<vmem>>
        %dma_start3A_870 = arith.constant 0 : i32
        %dma_start3A_871 = arith.constant 0 : i32
        %dma_start3A_872 = tpu.memref_slice %arg16[%dma_start3A_870, %dma_start3A_871] : memref<10112x16xf32, #tpu.memory_space<vmem_shared>> -> memref<10112x16xf32, #tpu.memory_space<vmem_shared>>
        %dma_start3A_873 = tpu.memref_slice %arg17[%dma_start3A_866] : memref<6x!tpu.dma_semaphore, #tpu.memory_space<semaphore_mem>> -> memref<1x!tpu.dma_semaphore, #tpu.memory_space<semaphore_mem>>
        %dma_start3A_874 = tpu.memref_squeeze %dma_start3A_873 : memref<1x!tpu.dma_semaphore, #tpu.memory_space<semaphore_mem>> -> memref<!tpu.dma_semaphore, #tpu.memory_space<semaphore_mem>>
        tpu.enqueue_indirect_dma source(%arg15 : memref<80x16xf32, #tpu.memory_space<vmem>>) target(%dma_start3A_872 : memref<10112x16xf32, #tpu.memory_space<vmem_shared>>) offsets(%dma_start3A_869 : memref<80xi32, #tpu.memory_space<vmem>>) semaphore(%dma_start3A_874 : memref<!tpu.dma_semaphore, #tpu.memory_space<semaphore_mem>>) {add = true}
      } else {
      }
      %dma_wait3A_360 = arith.constant 2 : i32
      %dma_wait3A_361 = arith.constant 0 : i32
      %dma_wait3A_362 = arith.constant 2 : i32
      %dma_wait3A_363 = arith.constant 0 : i32
      %dma_wait3A_364 = arith.constant 0 : i32
      %dma_wait3A_365 = tpu.memref_slice %arg11[%dma_wait3A_360, %dma_wait3A_363, %dma_wait3A_364] : memref<6x80x64xf32, #tpu.memory_space<vmem>> -> memref<1x80x64xf32, #tpu.memory_space<vmem>>
      %dma_wait3A_366 = tpu.memref_squeeze %dma_wait3A_365 : memref<1x80x64xf32, #tpu.memory_space<vmem>> -> memref<80x64xf32, #tpu.memory_space<vmem>>
      %dma_wait3A_367 = arith.constant 0 : i32
      %dma_wait3A_368 = tpu.memref_slice %arg10[%dma_wait3A_361, %dma_wait3A_367] : memref<12x80xi32, #tpu.memory_space<vmem>> -> memref<1x80xi32, #tpu.memory_space<vmem>>
      %dma_wait3A_369 = tpu.memref_squeeze %dma_wait3A_368 : memref<1x80xi32, #tpu.memory_space<vmem>> -> memref<80xi32, #tpu.memory_space<vmem>>
      %dma_wait3A_370 = arith.constant 0 : i32
      %dma_wait3A_371 = arith.constant 0 : i32
      %dma_wait3A_372 = tpu.memref_slice %arg12[%dma_wait3A_370, %dma_wait3A_371] : memref<10112x64xf32, #tpu.memory_space<vmem_shared>> -> memref<10112x64xf32, #tpu.memory_space<vmem_shared>>
      %dma_wait3A_373 = tpu.memref_slice %arg14[%dma_wait3A_362] : memref<6x!tpu.dma_semaphore, #tpu.memory_space<semaphore_mem>> -> memref<1x!tpu.dma_semaphore, #tpu.memory_space<semaphore_mem>>
      %dma_wait3A_374 = tpu.memref_squeeze %dma_wait3A_373 : memref<1x!tpu.dma_semaphore, #tpu.memory_space<semaphore_mem>> -> memref<!tpu.dma_semaphore, #tpu.memory_space<semaphore_mem>>
      tpu.wait_indirect_dma semaphore(%dma_wait3A_374 : memref<!tpu.dma_semaphore, #tpu.memory_space<semaphore_mem>>) src(%dma_wait3A_366 : memref<80x64xf32, #tpu.memory_space<vmem>>) dst(%dma_wait3A_372 : memref<10112x64xf32, #tpu.memory_space<vmem_shared>>)
      %eq3A_375 = arith.constant 0 : i32
      %eq3A_376 = arith.cmpi eq, %arg0, %eq3A_375 : i32
      %convert_element_type3A_377 = arith.extui %eq3A_376 : i1 to i32
      %cond3A_378 = arith.constant 0 : i32
      %cond3A_379 = arith.cmpi ne, %convert_element_type3A_377, %cond3A_378 : i32
      scf.if %cond3A_379 {
        %dma_wait3A_865 = arith.constant 0 : i32
        %dma_wait3A_866 = arith.constant 2 : i32
        %dma_wait3A_867 = arith.constant 0 : i32
        %dma_wait3A_868 = tpu.memref_slice %arg10[%dma_wait3A_865, %dma_wait3A_867] : memref<12x80xi32, #tpu.memory_space<vmem>> -> memref<1x80xi32, #tpu.memory_space<vmem>>
        %dma_wait3A_869 = tpu.memref_squeeze %dma_wait3A_868 : memref<1x80xi32, #tpu.memory_space<vmem>> -> memref<80xi32, #tpu.memory_space<vmem>>
        %dma_wait3A_870 = arith.constant 0 : i32
        %dma_wait3A_871 = arith.constant 0 : i32
        %dma_wait3A_872 = tpu.memref_slice %arg16[%dma_wait3A_870, %dma_wait3A_871] : memref<10112x16xf32, #tpu.memory_space<vmem_shared>> -> memref<10112x16xf32, #tpu.memory_space<vmem_shared>>
        %dma_wait3A_873 = tpu.memref_slice %arg17[%dma_wait3A_866] : memref<6x!tpu.dma_semaphore, #tpu.memory_space<semaphore_mem>> -> memref<1x!tpu.dma_semaphore, #tpu.memory_space<semaphore_mem>>
        %dma_wait3A_874 = tpu.memref_squeeze %dma_wait3A_873 : memref<1x!tpu.dma_semaphore, #tpu.memory_space<semaphore_mem>> -> memref<!tpu.dma_semaphore, #tpu.memory_space<semaphore_mem>>
        tpu.wait_indirect_dma semaphore(%dma_wait3A_874 : memref<!tpu.dma_semaphore, #tpu.memory_space<semaphore_mem>>) src(%arg15 : memref<80x16xf32, #tpu.memory_space<vmem>>) dst(%dma_wait3A_872 : memref<10112x16xf32, #tpu.memory_space<vmem_shared>>)
      } else {
      }
      %dma_start3A_380 = arith.constant 8 : i32
      %dma_start3A_381 = arith.constant 2 : i32
      %dma_start3A_382 = arith.constant 2 : i32
      %dma_start3A_383 = arith.constant 0 : i32
      %dma_start3A_384 = arith.constant 0 : i32
      %dma_start3A_385 = tpu.memref_slice %arg11[%dma_start3A_381, %dma_start3A_383, %dma_start3A_384] : memref<6x80x64xf32, #tpu.memory_space<vmem>> -> memref<1x80x64xf32, #tpu.memory_space<vmem>>
      %dma_start3A_386 = tpu.memref_squeeze %dma_start3A_385 : memref<1x80x64xf32, #tpu.memory_space<vmem>> -> memref<80x64xf32, #tpu.memory_space<vmem>>
      %dma_start3A_387 = arith.constant 0 : i32
      %dma_start3A_388 = tpu.memref_slice %arg9[%dma_start3A_380, %dma_start3A_387] : memref<12x80xi32, #tpu.memory_space<vmem>> -> memref<1x80xi32, #tpu.memory_space<vmem>>
      %dma_start3A_389 = tpu.memref_squeeze %dma_start3A_388 : memref<1x80xi32, #tpu.memory_space<vmem>> -> memref<80xi32, #tpu.memory_space<vmem>>
      %dma_start3A_390 = arith.constant 0 : i32
      %dma_start3A_391 = arith.constant 0 : i32
      %dma_start3A_392 = tpu.memref_slice %arg4[%dma_start3A_390, %dma_start3A_391] : memref<20000x64xf32, #tpu.memory_space<hbm>> -> memref<20000x64xf32, #tpu.memory_space<hbm>>
      %dma_start3A_393 = tpu.memref_slice %arg13[%dma_start3A_382] : memref<6x!tpu.dma_semaphore, #tpu.memory_space<semaphore_mem>> -> memref<1x!tpu.dma_semaphore, #tpu.memory_space<semaphore_mem>>
      %dma_start3A_394 = tpu.memref_squeeze %dma_start3A_393 : memref<1x!tpu.dma_semaphore, #tpu.memory_space<semaphore_mem>> -> memref<!tpu.dma_semaphore, #tpu.memory_space<semaphore_mem>>
      tpu.enqueue_indirect_dma source(%dma_start3A_392 : memref<20000x64xf32, #tpu.memory_space<hbm>>) target(%dma_start3A_386 : memref<80x64xf32, #tpu.memory_space<vmem>>) offsets(%dma_start3A_389 : memref<80xi32, #tpu.memory_space<vmem>>) semaphore(%dma_start3A_394 : memref<!tpu.dma_semaphore, #tpu.memory_space<semaphore_mem>>)
      %dma_wait3A_395 = arith.constant 0 : i32
      %dma_wait3A_396 = arith.constant 5 : i32
      %dma_wait3A_397 = arith.constant 5 : i32
      %dma_wait3A_398 = arith.constant 0 : i32
      %dma_wait3A_399 = arith.constant 0 : i32
      %dma_wait3A_400 = tpu.memref_slice %arg11[%dma_wait3A_396, %dma_wait3A_398, %dma_wait3A_399] : memref<6x80x64xf32, #tpu.memory_space<vmem>> -> memref<1x80x64xf32, #tpu.memory_space<vmem>>
      %dma_wait3A_401 = tpu.memref_squeeze %dma_wait3A_400 : memref<1x80x64xf32, #tpu.memory_space<vmem>> -> memref<80x64xf32, #tpu.memory_space<vmem>>
      %dma_wait3A_402 = arith.constant 0 : i32
      %dma_wait3A_403 = tpu.memref_slice %arg9[%dma_wait3A_395, %dma_wait3A_402] : memref<12x80xi32, #tpu.memory_space<vmem>> -> memref<1x80xi32, #tpu.memory_space<vmem>>
      %dma_wait3A_404 = tpu.memref_squeeze %dma_wait3A_403 : memref<1x80xi32, #tpu.memory_space<vmem>> -> memref<80xi32, #tpu.memory_space<vmem>>
      %dma_wait3A_405 = arith.constant 0 : i32
      %dma_wait3A_406 = arith.constant 0 : i32
      %dma_wait3A_407 = tpu.memref_slice %arg4[%dma_wait3A_405, %dma_wait3A_406] : memref<20000x64xf32, #tpu.memory_space<hbm>> -> memref<20000x64xf32, #tpu.memory_space<hbm>>
      %dma_wait3A_408 = tpu.memref_slice %arg13[%dma_wait3A_397] : memref<6x!tpu.dma_semaphore, #tpu.memory_space<semaphore_mem>> -> memref<1x!tpu.dma_semaphore, #tpu.memory_space<semaphore_mem>>
      %dma_wait3A_409 = tpu.memref_squeeze %dma_wait3A_408 : memref<1x!tpu.dma_semaphore, #tpu.memory_space<semaphore_mem>> -> memref<!tpu.dma_semaphore, #tpu.memory_space<semaphore_mem>>
      tpu.wait_indirect_dma semaphore(%dma_wait3A_409 : memref<!tpu.dma_semaphore, #tpu.memory_space<semaphore_mem>>) src(%dma_wait3A_407 : memref<20000x64xf32, #tpu.memory_space<hbm>>) dst(%dma_wait3A_401 : memref<80x64xf32, #tpu.memory_space<vmem>>)
      %dma_start3A_410 = arith.constant 5 : i32
      %dma_start3A_411 = arith.constant 5 : i32
      %dma_start3A_412 = arith.constant 5 : i32
      %dma_start3A_413 = arith.constant 0 : i32
      %dma_start3A_414 = arith.constant 0 : i32
      %dma_start3A_415 = tpu.memref_slice %arg11[%dma_start3A_410, %dma_start3A_413, %dma_start3A_414] : memref<6x80x64xf32, #tpu.memory_space<vmem>> -> memref<1x80x64xf32, #tpu.memory_space<vmem>>
      %dma_start3A_416 = tpu.memref_squeeze %dma_start3A_415 : memref<1x80x64xf32, #tpu.memory_space<vmem>> -> memref<80x64xf32, #tpu.memory_space<vmem>>
      %dma_start3A_417 = arith.constant 0 : i32
      %dma_start3A_418 = tpu.memref_slice %arg10[%dma_start3A_411, %dma_start3A_417] : memref<12x80xi32, #tpu.memory_space<vmem>> -> memref<1x80xi32, #tpu.memory_space<vmem>>
      %dma_start3A_419 = tpu.memref_squeeze %dma_start3A_418 : memref<1x80xi32, #tpu.memory_space<vmem>> -> memref<80xi32, #tpu.memory_space<vmem>>
      %dma_start3A_420 = arith.constant 0 : i32
      %dma_start3A_421 = arith.constant 0 : i32
      %dma_start3A_422 = tpu.memref_slice %arg12[%dma_start3A_420, %dma_start3A_421] : memref<10112x64xf32, #tpu.memory_space<vmem_shared>> -> memref<10112x64xf32, #tpu.memory_space<vmem_shared>>
      %dma_start3A_423 = tpu.memref_slice %arg14[%dma_start3A_412] : memref<6x!tpu.dma_semaphore, #tpu.memory_space<semaphore_mem>> -> memref<1x!tpu.dma_semaphore, #tpu.memory_space<semaphore_mem>>
      %dma_start3A_424 = tpu.memref_squeeze %dma_start3A_423 : memref<1x!tpu.dma_semaphore, #tpu.memory_space<semaphore_mem>> -> memref<!tpu.dma_semaphore, #tpu.memory_space<semaphore_mem>>
      tpu.enqueue_indirect_dma source(%dma_start3A_416 : memref<80x64xf32, #tpu.memory_space<vmem>>) target(%dma_start3A_422 : memref<10112x64xf32, #tpu.memory_space<vmem_shared>>) offsets(%dma_start3A_419 : memref<80xi32, #tpu.memory_space<vmem>>) semaphore(%dma_start3A_424 : memref<!tpu.dma_semaphore, #tpu.memory_space<semaphore_mem>>) {add = true}
      %eq3A_425 = arith.constant 0 : i32
      %eq3A_426 = arith.cmpi eq, %arg0, %eq3A_425 : i32
      %convert_element_type3A_427 = arith.extui %eq3A_426 : i1 to i32
      %cond3A_428 = arith.constant 0 : i32
      %cond3A_429 = arith.cmpi ne, %convert_element_type3A_427, %cond3A_428 : i32
      scf.if %cond3A_429 {
        %dma_start3A_865 = arith.constant 5 : i32
        %dma_start3A_866 = arith.constant 5 : i32
        %dma_start3A_867 = arith.constant 0 : i32
        %dma_start3A_868 = tpu.memref_slice %arg10[%dma_start3A_865, %dma_start3A_867] : memref<12x80xi32, #tpu.memory_space<vmem>> -> memref<1x80xi32, #tpu.memory_space<vmem>>
        %dma_start3A_869 = tpu.memref_squeeze %dma_start3A_868 : memref<1x80xi32, #tpu.memory_space<vmem>> -> memref<80xi32, #tpu.memory_space<vmem>>
        %dma_start3A_870 = arith.constant 0 : i32
        %dma_start3A_871 = arith.constant 0 : i32
        %dma_start3A_872 = tpu.memref_slice %arg16[%dma_start3A_870, %dma_start3A_871] : memref<10112x16xf32, #tpu.memory_space<vmem_shared>> -> memref<10112x16xf32, #tpu.memory_space<vmem_shared>>
        %dma_start3A_873 = tpu.memref_slice %arg17[%dma_start3A_866] : memref<6x!tpu.dma_semaphore, #tpu.memory_space<semaphore_mem>> -> memref<1x!tpu.dma_semaphore, #tpu.memory_space<semaphore_mem>>
        %dma_start3A_874 = tpu.memref_squeeze %dma_start3A_873 : memref<1x!tpu.dma_semaphore, #tpu.memory_space<semaphore_mem>> -> memref<!tpu.dma_semaphore, #tpu.memory_space<semaphore_mem>>
        tpu.enqueue_indirect_dma source(%arg15 : memref<80x16xf32, #tpu.memory_space<vmem>>) target(%dma_start3A_872 : memref<10112x16xf32, #tpu.memory_space<vmem_shared>>) offsets(%dma_start3A_869 : memref<80xi32, #tpu.memory_space<vmem>>) semaphore(%dma_start3A_874 : memref<!tpu.dma_semaphore, #tpu.memory_space<semaphore_mem>>) {add = true}
      } else {
      }
      %dma_wait3A_430 = arith.constant 3 : i32
      %dma_wait3A_431 = arith.constant 0 : i32
      %dma_wait3A_432 = arith.constant 3 : i32
      %dma_wait3A_433 = arith.constant 0 : i32
      %dma_wait3A_434 = arith.constant 0 : i32
      %dma_wait3A_435 = tpu.memref_slice %arg11[%dma_wait3A_430, %dma_wait3A_433, %dma_wait3A_434] : memref<6x80x64xf32, #tpu.memory_space<vmem>> -> memref<1x80x64xf32, #tpu.memory_space<vmem>>
      %dma_wait3A_436 = tpu.memref_squeeze %dma_wait3A_435 : memref<1x80x64xf32, #tpu.memory_space<vmem>> -> memref<80x64xf32, #tpu.memory_space<vmem>>
      %dma_wait3A_437 = arith.constant 0 : i32
      %dma_wait3A_438 = tpu.memref_slice %arg10[%dma_wait3A_431, %dma_wait3A_437] : memref<12x80xi32, #tpu.memory_space<vmem>> -> memref<1x80xi32, #tpu.memory_space<vmem>>
      %dma_wait3A_439 = tpu.memref_squeeze %dma_wait3A_438 : memref<1x80xi32, #tpu.memory_space<vmem>> -> memref<80xi32, #tpu.memory_space<vmem>>
      %dma_wait3A_440 = arith.constant 0 : i32
      %dma_wait3A_441 = arith.constant 0 : i32
      %dma_wait3A_442 = tpu.memref_slice %arg12[%dma_wait3A_440, %dma_wait3A_441] : memref<10112x64xf32, #tpu.memory_space<vmem_shared>> -> memref<10112x64xf32, #tpu.memory_space<vmem_shared>>
      %dma_wait3A_443 = tpu.memref_slice %arg14[%dma_wait3A_432] : memref<6x!tpu.dma_semaphore, #tpu.memory_space<semaphore_mem>> -> memref<1x!tpu.dma_semaphore, #tpu.memory_space<semaphore_mem>>
      %dma_wait3A_444 = tpu.memref_squeeze %dma_wait3A_443 : memref<1x!tpu.dma_semaphore, #tpu.memory_space<semaphore_mem>> -> memref<!tpu.dma_semaphore, #tpu.memory_space<semaphore_mem>>
      tpu.wait_indirect_dma semaphore(%dma_wait3A_444 : memref<!tpu.dma_semaphore, #tpu.memory_space<semaphore_mem>>) src(%dma_wait3A_436 : memref<80x64xf32, #tpu.memory_space<vmem>>) dst(%dma_wait3A_442 : memref<10112x64xf32, #tpu.memory_space<vmem_shared>>)
      %eq3A_445 = arith.constant 0 : i32
      %eq3A_446 = arith.cmpi eq, %arg0, %eq3A_445 : i32
      %convert_element_type3A_447 = arith.extui %eq3A_446 : i1 to i32
      %cond3A_448 = arith.constant 0 : i32
      %cond3A_449 = arith.cmpi ne, %convert_element_type3A_447, %cond3A_448 : i32
      scf.if %cond3A_449 {
        %dma_wait3A_865 = arith.constant 0 : i32
        %dma_wait3A_866 = arith.constant 3 : i32
        %dma_wait3A_867 = arith.constant 0 : i32
        %dma_wait3A_868 = tpu.memref_slice %arg10[%dma_wait3A_865, %dma_wait3A_867] : memref<12x80xi32, #tpu.memory_space<vmem>> -> memref<1x80xi32, #tpu.memory_space<vmem>>
        %dma_wait3A_869 = tpu.memref_squeeze %dma_wait3A_868 : memref<1x80xi32, #tpu.memory_space<vmem>> -> memref<80xi32, #tpu.memory_space<vmem>>
        %dma_wait3A_870 = arith.constant 0 : i32
        %dma_wait3A_871 = arith.constant 0 : i32
        %dma_wait3A_872 = tpu.memref_slice %arg16[%dma_wait3A_870, %dma_wait3A_871] : memref<10112x16xf32, #tpu.memory_space<vmem_shared>> -> memref<10112x16xf32, #tpu.memory_space<vmem_shared>>
        %dma_wait3A_873 = tpu.memref_slice %arg17[%dma_wait3A_866] : memref<6x!tpu.dma_semaphore, #tpu.memory_space<semaphore_mem>> -> memref<1x!tpu.dma_semaphore, #tpu.memory_space<semaphore_mem>>
        %dma_wait3A_874 = tpu.memref_squeeze %dma_wait3A_873 : memref<1x!tpu.dma_semaphore, #tpu.memory_space<semaphore_mem>> -> memref<!tpu.dma_semaphore, #tpu.memory_space<semaphore_mem>>
        tpu.wait_indirect_dma semaphore(%dma_wait3A_874 : memref<!tpu.dma_semaphore, #tpu.memory_space<semaphore_mem>>) src(%arg15 : memref<80x16xf32, #tpu.memory_space<vmem>>) dst(%dma_wait3A_872 : memref<10112x16xf32, #tpu.memory_space<vmem_shared>>)
      } else {
      }
      %dma_start3A_450 = arith.constant 9 : i32
      %dma_start3A_451 = arith.constant 3 : i32
      %dma_start3A_452 = arith.constant 3 : i32
      %dma_start3A_453 = arith.constant 0 : i32
      %dma_start3A_454 = arith.constant 0 : i32
      %dma_start3A_455 = tpu.memref_slice %arg11[%dma_start3A_451, %dma_start3A_453, %dma_start3A_454] : memref<6x80x64xf32, #tpu.memory_space<vmem>> -> memref<1x80x64xf32, #tpu.memory_space<vmem>>
      %dma_start3A_456 = tpu.memref_squeeze %dma_start3A_455 : memref<1x80x64xf32, #tpu.memory_space<vmem>> -> memref<80x64xf32, #tpu.memory_space<vmem>>
      %dma_start3A_457 = arith.constant 0 : i32
      %dma_start3A_458 = tpu.memref_slice %arg9[%dma_start3A_450, %dma_start3A_457] : memref<12x80xi32, #tpu.memory_space<vmem>> -> memref<1x80xi32, #tpu.memory_space<vmem>>
      %dma_start3A_459 = tpu.memref_squeeze %dma_start3A_458 : memref<1x80xi32, #tpu.memory_space<vmem>> -> memref<80xi32, #tpu.memory_space<vmem>>
      %dma_start3A_460 = arith.constant 0 : i32
      %dma_start3A_461 = arith.constant 0 : i32
      %dma_start3A_462 = tpu.memref_slice %arg4[%dma_start3A_460, %dma_start3A_461] : memref<20000x64xf32, #tpu.memory_space<hbm>> -> memref<20000x64xf32, #tpu.memory_space<hbm>>
      %dma_start3A_463 = tpu.memref_slice %arg13[%dma_start3A_452] : memref<6x!tpu.dma_semaphore, #tpu.memory_space<semaphore_mem>> -> memref<1x!tpu.dma_semaphore, #tpu.memory_space<semaphore_mem>>
      %dma_start3A_464 = tpu.memref_squeeze %dma_start3A_463 : memref<1x!tpu.dma_semaphore, #tpu.memory_space<semaphore_mem>> -> memref<!tpu.dma_semaphore, #tpu.memory_space<semaphore_mem>>
      tpu.enqueue_indirect_dma source(%dma_start3A_462 : memref<20000x64xf32, #tpu.memory_space<hbm>>) target(%dma_start3A_456 : memref<80x64xf32, #tpu.memory_space<vmem>>) offsets(%dma_start3A_459 : memref<80xi32, #tpu.memory_space<vmem>>) semaphore(%dma_start3A_464 : memref<!tpu.dma_semaphore, #tpu.memory_space<semaphore_mem>>)
      %dma_wait3A_465 = arith.constant 0 : i32
      %dma_wait3A_466 = arith.constant 0 : i32
      %dma_wait3A_467 = arith.constant 0 : i32
      %dma_wait3A_468 = arith.constant 0 : i32
      %dma_wait3A_469 = arith.constant 0 : i32
      %dma_wait3A_470 = tpu.memref_slice %arg11[%dma_wait3A_466, %dma_wait3A_468, %dma_wait3A_469] : memref<6x80x64xf32, #tpu.memory_space<vmem>> -> memref<1x80x64xf32, #tpu.memory_space<vmem>>
      %dma_wait3A_471 = tpu.memref_squeeze %dma_wait3A_470 : memref<1x80x64xf32, #tpu.memory_space<vmem>> -> memref<80x64xf32, #tpu.memory_space<vmem>>
      %dma_wait3A_472 = arith.constant 0 : i32
      %dma_wait3A_473 = tpu.memref_slice %arg9[%dma_wait3A_465, %dma_wait3A_472] : memref<12x80xi32, #tpu.memory_space<vmem>> -> memref<1x80xi32, #tpu.memory_space<vmem>>
      %dma_wait3A_474 = tpu.memref_squeeze %dma_wait3A_473 : memref<1x80xi32, #tpu.memory_space<vmem>> -> memref<80xi32, #tpu.memory_space<vmem>>
      %dma_wait3A_475 = arith.constant 0 : i32
      %dma_wait3A_476 = arith.constant 0 : i32
      %dma_wait3A_477 = tpu.memref_slice %arg4[%dma_wait3A_475, %dma_wait3A_476] : memref<20000x64xf32, #tpu.memory_space<hbm>> -> memref<20000x64xf32, #tpu.memory_space<hbm>>
      %dma_wait3A_478 = tpu.memref_slice %arg13[%dma_wait3A_467] : memref<6x!tpu.dma_semaphore, #tpu.memory_space<semaphore_mem>> -> memref<1x!tpu.dma_semaphore, #tpu.memory_space<semaphore_mem>>
      %dma_wait3A_479 = tpu.memref_squeeze %dma_wait3A_478 : memref<1x!tpu.dma_semaphore, #tpu.memory_space<semaphore_mem>> -> memref<!tpu.dma_semaphore, #tpu.memory_space<semaphore_mem>>
      tpu.wait_indirect_dma semaphore(%dma_wait3A_479 : memref<!tpu.dma_semaphore, #tpu.memory_space<semaphore_mem>>) src(%dma_wait3A_477 : memref<20000x64xf32, #tpu.memory_space<hbm>>) dst(%dma_wait3A_471 : memref<80x64xf32, #tpu.memory_space<vmem>>)
      %dma_start3A_480 = arith.constant 0 : i32
      %dma_start3A_481 = arith.constant 6 : i32
      %dma_start3A_482 = arith.constant 0 : i32
      %dma_start3A_483 = arith.constant 0 : i32
      %dma_start3A_484 = arith.constant 0 : i32
      %dma_start3A_485 = tpu.memref_slice %arg11[%dma_start3A_480, %dma_start3A_483, %dma_start3A_484] : memref<6x80x64xf32, #tpu.memory_space<vmem>> -> memref<1x80x64xf32, #tpu.memory_space<vmem>>
      %dma_start3A_486 = tpu.memref_squeeze %dma_start3A_485 : memref<1x80x64xf32, #tpu.memory_space<vmem>> -> memref<80x64xf32, #tpu.memory_space<vmem>>
      %dma_start3A_487 = arith.constant 0 : i32
      %dma_start3A_488 = tpu.memref_slice %arg10[%dma_start3A_481, %dma_start3A_487] : memref<12x80xi32, #tpu.memory_space<vmem>> -> memref<1x80xi32, #tpu.memory_space<vmem>>
      %dma_start3A_489 = tpu.memref_squeeze %dma_start3A_488 : memref<1x80xi32, #tpu.memory_space<vmem>> -> memref<80xi32, #tpu.memory_space<vmem>>
      %dma_start3A_490 = arith.constant 0 : i32
      %dma_start3A_491 = arith.constant 0 : i32
      %dma_start3A_492 = tpu.memref_slice %arg12[%dma_start3A_490, %dma_start3A_491] : memref<10112x64xf32, #tpu.memory_space<vmem_shared>> -> memref<10112x64xf32, #tpu.memory_space<vmem_shared>>
      %dma_start3A_493 = tpu.memref_slice %arg14[%dma_start3A_482] : memref<6x!tpu.dma_semaphore, #tpu.memory_space<semaphore_mem>> -> memref<1x!tpu.dma_semaphore, #tpu.memory_space<semaphore_mem>>
      %dma_start3A_494 = tpu.memref_squeeze %dma_start3A_493 : memref<1x!tpu.dma_semaphore, #tpu.memory_space<semaphore_mem>> -> memref<!tpu.dma_semaphore, #tpu.memory_space<semaphore_mem>>
      tpu.enqueue_indirect_dma source(%dma_start3A_486 : memref<80x64xf32, #tpu.memory_space<vmem>>) target(%dma_start3A_492 : memref<10112x64xf32, #tpu.memory_space<vmem_shared>>) offsets(%dma_start3A_489 : memref<80xi32, #tpu.memory_space<vmem>>) semaphore(%dma_start3A_494 : memref<!tpu.dma_semaphore, #tpu.memory_space<semaphore_mem>>) {add = true}
      %eq3A_495 = arith.constant 0 : i32
      %eq3A_496 = arith.cmpi eq, %arg0, %eq3A_495 : i32
      %convert_element_type3A_497 = arith.extui %eq3A_496 : i1 to i32
      %cond3A_498 = arith.constant 0 : i32
      %cond3A_499 = arith.cmpi ne, %convert_element_type3A_497, %cond3A_498 : i32
      scf.if %cond3A_499 {
        %dma_start3A_865 = arith.constant 6 : i32
        %dma_start3A_866 = arith.constant 0 : i32
        %dma_start3A_867 = arith.constant 0 : i32
        %dma_start3A_868 = tpu.memref_slice %arg10[%dma_start3A_865, %dma_start3A_867] : memref<12x80xi32, #tpu.memory_space<vmem>> -> memref<1x80xi32, #tpu.memory_space<vmem>>
        %dma_start3A_869 = tpu.memref_squeeze %dma_start3A_868 : memref<1x80xi32, #tpu.memory_space<vmem>> -> memref<80xi32, #tpu.memory_space<vmem>>
        %dma_start3A_870 = arith.constant 0 : i32
        %dma_start3A_871 = arith.constant 0 : i32
        %dma_start3A_872 = tpu.memref_slice %arg16[%dma_start3A_870, %dma_start3A_871] : memref<10112x16xf32, #tpu.memory_space<vmem_shared>> -> memref<10112x16xf32, #tpu.memory_space<vmem_shared>>
        %dma_start3A_873 = tpu.memref_slice %arg17[%dma_start3A_866] : memref<6x!tpu.dma_semaphore, #tpu.memory_space<semaphore_mem>> -> memref<1x!tpu.dma_semaphore, #tpu.memory_space<semaphore_mem>>
        %dma_start3A_874 = tpu.memref_squeeze %dma_start3A_873 : memref<1x!tpu.dma_semaphore, #tpu.memory_space<semaphore_mem>> -> memref<!tpu.dma_semaphore, #tpu.memory_space<semaphore_mem>>
        tpu.enqueue_indirect_dma source(%arg15 : memref<80x16xf32, #tpu.memory_space<vmem>>) target(%dma_start3A_872 : memref<10112x16xf32, #tpu.memory_space<vmem_shared>>) offsets(%dma_start3A_869 : memref<80xi32, #tpu.memory_space<vmem>>) semaphore(%dma_start3A_874 : memref<!tpu.dma_semaphore, #tpu.memory_space<semaphore_mem>>) {add = true}
      } else {
      }
      %dma_wait3A_500 = arith.constant 4 : i32
      %dma_wait3A_501 = arith.constant 0 : i32
      %dma_wait3A_502 = arith.constant 4 : i32
      %dma_wait3A_503 = arith.constant 0 : i32
      %dma_wait3A_504 = arith.constant 0 : i32
      %dma_wait3A_505 = tpu.memref_slice %arg11[%dma_wait3A_500, %dma_wait3A_503, %dma_wait3A_504] : memref<6x80x64xf32, #tpu.memory_space<vmem>> -> memref<1x80x64xf32, #tpu.memory_space<vmem>>
      %dma_wait3A_506 = tpu.memref_squeeze %dma_wait3A_505 : memref<1x80x64xf32, #tpu.memory_space<vmem>> -> memref<80x64xf32, #tpu.memory_space<vmem>>
      %dma_wait3A_507 = arith.constant 0 : i32
      %dma_wait3A_508 = tpu.memref_slice %arg10[%dma_wait3A_501, %dma_wait3A_507] : memref<12x80xi32, #tpu.memory_space<vmem>> -> memref<1x80xi32, #tpu.memory_space<vmem>>
      %dma_wait3A_509 = tpu.memref_squeeze %dma_wait3A_508 : memref<1x80xi32, #tpu.memory_space<vmem>> -> memref<80xi32, #tpu.memory_space<vmem>>
      %dma_wait3A_510 = arith.constant 0 : i32
      %dma_wait3A_511 = arith.constant 0 : i32
      %dma_wait3A_512 = tpu.memref_slice %arg12[%dma_wait3A_510, %dma_wait3A_511] : memref<10112x64xf32, #tpu.memory_space<vmem_shared>> -> memref<10112x64xf32, #tpu.memory_space<vmem_shared>>
      %dma_wait3A_513 = tpu.memref_slice %arg14[%dma_wait3A_502] : memref<6x!tpu.dma_semaphore, #tpu.memory_space<semaphore_mem>> -> memref<1x!tpu.dma_semaphore, #tpu.memory_space<semaphore_mem>>
      %dma_wait3A_514 = tpu.memref_squeeze %dma_wait3A_513 : memref<1x!tpu.dma_semaphore, #tpu.memory_space<semaphore_mem>> -> memref<!tpu.dma_semaphore, #tpu.memory_space<semaphore_mem>>
      tpu.wait_indirect_dma semaphore(%dma_wait3A_514 : memref<!tpu.dma_semaphore, #tpu.memory_space<semaphore_mem>>) src(%dma_wait3A_506 : memref<80x64xf32, #tpu.memory_space<vmem>>) dst(%dma_wait3A_512 : memref<10112x64xf32, #tpu.memory_space<vmem_shared>>)
      %eq3A_515 = arith.constant 0 : i32
      %eq3A_516 = arith.cmpi eq, %arg0, %eq3A_515 : i32
      %convert_element_type3A_517 = arith.extui %eq3A_516 : i1 to i32
      %cond3A_518 = arith.constant 0 : i32
      %cond3A_519 = arith.cmpi ne, %convert_element_type3A_517, %cond3A_518 : i32
      scf.if %cond3A_519 {
        %dma_wait3A_865 = arith.constant 0 : i32
        %dma_wait3A_866 = arith.constant 4 : i32
        %dma_wait3A_867 = arith.constant 0 : i32
        %dma_wait3A_868 = tpu.memref_slice %arg10[%dma_wait3A_865, %dma_wait3A_867] : memref<12x80xi32, #tpu.memory_space<vmem>> -> memref<1x80xi32, #tpu.memory_space<vmem>>
        %dma_wait3A_869 = tpu.memref_squeeze %dma_wait3A_868 : memref<1x80xi32, #tpu.memory_space<vmem>> -> memref<80xi32, #tpu.memory_space<vmem>>
        %dma_wait3A_870 = arith.constant 0 : i32
        %dma_wait3A_871 = arith.constant 0 : i32
        %dma_wait3A_872 = tpu.memref_slice %arg16[%dma_wait3A_870, %dma_wait3A_871] : memref<10112x16xf32, #tpu.memory_space<vmem_shared>> -> memref<10112x16xf32, #tpu.memory_space<vmem_shared>>
        %dma_wait3A_873 = tpu.memref_slice %arg17[%dma_wait3A_866] : memref<6x!tpu.dma_semaphore, #tpu.memory_space<semaphore_mem>> -> memref<1x!tpu.dma_semaphore, #tpu.memory_space<semaphore_mem>>
        %dma_wait3A_874 = tpu.memref_squeeze %dma_wait3A_873 : memref<1x!tpu.dma_semaphore, #tpu.memory_space<semaphore_mem>> -> memref<!tpu.dma_semaphore, #tpu.memory_space<semaphore_mem>>
        tpu.wait_indirect_dma semaphore(%dma_wait3A_874 : memref<!tpu.dma_semaphore, #tpu.memory_space<semaphore_mem>>) src(%arg15 : memref<80x16xf32, #tpu.memory_space<vmem>>) dst(%dma_wait3A_872 : memref<10112x16xf32, #tpu.memory_space<vmem_shared>>)
      } else {
      }
      %dma_start3A_520 = arith.constant 10 : i32
      %dma_start3A_521 = arith.constant 4 : i32
      %dma_start3A_522 = arith.constant 4 : i32
      %dma_start3A_523 = arith.constant 0 : i32
      %dma_start3A_524 = arith.constant 0 : i32
      %dma_start3A_525 = tpu.memref_slice %arg11[%dma_start3A_521, %dma_start3A_523, %dma_start3A_524] : memref<6x80x64xf32, #tpu.memory_space<vmem>> -> memref<1x80x64xf32, #tpu.memory_space<vmem>>
      %dma_start3A_526 = tpu.memref_squeeze %dma_start3A_525 : memref<1x80x64xf32, #tpu.memory_space<vmem>> -> memref<80x64xf32, #tpu.memory_space<vmem>>
      %dma_start3A_527 = arith.constant 0 : i32
      %dma_start3A_528 = tpu.memref_slice %arg9[%dma_start3A_520, %dma_start3A_527] : memref<12x80xi32, #tpu.memory_space<vmem>> -> memref<1x80xi32, #tpu.memory_space<vmem>>
      %dma_start3A_529 = tpu.memref_squeeze %dma_start3A_528 : memref<1x80xi32, #tpu.memory_space<vmem>> -> memref<80xi32, #tpu.memory_space<vmem>>
      %dma_start3A_530 = arith.constant 0 : i32
      %dma_start3A_531 = arith.constant 0 : i32
      %dma_start3A_532 = tpu.memref_slice %arg4[%dma_start3A_530, %dma_start3A_531] : memref<20000x64xf32, #tpu.memory_space<hbm>> -> memref<20000x64xf32, #tpu.memory_space<hbm>>
      %dma_start3A_533 = tpu.memref_slice %arg13[%dma_start3A_522] : memref<6x!tpu.dma_semaphore, #tpu.memory_space<semaphore_mem>> -> memref<1x!tpu.dma_semaphore, #tpu.memory_space<semaphore_mem>>
      %dma_start3A_534 = tpu.memref_squeeze %dma_start3A_533 : memref<1x!tpu.dma_semaphore, #tpu.memory_space<semaphore_mem>> -> memref<!tpu.dma_semaphore, #tpu.memory_space<semaphore_mem>>
      tpu.enqueue_indirect_dma source(%dma_start3A_532 : memref<20000x64xf32, #tpu.memory_space<hbm>>) target(%dma_start3A_526 : memref<80x64xf32, #tpu.memory_space<vmem>>) offsets(%dma_start3A_529 : memref<80xi32, #tpu.memory_space<vmem>>) semaphore(%dma_start3A_534 : memref<!tpu.dma_semaphore, #tpu.memory_space<semaphore_mem>>)
      %dma_wait3A_535 = arith.constant 0 : i32
      %dma_wait3A_536 = arith.constant 1 : i32
      %dma_wait3A_537 = arith.constant 1 : i32
      %dma_wait3A_538 = arith.constant 0 : i32
      %dma_wait3A_539 = arith.constant 0 : i32
      %dma_wait3A_540 = tpu.memref_slice %arg11[%dma_wait3A_536, %dma_wait3A_538, %dma_wait3A_539] : memref<6x80x64xf32, #tpu.memory_space<vmem>> -> memref<1x80x64xf32, #tpu.memory_space<vmem>>
      %dma_wait3A_541 = tpu.memref_squeeze %dma_wait3A_540 : memref<1x80x64xf32, #tpu.memory_space<vmem>> -> memref<80x64xf32, #tpu.memory_space<vmem>>
      %dma_wait3A_542 = arith.constant 0 : i32
      %dma_wait3A_543 = tpu.memref_slice %arg9[%dma_wait3A_535, %dma_wait3A_542] : memref<12x80xi32, #tpu.memory_space<vmem>> -> memref<1x80xi32, #tpu.memory_space<vmem>>
      %dma_wait3A_544 = tpu.memref_squeeze %dma_wait3A_543 : memref<1x80xi32, #tpu.memory_space<vmem>> -> memref<80xi32, #tpu.memory_space<vmem>>
      %dma_wait3A_545 = arith.constant 0 : i32
      %dma_wait3A_546 = arith.constant 0 : i32
      %dma_wait3A_547 = tpu.memref_slice %arg4[%dma_wait3A_545, %dma_wait3A_546] : memref<20000x64xf32, #tpu.memory_space<hbm>> -> memref<20000x64xf32, #tpu.memory_space<hbm>>
      %dma_wait3A_548 = tpu.memref_slice %arg13[%dma_wait3A_537] : memref<6x!tpu.dma_semaphore, #tpu.memory_space<semaphore_mem>> -> memref<1x!tpu.dma_semaphore, #tpu.memory_space<semaphore_mem>>
      %dma_wait3A_549 = tpu.memref_squeeze %dma_wait3A_548 : memref<1x!tpu.dma_semaphore, #tpu.memory_space<semaphore_mem>> -> memref<!tpu.dma_semaphore, #tpu.memory_space<semaphore_mem>>
      tpu.wait_indirect_dma semaphore(%dma_wait3A_549 : memref<!tpu.dma_semaphore, #tpu.memory_space<semaphore_mem>>) src(%dma_wait3A_547 : memref<20000x64xf32, #tpu.memory_space<hbm>>) dst(%dma_wait3A_541 : memref<80x64xf32, #tpu.memory_space<vmem>>)
      %dma_start3A_550 = arith.constant 1 : i32
      %dma_start3A_551 = arith.constant 7 : i32
      %dma_start3A_552 = arith.constant 1 : i32
      %dma_start3A_553 = arith.constant 0 : i32
      %dma_start3A_554 = arith.constant 0 : i32
      %dma_start3A_555 = tpu.memref_slice %arg11[%dma_start3A_550, %dma_start3A_553, %dma_start3A_554] : memref<6x80x64xf32, #tpu.memory_space<vmem>> -> memref<1x80x64xf32, #tpu.memory_space<vmem>>
      %dma_start3A_556 = tpu.memref_squeeze %dma_start3A_555 : memref<1x80x64xf32, #tpu.memory_space<vmem>> -> memref<80x64xf32, #tpu.memory_space<vmem>>
      %dma_start3A_557 = arith.constant 0 : i32
      %dma_start3A_558 = tpu.memref_slice %arg10[%dma_start3A_551, %dma_start3A_557] : memref<12x80xi32, #tpu.memory_space<vmem>> -> memref<1x80xi32, #tpu.memory_space<vmem>>
      %dma_start3A_559 = tpu.memref_squeeze %dma_start3A_558 : memref<1x80xi32, #tpu.memory_space<vmem>> -> memref<80xi32, #tpu.memory_space<vmem>>
      %dma_start3A_560 = arith.constant 0 : i32
      %dma_start3A_561 = arith.constant 0 : i32
      %dma_start3A_562 = tpu.memref_slice %arg12[%dma_start3A_560, %dma_start3A_561] : memref<10112x64xf32, #tpu.memory_space<vmem_shared>> -> memref<10112x64xf32, #tpu.memory_space<vmem_shared>>
      %dma_start3A_563 = tpu.memref_slice %arg14[%dma_start3A_552] : memref<6x!tpu.dma_semaphore, #tpu.memory_space<semaphore_mem>> -> memref<1x!tpu.dma_semaphore, #tpu.memory_space<semaphore_mem>>
      %dma_start3A_564 = tpu.memref_squeeze %dma_start3A_563 : memref<1x!tpu.dma_semaphore, #tpu.memory_space<semaphore_mem>> -> memref<!tpu.dma_semaphore, #tpu.memory_space<semaphore_mem>>
      tpu.enqueue_indirect_dma source(%dma_start3A_556 : memref<80x64xf32, #tpu.memory_space<vmem>>) target(%dma_start3A_562 : memref<10112x64xf32, #tpu.memory_space<vmem_shared>>) offsets(%dma_start3A_559 : memref<80xi32, #tpu.memory_space<vmem>>) semaphore(%dma_start3A_564 : memref<!tpu.dma_semaphore, #tpu.memory_space<semaphore_mem>>) {add = true}
      %eq3A_565 = arith.constant 0 : i32
      %eq3A_566 = arith.cmpi eq, %arg0, %eq3A_565 : i32
      %convert_element_type3A_567 = arith.extui %eq3A_566 : i1 to i32
      %cond3A_568 = arith.constant 0 : i32
      %cond3A_569 = arith.cmpi ne, %convert_element_type3A_567, %cond3A_568 : i32
      scf.if %cond3A_569 {
        %dma_start3A_865 = arith.constant 7 : i32
        %dma_start3A_866 = arith.constant 1 : i32
        %dma_start3A_867 = arith.constant 0 : i32
        %dma_start3A_868 = tpu.memref_slice %arg10[%dma_start3A_865, %dma_start3A_867] : memref<12x80xi32, #tpu.memory_space<vmem>> -> memref<1x80xi32, #tpu.memory_space<vmem>>
        %dma_start3A_869 = tpu.memref_squeeze %dma_start3A_868 : memref<1x80xi32, #tpu.memory_space<vmem>> -> memref<80xi32, #tpu.memory_space<vmem>>
        %dma_start3A_870 = arith.constant 0 : i32
        %dma_start3A_871 = arith.constant 0 : i32
        %dma_start3A_872 = tpu.memref_slice %arg16[%dma_start3A_870, %dma_start3A_871] : memref<10112x16xf32, #tpu.memory_space<vmem_shared>> -> memref<10112x16xf32, #tpu.memory_space<vmem_shared>>
        %dma_start3A_873 = tpu.memref_slice %arg17[%dma_start3A_866] : memref<6x!tpu.dma_semaphore, #tpu.memory_space<semaphore_mem>> -> memref<1x!tpu.dma_semaphore, #tpu.memory_space<semaphore_mem>>
        %dma_start3A_874 = tpu.memref_squeeze %dma_start3A_873 : memref<1x!tpu.dma_semaphore, #tpu.memory_space<semaphore_mem>> -> memref<!tpu.dma_semaphore, #tpu.memory_space<semaphore_mem>>
        tpu.enqueue_indirect_dma source(%arg15 : memref<80x16xf32, #tpu.memory_space<vmem>>) target(%dma_start3A_872 : memref<10112x16xf32, #tpu.memory_space<vmem_shared>>) offsets(%dma_start3A_869 : memref<80xi32, #tpu.memory_space<vmem>>) semaphore(%dma_start3A_874 : memref<!tpu.dma_semaphore, #tpu.memory_space<semaphore_mem>>) {add = true}
      } else {
      }
      %dma_wait3A_570 = arith.constant 5 : i32
      %dma_wait3A_571 = arith.constant 0 : i32
      %dma_wait3A_572 = arith.constant 5 : i32
      %dma_wait3A_573 = arith.constant 0 : i32
      %dma_wait3A_574 = arith.constant 0 : i32
      %dma_wait3A_575 = tpu.memref_slice %arg11[%dma_wait3A_570, %dma_wait3A_573, %dma_wait3A_574] : memref<6x80x64xf32, #tpu.memory_space<vmem>> -> memref<1x80x64xf32, #tpu.memory_space<vmem>>
      %dma_wait3A_576 = tpu.memref_squeeze %dma_wait3A_575 : memref<1x80x64xf32, #tpu.memory_space<vmem>> -> memref<80x64xf32, #tpu.memory_space<vmem>>
      %dma_wait3A_577 = arith.constant 0 : i32
      %dma_wait3A_578 = tpu.memref_slice %arg10[%dma_wait3A_571, %dma_wait3A_577] : memref<12x80xi32, #tpu.memory_space<vmem>> -> memref<1x80xi32, #tpu.memory_space<vmem>>
      %dma_wait3A_579 = tpu.memref_squeeze %dma_wait3A_578 : memref<1x80xi32, #tpu.memory_space<vmem>> -> memref<80xi32, #tpu.memory_space<vmem>>
      %dma_wait3A_580 = arith.constant 0 : i32
      %dma_wait3A_581 = arith.constant 0 : i32
      %dma_wait3A_582 = tpu.memref_slice %arg12[%dma_wait3A_580, %dma_wait3A_581] : memref<10112x64xf32, #tpu.memory_space<vmem_shared>> -> memref<10112x64xf32, #tpu.memory_space<vmem_shared>>
      %dma_wait3A_583 = tpu.memref_slice %arg14[%dma_wait3A_572] : memref<6x!tpu.dma_semaphore, #tpu.memory_space<semaphore_mem>> -> memref<1x!tpu.dma_semaphore, #tpu.memory_space<semaphore_mem>>
      %dma_wait3A_584 = tpu.memref_squeeze %dma_wait3A_583 : memref<1x!tpu.dma_semaphore, #tpu.memory_space<semaphore_mem>> -> memref<!tpu.dma_semaphore, #tpu.memory_space<semaphore_mem>>
      tpu.wait_indirect_dma semaphore(%dma_wait3A_584 : memref<!tpu.dma_semaphore, #tpu.memory_space<semaphore_mem>>) src(%dma_wait3A_576 : memref<80x64xf32, #tpu.memory_space<vmem>>) dst(%dma_wait3A_582 : memref<10112x64xf32, #tpu.memory_space<vmem_shared>>)
      %eq3A_585 = arith.constant 0 : i32
      %eq3A_586 = arith.cmpi eq, %arg0, %eq3A_585 : i32
      %convert_element_type3A_587 = arith.extui %eq3A_586 : i1 to i32
      %cond3A_588 = arith.constant 0 : i32
      %cond3A_589 = arith.cmpi ne, %convert_element_type3A_587, %cond3A_588 : i32
      scf.if %cond3A_589 {
        %dma_wait3A_865 = arith.constant 0 : i32
        %dma_wait3A_866 = arith.constant 5 : i32
        %dma_wait3A_867 = arith.constant 0 : i32
        %dma_wait3A_868 = tpu.memref_slice %arg10[%dma_wait3A_865, %dma_wait3A_867] : memref<12x80xi32, #tpu.memory_space<vmem>> -> memref<1x80xi32, #tpu.memory_space<vmem>>
        %dma_wait3A_869 = tpu.memref_squeeze %dma_wait3A_868 : memref<1x80xi32, #tpu.memory_space<vmem>> -> memref<80xi32, #tpu.memory_space<vmem>>
        %dma_wait3A_870 = arith.constant 0 : i32
        %dma_wait3A_871 = arith.constant 0 : i32
        %dma_wait3A_872 = tpu.memref_slice %arg16[%dma_wait3A_870, %dma_wait3A_871] : memref<10112x16xf32, #tpu.memory_space<vmem_shared>> -> memref<10112x16xf32, #tpu.memory_space<vmem_shared>>
        %dma_wait3A_873 = tpu.memref_slice %arg17[%dma_wait3A_866] : memref<6x!tpu.dma_semaphore, #tpu.memory_space<semaphore_mem>> -> memref<1x!tpu.dma_semaphore, #tpu.memory_space<semaphore_mem>>
        %dma_wait3A_874 = tpu.memref_squeeze %dma_wait3A_873 : memref<1x!tpu.dma_semaphore, #tpu.memory_space<semaphore_mem>> -> memref<!tpu.dma_semaphore, #tpu.memory_space<semaphore_mem>>
        tpu.wait_indirect_dma semaphore(%dma_wait3A_874 : memref<!tpu.dma_semaphore, #tpu.memory_space<semaphore_mem>>) src(%arg15 : memref<80x16xf32, #tpu.memory_space<vmem>>) dst(%dma_wait3A_872 : memref<10112x16xf32, #tpu.memory_space<vmem_shared>>)
      } else {
      }
      %dma_start3A_590 = arith.constant 11 : i32
      %dma_start3A_591 = arith.constant 5 : i32
      %dma_start3A_592 = arith.constant 5 : i32
      %dma_start3A_593 = arith.constant 0 : i32
      %dma_start3A_594 = arith.constant 0 : i32
      %dma_start3A_595 = tpu.memref_slice %arg11[%dma_start3A_591, %dma_start3A_593, %dma_start3A_594] : memref<6x80x64xf32, #tpu.memory_space<vmem>> -> memref<1x80x64xf32, #tpu.memory_space<vmem>>
      %dma_start3A_596 = tpu.memref_squeeze %dma_start3A_595 : memref<1x80x64xf32, #tpu.memory_space<vmem>> -> memref<80x64xf32, #tpu.memory_space<vmem>>
      %dma_start3A_597 = arith.constant 0 : i32
      %dma_start3A_598 = tpu.memref_slice %arg9[%dma_start3A_590, %dma_start3A_597] : memref<12x80xi32, #tpu.memory_space<vmem>> -> memref<1x80xi32, #tpu.memory_space<vmem>>
      %dma_start3A_599 = tpu.memref_squeeze %dma_start3A_598 : memref<1x80xi32, #tpu.memory_space<vmem>> -> memref<80xi32, #tpu.memory_space<vmem>>
      %dma_start3A_600 = arith.constant 0 : i32
      %dma_start3A_601 = arith.constant 0 : i32
      %dma_start3A_602 = tpu.memref_slice %arg4[%dma_start3A_600, %dma_start3A_601] : memref<20000x64xf32, #tpu.memory_space<hbm>> -> memref<20000x64xf32, #tpu.memory_space<hbm>>
      %dma_start3A_603 = tpu.memref_slice %arg13[%dma_start3A_592] : memref<6x!tpu.dma_semaphore, #tpu.memory_space<semaphore_mem>> -> memref<1x!tpu.dma_semaphore, #tpu.memory_space<semaphore_mem>>
      %dma_start3A_604 = tpu.memref_squeeze %dma_start3A_603 : memref<1x!tpu.dma_semaphore, #tpu.memory_space<semaphore_mem>> -> memref<!tpu.dma_semaphore, #tpu.memory_space<semaphore_mem>>
      tpu.enqueue_indirect_dma source(%dma_start3A_602 : memref<20000x64xf32, #tpu.memory_space<hbm>>) target(%dma_start3A_596 : memref<80x64xf32, #tpu.memory_space<vmem>>) offsets(%dma_start3A_599 : memref<80xi32, #tpu.memory_space<vmem>>) semaphore(%dma_start3A_604 : memref<!tpu.dma_semaphore, #tpu.memory_space<semaphore_mem>>)
      %dma_wait3A_605 = arith.constant 0 : i32
      %dma_wait3A_606 = arith.constant 2 : i32
      %dma_wait3A_607 = arith.constant 2 : i32
      %dma_wait3A_608 = arith.constant 0 : i32
      %dma_wait3A_609 = arith.constant 0 : i32
      %dma_wait3A_610 = tpu.memref_slice %arg11[%dma_wait3A_606, %dma_wait3A_608, %dma_wait3A_609] : memref<6x80x64xf32, #tpu.memory_space<vmem>> -> memref<1x80x64xf32, #tpu.memory_space<vmem>>
      %dma_wait3A_611 = tpu.memref_squeeze %dma_wait3A_610 : memref<1x80x64xf32, #tpu.memory_space<vmem>> -> memref<80x64xf32, #tpu.memory_space<vmem>>
      %dma_wait3A_612 = arith.constant 0 : i32
      %dma_wait3A_613 = tpu.memref_slice %arg9[%dma_wait3A_605, %dma_wait3A_612] : memref<12x80xi32, #tpu.memory_space<vmem>> -> memref<1x80xi32, #tpu.memory_space<vmem>>
      %dma_wait3A_614 = tpu.memref_squeeze %dma_wait3A_613 : memref<1x80xi32, #tpu.memory_space<vmem>> -> memref<80xi32, #tpu.memory_space<vmem>>
      %dma_wait3A_615 = arith.constant 0 : i32
      %dma_wait3A_616 = arith.constant 0 : i32
      %dma_wait3A_617 = tpu.memref_slice %arg4[%dma_wait3A_615, %dma_wait3A_616] : memref<20000x64xf32, #tpu.memory_space<hbm>> -> memref<20000x64xf32, #tpu.memory_space<hbm>>
      %dma_wait3A_618 = tpu.memref_slice %arg13[%dma_wait3A_607] : memref<6x!tpu.dma_semaphore, #tpu.memory_space<semaphore_mem>> -> memref<1x!tpu.dma_semaphore, #tpu.memory_space<semaphore_mem>>
      %dma_wait3A_619 = tpu.memref_squeeze %dma_wait3A_618 : memref<1x!tpu.dma_semaphore, #tpu.memory_space<semaphore_mem>> -> memref<!tpu.dma_semaphore, #tpu.memory_space<semaphore_mem>>
      tpu.wait_indirect_dma semaphore(%dma_wait3A_619 : memref<!tpu.dma_semaphore, #tpu.memory_space<semaphore_mem>>) src(%dma_wait3A_617 : memref<20000x64xf32, #tpu.memory_space<hbm>>) dst(%dma_wait3A_611 : memref<80x64xf32, #tpu.memory_space<vmem>>)
      %dma_start3A_620 = arith.constant 2 : i32
      %dma_start3A_621 = arith.constant 8 : i32
      %dma_start3A_622 = arith.constant 2 : i32
      %dma_start3A_623 = arith.constant 0 : i32
      %dma_start3A_624 = arith.constant 0 : i32
      %dma_start3A_625 = tpu.memref_slice %arg11[%dma_start3A_620, %dma_start3A_623, %dma_start3A_624] : memref<6x80x64xf32, #tpu.memory_space<vmem>> -> memref<1x80x64xf32, #tpu.memory_space<vmem>>
      %dma_start3A_626 = tpu.memref_squeeze %dma_start3A_625 : memref<1x80x64xf32, #tpu.memory_space<vmem>> -> memref<80x64xf32, #tpu.memory_space<vmem>>
      %dma_start3A_627 = arith.constant 0 : i32
      %dma_start3A_628 = tpu.memref_slice %arg10[%dma_start3A_621, %dma_start3A_627] : memref<12x80xi32, #tpu.memory_space<vmem>> -> memref<1x80xi32, #tpu.memory_space<vmem>>
      %dma_start3A_629 = tpu.memref_squeeze %dma_start3A_628 : memref<1x80xi32, #tpu.memory_space<vmem>> -> memref<80xi32, #tpu.memory_space<vmem>>
      %dma_start3A_630 = arith.constant 0 : i32
      %dma_start3A_631 = arith.constant 0 : i32
      %dma_start3A_632 = tpu.memref_slice %arg12[%dma_start3A_630, %dma_start3A_631] : memref<10112x64xf32, #tpu.memory_space<vmem_shared>> -> memref<10112x64xf32, #tpu.memory_space<vmem_shared>>
      %dma_start3A_633 = tpu.memref_slice %arg14[%dma_start3A_622] : memref<6x!tpu.dma_semaphore, #tpu.memory_space<semaphore_mem>> -> memref<1x!tpu.dma_semaphore, #tpu.memory_space<semaphore_mem>>
      %dma_start3A_634 = tpu.memref_squeeze %dma_start3A_633 : memref<1x!tpu.dma_semaphore, #tpu.memory_space<semaphore_mem>> -> memref<!tpu.dma_semaphore, #tpu.memory_space<semaphore_mem>>
      tpu.enqueue_indirect_dma source(%dma_start3A_626 : memref<80x64xf32, #tpu.memory_space<vmem>>) target(%dma_start3A_632 : memref<10112x64xf32, #tpu.memory_space<vmem_shared>>) offsets(%dma_start3A_629 : memref<80xi32, #tpu.memory_space<vmem>>) semaphore(%dma_start3A_634 : memref<!tpu.dma_semaphore, #tpu.memory_space<semaphore_mem>>) {add = true}
      %eq3A_635 = arith.constant 0 : i32
      %eq3A_636 = arith.cmpi eq, %arg0, %eq3A_635 : i32
      %convert_element_type3A_637 = arith.extui %eq3A_636 : i1 to i32
      %cond3A_638 = arith.constant 0 : i32
      %cond3A_639 = arith.cmpi ne, %convert_element_type3A_637, %cond3A_638 : i32
      scf.if %cond3A_639 {
        %dma_start3A_865 = arith.constant 8 : i32
        %dma_start3A_866 = arith.constant 2 : i32
        %dma_start3A_867 = arith.constant 0 : i32
        %dma_start3A_868 = tpu.memref_slice %arg10[%dma_start3A_865, %dma_start3A_867] : memref<12x80xi32, #tpu.memory_space<vmem>> -> memref<1x80xi32, #tpu.memory_space<vmem>>
        %dma_start3A_869 = tpu.memref_squeeze %dma_start3A_868 : memref<1x80xi32, #tpu.memory_space<vmem>> -> memref<80xi32, #tpu.memory_space<vmem>>
        %dma_start3A_870 = arith.constant 0 : i32
        %dma_start3A_871 = arith.constant 0 : i32
        %dma_start3A_872 = tpu.memref_slice %arg16[%dma_start3A_870, %dma_start3A_871] : memref<10112x16xf32, #tpu.memory_space<vmem_shared>> -> memref<10112x16xf32, #tpu.memory_space<vmem_shared>>
        %dma_start3A_873 = tpu.memref_slice %arg17[%dma_start3A_866] : memref<6x!tpu.dma_semaphore, #tpu.memory_space<semaphore_mem>> -> memref<1x!tpu.dma_semaphore, #tpu.memory_space<semaphore_mem>>
        %dma_start3A_874 = tpu.memref_squeeze %dma_start3A_873 : memref<1x!tpu.dma_semaphore, #tpu.memory_space<semaphore_mem>> -> memref<!tpu.dma_semaphore, #tpu.memory_space<semaphore_mem>>
        tpu.enqueue_indirect_dma source(%arg15 : memref<80x16xf32, #tpu.memory_space<vmem>>) target(%dma_start3A_872 : memref<10112x16xf32, #tpu.memory_space<vmem_shared>>) offsets(%dma_start3A_869 : memref<80xi32, #tpu.memory_space<vmem>>) semaphore(%dma_start3A_874 : memref<!tpu.dma_semaphore, #tpu.memory_space<semaphore_mem>>) {add = true}
      } else {
      }
      %dma_wait3A_640 = arith.constant 0 : i32
      %dma_wait3A_641 = arith.constant 3 : i32
      %dma_wait3A_642 = arith.constant 3 : i32
      %dma_wait3A_643 = arith.constant 0 : i32
      %dma_wait3A_644 = arith.constant 0 : i32
      %dma_wait3A_645 = tpu.memref_slice %arg11[%dma_wait3A_641, %dma_wait3A_643, %dma_wait3A_644] : memref<6x80x64xf32, #tpu.memory_space<vmem>> -> memref<1x80x64xf32, #tpu.memory_space<vmem>>
      %dma_wait3A_646 = tpu.memref_squeeze %dma_wait3A_645 : memref<1x80x64xf32, #tpu.memory_space<vmem>> -> memref<80x64xf32, #tpu.memory_space<vmem>>
      %dma_wait3A_647 = arith.constant 0 : i32
      %dma_wait3A_648 = tpu.memref_slice %arg9[%dma_wait3A_640, %dma_wait3A_647] : memref<12x80xi32, #tpu.memory_space<vmem>> -> memref<1x80xi32, #tpu.memory_space<vmem>>
      %dma_wait3A_649 = tpu.memref_squeeze %dma_wait3A_648 : memref<1x80xi32, #tpu.memory_space<vmem>> -> memref<80xi32, #tpu.memory_space<vmem>>
      %dma_wait3A_650 = arith.constant 0 : i32
      %dma_wait3A_651 = arith.constant 0 : i32
      %dma_wait3A_652 = tpu.memref_slice %arg4[%dma_wait3A_650, %dma_wait3A_651] : memref<20000x64xf32, #tpu.memory_space<hbm>> -> memref<20000x64xf32, #tpu.memory_space<hbm>>
      %dma_wait3A_653 = tpu.memref_slice %arg13[%dma_wait3A_642] : memref<6x!tpu.dma_semaphore, #tpu.memory_space<semaphore_mem>> -> memref<1x!tpu.dma_semaphore, #tpu.memory_space<semaphore_mem>>
      %dma_wait3A_654 = tpu.memref_squeeze %dma_wait3A_653 : memref<1x!tpu.dma_semaphore, #tpu.memory_space<semaphore_mem>> -> memref<!tpu.dma_semaphore, #tpu.memory_space<semaphore_mem>>
      tpu.wait_indirect_dma semaphore(%dma_wait3A_654 : memref<!tpu.dma_semaphore, #tpu.memory_space<semaphore_mem>>) src(%dma_wait3A_652 : memref<20000x64xf32, #tpu.memory_space<hbm>>) dst(%dma_wait3A_646 : memref<80x64xf32, #tpu.memory_space<vmem>>)
      %dma_start3A_655 = arith.constant 3 : i32
      %dma_start3A_656 = arith.constant 9 : i32
      %dma_start3A_657 = arith.constant 3 : i32
      %dma_start3A_658 = arith.constant 0 : i32
      %dma_start3A_659 = arith.constant 0 : i32
      %dma_start3A_660 = tpu.memref_slice %arg11[%dma_start3A_655, %dma_start3A_658, %dma_start3A_659] : memref<6x80x64xf32, #tpu.memory_space<vmem>> -> memref<1x80x64xf32, #tpu.memory_space<vmem>>
      %dma_start3A_661 = tpu.memref_squeeze %dma_start3A_660 : memref<1x80x64xf32, #tpu.memory_space<vmem>> -> memref<80x64xf32, #tpu.memory_space<vmem>>
      %dma_start3A_662 = arith.constant 0 : i32
      %dma_start3A_663 = tpu.memref_slice %arg10[%dma_start3A_656, %dma_start3A_662] : memref<12x80xi32, #tpu.memory_space<vmem>> -> memref<1x80xi32, #tpu.memory_space<vmem>>
      %dma_start3A_664 = tpu.memref_squeeze %dma_start3A_663 : memref<1x80xi32, #tpu.memory_space<vmem>> -> memref<80xi32, #tpu.memory_space<vmem>>
      %dma_start3A_665 = arith.constant 0 : i32
      %dma_start3A_666 = arith.constant 0 : i32
      %dma_start3A_667 = tpu.memref_slice %arg12[%dma_start3A_665, %dma_start3A_666] : memref<10112x64xf32, #tpu.memory_space<vmem_shared>> -> memref<10112x64xf32, #tpu.memory_space<vmem_shared>>
      %dma_start3A_668 = tpu.memref_slice %arg14[%dma_start3A_657] : memref<6x!tpu.dma_semaphore, #tpu.memory_space<semaphore_mem>> -> memref<1x!tpu.dma_semaphore, #tpu.memory_space<semaphore_mem>>
      %dma_start3A_669 = tpu.memref_squeeze %dma_start3A_668 : memref<1x!tpu.dma_semaphore, #tpu.memory_space<semaphore_mem>> -> memref<!tpu.dma_semaphore, #tpu.memory_space<semaphore_mem>>
      tpu.enqueue_indirect_dma source(%dma_start3A_661 : memref<80x64xf32, #tpu.memory_space<vmem>>) target(%dma_start3A_667 : memref<10112x64xf32, #tpu.memory_space<vmem_shared>>) offsets(%dma_start3A_664 : memref<80xi32, #tpu.memory_space<vmem>>) semaphore(%dma_start3A_669 : memref<!tpu.dma_semaphore, #tpu.memory_space<semaphore_mem>>) {add = true}
      %eq3A_670 = arith.constant 0 : i32
      %eq3A_671 = arith.cmpi eq, %arg0, %eq3A_670 : i32
      %convert_element_type3A_672 = arith.extui %eq3A_671 : i1 to i32
      %cond3A_673 = arith.constant 0 : i32
      %cond3A_674 = arith.cmpi ne, %convert_element_type3A_672, %cond3A_673 : i32
      scf.if %cond3A_674 {
        %dma_start3A_865 = arith.constant 9 : i32
        %dma_start3A_866 = arith.constant 3 : i32
        %dma_start3A_867 = arith.constant 0 : i32
        %dma_start3A_868 = tpu.memref_slice %arg10[%dma_start3A_865, %dma_start3A_867] : memref<12x80xi32, #tpu.memory_space<vmem>> -> memref<1x80xi32, #tpu.memory_space<vmem>>
        %dma_start3A_869 = tpu.memref_squeeze %dma_start3A_868 : memref<1x80xi32, #tpu.memory_space<vmem>> -> memref<80xi32, #tpu.memory_space<vmem>>
        %dma_start3A_870 = arith.constant 0 : i32
        %dma_start3A_871 = arith.constant 0 : i32
        %dma_start3A_872 = tpu.memref_slice %arg16[%dma_start3A_870, %dma_start3A_871] : memref<10112x16xf32, #tpu.memory_space<vmem_shared>> -> memref<10112x16xf32, #tpu.memory_space<vmem_shared>>
        %dma_start3A_873 = tpu.memref_slice %arg17[%dma_start3A_866] : memref<6x!tpu.dma_semaphore, #tpu.memory_space<semaphore_mem>> -> memref<1x!tpu.dma_semaphore, #tpu.memory_space<semaphore_mem>>
        %dma_start3A_874 = tpu.memref_squeeze %dma_start3A_873 : memref<1x!tpu.dma_semaphore, #tpu.memory_space<semaphore_mem>> -> memref<!tpu.dma_semaphore, #tpu.memory_space<semaphore_mem>>
        tpu.enqueue_indirect_dma source(%arg15 : memref<80x16xf32, #tpu.memory_space<vmem>>) target(%dma_start3A_872 : memref<10112x16xf32, #tpu.memory_space<vmem_shared>>) offsets(%dma_start3A_869 : memref<80xi32, #tpu.memory_space<vmem>>) semaphore(%dma_start3A_874 : memref<!tpu.dma_semaphore, #tpu.memory_space<semaphore_mem>>) {add = true}
      } else {
      }
      %dma_wait3A_675 = arith.constant 0 : i32
      %dma_wait3A_676 = arith.constant 4 : i32
      %dma_wait3A_677 = arith.constant 4 : i32
      %dma_wait3A_678 = arith.constant 0 : i32
      %dma_wait3A_679 = arith.constant 0 : i32
      %dma_wait3A_680 = tpu.memref_slice %arg11[%dma_wait3A_676, %dma_wait3A_678, %dma_wait3A_679] : memref<6x80x64xf32, #tpu.memory_space<vmem>> -> memref<1x80x64xf32, #tpu.memory_space<vmem>>
      %dma_wait3A_681 = tpu.memref_squeeze %dma_wait3A_680 : memref<1x80x64xf32, #tpu.memory_space<vmem>> -> memref<80x64xf32, #tpu.memory_space<vmem>>
      %dma_wait3A_682 = arith.constant 0 : i32
      %dma_wait3A_683 = tpu.memref_slice %arg9[%dma_wait3A_675, %dma_wait3A_682] : memref<12x80xi32, #tpu.memory_space<vmem>> -> memref<1x80xi32, #tpu.memory_space<vmem>>
      %dma_wait3A_684 = tpu.memref_squeeze %dma_wait3A_683 : memref<1x80xi32, #tpu.memory_space<vmem>> -> memref<80xi32, #tpu.memory_space<vmem>>
      %dma_wait3A_685 = arith.constant 0 : i32
      %dma_wait3A_686 = arith.constant 0 : i32
      %dma_wait3A_687 = tpu.memref_slice %arg4[%dma_wait3A_685, %dma_wait3A_686] : memref<20000x64xf32, #tpu.memory_space<hbm>> -> memref<20000x64xf32, #tpu.memory_space<hbm>>
      %dma_wait3A_688 = tpu.memref_slice %arg13[%dma_wait3A_677] : memref<6x!tpu.dma_semaphore, #tpu.memory_space<semaphore_mem>> -> memref<1x!tpu.dma_semaphore, #tpu.memory_space<semaphore_mem>>
      %dma_wait3A_689 = tpu.memref_squeeze %dma_wait3A_688 : memref<1x!tpu.dma_semaphore, #tpu.memory_space<semaphore_mem>> -> memref<!tpu.dma_semaphore, #tpu.memory_space<semaphore_mem>>
      tpu.wait_indirect_dma semaphore(%dma_wait3A_689 : memref<!tpu.dma_semaphore, #tpu.memory_space<semaphore_mem>>) src(%dma_wait3A_687 : memref<20000x64xf32, #tpu.memory_space<hbm>>) dst(%dma_wait3A_681 : memref<80x64xf32, #tpu.memory_space<vmem>>)
      %dma_start3A_690 = arith.constant 4 : i32
      %dma_start3A_691 = arith.constant 10 : i32
      %dma_start3A_692 = arith.constant 4 : i32
      %dma_start3A_693 = arith.constant 0 : i32
      %dma_start3A_694 = arith.constant 0 : i32
      %dma_start3A_695 = tpu.memref_slice %arg11[%dma_start3A_690, %dma_start3A_693, %dma_start3A_694] : memref<6x80x64xf32, #tpu.memory_space<vmem>> -> memref<1x80x64xf32, #tpu.memory_space<vmem>>
      %dma_start3A_696 = tpu.memref_squeeze %dma_start3A_695 : memref<1x80x64xf32, #tpu.memory_space<vmem>> -> memref<80x64xf32, #tpu.memory_space<vmem>>
      %dma_start3A_697 = arith.constant 0 : i32
      %dma_start3A_698 = tpu.memref_slice %arg10[%dma_start3A_691, %dma_start3A_697] : memref<12x80xi32, #tpu.memory_space<vmem>> -> memref<1x80xi32, #tpu.memory_space<vmem>>
      %dma_start3A_699 = tpu.memref_squeeze %dma_start3A_698 : memref<1x80xi32, #tpu.memory_space<vmem>> -> memref<80xi32, #tpu.memory_space<vmem>>
      %dma_start3A_700 = arith.constant 0 : i32
      %dma_start3A_701 = arith.constant 0 : i32
      %dma_start3A_702 = tpu.memref_slice %arg12[%dma_start3A_700, %dma_start3A_701] : memref<10112x64xf32, #tpu.memory_space<vmem_shared>> -> memref<10112x64xf32, #tpu.memory_space<vmem_shared>>
      %dma_start3A_703 = tpu.memref_slice %arg14[%dma_start3A_692] : memref<6x!tpu.dma_semaphore, #tpu.memory_space<semaphore_mem>> -> memref<1x!tpu.dma_semaphore, #tpu.memory_space<semaphore_mem>>
      %dma_start3A_704 = tpu.memref_squeeze %dma_start3A_703 : memref<1x!tpu.dma_semaphore, #tpu.memory_space<semaphore_mem>> -> memref<!tpu.dma_semaphore, #tpu.memory_space<semaphore_mem>>
      tpu.enqueue_indirect_dma source(%dma_start3A_696 : memref<80x64xf32, #tpu.memory_space<vmem>>) target(%dma_start3A_702 : memref<10112x64xf32, #tpu.memory_space<vmem_shared>>) offsets(%dma_start3A_699 : memref<80xi32, #tpu.memory_space<vmem>>) semaphore(%dma_start3A_704 : memref<!tpu.dma_semaphore, #tpu.memory_space<semaphore_mem>>) {add = true}
      %eq3A_705 = arith.constant 0 : i32
      %eq3A_706 = arith.cmpi eq, %arg0, %eq3A_705 : i32
      %convert_element_type3A_707 = arith.extui %eq3A_706 : i1 to i32
      %cond3A_708 = arith.constant 0 : i32
      %cond3A_709 = arith.cmpi ne, %convert_element_type3A_707, %cond3A_708 : i32
      scf.if %cond3A_709 {
        %dma_start3A_865 = arith.constant 10 : i32
        %dma_start3A_866 = arith.constant 4 : i32
        %dma_start3A_867 = arith.constant 0 : i32
        %dma_start3A_868 = tpu.memref_slice %arg10[%dma_start3A_865, %dma_start3A_867] : memref<12x80xi32, #tpu.memory_space<vmem>> -> memref<1x80xi32, #tpu.memory_space<vmem>>
        %dma_start3A_869 = tpu.memref_squeeze %dma_start3A_868 : memref<1x80xi32, #tpu.memory_space<vmem>> -> memref<80xi32, #tpu.memory_space<vmem>>
        %dma_start3A_870 = arith.constant 0 : i32
        %dma_start3A_871 = arith.constant 0 : i32
        %dma_start3A_872 = tpu.memref_slice %arg16[%dma_start3A_870, %dma_start3A_871] : memref<10112x16xf32, #tpu.memory_space<vmem_shared>> -> memref<10112x16xf32, #tpu.memory_space<vmem_shared>>
        %dma_start3A_873 = tpu.memref_slice %arg17[%dma_start3A_866] : memref<6x!tpu.dma_semaphore, #tpu.memory_space<semaphore_mem>> -> memref<1x!tpu.dma_semaphore, #tpu.memory_space<semaphore_mem>>
        %dma_start3A_874 = tpu.memref_squeeze %dma_start3A_873 : memref<1x!tpu.dma_semaphore, #tpu.memory_space<semaphore_mem>> -> memref<!tpu.dma_semaphore, #tpu.memory_space<semaphore_mem>>
        tpu.enqueue_indirect_dma source(%arg15 : memref<80x16xf32, #tpu.memory_space<vmem>>) target(%dma_start3A_872 : memref<10112x16xf32, #tpu.memory_space<vmem_shared>>) offsets(%dma_start3A_869 : memref<80xi32, #tpu.memory_space<vmem>>) semaphore(%dma_start3A_874 : memref<!tpu.dma_semaphore, #tpu.memory_space<semaphore_mem>>) {add = true}
      } else {
      }
      %dma_wait3A_710 = arith.constant 0 : i32
      %dma_wait3A_711 = arith.constant 5 : i32
      %dma_wait3A_712 = arith.constant 5 : i32
      %dma_wait3A_713 = arith.constant 0 : i32
      %dma_wait3A_714 = arith.constant 0 : i32
      %dma_wait3A_715 = tpu.memref_slice %arg11[%dma_wait3A_711, %dma_wait3A_713, %dma_wait3A_714] : memref<6x80x64xf32, #tpu.memory_space<vmem>> -> memref<1x80x64xf32, #tpu.memory_space<vmem>>
      %dma_wait3A_716 = tpu.memref_squeeze %dma_wait3A_715 : memref<1x80x64xf32, #tpu.memory_space<vmem>> -> memref<80x64xf32, #tpu.memory_space<vmem>>
      %dma_wait3A_717 = arith.constant 0 : i32
      %dma_wait3A_718 = tpu.memref_slice %arg9[%dma_wait3A_710, %dma_wait3A_717] : memref<12x80xi32, #tpu.memory_space<vmem>> -> memref<1x80xi32, #tpu.memory_space<vmem>>
      %dma_wait3A_719 = tpu.memref_squeeze %dma_wait3A_718 : memref<1x80xi32, #tpu.memory_space<vmem>> -> memref<80xi32, #tpu.memory_space<vmem>>
      %dma_wait3A_720 = arith.constant 0 : i32
      %dma_wait3A_721 = arith.constant 0 : i32
      %dma_wait3A_722 = tpu.memref_slice %arg4[%dma_wait3A_720, %dma_wait3A_721] : memref<20000x64xf32, #tpu.memory_space<hbm>> -> memref<20000x64xf32, #tpu.memory_space<hbm>>
      %dma_wait3A_723 = tpu.memref_slice %arg13[%dma_wait3A_712] : memref<6x!tpu.dma_semaphore, #tpu.memory_space<semaphore_mem>> -> memref<1x!tpu.dma_semaphore, #tpu.memory_space<semaphore_mem>>
      %dma_wait3A_724 = tpu.memref_squeeze %dma_wait3A_723 : memref<1x!tpu.dma_semaphore, #tpu.memory_space<semaphore_mem>> -> memref<!tpu.dma_semaphore, #tpu.memory_space<semaphore_mem>>
      tpu.wait_indirect_dma semaphore(%dma_wait3A_724 : memref<!tpu.dma_semaphore, #tpu.memory_space<semaphore_mem>>) src(%dma_wait3A_722 : memref<20000x64xf32, #tpu.memory_space<hbm>>) dst(%dma_wait3A_716 : memref<80x64xf32, #tpu.memory_space<vmem>>)
      %dma_start3A_725 = arith.constant 5 : i32
      %dma_start3A_726 = arith.constant 11 : i32
      %dma_start3A_727 = arith.constant 5 : i32
      %dma_start3A_728 = arith.constant 0 : i32
      %dma_start3A_729 = arith.constant 0 : i32
      %dma_start3A_730 = tpu.memref_slice %arg11[%dma_start3A_725, %dma_start3A_728, %dma_start3A_729] : memref<6x80x64xf32, #tpu.memory_space<vmem>> -> memref<1x80x64xf32, #tpu.memory_space<vmem>>
      %dma_start3A_731 = tpu.memref_squeeze %dma_start3A_730 : memref<1x80x64xf32, #tpu.memory_space<vmem>> -> memref<80x64xf32, #tpu.memory_space<vmem>>
      %dma_start3A_732 = arith.constant 0 : i32
      %dma_start3A_733 = tpu.memref_slice %arg10[%dma_start3A_726, %dma_start3A_732] : memref<12x80xi32, #tpu.memory_space<vmem>> -> memref<1x80xi32, #tpu.memory_space<vmem>>
      %dma_start3A_734 = tpu.memref_squeeze %dma_start3A_733 : memref<1x80xi32, #tpu.memory_space<vmem>> -> memref<80xi32, #tpu.memory_space<vmem>>
      %dma_start3A_735 = arith.constant 0 : i32
      %dma_start3A_736 = arith.constant 0 : i32
      %dma_start3A_737 = tpu.memref_slice %arg12[%dma_start3A_735, %dma_start3A_736] : memref<10112x64xf32, #tpu.memory_space<vmem_shared>> -> memref<10112x64xf32, #tpu.memory_space<vmem_shared>>
      %dma_start3A_738 = tpu.memref_slice %arg14[%dma_start3A_727] : memref<6x!tpu.dma_semaphore, #tpu.memory_space<semaphore_mem>> -> memref<1x!tpu.dma_semaphore, #tpu.memory_space<semaphore_mem>>
      %dma_start3A_739 = tpu.memref_squeeze %dma_start3A_738 : memref<1x!tpu.dma_semaphore, #tpu.memory_space<semaphore_mem>> -> memref<!tpu.dma_semaphore, #tpu.memory_space<semaphore_mem>>
      tpu.enqueue_indirect_dma source(%dma_start3A_731 : memref<80x64xf32, #tpu.memory_space<vmem>>) target(%dma_start3A_737 : memref<10112x64xf32, #tpu.memory_space<vmem_shared>>) offsets(%dma_start3A_734 : memref<80xi32, #tpu.memory_space<vmem>>) semaphore(%dma_start3A_739 : memref<!tpu.dma_semaphore, #tpu.memory_space<semaphore_mem>>) {add = true}
      %eq3A_740 = arith.constant 0 : i32
      %eq3A_741 = arith.cmpi eq, %arg0, %eq3A_740 : i32
      %convert_element_type3A_742 = arith.extui %eq3A_741 : i1 to i32
      %cond3A_743 = arith.constant 0 : i32
      %cond3A_744 = arith.cmpi ne, %convert_element_type3A_742, %cond3A_743 : i32
      scf.if %cond3A_744 {
        %dma_start3A_865 = arith.constant 11 : i32
        %dma_start3A_866 = arith.constant 5 : i32
        %dma_start3A_867 = arith.constant 0 : i32
        %dma_start3A_868 = tpu.memref_slice %arg10[%dma_start3A_865, %dma_start3A_867] : memref<12x80xi32, #tpu.memory_space<vmem>> -> memref<1x80xi32, #tpu.memory_space<vmem>>
        %dma_start3A_869 = tpu.memref_squeeze %dma_start3A_868 : memref<1x80xi32, #tpu.memory_space<vmem>> -> memref<80xi32, #tpu.memory_space<vmem>>
        %dma_start3A_870 = arith.constant 0 : i32
        %dma_start3A_871 = arith.constant 0 : i32
        %dma_start3A_872 = tpu.memref_slice %arg16[%dma_start3A_870, %dma_start3A_871] : memref<10112x16xf32, #tpu.memory_space<vmem_shared>> -> memref<10112x16xf32, #tpu.memory_space<vmem_shared>>
        %dma_start3A_873 = tpu.memref_slice %arg17[%dma_start3A_866] : memref<6x!tpu.dma_semaphore, #tpu.memory_space<semaphore_mem>> -> memref<1x!tpu.dma_semaphore, #tpu.memory_space<semaphore_mem>>
        %dma_start3A_874 = tpu.memref_squeeze %dma_start3A_873 : memref<1x!tpu.dma_semaphore, #tpu.memory_space<semaphore_mem>> -> memref<!tpu.dma_semaphore, #tpu.memory_space<semaphore_mem>>
        tpu.enqueue_indirect_dma source(%arg15 : memref<80x16xf32, #tpu.memory_space<vmem>>) target(%dma_start3A_872 : memref<10112x16xf32, #tpu.memory_space<vmem_shared>>) offsets(%dma_start3A_869 : memref<80xi32, #tpu.memory_space<vmem>>) semaphore(%dma_start3A_874 : memref<!tpu.dma_semaphore, #tpu.memory_space<semaphore_mem>>) {add = true}
      } else {
      }
      %dma_wait3A_745 = arith.constant 0 : i32
      %dma_wait3A_746 = arith.constant 0 : i32
      %dma_wait3A_747 = arith.constant 0 : i32
      %dma_wait3A_748 = arith.constant 0 : i32
      %dma_wait3A_749 = arith.constant 0 : i32
      %dma_wait3A_750 = tpu.memref_slice %arg11[%dma_wait3A_745, %dma_wait3A_748, %dma_wait3A_749] : memref<6x80x64xf32, #tpu.memory_space<vmem>> -> memref<1x80x64xf32, #tpu.memory_space<vmem>>
      %dma_wait3A_751 = tpu.memref_squeeze %dma_wait3A_750 : memref<1x80x64xf32, #tpu.memory_space<vmem>> -> memref<80x64xf32, #tpu.memory_space<vmem>>
      %dma_wait3A_752 = arith.constant 0 : i32
      %dma_wait3A_753 = tpu.memref_slice %arg10[%dma_wait3A_746, %dma_wait3A_752] : memref<12x80xi32, #tpu.memory_space<vmem>> -> memref<1x80xi32, #tpu.memory_space<vmem>>
      %dma_wait3A_754 = tpu.memref_squeeze %dma_wait3A_753 : memref<1x80xi32, #tpu.memory_space<vmem>> -> memref<80xi32, #tpu.memory_space<vmem>>
      %dma_wait3A_755 = arith.constant 0 : i32
      %dma_wait3A_756 = arith.constant 0 : i32
      %dma_wait3A_757 = tpu.memref_slice %arg12[%dma_wait3A_755, %dma_wait3A_756] : memref<10112x64xf32, #tpu.memory_space<vmem_shared>> -> memref<10112x64xf32, #tpu.memory_space<vmem_shared>>
      %dma_wait3A_758 = tpu.memref_slice %arg14[%dma_wait3A_747] : memref<6x!tpu.dma_semaphore, #tpu.memory_space<semaphore_mem>> -> memref<1x!tpu.dma_semaphore, #tpu.memory_space<semaphore_mem>>
      %dma_wait3A_759 = tpu.memref_squeeze %dma_wait3A_758 : memref<1x!tpu.dma_semaphore, #tpu.memory_space<semaphore_mem>> -> memref<!tpu.dma_semaphore, #tpu.memory_space<semaphore_mem>>
      tpu.wait_indirect_dma semaphore(%dma_wait3A_759 : memref<!tpu.dma_semaphore, #tpu.memory_space<semaphore_mem>>) src(%dma_wait3A_751 : memref<80x64xf32, #tpu.memory_space<vmem>>) dst(%dma_wait3A_757 : memref<10112x64xf32, #tpu.memory_space<vmem_shared>>)
      %eq3A_760 = arith.constant 0 : i32
      %eq3A_761 = arith.cmpi eq, %arg0, %eq3A_760 : i32
      %convert_element_type3A_762 = arith.extui %eq3A_761 : i1 to i32
      %cond3A_763 = arith.constant 0 : i32
      %cond3A_764 = arith.cmpi ne, %convert_element_type3A_762, %cond3A_763 : i32
      scf.if %cond3A_764 {
        %dma_wait3A_865 = arith.constant 0 : i32
        %dma_wait3A_866 = arith.constant 0 : i32
        %dma_wait3A_867 = arith.constant 0 : i32
        %dma_wait3A_868 = tpu.memref_slice %arg10[%dma_wait3A_865, %dma_wait3A_867] : memref<12x80xi32, #tpu.memory_space<vmem>> -> memref<1x80xi32, #tpu.memory_space<vmem>>
        %dma_wait3A_869 = tpu.memref_squeeze %dma_wait3A_868 : memref<1x80xi32, #tpu.memory_space<vmem>> -> memref<80xi32, #tpu.memory_space<vmem>>
        %dma_wait3A_870 = arith.constant 0 : i32
        %dma_wait3A_871 = arith.constant 0 : i32
        %dma_wait3A_872 = tpu.memref_slice %arg16[%dma_wait3A_870, %dma_wait3A_871] : memref<10112x16xf32, #tpu.memory_space<vmem_shared>> -> memref<10112x16xf32, #tpu.memory_space<vmem_shared>>
        %dma_wait3A_873 = tpu.memref_slice %arg17[%dma_wait3A_866] : memref<6x!tpu.dma_semaphore, #tpu.memory_space<semaphore_mem>> -> memref<1x!tpu.dma_semaphore, #tpu.memory_space<semaphore_mem>>
        %dma_wait3A_874 = tpu.memref_squeeze %dma_wait3A_873 : memref<1x!tpu.dma_semaphore, #tpu.memory_space<semaphore_mem>> -> memref<!tpu.dma_semaphore, #tpu.memory_space<semaphore_mem>>
        tpu.wait_indirect_dma semaphore(%dma_wait3A_874 : memref<!tpu.dma_semaphore, #tpu.memory_space<semaphore_mem>>) src(%arg15 : memref<80x16xf32, #tpu.memory_space<vmem>>) dst(%dma_wait3A_872 : memref<10112x16xf32, #tpu.memory_space<vmem_shared>>)
      } else {
      }
      %dma_wait3A_765 = arith.constant 1 : i32
      %dma_wait3A_766 = arith.constant 0 : i32
      %dma_wait3A_767 = arith.constant 1 : i32
      %dma_wait3A_768 = arith.constant 0 : i32
      %dma_wait3A_769 = arith.constant 0 : i32
      %dma_wait3A_770 = tpu.memref_slice %arg11[%dma_wait3A_765, %dma_wait3A_768, %dma_wait3A_769] : memref<6x80x64xf32, #tpu.memory_space<vmem>> -> memref<1x80x64xf32, #tpu.memory_space<vmem>>
      %dma_wait3A_771 = tpu.memref_squeeze %dma_wait3A_770 : memref<1x80x64xf32, #tpu.memory_space<vmem>> -> memref<80x64xf32, #tpu.memory_space<vmem>>
      %dma_wait3A_772 = arith.constant 0 : i32
      %dma_wait3A_773 = tpu.memref_slice %arg10[%dma_wait3A_766, %dma_wait3A_772] : memref<12x80xi32, #tpu.memory_space<vmem>> -> memref<1x80xi32, #tpu.memory_space<vmem>>
      %dma_wait3A_774 = tpu.memref_squeeze %dma_wait3A_773 : memref<1x80xi32, #tpu.memory_space<vmem>> -> memref<80xi32, #tpu.memory_space<vmem>>
      %dma_wait3A_775 = arith.constant 0 : i32
      %dma_wait3A_776 = arith.constant 0 : i32
      %dma_wait3A_777 = tpu.memref_slice %arg12[%dma_wait3A_775, %dma_wait3A_776] : memref<10112x64xf32, #tpu.memory_space<vmem_shared>> -> memref<10112x64xf32, #tpu.memory_space<vmem_shared>>
      %dma_wait3A_778 = tpu.memref_slice %arg14[%dma_wait3A_767] : memref<6x!tpu.dma_semaphore, #tpu.memory_space<semaphore_mem>> -> memref<1x!tpu.dma_semaphore, #tpu.memory_space<semaphore_mem>>
      %dma_wait3A_779 = tpu.memref_squeeze %dma_wait3A_778 : memref<1x!tpu.dma_semaphore, #tpu.memory_space<semaphore_mem>> -> memref<!tpu.dma_semaphore, #tpu.memory_space<semaphore_mem>>
      tpu.wait_indirect_dma semaphore(%dma_wait3A_779 : memref<!tpu.dma_semaphore, #tpu.memory_space<semaphore_mem>>) src(%dma_wait3A_771 : memref<80x64xf32, #tpu.memory_space<vmem>>) dst(%dma_wait3A_777 : memref<10112x64xf32, #tpu.memory_space<vmem_shared>>)
      %eq3A_780 = arith.constant 0 : i32
      %eq3A_781 = arith.cmpi eq, %arg0, %eq3A_780 : i32
      %convert_element_type3A_782 = arith.extui %eq3A_781 : i1 to i32
      %cond3A_783 = arith.constant 0 : i32
      %cond3A_784 = arith.cmpi ne, %convert_element_type3A_782, %cond3A_783 : i32
      scf.if %cond3A_784 {
        %dma_wait3A_865 = arith.constant 0 : i32
        %dma_wait3A_866 = arith.constant 1 : i32
        %dma_wait3A_867 = arith.constant 0 : i32
        %dma_wait3A_868 = tpu.memref_slice %arg10[%dma_wait3A_865, %dma_wait3A_867] : memref<12x80xi32, #tpu.memory_space<vmem>> -> memref<1x80xi32, #tpu.memory_space<vmem>>
        %dma_wait3A_869 = tpu.memref_squeeze %dma_wait3A_868 : memref<1x80xi32, #tpu.memory_space<vmem>> -> memref<80xi32, #tpu.memory_space<vmem>>
        %dma_wait3A_870 = arith.constant 0 : i32
        %dma_wait3A_871 = arith.constant 0 : i32
        %dma_wait3A_872 = tpu.memref_slice %arg16[%dma_wait3A_870, %dma_wait3A_871] : memref<10112x16xf32, #tpu.memory_space<vmem_shared>> -> memref<10112x16xf32, #tpu.memory_space<vmem_shared>>
        %dma_wait3A_873 = tpu.memref_slice %arg17[%dma_wait3A_866] : memref<6x!tpu.dma_semaphore, #tpu.memory_space<semaphore_mem>> -> memref<1x!tpu.dma_semaphore, #tpu.memory_space<semaphore_mem>>
        %dma_wait3A_874 = tpu.memref_squeeze %dma_wait3A_873 : memref<1x!tpu.dma_semaphore, #tpu.memory_space<semaphore_mem>> -> memref<!tpu.dma_semaphore, #tpu.memory_space<semaphore_mem>>
        tpu.wait_indirect_dma semaphore(%dma_wait3A_874 : memref<!tpu.dma_semaphore, #tpu.memory_space<semaphore_mem>>) src(%arg15 : memref<80x16xf32, #tpu.memory_space<vmem>>) dst(%dma_wait3A_872 : memref<10112x16xf32, #tpu.memory_space<vmem_shared>>)
      } else {
      }
      %dma_wait3A_785 = arith.constant 2 : i32
      %dma_wait3A_786 = arith.constant 0 : i32
      %dma_wait3A_787 = arith.constant 2 : i32
      %dma_wait3A_788 = arith.constant 0 : i32
      %dma_wait3A_789 = arith.constant 0 : i32
      %dma_wait3A_790 = tpu.memref_slice %arg11[%dma_wait3A_785, %dma_wait3A_788, %dma_wait3A_789] : memref<6x80x64xf32, #tpu.memory_space<vmem>> -> memref<1x80x64xf32, #tpu.memory_space<vmem>>
      %dma_wait3A_791 = tpu.memref_squeeze %dma_wait3A_790 : memref<1x80x64xf32, #tpu.memory_space<vmem>> -> memref<80x64xf32, #tpu.memory_space<vmem>>
      %dma_wait3A_792 = arith.constant 0 : i32
      %dma_wait3A_793 = tpu.memref_slice %arg10[%dma_wait3A_786, %dma_wait3A_792] : memref<12x80xi32, #tpu.memory_space<vmem>> -> memref<1x80xi32, #tpu.memory_space<vmem>>
      %dma_wait3A_794 = tpu.memref_squeeze %dma_wait3A_793 : memref<1x80xi32, #tpu.memory_space<vmem>> -> memref<80xi32, #tpu.memory_space<vmem>>
      %dma_wait3A_795 = arith.constant 0 : i32
      %dma_wait3A_796 = arith.constant 0 : i32
      %dma_wait3A_797 = tpu.memref_slice %arg12[%dma_wait3A_795, %dma_wait3A_796] : memref<10112x64xf32, #tpu.memory_space<vmem_shared>> -> memref<10112x64xf32, #tpu.memory_space<vmem_shared>>
      %dma_wait3A_798 = tpu.memref_slice %arg14[%dma_wait3A_787] : memref<6x!tpu.dma_semaphore, #tpu.memory_space<semaphore_mem>> -> memref<1x!tpu.dma_semaphore, #tpu.memory_space<semaphore_mem>>
      %dma_wait3A_799 = tpu.memref_squeeze %dma_wait3A_798 : memref<1x!tpu.dma_semaphore, #tpu.memory_space<semaphore_mem>> -> memref<!tpu.dma_semaphore, #tpu.memory_space<semaphore_mem>>
      tpu.wait_indirect_dma semaphore(%dma_wait3A_799 : memref<!tpu.dma_semaphore, #tpu.memory_space<semaphore_mem>>) src(%dma_wait3A_791 : memref<80x64xf32, #tpu.memory_space<vmem>>) dst(%dma_wait3A_797 : memref<10112x64xf32, #tpu.memory_space<vmem_shared>>)
      %eq3A_800 = arith.constant 0 : i32
      %eq3A_801 = arith.cmpi eq, %arg0, %eq3A_800 : i32
      %convert_element_type3A_802 = arith.extui %eq3A_801 : i1 to i32
      %cond3A_803 = arith.constant 0 : i32
      %cond3A_804 = arith.cmpi ne, %convert_element_type3A_802, %cond3A_803 : i32
      scf.if %cond3A_804 {
        %dma_wait3A_865 = arith.constant 0 : i32
        %dma_wait3A_866 = arith.constant 2 : i32
        %dma_wait3A_867 = arith.constant 0 : i32
        %dma_wait3A_868 = tpu.memref_slice %arg10[%dma_wait3A_865, %dma_wait3A_867] : memref<12x80xi32, #tpu.memory_space<vmem>> -> memref<1x80xi32, #tpu.memory_space<vmem>>
        %dma_wait3A_869 = tpu.memref_squeeze %dma_wait3A_868 : memref<1x80xi32, #tpu.memory_space<vmem>> -> memref<80xi32, #tpu.memory_space<vmem>>
        %dma_wait3A_870 = arith.constant 0 : i32
        %dma_wait3A_871 = arith.constant 0 : i32
        %dma_wait3A_872 = tpu.memref_slice %arg16[%dma_wait3A_870, %dma_wait3A_871] : memref<10112x16xf32, #tpu.memory_space<vmem_shared>> -> memref<10112x16xf32, #tpu.memory_space<vmem_shared>>
        %dma_wait3A_873 = tpu.memref_slice %arg17[%dma_wait3A_866] : memref<6x!tpu.dma_semaphore, #tpu.memory_space<semaphore_mem>> -> memref<1x!tpu.dma_semaphore, #tpu.memory_space<semaphore_mem>>
        %dma_wait3A_874 = tpu.memref_squeeze %dma_wait3A_873 : memref<1x!tpu.dma_semaphore, #tpu.memory_space<semaphore_mem>> -> memref<!tpu.dma_semaphore, #tpu.memory_space<semaphore_mem>>
        tpu.wait_indirect_dma semaphore(%dma_wait3A_874 : memref<!tpu.dma_semaphore, #tpu.memory_space<semaphore_mem>>) src(%arg15 : memref<80x16xf32, #tpu.memory_space<vmem>>) dst(%dma_wait3A_872 : memref<10112x16xf32, #tpu.memory_space<vmem_shared>>)
      } else {
      }
      %dma_wait3A_805 = arith.constant 3 : i32
      %dma_wait3A_806 = arith.constant 0 : i32
      %dma_wait3A_807 = arith.constant 3 : i32
      %dma_wait3A_808 = arith.constant 0 : i32
      %dma_wait3A_809 = arith.constant 0 : i32
      %dma_wait3A_810 = tpu.memref_slice %arg11[%dma_wait3A_805, %dma_wait3A_808, %dma_wait3A_809] : memref<6x80x64xf32, #tpu.memory_space<vmem>> -> memref<1x80x64xf32, #tpu.memory_space<vmem>>
      %dma_wait3A_811 = tpu.memref_squeeze %dma_wait3A_810 : memref<1x80x64xf32, #tpu.memory_space<vmem>> -> memref<80x64xf32, #tpu.memory_space<vmem>>
      %dma_wait3A_812 = arith.constant 0 : i32
      %dma_wait3A_813 = tpu.memref_slice %arg10[%dma_wait3A_806, %dma_wait3A_812] : memref<12x80xi32, #tpu.memory_space<vmem>> -> memref<1x80xi32, #tpu.memory_space<vmem>>
      %dma_wait3A_814 = tpu.memref_squeeze %dma_wait3A_813 : memref<1x80xi32, #tpu.memory_space<vmem>> -> memref<80xi32, #tpu.memory_space<vmem>>
      %dma_wait3A_815 = arith.constant 0 : i32
      %dma_wait3A_816 = arith.constant 0 : i32
      %dma_wait3A_817 = tpu.memref_slice %arg12[%dma_wait3A_815, %dma_wait3A_816] : memref<10112x64xf32, #tpu.memory_space<vmem_shared>> -> memref<10112x64xf32, #tpu.memory_space<vmem_shared>>
      %dma_wait3A_818 = tpu.memref_slice %arg14[%dma_wait3A_807] : memref<6x!tpu.dma_semaphore, #tpu.memory_space<semaphore_mem>> -> memref<1x!tpu.dma_semaphore, #tpu.memory_space<semaphore_mem>>
      %dma_wait3A_819 = tpu.memref_squeeze %dma_wait3A_818 : memref<1x!tpu.dma_semaphore, #tpu.memory_space<semaphore_mem>> -> memref<!tpu.dma_semaphore, #tpu.memory_space<semaphore_mem>>
      tpu.wait_indirect_dma semaphore(%dma_wait3A_819 : memref<!tpu.dma_semaphore, #tpu.memory_space<semaphore_mem>>) src(%dma_wait3A_811 : memref<80x64xf32, #tpu.memory_space<vmem>>) dst(%dma_wait3A_817 : memref<10112x64xf32, #tpu.memory_space<vmem_shared>>)
      %eq3A_820 = arith.constant 0 : i32
      %eq3A_821 = arith.cmpi eq, %arg0, %eq3A_820 : i32
      %convert_element_type3A_822 = arith.extui %eq3A_821 : i1 to i32
      %cond3A_823 = arith.constant 0 : i32
      %cond3A_824 = arith.cmpi ne, %convert_element_type3A_822, %cond3A_823 : i32
      scf.if %cond3A_824 {
        %dma_wait3A_865 = arith.constant 0 : i32
        %dma_wait3A_866 = arith.constant 3 : i32
        %dma_wait3A_867 = arith.constant 0 : i32
        %dma_wait3A_868 = tpu.memref_slice %arg10[%dma_wait3A_865, %dma_wait3A_867] : memref<12x80xi32, #tpu.memory_space<vmem>> -> memref<1x80xi32, #tpu.memory_space<vmem>>
        %dma_wait3A_869 = tpu.memref_squeeze %dma_wait3A_868 : memref<1x80xi32, #tpu.memory_space<vmem>> -> memref<80xi32, #tpu.memory_space<vmem>>
        %dma_wait3A_870 = arith.constant 0 : i32
        %dma_wait3A_871 = arith.constant 0 : i32
        %dma_wait3A_872 = tpu.memref_slice %arg16[%dma_wait3A_870, %dma_wait3A_871] : memref<10112x16xf32, #tpu.memory_space<vmem_shared>> -> memref<10112x16xf32, #tpu.memory_space<vmem_shared>>
        %dma_wait3A_873 = tpu.memref_slice %arg17[%dma_wait3A_866] : memref<6x!tpu.dma_semaphore, #tpu.memory_space<semaphore_mem>> -> memref<1x!tpu.dma_semaphore, #tpu.memory_space<semaphore_mem>>
        %dma_wait3A_874 = tpu.memref_squeeze %dma_wait3A_873 : memref<1x!tpu.dma_semaphore, #tpu.memory_space<semaphore_mem>> -> memref<!tpu.dma_semaphore, #tpu.memory_space<semaphore_mem>>
        tpu.wait_indirect_dma semaphore(%dma_wait3A_874 : memref<!tpu.dma_semaphore, #tpu.memory_space<semaphore_mem>>) src(%arg15 : memref<80x16xf32, #tpu.memory_space<vmem>>) dst(%dma_wait3A_872 : memref<10112x16xf32, #tpu.memory_space<vmem_shared>>)
      } else {
      }
      %dma_wait3A_825 = arith.constant 4 : i32
      %dma_wait3A_826 = arith.constant 0 : i32
      %dma_wait3A_827 = arith.constant 4 : i32
      %dma_wait3A_828 = arith.constant 0 : i32
      %dma_wait3A_829 = arith.constant 0 : i32
      %dma_wait3A_830 = tpu.memref_slice %arg11[%dma_wait3A_825, %dma_wait3A_828, %dma_wait3A_829] : memref<6x80x64xf32, #tpu.memory_space<vmem>> -> memref<1x80x64xf32, #tpu.memory_space<vmem>>
      %dma_wait3A_831 = tpu.memref_squeeze %dma_wait3A_830 : memref<1x80x64xf32, #tpu.memory_space<vmem>> -> memref<80x64xf32, #tpu.memory_space<vmem>>
      %dma_wait3A_832 = arith.constant 0 : i32
      %dma_wait3A_833 = tpu.memref_slice %arg10[%dma_wait3A_826, %dma_wait3A_832] : memref<12x80xi32, #tpu.memory_space<vmem>> -> memref<1x80xi32, #tpu.memory_space<vmem>>
      %dma_wait3A_834 = tpu.memref_squeeze %dma_wait3A_833 : memref<1x80xi32, #tpu.memory_space<vmem>> -> memref<80xi32, #tpu.memory_space<vmem>>
      %dma_wait3A_835 = arith.constant 0 : i32
      %dma_wait3A_836 = arith.constant 0 : i32
      %dma_wait3A_837 = tpu.memref_slice %arg12[%dma_wait3A_835, %dma_wait3A_836] : memref<10112x64xf32, #tpu.memory_space<vmem_shared>> -> memref<10112x64xf32, #tpu.memory_space<vmem_shared>>
      %dma_wait3A_838 = tpu.memref_slice %arg14[%dma_wait3A_827] : memref<6x!tpu.dma_semaphore, #tpu.memory_space<semaphore_mem>> -> memref<1x!tpu.dma_semaphore, #tpu.memory_space<semaphore_mem>>
      %dma_wait3A_839 = tpu.memref_squeeze %dma_wait3A_838 : memref<1x!tpu.dma_semaphore, #tpu.memory_space<semaphore_mem>> -> memref<!tpu.dma_semaphore, #tpu.memory_space<semaphore_mem>>
      tpu.wait_indirect_dma semaphore(%dma_wait3A_839 : memref<!tpu.dma_semaphore, #tpu.memory_space<semaphore_mem>>) src(%dma_wait3A_831 : memref<80x64xf32, #tpu.memory_space<vmem>>) dst(%dma_wait3A_837 : memref<10112x64xf32, #tpu.memory_space<vmem_shared>>)
      %eq3A_840 = arith.constant 0 : i32
      %eq3A_841 = arith.cmpi eq, %arg0, %eq3A_840 : i32
      %convert_element_type3A_842 = arith.extui %eq3A_841 : i1 to i32
      %cond3A_843 = arith.constant 0 : i32
      %cond3A_844 = arith.cmpi ne, %convert_element_type3A_842, %cond3A_843 : i32
      scf.if %cond3A_844 {
        %dma_wait3A_865 = arith.constant 0 : i32
        %dma_wait3A_866 = arith.constant 4 : i32
        %dma_wait3A_867 = arith.constant 0 : i32
        %dma_wait3A_868 = tpu.memref_slice %arg10[%dma_wait3A_865, %dma_wait3A_867] : memref<12x80xi32, #tpu.memory_space<vmem>> -> memref<1x80xi32, #tpu.memory_space<vmem>>
        %dma_wait3A_869 = tpu.memref_squeeze %dma_wait3A_868 : memref<1x80xi32, #tpu.memory_space<vmem>> -> memref<80xi32, #tpu.memory_space<vmem>>
        %dma_wait3A_870 = arith.constant 0 : i32
        %dma_wait3A_871 = arith.constant 0 : i32
        %dma_wait3A_872 = tpu.memref_slice %arg16[%dma_wait3A_870, %dma_wait3A_871] : memref<10112x16xf32, #tpu.memory_space<vmem_shared>> -> memref<10112x16xf32, #tpu.memory_space<vmem_shared>>
        %dma_wait3A_873 = tpu.memref_slice %arg17[%dma_wait3A_866] : memref<6x!tpu.dma_semaphore, #tpu.memory_space<semaphore_mem>> -> memref<1x!tpu.dma_semaphore, #tpu.memory_space<semaphore_mem>>
        %dma_wait3A_874 = tpu.memref_squeeze %dma_wait3A_873 : memref<1x!tpu.dma_semaphore, #tpu.memory_space<semaphore_mem>> -> memref<!tpu.dma_semaphore, #tpu.memory_space<semaphore_mem>>
        tpu.wait_indirect_dma semaphore(%dma_wait3A_874 : memref<!tpu.dma_semaphore, #tpu.memory_space<semaphore_mem>>) src(%arg15 : memref<80x16xf32, #tpu.memory_space<vmem>>) dst(%dma_wait3A_872 : memref<10112x16xf32, #tpu.memory_space<vmem_shared>>)
      } else {
      }
      %dma_wait3A_845 = arith.constant 5 : i32
      %dma_wait3A_846 = arith.constant 0 : i32
      %dma_wait3A_847 = arith.constant 5 : i32
      %dma_wait3A_848 = arith.constant 0 : i32
      %dma_wait3A_849 = arith.constant 0 : i32
      %dma_wait3A_850 = tpu.memref_slice %arg11[%dma_wait3A_845, %dma_wait3A_848, %dma_wait3A_849] : memref<6x80x64xf32, #tpu.memory_space<vmem>> -> memref<1x80x64xf32, #tpu.memory_space<vmem>>
      %dma_wait3A_851 = tpu.memref_squeeze %dma_wait3A_850 : memref<1x80x64xf32, #tpu.memory_space<vmem>> -> memref<80x64xf32, #tpu.memory_space<vmem>>
      %dma_wait3A_852 = arith.constant 0 : i32
      %dma_wait3A_853 = tpu.memref_slice %arg10[%dma_wait3A_846, %dma_wait3A_852] : memref<12x80xi32, #tpu.memory_space<vmem>> -> memref<1x80xi32, #tpu.memory_space<vmem>>
      %dma_wait3A_854 = tpu.memref_squeeze %dma_wait3A_853 : memref<1x80xi32, #tpu.memory_space<vmem>> -> memref<80xi32, #tpu.memory_space<vmem>>
      %dma_wait3A_855 = arith.constant 0 : i32
      %dma_wait3A_856 = arith.constant 0 : i32
      %dma_wait3A_857 = tpu.memref_slice %arg12[%dma_wait3A_855, %dma_wait3A_856] : memref<10112x64xf32, #tpu.memory_space<vmem_shared>> -> memref<10112x64xf32, #tpu.memory_space<vmem_shared>>
      %dma_wait3A_858 = tpu.memref_slice %arg14[%dma_wait3A_847] : memref<6x!tpu.dma_semaphore, #tpu.memory_space<semaphore_mem>> -> memref<1x!tpu.dma_semaphore, #tpu.memory_space<semaphore_mem>>
      %dma_wait3A_859 = tpu.memref_squeeze %dma_wait3A_858 : memref<1x!tpu.dma_semaphore, #tpu.memory_space<semaphore_mem>> -> memref<!tpu.dma_semaphore, #tpu.memory_space<semaphore_mem>>
      tpu.wait_indirect_dma semaphore(%dma_wait3A_859 : memref<!tpu.dma_semaphore, #tpu.memory_space<semaphore_mem>>) src(%dma_wait3A_851 : memref<80x64xf32, #tpu.memory_space<vmem>>) dst(%dma_wait3A_857 : memref<10112x64xf32, #tpu.memory_space<vmem_shared>>)
      %eq3A_860 = arith.constant 0 : i32
      %eq3A_861 = arith.cmpi eq, %arg0, %eq3A_860 : i32
      %convert_element_type3A_862 = arith.extui %eq3A_861 : i1 to i32
      %cond3A_863 = arith.constant 0 : i32
      %cond3A_864 = arith.cmpi ne, %convert_element_type3A_862, %cond3A_863 : i32
      scf.if %cond3A_864 {
        %dma_wait3A_865 = arith.constant 0 : i32
        %dma_wait3A_866 = arith.constant 5 : i32
        %dma_wait3A_867 = arith.constant 0 : i32
        %dma_wait3A_868 = tpu.memref_slice %arg10[%dma_wait3A_865, %dma_wait3A_867] : memref<12x80xi32, #tpu.memory_space<vmem>> -> memref<1x80xi32, #tpu.memory_space<vmem>>
        %dma_wait3A_869 = tpu.memref_squeeze %dma_wait3A_868 : memref<1x80xi32, #tpu.memory_space<vmem>> -> memref<80xi32, #tpu.memory_space<vmem>>
        %dma_wait3A_870 = arith.constant 0 : i32
        %dma_wait3A_871 = arith.constant 0 : i32
        %dma_wait3A_872 = tpu.memref_slice %arg16[%dma_wait3A_870, %dma_wait3A_871] : memref<10112x16xf32, #tpu.memory_space<vmem_shared>> -> memref<10112x16xf32, #tpu.memory_space<vmem_shared>>
        %dma_wait3A_873 = tpu.memref_slice %arg17[%dma_wait3A_866] : memref<6x!tpu.dma_semaphore, #tpu.memory_space<semaphore_mem>> -> memref<1x!tpu.dma_semaphore, #tpu.memory_space<semaphore_mem>>
        %dma_wait3A_874 = tpu.memref_squeeze %dma_wait3A_873 : memref<1x!tpu.dma_semaphore, #tpu.memory_space<semaphore_mem>> -> memref<!tpu.dma_semaphore, #tpu.memory_space<semaphore_mem>>
        tpu.wait_indirect_dma semaphore(%dma_wait3A_874 : memref<!tpu.dma_semaphore, #tpu.memory_space<semaphore_mem>>) src(%arg15 : memref<80x16xf32, #tpu.memory_space<vmem>>) dst(%dma_wait3A_872 : memref<10112x16xf32, #tpu.memory_space<vmem_shared>>)
      } else {
      }
    }
    %scan3A_18 = arith.constant 21 : i32
    %barrier3A_19 = arith.constant 0 : index
    tpu.barrier barrier_id(%barrier3A_19)
    %mul3A_20 = arith.constant 632 : i32
    %mul3A_21 = arith.muli %arg1, %mul3A_20 : i32
    %mul3A_22 = arith.constant 632 : i32
    %mul3A_23 = arith.muli %arg1, %mul3A_22 : i32
    "tpu.region"() ({
      %run_scoped3A = tpu.sem_alloc : memref<!tpu.dma_semaphore, #tpu.memory_space<semaphore_mem>>
      %dma_start3A = arith.constant 0 : i32
      %dma_start3A_26 = tpu.memref_slice %arg7[%arg0, %mul3A_23, %dma_start3A] : memref<2x10112x64xf32, #tpu.memory_space<hbm>> -> memref<1x632x64xf32, #tpu.memory_space<hbm>>
      %dma_start3A_27 = tpu.memref_squeeze %dma_start3A_26 : memref<1x632x64xf32, #tpu.memory_space<hbm>> -> memref<632x64xf32, #tpu.memory_space<hbm>>
      %dma_start3A_28 = arith.constant 0 : i32
      %dma_start3A_29 = tpu.memref_slice %arg12[%mul3A_21, %dma_start3A_28] : memref<10112x64xf32, #tpu.memory_space<vmem_shared>> -> memref<632x64xf32, #tpu.memory_space<vmem_shared>>
      tpu.enqueue_dma source(%dma_start3A_29 : memref<632x64xf32, #tpu.memory_space<vmem_shared>>) target(%dma_start3A_27 : memref<632x64xf32, #tpu.memory_space<hbm>>) target_semaphore(%run_scoped3A : memref<!tpu.dma_semaphore, #tpu.memory_space<semaphore_mem>>)
      %dma_wait3A = arith.constant 0 : i32
      %dma_wait3A_30 = tpu.memref_slice %arg7[%arg0, %mul3A_23, %dma_wait3A] : memref<2x10112x64xf32, #tpu.memory_space<hbm>> -> memref<1x632x64xf32, #tpu.memory_space<hbm>>
      %dma_wait3A_31 = tpu.memref_squeeze %dma_wait3A_30 : memref<1x632x64xf32, #tpu.memory_space<hbm>> -> memref<632x64xf32, #tpu.memory_space<hbm>>
      %dma_wait3A_32 = arith.constant 0 : i32
      %dma_wait3A_33 = tpu.memref_slice %arg12[%mul3A_21, %dma_wait3A_32] : memref<10112x64xf32, #tpu.memory_space<vmem_shared>> -> memref<632x64xf32, #tpu.memory_space<vmem_shared>>
      tpu.wait_dma2 semaphore(%run_scoped3A : memref<!tpu.dma_semaphore, #tpu.memory_space<semaphore_mem>>) src(%dma_wait3A_33 : memref<632x64xf32, #tpu.memory_space<vmem_shared>>) dst(%dma_wait3A_31 : memref<632x64xf32, #tpu.memory_space<hbm>>)
      tpu.yield
    }) : () -> ()
    %eq3A = arith.constant 0 : i32
    %eq3A_24 = arith.cmpi eq, %arg0, %eq3A : i32
    %convert_element_type3A = arith.extui %eq3A_24 : i1 to i32
    %cond3A = arith.constant 0 : i32
    %cond3A_25 = arith.cmpi ne, %convert_element_type3A, %cond3A : i32
    scf.if %cond3A_25 {
      %mul3A_26 = arith.constant 632 : i32
      %mul3A_27 = arith.muli %arg1, %mul3A_26 : i32
      %mul3A_28 = arith.constant 632 : i32
      %mul3A_29 = arith.muli %arg1, %mul3A_28 : i32
      "tpu.region"() ({
        %run_scoped3A = tpu.sem_alloc : memref<!tpu.dma_semaphore, #tpu.memory_space<semaphore_mem>>
        %dma_start3A = arith.constant 0 : i32
        %dma_start3A_30 = tpu.memref_slice %arg8[%mul3A_29, %dma_start3A] : memref<10112x16xf32, #tpu.memory_space<hbm>> -> memref<632x16xf32, #tpu.memory_space<hbm>>
        %dma_start3A_31 = arith.constant 0 : i32
        %dma_start3A_32 = tpu.memref_slice %arg16[%mul3A_27, %dma_start3A_31] : memref<10112x16xf32, #tpu.memory_space<vmem_shared>> -> memref<632x16xf32, #tpu.memory_space<vmem_shared>>
        tpu.enqueue_dma source(%dma_start3A_32 : memref<632x16xf32, #tpu.memory_space<vmem_shared>>) target(%dma_start3A_30 : memref<632x16xf32, #tpu.memory_space<hbm>>) target_semaphore(%run_scoped3A : memref<!tpu.dma_semaphore, #tpu.memory_space<semaphore_mem>>)
        %dma_wait3A = arith.constant 0 : i32
        %dma_wait3A_33 = tpu.memref_slice %arg8[%mul3A_29, %dma_wait3A] : memref<10112x16xf32, #tpu.memory_space<hbm>> -> memref<632x16xf32, #tpu.memory_space<hbm>>
        %dma_wait3A_34 = arith.constant 0 : i32
        %dma_wait3A_35 = tpu.memref_slice %arg16[%mul3A_27, %dma_wait3A_34] : memref<10112x16xf32, #tpu.memory_space<vmem_shared>> -> memref<632x16xf32, #tpu.memory_space<vmem_shared>>
        tpu.wait_dma2 semaphore(%run_scoped3A : memref<!tpu.dma_semaphore, #tpu.memory_space<semaphore_mem>>) src(%dma_wait3A_35 : memref<632x16xf32, #tpu.memory_space<vmem_shared>>) dst(%dma_wait3A_33 : memref<632x16xf32, #tpu.memory_space<hbm>>)
        tpu.yield
      }) : () -> ()
    } else {
    }
    return
  }
}

#map = affine_map<(d0, d1) -> (0, 0, 0, 0, 0)>
#map1 = affine_map<(d0, d1) -> (0, 0, 0, 0)>
#map2 = affine_map<(d0, d1) -> (0, 0)>
#map3 = affine_map<(d0, d1) -> (0, 0, 0)>
module attributes {stable_mosaic.version = 14 : i64} {
  func.func @body(%arg0: i32, %arg1: i32, %arg2: memref<2x16x21x12x80xi32, #tpu.memory_space<hbm>>, %arg3: memref<16x21x12x80xi32, #tpu.memory_space<hbm>>, %arg4: memref<20000x32xf32, #tpu.memory_space<hbm>>, %arg5: memref<10112x32xf32, #tpu.memory_space<hbm>>, %arg6: memref<2x10112x32xf32, #tpu.memory_space<hbm>>, %arg7: memref<12x80xi32, #tpu.memory_space<vmem>>, %arg8: memref<12x80xi32, #tpu.memory_space<vmem>>, %arg9: memref<6x80x32xf32, #tpu.memory_space<vmem>>, %arg10: memref<10112x32xf32, #tpu.memory_space<vmem_shared>>, %arg11: memref<6x!tpu.dma_semaphore, #tpu.memory_space<semaphore_mem>>, %arg12: memref<6x!tpu.dma_semaphore, #tpu.memory_space<semaphore_mem>>) attributes {dimension_semantics = [#tpu.dimension_semantics<core_parallel>, #tpu.dimension_semantics<subcore_parallel>], iteration_bounds = array<i64: 2, 16>, scalar_prefetch = 0 : i64, scratch_operands = 6 : i64, tpu.core_type = #tpu.core_type<sc_vector_subcore>, window_params = [{transform_indices = #map}, {transform_indices = #map1}, {transform_indices = #map2}, {transform_indices = #map2}, {transform_indices = #map3}]} {
    %mul3A = arith.constant 632 : i32
    %mul3A_0 = arith.muli %arg1, %mul3A : i32
    %mul3A_1 = arith.constant 632 : i32
    %mul3A_2 = arith.muli %arg1, %mul3A_1 : i32
    "tpu.region"() ({
      %run_scoped3A = tpu.sem_alloc : memref<!tpu.dma_semaphore, #tpu.memory_space<semaphore_mem>>
      %dma_start3A = arith.constant 0 : i32
      %dma_start3A_13 = tpu.memref_slice %arg10[%mul3A_2, %dma_start3A] : memref<10112x32xf32, #tpu.memory_space<vmem_shared>> -> memref<632x32xf32, #tpu.memory_space<vmem_shared>>
      %dma_start3A_14 = arith.constant 0 : i32
      %dma_start3A_15 = tpu.memref_slice %arg5[%mul3A_0, %dma_start3A_14] : memref<10112x32xf32, #tpu.memory_space<hbm>> -> memref<632x32xf32, #tpu.memory_space<hbm>>
      tpu.enqueue_dma source(%dma_start3A_15 : memref<632x32xf32, #tpu.memory_space<hbm>>) target(%dma_start3A_13 : memref<632x32xf32, #tpu.memory_space<vmem_shared>>) target_semaphore(%run_scoped3A : memref<!tpu.dma_semaphore, #tpu.memory_space<semaphore_mem>>)
      %dma_wait3A = arith.constant 0 : i32
      %dma_wait3A_16 = tpu.memref_slice %arg10[%mul3A_2, %dma_wait3A] : memref<10112x32xf32, #tpu.memory_space<vmem_shared>> -> memref<632x32xf32, #tpu.memory_space<vmem_shared>>
      %dma_wait3A_17 = arith.constant 0 : i32
      %dma_wait3A_18 = tpu.memref_slice %arg5[%mul3A_0, %dma_wait3A_17] : memref<10112x32xf32, #tpu.memory_space<hbm>> -> memref<632x32xf32, #tpu.memory_space<hbm>>
      tpu.wait_dma2 semaphore(%run_scoped3A : memref<!tpu.dma_semaphore, #tpu.memory_space<semaphore_mem>>) src(%dma_wait3A_18 : memref<632x32xf32, #tpu.memory_space<hbm>>) dst(%dma_wait3A_16 : memref<632x32xf32, #tpu.memory_space<vmem_shared>>)
      tpu.yield
    }) : () -> ()
    %barrier3A = arith.constant 0 : index
    tpu.barrier barrier_id(%barrier3A)
    %scan3A = arith.constant 0 : i32
    %scan3A_3 = arith.constant 0 : i32
    %scan3A_4 = arith.constant 21 : i32
    %scan3A_5 = arith.addi %scan3A_3, %scan3A_4 : i32
    %scan3A_6 = arith.constant 1 : i32
    scf.for %scan3A_13 = %scan3A_3 to %scan3A_5 step %scan3A_6  : i32 {
      "tpu.region"() ({
        %run_scoped3A = tpu.sem_alloc : memref<!tpu.dma_semaphore, #tpu.memory_space<semaphore_mem>>
        %dma_start3A_732 = arith.constant 0 : i32
        %dma_start3A_733 = arith.constant 0 : i32
        %dma_start3A_734 = tpu.memref_slice %arg2[%arg0, %arg1, %scan3A_13, %dma_start3A_732, %dma_start3A_733] : memref<2x16x21x12x80xi32, #tpu.memory_space<hbm>> -> memref<1x1x1x12x80xi32, #tpu.memory_space<hbm>>
        %dma_start3A_735 = tpu.memref_squeeze %dma_start3A_734 : memref<1x1x1x12x80xi32, #tpu.memory_space<hbm>> -> memref<12x80xi32, #tpu.memory_space<hbm>>
        %dma_start3A_736 = arith.constant 0 : i32
        %dma_start3A_737 = arith.constant 0 : i32
        %dma_start3A_738 = tpu.memref_slice %arg2[%arg0, %arg1, %scan3A_13, %dma_start3A_736, %dma_start3A_737] : memref<2x16x21x12x80xi32, #tpu.memory_space<hbm>> -> memref<1x1x1x12x80xi32, #tpu.memory_space<hbm>>
        %dma_start3A_739 = tpu.memref_squeeze %dma_start3A_738 : memref<1x1x1x12x80xi32, #tpu.memory_space<hbm>> -> memref<12x80xi32, #tpu.memory_space<hbm>>
        tpu.enqueue_dma source(%dma_start3A_739 : memref<12x80xi32, #tpu.memory_space<hbm>>) target(%arg7 : memref<12x80xi32, #tpu.memory_space<vmem>>) target_semaphore(%run_scoped3A : memref<!tpu.dma_semaphore, #tpu.memory_space<semaphore_mem>>)
        %dma_wait3A_740 = arith.constant 0 : i32
        %dma_wait3A_741 = arith.constant 0 : i32
        %dma_wait3A_742 = tpu.memref_slice %arg2[%arg0, %arg1, %scan3A_13, %dma_wait3A_740, %dma_wait3A_741] : memref<2x16x21x12x80xi32, #tpu.memory_space<hbm>> -> memref<1x1x1x12x80xi32, #tpu.memory_space<hbm>>
        %dma_wait3A_743 = tpu.memref_squeeze %dma_wait3A_742 : memref<1x1x1x12x80xi32, #tpu.memory_space<hbm>> -> memref<12x80xi32, #tpu.memory_space<hbm>>
        %dma_wait3A_744 = arith.constant 0 : i32
        %dma_wait3A_745 = arith.constant 0 : i32
        %dma_wait3A_746 = tpu.memref_slice %arg2[%arg0, %arg1, %scan3A_13, %dma_wait3A_744, %dma_wait3A_745] : memref<2x16x21x12x80xi32, #tpu.memory_space<hbm>> -> memref<1x1x1x12x80xi32, #tpu.memory_space<hbm>>
        %dma_wait3A_747 = tpu.memref_squeeze %dma_wait3A_746 : memref<1x1x1x12x80xi32, #tpu.memory_space<hbm>> -> memref<12x80xi32, #tpu.memory_space<hbm>>
        tpu.wait_dma2 semaphore(%run_scoped3A : memref<!tpu.dma_semaphore, #tpu.memory_space<semaphore_mem>>) src(%dma_wait3A_747 : memref<12x80xi32, #tpu.memory_space<hbm>>) dst(%arg7 : memref<12x80xi32, #tpu.memory_space<vmem>>)
        tpu.yield
      }) : () -> ()
      "tpu.region"() ({
        %run_scoped3A = tpu.sem_alloc : memref<!tpu.dma_semaphore, #tpu.memory_space<semaphore_mem>>
        %dma_start3A_732 = arith.constant 0 : i32
        %dma_start3A_733 = arith.constant 0 : i32
        %dma_start3A_734 = tpu.memref_slice %arg3[%arg1, %scan3A_13, %dma_start3A_732, %dma_start3A_733] : memref<16x21x12x80xi32, #tpu.memory_space<hbm>> -> memref<1x1x12x80xi32, #tpu.memory_space<hbm>>
        %dma_start3A_735 = tpu.memref_squeeze %dma_start3A_734 : memref<1x1x12x80xi32, #tpu.memory_space<hbm>> -> memref<12x80xi32, #tpu.memory_space<hbm>>
        %dma_start3A_736 = arith.constant 0 : i32
        %dma_start3A_737 = arith.constant 0 : i32
        %dma_start3A_738 = tpu.memref_slice %arg3[%arg1, %scan3A_13, %dma_start3A_736, %dma_start3A_737] : memref<16x21x12x80xi32, #tpu.memory_space<hbm>> -> memref<1x1x12x80xi32, #tpu.memory_space<hbm>>
        %dma_start3A_739 = tpu.memref_squeeze %dma_start3A_738 : memref<1x1x12x80xi32, #tpu.memory_space<hbm>> -> memref<12x80xi32, #tpu.memory_space<hbm>>
        tpu.enqueue_dma source(%dma_start3A_739 : memref<12x80xi32, #tpu.memory_space<hbm>>) target(%arg8 : memref<12x80xi32, #tpu.memory_space<vmem>>) target_semaphore(%run_scoped3A : memref<!tpu.dma_semaphore, #tpu.memory_space<semaphore_mem>>)
        %dma_wait3A_740 = arith.constant 0 : i32
        %dma_wait3A_741 = arith.constant 0 : i32
        %dma_wait3A_742 = tpu.memref_slice %arg3[%arg1, %scan3A_13, %dma_wait3A_740, %dma_wait3A_741] : memref<16x21x12x80xi32, #tpu.memory_space<hbm>> -> memref<1x1x12x80xi32, #tpu.memory_space<hbm>>
        %dma_wait3A_743 = tpu.memref_squeeze %dma_wait3A_742 : memref<1x1x12x80xi32, #tpu.memory_space<hbm>> -> memref<12x80xi32, #tpu.memory_space<hbm>>
        %dma_wait3A_744 = arith.constant 0 : i32
        %dma_wait3A_745 = arith.constant 0 : i32
        %dma_wait3A_746 = tpu.memref_slice %arg3[%arg1, %scan3A_13, %dma_wait3A_744, %dma_wait3A_745] : memref<16x21x12x80xi32, #tpu.memory_space<hbm>> -> memref<1x1x12x80xi32, #tpu.memory_space<hbm>>
        %dma_wait3A_747 = tpu.memref_squeeze %dma_wait3A_746 : memref<1x1x12x80xi32, #tpu.memory_space<hbm>> -> memref<12x80xi32, #tpu.memory_space<hbm>>
        tpu.wait_dma2 semaphore(%run_scoped3A : memref<!tpu.dma_semaphore, #tpu.memory_space<semaphore_mem>>) src(%dma_wait3A_747 : memref<12x80xi32, #tpu.memory_space<hbm>>) dst(%arg8 : memref<12x80xi32, #tpu.memory_space<vmem>>)
        tpu.yield
      }) : () -> ()
      %dma_start3A = arith.constant 0 : i32
      %dma_start3A_14 = arith.constant 0 : i32
      %dma_start3A_15 = arith.constant 0 : i32
      %dma_start3A_16 = arith.constant 0 : i32
      %dma_start3A_17 = arith.constant 0 : i32
      %dma_start3A_18 = tpu.memref_slice %arg9[%dma_start3A_14, %dma_start3A_16, %dma_start3A_17] : memref<6x80x32xf32, #tpu.memory_space<vmem>> -> memref<1x80x32xf32, #tpu.memory_space<vmem>>
      %dma_start3A_19 = tpu.memref_squeeze %dma_start3A_18 : memref<1x80x32xf32, #tpu.memory_space<vmem>> -> memref<80x32xf32, #tpu.memory_space<vmem>>
      %dma_start3A_20 = arith.constant 0 : i32
      %dma_start3A_21 = tpu.memref_slice %arg7[%dma_start3A, %dma_start3A_20] : memref<12x80xi32, #tpu.memory_space<vmem>> -> memref<1x80xi32, #tpu.memory_space<vmem>>
      %dma_start3A_22 = tpu.memref_squeeze %dma_start3A_21 : memref<1x80xi32, #tpu.memory_space<vmem>> -> memref<80xi32, #tpu.memory_space<vmem>>
      %dma_start3A_23 = arith.constant 0 : i32
      %dma_start3A_24 = arith.constant 0 : i32
      %dma_start3A_25 = tpu.memref_slice %arg4[%dma_start3A_23, %dma_start3A_24] : memref<20000x32xf32, #tpu.memory_space<hbm>> -> memref<20000x32xf32, #tpu.memory_space<hbm>>
      %dma_start3A_26 = tpu.memref_slice %arg11[%dma_start3A_15] : memref<6x!tpu.dma_semaphore, #tpu.memory_space<semaphore_mem>> -> memref<1x!tpu.dma_semaphore, #tpu.memory_space<semaphore_mem>>
      %dma_start3A_27 = tpu.memref_squeeze %dma_start3A_26 : memref<1x!tpu.dma_semaphore, #tpu.memory_space<semaphore_mem>> -> memref<!tpu.dma_semaphore, #tpu.memory_space<semaphore_mem>>
      tpu.enqueue_indirect_dma source(%dma_start3A_25 : memref<20000x32xf32, #tpu.memory_space<hbm>>) target(%dma_start3A_19 : memref<80x32xf32, #tpu.memory_space<vmem>>) offsets(%dma_start3A_22 : memref<80xi32, #tpu.memory_space<vmem>>) semaphore(%dma_start3A_27 : memref<!tpu.dma_semaphore, #tpu.memory_space<semaphore_mem>>)
      %dma_start3A_28 = arith.constant 1 : i32
      %dma_start3A_29 = arith.constant 1 : i32
      %dma_start3A_30 = arith.constant 1 : i32
      %dma_start3A_31 = arith.constant 0 : i32
      %dma_start3A_32 = arith.constant 0 : i32
      %dma_start3A_33 = tpu.memref_slice %arg9[%dma_start3A_29, %dma_start3A_31, %dma_start3A_32] : memref<6x80x32xf32, #tpu.memory_space<vmem>> -> memref<1x80x32xf32, #tpu.memory_space<vmem>>
      %dma_start3A_34 = tpu.memref_squeeze %dma_start3A_33 : memref<1x80x32xf32, #tpu.memory_space<vmem>> -> memref<80x32xf32, #tpu.memory_space<vmem>>
      %dma_start3A_35 = arith.constant 0 : i32
      %dma_start3A_36 = tpu.memref_slice %arg7[%dma_start3A_28, %dma_start3A_35] : memref<12x80xi32, #tpu.memory_space<vmem>> -> memref<1x80xi32, #tpu.memory_space<vmem>>
      %dma_start3A_37 = tpu.memref_squeeze %dma_start3A_36 : memref<1x80xi32, #tpu.memory_space<vmem>> -> memref<80xi32, #tpu.memory_space<vmem>>
      %dma_start3A_38 = arith.constant 0 : i32
      %dma_start3A_39 = arith.constant 0 : i32
      %dma_start3A_40 = tpu.memref_slice %arg4[%dma_start3A_38, %dma_start3A_39] : memref<20000x32xf32, #tpu.memory_space<hbm>> -> memref<20000x32xf32, #tpu.memory_space<hbm>>
      %dma_start3A_41 = tpu.memref_slice %arg11[%dma_start3A_30] : memref<6x!tpu.dma_semaphore, #tpu.memory_space<semaphore_mem>> -> memref<1x!tpu.dma_semaphore, #tpu.memory_space<semaphore_mem>>
      %dma_start3A_42 = tpu.memref_squeeze %dma_start3A_41 : memref<1x!tpu.dma_semaphore, #tpu.memory_space<semaphore_mem>> -> memref<!tpu.dma_semaphore, #tpu.memory_space<semaphore_mem>>
      tpu.enqueue_indirect_dma source(%dma_start3A_40 : memref<20000x32xf32, #tpu.memory_space<hbm>>) target(%dma_start3A_34 : memref<80x32xf32, #tpu.memory_space<vmem>>) offsets(%dma_start3A_37 : memref<80xi32, #tpu.memory_space<vmem>>) semaphore(%dma_start3A_42 : memref<!tpu.dma_semaphore, #tpu.memory_space<semaphore_mem>>)
      %dma_start3A_43 = arith.constant 2 : i32
      %dma_start3A_44 = arith.constant 2 : i32
      %dma_start3A_45 = arith.constant 2 : i32
      %dma_start3A_46 = arith.constant 0 : i32
      %dma_start3A_47 = arith.constant 0 : i32
      %dma_start3A_48 = tpu.memref_slice %arg9[%dma_start3A_44, %dma_start3A_46, %dma_start3A_47] : memref<6x80x32xf32, #tpu.memory_space<vmem>> -> memref<1x80x32xf32, #tpu.memory_space<vmem>>
      %dma_start3A_49 = tpu.memref_squeeze %dma_start3A_48 : memref<1x80x32xf32, #tpu.memory_space<vmem>> -> memref<80x32xf32, #tpu.memory_space<vmem>>
      %dma_start3A_50 = arith.constant 0 : i32
      %dma_start3A_51 = tpu.memref_slice %arg7[%dma_start3A_43, %dma_start3A_50] : memref<12x80xi32, #tpu.memory_space<vmem>> -> memref<1x80xi32, #tpu.memory_space<vmem>>
      %dma_start3A_52 = tpu.memref_squeeze %dma_start3A_51 : memref<1x80xi32, #tpu.memory_space<vmem>> -> memref<80xi32, #tpu.memory_space<vmem>>
      %dma_start3A_53 = arith.constant 0 : i32
      %dma_start3A_54 = arith.constant 0 : i32
      %dma_start3A_55 = tpu.memref_slice %arg4[%dma_start3A_53, %dma_start3A_54] : memref<20000x32xf32, #tpu.memory_space<hbm>> -> memref<20000x32xf32, #tpu.memory_space<hbm>>
      %dma_start3A_56 = tpu.memref_slice %arg11[%dma_start3A_45] : memref<6x!tpu.dma_semaphore, #tpu.memory_space<semaphore_mem>> -> memref<1x!tpu.dma_semaphore, #tpu.memory_space<semaphore_mem>>
      %dma_start3A_57 = tpu.memref_squeeze %dma_start3A_56 : memref<1x!tpu.dma_semaphore, #tpu.memory_space<semaphore_mem>> -> memref<!tpu.dma_semaphore, #tpu.memory_space<semaphore_mem>>
      tpu.enqueue_indirect_dma source(%dma_start3A_55 : memref<20000x32xf32, #tpu.memory_space<hbm>>) target(%dma_start3A_49 : memref<80x32xf32, #tpu.memory_space<vmem>>) offsets(%dma_start3A_52 : memref<80xi32, #tpu.memory_space<vmem>>) semaphore(%dma_start3A_57 : memref<!tpu.dma_semaphore, #tpu.memory_space<semaphore_mem>>)
      %dma_start3A_58 = arith.constant 3 : i32
      %dma_start3A_59 = arith.constant 3 : i32
      %dma_start3A_60 = arith.constant 3 : i32
      %dma_start3A_61 = arith.constant 0 : i32
      %dma_start3A_62 = arith.constant 0 : i32
      %dma_start3A_63 = tpu.memref_slice %arg9[%dma_start3A_59, %dma_start3A_61, %dma_start3A_62] : memref<6x80x32xf32, #tpu.memory_space<vmem>> -> memref<1x80x32xf32, #tpu.memory_space<vmem>>
      %dma_start3A_64 = tpu.memref_squeeze %dma_start3A_63 : memref<1x80x32xf32, #tpu.memory_space<vmem>> -> memref<80x32xf32, #tpu.memory_space<vmem>>
      %dma_start3A_65 = arith.constant 0 : i32
      %dma_start3A_66 = tpu.memref_slice %arg7[%dma_start3A_58, %dma_start3A_65] : memref<12x80xi32, #tpu.memory_space<vmem>> -> memref<1x80xi32, #tpu.memory_space<vmem>>
      %dma_start3A_67 = tpu.memref_squeeze %dma_start3A_66 : memref<1x80xi32, #tpu.memory_space<vmem>> -> memref<80xi32, #tpu.memory_space<vmem>>
      %dma_start3A_68 = arith.constant 0 : i32
      %dma_start3A_69 = arith.constant 0 : i32
      %dma_start3A_70 = tpu.memref_slice %arg4[%dma_start3A_68, %dma_start3A_69] : memref<20000x32xf32, #tpu.memory_space<hbm>> -> memref<20000x32xf32, #tpu.memory_space<hbm>>
      %dma_start3A_71 = tpu.memref_slice %arg11[%dma_start3A_60] : memref<6x!tpu.dma_semaphore, #tpu.memory_space<semaphore_mem>> -> memref<1x!tpu.dma_semaphore, #tpu.memory_space<semaphore_mem>>
      %dma_start3A_72 = tpu.memref_squeeze %dma_start3A_71 : memref<1x!tpu.dma_semaphore, #tpu.memory_space<semaphore_mem>> -> memref<!tpu.dma_semaphore, #tpu.memory_space<semaphore_mem>>
      tpu.enqueue_indirect_dma source(%dma_start3A_70 : memref<20000x32xf32, #tpu.memory_space<hbm>>) target(%dma_start3A_64 : memref<80x32xf32, #tpu.memory_space<vmem>>) offsets(%dma_start3A_67 : memref<80xi32, #tpu.memory_space<vmem>>) semaphore(%dma_start3A_72 : memref<!tpu.dma_semaphore, #tpu.memory_space<semaphore_mem>>)
      %dma_wait3A = arith.constant 0 : i32
      %dma_wait3A_73 = arith.constant 0 : i32
      %dma_wait3A_74 = arith.constant 0 : i32
      %dma_wait3A_75 = arith.constant 0 : i32
      %dma_wait3A_76 = arith.constant 0 : i32
      %dma_wait3A_77 = tpu.memref_slice %arg9[%dma_wait3A_73, %dma_wait3A_75, %dma_wait3A_76] : memref<6x80x32xf32, #tpu.memory_space<vmem>> -> memref<1x80x32xf32, #tpu.memory_space<vmem>>
      %dma_wait3A_78 = tpu.memref_squeeze %dma_wait3A_77 : memref<1x80x32xf32, #tpu.memory_space<vmem>> -> memref<80x32xf32, #tpu.memory_space<vmem>>
      %dma_wait3A_79 = arith.constant 0 : i32
      %dma_wait3A_80 = tpu.memref_slice %arg7[%dma_wait3A, %dma_wait3A_79] : memref<12x80xi32, #tpu.memory_space<vmem>> -> memref<1x80xi32, #tpu.memory_space<vmem>>
      %dma_wait3A_81 = tpu.memref_squeeze %dma_wait3A_80 : memref<1x80xi32, #tpu.memory_space<vmem>> -> memref<80xi32, #tpu.memory_space<vmem>>
      %dma_wait3A_82 = arith.constant 0 : i32
      %dma_wait3A_83 = arith.constant 0 : i32
      %dma_wait3A_84 = tpu.memref_slice %arg4[%dma_wait3A_82, %dma_wait3A_83] : memref<20000x32xf32, #tpu.memory_space<hbm>> -> memref<20000x32xf32, #tpu.memory_space<hbm>>
      %dma_wait3A_85 = tpu.memref_slice %arg11[%dma_wait3A_74] : memref<6x!tpu.dma_semaphore, #tpu.memory_space<semaphore_mem>> -> memref<1x!tpu.dma_semaphore, #tpu.memory_space<semaphore_mem>>
      %dma_wait3A_86 = tpu.memref_squeeze %dma_wait3A_85 : memref<1x!tpu.dma_semaphore, #tpu.memory_space<semaphore_mem>> -> memref<!tpu.dma_semaphore, #tpu.memory_space<semaphore_mem>>
      tpu.wait_indirect_dma semaphore(%dma_wait3A_86 : memref<!tpu.dma_semaphore, #tpu.memory_space<semaphore_mem>>) src(%dma_wait3A_84 : memref<20000x32xf32, #tpu.memory_space<hbm>>) dst(%dma_wait3A_78 : memref<80x32xf32, #tpu.memory_space<vmem>>)
      %dma_start3A_87 = arith.constant 0 : i32
      %dma_start3A_88 = arith.constant 0 : i32
      %dma_start3A_89 = arith.constant 0 : i32
      %dma_start3A_90 = arith.constant 0 : i32
      %dma_start3A_91 = arith.constant 0 : i32
      %dma_start3A_92 = tpu.memref_slice %arg9[%dma_start3A_87, %dma_start3A_90, %dma_start3A_91] : memref<6x80x32xf32, #tpu.memory_space<vmem>> -> memref<1x80x32xf32, #tpu.memory_space<vmem>>
      %dma_start3A_93 = tpu.memref_squeeze %dma_start3A_92 : memref<1x80x32xf32, #tpu.memory_space<vmem>> -> memref<80x32xf32, #tpu.memory_space<vmem>>
      %dma_start3A_94 = arith.constant 0 : i32
      %dma_start3A_95 = tpu.memref_slice %arg8[%dma_start3A_88, %dma_start3A_94] : memref<12x80xi32, #tpu.memory_space<vmem>> -> memref<1x80xi32, #tpu.memory_space<vmem>>
      %dma_start3A_96 = tpu.memref_squeeze %dma_start3A_95 : memref<1x80xi32, #tpu.memory_space<vmem>> -> memref<80xi32, #tpu.memory_space<vmem>>
      %dma_start3A_97 = arith.constant 0 : i32
      %dma_start3A_98 = arith.constant 0 : i32
      %dma_start3A_99 = tpu.memref_slice %arg10[%dma_start3A_97, %dma_start3A_98] : memref<10112x32xf32, #tpu.memory_space<vmem_shared>> -> memref<10112x32xf32, #tpu.memory_space<vmem_shared>>
      %dma_start3A_100 = tpu.memref_slice %arg12[%dma_start3A_89] : memref<6x!tpu.dma_semaphore, #tpu.memory_space<semaphore_mem>> -> memref<1x!tpu.dma_semaphore, #tpu.memory_space<semaphore_mem>>
      %dma_start3A_101 = tpu.memref_squeeze %dma_start3A_100 : memref<1x!tpu.dma_semaphore, #tpu.memory_space<semaphore_mem>> -> memref<!tpu.dma_semaphore, #tpu.memory_space<semaphore_mem>>
      tpu.enqueue_indirect_dma source(%dma_start3A_93 : memref<80x32xf32, #tpu.memory_space<vmem>>) target(%dma_start3A_99 : memref<10112x32xf32, #tpu.memory_space<vmem_shared>>) offsets(%dma_start3A_96 : memref<80xi32, #tpu.memory_space<vmem>>) semaphore(%dma_start3A_101 : memref<!tpu.dma_semaphore, #tpu.memory_space<semaphore_mem>>) {add = true}
      %dma_start3A_102 = arith.constant 4 : i32
      %dma_start3A_103 = arith.constant 4 : i32
      %dma_start3A_104 = arith.constant 4 : i32
      %dma_start3A_105 = arith.constant 0 : i32
      %dma_start3A_106 = arith.constant 0 : i32
      %dma_start3A_107 = tpu.memref_slice %arg9[%dma_start3A_103, %dma_start3A_105, %dma_start3A_106] : memref<6x80x32xf32, #tpu.memory_space<vmem>> -> memref<1x80x32xf32, #tpu.memory_space<vmem>>
      %dma_start3A_108 = tpu.memref_squeeze %dma_start3A_107 : memref<1x80x32xf32, #tpu.memory_space<vmem>> -> memref<80x32xf32, #tpu.memory_space<vmem>>
      %dma_start3A_109 = arith.constant 0 : i32
      %dma_start3A_110 = tpu.memref_slice %arg7[%dma_start3A_102, %dma_start3A_109] : memref<12x80xi32, #tpu.memory_space<vmem>> -> memref<1x80xi32, #tpu.memory_space<vmem>>
      %dma_start3A_111 = tpu.memref_squeeze %dma_start3A_110 : memref<1x80xi32, #tpu.memory_space<vmem>> -> memref<80xi32, #tpu.memory_space<vmem>>
      %dma_start3A_112 = arith.constant 0 : i32
      %dma_start3A_113 = arith.constant 0 : i32
      %dma_start3A_114 = tpu.memref_slice %arg4[%dma_start3A_112, %dma_start3A_113] : memref<20000x32xf32, #tpu.memory_space<hbm>> -> memref<20000x32xf32, #tpu.memory_space<hbm>>
      %dma_start3A_115 = tpu.memref_slice %arg11[%dma_start3A_104] : memref<6x!tpu.dma_semaphore, #tpu.memory_space<semaphore_mem>> -> memref<1x!tpu.dma_semaphore, #tpu.memory_space<semaphore_mem>>
      %dma_start3A_116 = tpu.memref_squeeze %dma_start3A_115 : memref<1x!tpu.dma_semaphore, #tpu.memory_space<semaphore_mem>> -> memref<!tpu.dma_semaphore, #tpu.memory_space<semaphore_mem>>
      tpu.enqueue_indirect_dma source(%dma_start3A_114 : memref<20000x32xf32, #tpu.memory_space<hbm>>) target(%dma_start3A_108 : memref<80x32xf32, #tpu.memory_space<vmem>>) offsets(%dma_start3A_111 : memref<80xi32, #tpu.memory_space<vmem>>) semaphore(%dma_start3A_116 : memref<!tpu.dma_semaphore, #tpu.memory_space<semaphore_mem>>)
      %dma_wait3A_117 = arith.constant 0 : i32
      %dma_wait3A_118 = arith.constant 1 : i32
      %dma_wait3A_119 = arith.constant 1 : i32
      %dma_wait3A_120 = arith.constant 0 : i32
      %dma_wait3A_121 = arith.constant 0 : i32
      %dma_wait3A_122 = tpu.memref_slice %arg9[%dma_wait3A_118, %dma_wait3A_120, %dma_wait3A_121] : memref<6x80x32xf32, #tpu.memory_space<vmem>> -> memref<1x80x32xf32, #tpu.memory_space<vmem>>
      %dma_wait3A_123 = tpu.memref_squeeze %dma_wait3A_122 : memref<1x80x32xf32, #tpu.memory_space<vmem>> -> memref<80x32xf32, #tpu.memory_space<vmem>>
      %dma_wait3A_124 = arith.constant 0 : i32
      %dma_wait3A_125 = tpu.memref_slice %arg7[%dma_wait3A_117, %dma_wait3A_124] : memref<12x80xi32, #tpu.memory_space<vmem>> -> memref<1x80xi32, #tpu.memory_space<vmem>>
      %dma_wait3A_126 = tpu.memref_squeeze %dma_wait3A_125 : memref<1x80xi32, #tpu.memory_space<vmem>> -> memref<80xi32, #tpu.memory_space<vmem>>
      %dma_wait3A_127 = arith.constant 0 : i32
      %dma_wait3A_128 = arith.constant 0 : i32
      %dma_wait3A_129 = tpu.memref_slice %arg4[%dma_wait3A_127, %dma_wait3A_128] : memref<20000x32xf32, #tpu.memory_space<hbm>> -> memref<20000x32xf32, #tpu.memory_space<hbm>>
      %dma_wait3A_130 = tpu.memref_slice %arg11[%dma_wait3A_119] : memref<6x!tpu.dma_semaphore, #tpu.memory_space<semaphore_mem>> -> memref<1x!tpu.dma_semaphore, #tpu.memory_space<semaphore_mem>>
      %dma_wait3A_131 = tpu.memref_squeeze %dma_wait3A_130 : memref<1x!tpu.dma_semaphore, #tpu.memory_space<semaphore_mem>> -> memref<!tpu.dma_semaphore, #tpu.memory_space<semaphore_mem>>
      tpu.wait_indirect_dma semaphore(%dma_wait3A_131 : memref<!tpu.dma_semaphore, #tpu.memory_space<semaphore_mem>>) src(%dma_wait3A_129 : memref<20000x32xf32, #tpu.memory_space<hbm>>) dst(%dma_wait3A_123 : memref<80x32xf32, #tpu.memory_space<vmem>>)
      %dma_start3A_132 = arith.constant 1 : i32
      %dma_start3A_133 = arith.constant 1 : i32
      %dma_start3A_134 = arith.constant 1 : i32
      %dma_start3A_135 = arith.constant 0 : i32
      %dma_start3A_136 = arith.constant 0 : i32
      %dma_start3A_137 = tpu.memref_slice %arg9[%dma_start3A_132, %dma_start3A_135, %dma_start3A_136] : memref<6x80x32xf32, #tpu.memory_space<vmem>> -> memref<1x80x32xf32, #tpu.memory_space<vmem>>
      %dma_start3A_138 = tpu.memref_squeeze %dma_start3A_137 : memref<1x80x32xf32, #tpu.memory_space<vmem>> -> memref<80x32xf32, #tpu.memory_space<vmem>>
      %dma_start3A_139 = arith.constant 0 : i32
      %dma_start3A_140 = tpu.memref_slice %arg8[%dma_start3A_133, %dma_start3A_139] : memref<12x80xi32, #tpu.memory_space<vmem>> -> memref<1x80xi32, #tpu.memory_space<vmem>>
      %dma_start3A_141 = tpu.memref_squeeze %dma_start3A_140 : memref<1x80xi32, #tpu.memory_space<vmem>> -> memref<80xi32, #tpu.memory_space<vmem>>
      %dma_start3A_142 = arith.constant 0 : i32
      %dma_start3A_143 = arith.constant 0 : i32
      %dma_start3A_144 = tpu.memref_slice %arg10[%dma_start3A_142, %dma_start3A_143] : memref<10112x32xf32, #tpu.memory_space<vmem_shared>> -> memref<10112x32xf32, #tpu.memory_space<vmem_shared>>
      %dma_start3A_145 = tpu.memref_slice %arg12[%dma_start3A_134] : memref<6x!tpu.dma_semaphore, #tpu.memory_space<semaphore_mem>> -> memref<1x!tpu.dma_semaphore, #tpu.memory_space<semaphore_mem>>
      %dma_start3A_146 = tpu.memref_squeeze %dma_start3A_145 : memref<1x!tpu.dma_semaphore, #tpu.memory_space<semaphore_mem>> -> memref<!tpu.dma_semaphore, #tpu.memory_space<semaphore_mem>>
      tpu.enqueue_indirect_dma source(%dma_start3A_138 : memref<80x32xf32, #tpu.memory_space<vmem>>) target(%dma_start3A_144 : memref<10112x32xf32, #tpu.memory_space<vmem_shared>>) offsets(%dma_start3A_141 : memref<80xi32, #tpu.memory_space<vmem>>) semaphore(%dma_start3A_146 : memref<!tpu.dma_semaphore, #tpu.memory_space<semaphore_mem>>) {add = true}
      %dma_start3A_147 = arith.constant 5 : i32
      %dma_start3A_148 = arith.constant 5 : i32
      %dma_start3A_149 = arith.constant 5 : i32
      %dma_start3A_150 = arith.constant 0 : i32
      %dma_start3A_151 = arith.constant 0 : i32
      %dma_start3A_152 = tpu.memref_slice %arg9[%dma_start3A_148, %dma_start3A_150, %dma_start3A_151] : memref<6x80x32xf32, #tpu.memory_space<vmem>> -> memref<1x80x32xf32, #tpu.memory_space<vmem>>
      %dma_start3A_153 = tpu.memref_squeeze %dma_start3A_152 : memref<1x80x32xf32, #tpu.memory_space<vmem>> -> memref<80x32xf32, #tpu.memory_space<vmem>>
      %dma_start3A_154 = arith.constant 0 : i32
      %dma_start3A_155 = tpu.memref_slice %arg7[%dma_start3A_147, %dma_start3A_154] : memref<12x80xi32, #tpu.memory_space<vmem>> -> memref<1x80xi32, #tpu.memory_space<vmem>>
      %dma_start3A_156 = tpu.memref_squeeze %dma_start3A_155 : memref<1x80xi32, #tpu.memory_space<vmem>> -> memref<80xi32, #tpu.memory_space<vmem>>
      %dma_start3A_157 = arith.constant 0 : i32
      %dma_start3A_158 = arith.constant 0 : i32
      %dma_start3A_159 = tpu.memref_slice %arg4[%dma_start3A_157, %dma_start3A_158] : memref<20000x32xf32, #tpu.memory_space<hbm>> -> memref<20000x32xf32, #tpu.memory_space<hbm>>
      %dma_start3A_160 = tpu.memref_slice %arg11[%dma_start3A_149] : memref<6x!tpu.dma_semaphore, #tpu.memory_space<semaphore_mem>> -> memref<1x!tpu.dma_semaphore, #tpu.memory_space<semaphore_mem>>
      %dma_start3A_161 = tpu.memref_squeeze %dma_start3A_160 : memref<1x!tpu.dma_semaphore, #tpu.memory_space<semaphore_mem>> -> memref<!tpu.dma_semaphore, #tpu.memory_space<semaphore_mem>>
      tpu.enqueue_indirect_dma source(%dma_start3A_159 : memref<20000x32xf32, #tpu.memory_space<hbm>>) target(%dma_start3A_153 : memref<80x32xf32, #tpu.memory_space<vmem>>) offsets(%dma_start3A_156 : memref<80xi32, #tpu.memory_space<vmem>>) semaphore(%dma_start3A_161 : memref<!tpu.dma_semaphore, #tpu.memory_space<semaphore_mem>>)
      %dma_wait3A_162 = arith.constant 0 : i32
      %dma_wait3A_163 = arith.constant 2 : i32
      %dma_wait3A_164 = arith.constant 2 : i32
      %dma_wait3A_165 = arith.constant 0 : i32
      %dma_wait3A_166 = arith.constant 0 : i32
      %dma_wait3A_167 = tpu.memref_slice %arg9[%dma_wait3A_163, %dma_wait3A_165, %dma_wait3A_166] : memref<6x80x32xf32, #tpu.memory_space<vmem>> -> memref<1x80x32xf32, #tpu.memory_space<vmem>>
      %dma_wait3A_168 = tpu.memref_squeeze %dma_wait3A_167 : memref<1x80x32xf32, #tpu.memory_space<vmem>> -> memref<80x32xf32, #tpu.memory_space<vmem>>
      %dma_wait3A_169 = arith.constant 0 : i32
      %dma_wait3A_170 = tpu.memref_slice %arg7[%dma_wait3A_162, %dma_wait3A_169] : memref<12x80xi32, #tpu.memory_space<vmem>> -> memref<1x80xi32, #tpu.memory_space<vmem>>
      %dma_wait3A_171 = tpu.memref_squeeze %dma_wait3A_170 : memref<1x80xi32, #tpu.memory_space<vmem>> -> memref<80xi32, #tpu.memory_space<vmem>>
      %dma_wait3A_172 = arith.constant 0 : i32
      %dma_wait3A_173 = arith.constant 0 : i32
      %dma_wait3A_174 = tpu.memref_slice %arg4[%dma_wait3A_172, %dma_wait3A_173] : memref<20000x32xf32, #tpu.memory_space<hbm>> -> memref<20000x32xf32, #tpu.memory_space<hbm>>
      %dma_wait3A_175 = tpu.memref_slice %arg11[%dma_wait3A_164] : memref<6x!tpu.dma_semaphore, #tpu.memory_space<semaphore_mem>> -> memref<1x!tpu.dma_semaphore, #tpu.memory_space<semaphore_mem>>
      %dma_wait3A_176 = tpu.memref_squeeze %dma_wait3A_175 : memref<1x!tpu.dma_semaphore, #tpu.memory_space<semaphore_mem>> -> memref<!tpu.dma_semaphore, #tpu.memory_space<semaphore_mem>>
      tpu.wait_indirect_dma semaphore(%dma_wait3A_176 : memref<!tpu.dma_semaphore, #tpu.memory_space<semaphore_mem>>) src(%dma_wait3A_174 : memref<20000x32xf32, #tpu.memory_space<hbm>>) dst(%dma_wait3A_168 : memref<80x32xf32, #tpu.memory_space<vmem>>)
      %dma_start3A_177 = arith.constant 2 : i32
      %dma_start3A_178 = arith.constant 2 : i32
      %dma_start3A_179 = arith.constant 2 : i32
      %dma_start3A_180 = arith.constant 0 : i32
      %dma_start3A_181 = arith.constant 0 : i32
      %dma_start3A_182 = tpu.memref_slice %arg9[%dma_start3A_177, %dma_start3A_180, %dma_start3A_181] : memref<6x80x32xf32, #tpu.memory_space<vmem>> -> memref<1x80x32xf32, #tpu.memory_space<vmem>>
      %dma_start3A_183 = tpu.memref_squeeze %dma_start3A_182 : memref<1x80x32xf32, #tpu.memory_space<vmem>> -> memref<80x32xf32, #tpu.memory_space<vmem>>
      %dma_start3A_184 = arith.constant 0 : i32
      %dma_start3A_185 = tpu.memref_slice %arg8[%dma_start3A_178, %dma_start3A_184] : memref<12x80xi32, #tpu.memory_space<vmem>> -> memref<1x80xi32, #tpu.memory_space<vmem>>
      %dma_start3A_186 = tpu.memref_squeeze %dma_start3A_185 : memref<1x80xi32, #tpu.memory_space<vmem>> -> memref<80xi32, #tpu.memory_space<vmem>>
      %dma_start3A_187 = arith.constant 0 : i32
      %dma_start3A_188 = arith.constant 0 : i32
      %dma_start3A_189 = tpu.memref_slice %arg10[%dma_start3A_187, %dma_start3A_188] : memref<10112x32xf32, #tpu.memory_space<vmem_shared>> -> memref<10112x32xf32, #tpu.memory_space<vmem_shared>>
      %dma_start3A_190 = tpu.memref_slice %arg12[%dma_start3A_179] : memref<6x!tpu.dma_semaphore, #tpu.memory_space<semaphore_mem>> -> memref<1x!tpu.dma_semaphore, #tpu.memory_space<semaphore_mem>>
      %dma_start3A_191 = tpu.memref_squeeze %dma_start3A_190 : memref<1x!tpu.dma_semaphore, #tpu.memory_space<semaphore_mem>> -> memref<!tpu.dma_semaphore, #tpu.memory_space<semaphore_mem>>
      tpu.enqueue_indirect_dma source(%dma_start3A_183 : memref<80x32xf32, #tpu.memory_space<vmem>>) target(%dma_start3A_189 : memref<10112x32xf32, #tpu.memory_space<vmem_shared>>) offsets(%dma_start3A_186 : memref<80xi32, #tpu.memory_space<vmem>>) semaphore(%dma_start3A_191 : memref<!tpu.dma_semaphore, #tpu.memory_space<semaphore_mem>>) {add = true}
      %dma_wait3A_192 = arith.constant 0 : i32
      %dma_wait3A_193 = arith.constant 0 : i32
      %dma_wait3A_194 = arith.constant 0 : i32
      %dma_wait3A_195 = arith.constant 0 : i32
      %dma_wait3A_196 = arith.constant 0 : i32
      %dma_wait3A_197 = tpu.memref_slice %arg9[%dma_wait3A_192, %dma_wait3A_195, %dma_wait3A_196] : memref<6x80x32xf32, #tpu.memory_space<vmem>> -> memref<1x80x32xf32, #tpu.memory_space<vmem>>
      %dma_wait3A_198 = tpu.memref_squeeze %dma_wait3A_197 : memref<1x80x32xf32, #tpu.memory_space<vmem>> -> memref<80x32xf32, #tpu.memory_space<vmem>>
      %dma_wait3A_199 = arith.constant 0 : i32
      %dma_wait3A_200 = tpu.memref_slice %arg8[%dma_wait3A_193, %dma_wait3A_199] : memref<12x80xi32, #tpu.memory_space<vmem>> -> memref<1x80xi32, #tpu.memory_space<vmem>>
      %dma_wait3A_201 = tpu.memref_squeeze %dma_wait3A_200 : memref<1x80xi32, #tpu.memory_space<vmem>> -> memref<80xi32, #tpu.memory_space<vmem>>
      %dma_wait3A_202 = arith.constant 0 : i32
      %dma_wait3A_203 = arith.constant 0 : i32
      %dma_wait3A_204 = tpu.memref_slice %arg10[%dma_wait3A_202, %dma_wait3A_203] : memref<10112x32xf32, #tpu.memory_space<vmem_shared>> -> memref<10112x32xf32, #tpu.memory_space<vmem_shared>>
      %dma_wait3A_205 = tpu.memref_slice %arg12[%dma_wait3A_194] : memref<6x!tpu.dma_semaphore, #tpu.memory_space<semaphore_mem>> -> memref<1x!tpu.dma_semaphore, #tpu.memory_space<semaphore_mem>>
      %dma_wait3A_206 = tpu.memref_squeeze %dma_wait3A_205 : memref<1x!tpu.dma_semaphore, #tpu.memory_space<semaphore_mem>> -> memref<!tpu.dma_semaphore, #tpu.memory_space<semaphore_mem>>
      tpu.wait_indirect_dma semaphore(%dma_wait3A_206 : memref<!tpu.dma_semaphore, #tpu.memory_space<semaphore_mem>>) src(%dma_wait3A_198 : memref<80x32xf32, #tpu.memory_space<vmem>>) dst(%dma_wait3A_204 : memref<10112x32xf32, #tpu.memory_space<vmem_shared>>)
      %dma_start3A_207 = arith.constant 6 : i32
      %dma_start3A_208 = arith.constant 0 : i32
      %dma_start3A_209 = arith.constant 0 : i32
      %dma_start3A_210 = arith.constant 0 : i32
      %dma_start3A_211 = arith.constant 0 : i32
      %dma_start3A_212 = tpu.memref_slice %arg9[%dma_start3A_208, %dma_start3A_210, %dma_start3A_211] : memref<6x80x32xf32, #tpu.memory_space<vmem>> -> memref<1x80x32xf32, #tpu.memory_space<vmem>>
      %dma_start3A_213 = tpu.memref_squeeze %dma_start3A_212 : memref<1x80x32xf32, #tpu.memory_space<vmem>> -> memref<80x32xf32, #tpu.memory_space<vmem>>
      %dma_start3A_214 = arith.constant 0 : i32
      %dma_start3A_215 = tpu.memref_slice %arg7[%dma_start3A_207, %dma_start3A_214] : memref<12x80xi32, #tpu.memory_space<vmem>> -> memref<1x80xi32, #tpu.memory_space<vmem>>
      %dma_start3A_216 = tpu.memref_squeeze %dma_start3A_215 : memref<1x80xi32, #tpu.memory_space<vmem>> -> memref<80xi32, #tpu.memory_space<vmem>>
      %dma_start3A_217 = arith.constant 0 : i32
      %dma_start3A_218 = arith.constant 0 : i32
      %dma_start3A_219 = tpu.memref_slice %arg4[%dma_start3A_217, %dma_start3A_218] : memref<20000x32xf32, #tpu.memory_space<hbm>> -> memref<20000x32xf32, #tpu.memory_space<hbm>>
      %dma_start3A_220 = tpu.memref_slice %arg11[%dma_start3A_209] : memref<6x!tpu.dma_semaphore, #tpu.memory_space<semaphore_mem>> -> memref<1x!tpu.dma_semaphore, #tpu.memory_space<semaphore_mem>>
      %dma_start3A_221 = tpu.memref_squeeze %dma_start3A_220 : memref<1x!tpu.dma_semaphore, #tpu.memory_space<semaphore_mem>> -> memref<!tpu.dma_semaphore, #tpu.memory_space<semaphore_mem>>
      tpu.enqueue_indirect_dma source(%dma_start3A_219 : memref<20000x32xf32, #tpu.memory_space<hbm>>) target(%dma_start3A_213 : memref<80x32xf32, #tpu.memory_space<vmem>>) offsets(%dma_start3A_216 : memref<80xi32, #tpu.memory_space<vmem>>) semaphore(%dma_start3A_221 : memref<!tpu.dma_semaphore, #tpu.memory_space<semaphore_mem>>)
      %dma_wait3A_222 = arith.constant 0 : i32
      %dma_wait3A_223 = arith.constant 3 : i32
      %dma_wait3A_224 = arith.constant 3 : i32
      %dma_wait3A_225 = arith.constant 0 : i32
      %dma_wait3A_226 = arith.constant 0 : i32
      %dma_wait3A_227 = tpu.memref_slice %arg9[%dma_wait3A_223, %dma_wait3A_225, %dma_wait3A_226] : memref<6x80x32xf32, #tpu.memory_space<vmem>> -> memref<1x80x32xf32, #tpu.memory_space<vmem>>
      %dma_wait3A_228 = tpu.memref_squeeze %dma_wait3A_227 : memref<1x80x32xf32, #tpu.memory_space<vmem>> -> memref<80x32xf32, #tpu.memory_space<vmem>>
      %dma_wait3A_229 = arith.constant 0 : i32
      %dma_wait3A_230 = tpu.memref_slice %arg7[%dma_wait3A_222, %dma_wait3A_229] : memref<12x80xi32, #tpu.memory_space<vmem>> -> memref<1x80xi32, #tpu.memory_space<vmem>>
      %dma_wait3A_231 = tpu.memref_squeeze %dma_wait3A_230 : memref<1x80xi32, #tpu.memory_space<vmem>> -> memref<80xi32, #tpu.memory_space<vmem>>
      %dma_wait3A_232 = arith.constant 0 : i32
      %dma_wait3A_233 = arith.constant 0 : i32
      %dma_wait3A_234 = tpu.memref_slice %arg4[%dma_wait3A_232, %dma_wait3A_233] : memref<20000x32xf32, #tpu.memory_space<hbm>> -> memref<20000x32xf32, #tpu.memory_space<hbm>>
      %dma_wait3A_235 = tpu.memref_slice %arg11[%dma_wait3A_224] : memref<6x!tpu.dma_semaphore, #tpu.memory_space<semaphore_mem>> -> memref<1x!tpu.dma_semaphore, #tpu.memory_space<semaphore_mem>>
      %dma_wait3A_236 = tpu.memref_squeeze %dma_wait3A_235 : memref<1x!tpu.dma_semaphore, #tpu.memory_space<semaphore_mem>> -> memref<!tpu.dma_semaphore, #tpu.memory_space<semaphore_mem>>
      tpu.wait_indirect_dma semaphore(%dma_wait3A_236 : memref<!tpu.dma_semaphore, #tpu.memory_space<semaphore_mem>>) src(%dma_wait3A_234 : memref<20000x32xf32, #tpu.memory_space<hbm>>) dst(%dma_wait3A_228 : memref<80x32xf32, #tpu.memory_space<vmem>>)
      %dma_start3A_237 = arith.constant 3 : i32
      %dma_start3A_238 = arith.constant 3 : i32
      %dma_start3A_239 = arith.constant 3 : i32
      %dma_start3A_240 = arith.constant 0 : i32
      %dma_start3A_241 = arith.constant 0 : i32
      %dma_start3A_242 = tpu.memref_slice %arg9[%dma_start3A_237, %dma_start3A_240, %dma_start3A_241] : memref<6x80x32xf32, #tpu.memory_space<vmem>> -> memref<1x80x32xf32, #tpu.memory_space<vmem>>
      %dma_start3A_243 = tpu.memref_squeeze %dma_start3A_242 : memref<1x80x32xf32, #tpu.memory_space<vmem>> -> memref<80x32xf32, #tpu.memory_space<vmem>>
      %dma_start3A_244 = arith.constant 0 : i32
      %dma_start3A_245 = tpu.memref_slice %arg8[%dma_start3A_238, %dma_start3A_244] : memref<12x80xi32, #tpu.memory_space<vmem>> -> memref<1x80xi32, #tpu.memory_space<vmem>>
      %dma_start3A_246 = tpu.memref_squeeze %dma_start3A_245 : memref<1x80xi32, #tpu.memory_space<vmem>> -> memref<80xi32, #tpu.memory_space<vmem>>
      %dma_start3A_247 = arith.constant 0 : i32
      %dma_start3A_248 = arith.constant 0 : i32
      %dma_start3A_249 = tpu.memref_slice %arg10[%dma_start3A_247, %dma_start3A_248] : memref<10112x32xf32, #tpu.memory_space<vmem_shared>> -> memref<10112x32xf32, #tpu.memory_space<vmem_shared>>
      %dma_start3A_250 = tpu.memref_slice %arg12[%dma_start3A_239] : memref<6x!tpu.dma_semaphore, #tpu.memory_space<semaphore_mem>> -> memref<1x!tpu.dma_semaphore, #tpu.memory_space<semaphore_mem>>
      %dma_start3A_251 = tpu.memref_squeeze %dma_start3A_250 : memref<1x!tpu.dma_semaphore, #tpu.memory_space<semaphore_mem>> -> memref<!tpu.dma_semaphore, #tpu.memory_space<semaphore_mem>>
      tpu.enqueue_indirect_dma source(%dma_start3A_243 : memref<80x32xf32, #tpu.memory_space<vmem>>) target(%dma_start3A_249 : memref<10112x32xf32, #tpu.memory_space<vmem_shared>>) offsets(%dma_start3A_246 : memref<80xi32, #tpu.memory_space<vmem>>) semaphore(%dma_start3A_251 : memref<!tpu.dma_semaphore, #tpu.memory_space<semaphore_mem>>) {add = true}
      %dma_wait3A_252 = arith.constant 1 : i32
      %dma_wait3A_253 = arith.constant 0 : i32
      %dma_wait3A_254 = arith.constant 1 : i32
      %dma_wait3A_255 = arith.constant 0 : i32
      %dma_wait3A_256 = arith.constant 0 : i32
      %dma_wait3A_257 = tpu.memref_slice %arg9[%dma_wait3A_252, %dma_wait3A_255, %dma_wait3A_256] : memref<6x80x32xf32, #tpu.memory_space<vmem>> -> memref<1x80x32xf32, #tpu.memory_space<vmem>>
      %dma_wait3A_258 = tpu.memref_squeeze %dma_wait3A_257 : memref<1x80x32xf32, #tpu.memory_space<vmem>> -> memref<80x32xf32, #tpu.memory_space<vmem>>
      %dma_wait3A_259 = arith.constant 0 : i32
      %dma_wait3A_260 = tpu.memref_slice %arg8[%dma_wait3A_253, %dma_wait3A_259] : memref<12x80xi32, #tpu.memory_space<vmem>> -> memref<1x80xi32, #tpu.memory_space<vmem>>
      %dma_wait3A_261 = tpu.memref_squeeze %dma_wait3A_260 : memref<1x80xi32, #tpu.memory_space<vmem>> -> memref<80xi32, #tpu.memory_space<vmem>>
      %dma_wait3A_262 = arith.constant 0 : i32
      %dma_wait3A_263 = arith.constant 0 : i32
      %dma_wait3A_264 = tpu.memref_slice %arg10[%dma_wait3A_262, %dma_wait3A_263] : memref<10112x32xf32, #tpu.memory_space<vmem_shared>> -> memref<10112x32xf32, #tpu.memory_space<vmem_shared>>
      %dma_wait3A_265 = tpu.memref_slice %arg12[%dma_wait3A_254] : memref<6x!tpu.dma_semaphore, #tpu.memory_space<semaphore_mem>> -> memref<1x!tpu.dma_semaphore, #tpu.memory_space<semaphore_mem>>
      %dma_wait3A_266 = tpu.memref_squeeze %dma_wait3A_265 : memref<1x!tpu.dma_semaphore, #tpu.memory_space<semaphore_mem>> -> memref<!tpu.dma_semaphore, #tpu.memory_space<semaphore_mem>>
      tpu.wait_indirect_dma semaphore(%dma_wait3A_266 : memref<!tpu.dma_semaphore, #tpu.memory_space<semaphore_mem>>) src(%dma_wait3A_258 : memref<80x32xf32, #tpu.memory_space<vmem>>) dst(%dma_wait3A_264 : memref<10112x32xf32, #tpu.memory_space<vmem_shared>>)
      %dma_start3A_267 = arith.constant 7 : i32
      %dma_start3A_268 = arith.constant 1 : i32
      %dma_start3A_269 = arith.constant 1 : i32
      %dma_start3A_270 = arith.constant 0 : i32
      %dma_start3A_271 = arith.constant 0 : i32
      %dma_start3A_272 = tpu.memref_slice %arg9[%dma_start3A_268, %dma_start3A_270, %dma_start3A_271] : memref<6x80x32xf32, #tpu.memory_space<vmem>> -> memref<1x80x32xf32, #tpu.memory_space<vmem>>
      %dma_start3A_273 = tpu.memref_squeeze %dma_start3A_272 : memref<1x80x32xf32, #tpu.memory_space<vmem>> -> memref<80x32xf32, #tpu.memory_space<vmem>>
      %dma_start3A_274 = arith.constant 0 : i32
      %dma_start3A_275 = tpu.memref_slice %arg7[%dma_start3A_267, %dma_start3A_274] : memref<12x80xi32, #tpu.memory_space<vmem>> -> memref<1x80xi32, #tpu.memory_space<vmem>>
      %dma_start3A_276 = tpu.memref_squeeze %dma_start3A_275 : memref<1x80xi32, #tpu.memory_space<vmem>> -> memref<80xi32, #tpu.memory_space<vmem>>
      %dma_start3A_277 = arith.constant 0 : i32
      %dma_start3A_278 = arith.constant 0 : i32
      %dma_start3A_279 = tpu.memref_slice %arg4[%dma_start3A_277, %dma_start3A_278] : memref<20000x32xf32, #tpu.memory_space<hbm>> -> memref<20000x32xf32, #tpu.memory_space<hbm>>
      %dma_start3A_280 = tpu.memref_slice %arg11[%dma_start3A_269] : memref<6x!tpu.dma_semaphore, #tpu.memory_space<semaphore_mem>> -> memref<1x!tpu.dma_semaphore, #tpu.memory_space<semaphore_mem>>
      %dma_start3A_281 = tpu.memref_squeeze %dma_start3A_280 : memref<1x!tpu.dma_semaphore, #tpu.memory_space<semaphore_mem>> -> memref<!tpu.dma_semaphore, #tpu.memory_space<semaphore_mem>>
      tpu.enqueue_indirect_dma source(%dma_start3A_279 : memref<20000x32xf32, #tpu.memory_space<hbm>>) target(%dma_start3A_273 : memref<80x32xf32, #tpu.memory_space<vmem>>) offsets(%dma_start3A_276 : memref<80xi32, #tpu.memory_space<vmem>>) semaphore(%dma_start3A_281 : memref<!tpu.dma_semaphore, #tpu.memory_space<semaphore_mem>>)
      %dma_wait3A_282 = arith.constant 0 : i32
      %dma_wait3A_283 = arith.constant 4 : i32
      %dma_wait3A_284 = arith.constant 4 : i32
      %dma_wait3A_285 = arith.constant 0 : i32
      %dma_wait3A_286 = arith.constant 0 : i32
      %dma_wait3A_287 = tpu.memref_slice %arg9[%dma_wait3A_283, %dma_wait3A_285, %dma_wait3A_286] : memref<6x80x32xf32, #tpu.memory_space<vmem>> -> memref<1x80x32xf32, #tpu.memory_space<vmem>>
      %dma_wait3A_288 = tpu.memref_squeeze %dma_wait3A_287 : memref<1x80x32xf32, #tpu.memory_space<vmem>> -> memref<80x32xf32, #tpu.memory_space<vmem>>
      %dma_wait3A_289 = arith.constant 0 : i32
      %dma_wait3A_290 = tpu.memref_slice %arg7[%dma_wait3A_282, %dma_wait3A_289] : memref<12x80xi32, #tpu.memory_space<vmem>> -> memref<1x80xi32, #tpu.memory_space<vmem>>
      %dma_wait3A_291 = tpu.memref_squeeze %dma_wait3A_290 : memref<1x80xi32, #tpu.memory_space<vmem>> -> memref<80xi32, #tpu.memory_space<vmem>>
      %dma_wait3A_292 = arith.constant 0 : i32
      %dma_wait3A_293 = arith.constant 0 : i32
      %dma_wait3A_294 = tpu.memref_slice %arg4[%dma_wait3A_292, %dma_wait3A_293] : memref<20000x32xf32, #tpu.memory_space<hbm>> -> memref<20000x32xf32, #tpu.memory_space<hbm>>
      %dma_wait3A_295 = tpu.memref_slice %arg11[%dma_wait3A_284] : memref<6x!tpu.dma_semaphore, #tpu.memory_space<semaphore_mem>> -> memref<1x!tpu.dma_semaphore, #tpu.memory_space<semaphore_mem>>
      %dma_wait3A_296 = tpu.memref_squeeze %dma_wait3A_295 : memref<1x!tpu.dma_semaphore, #tpu.memory_space<semaphore_mem>> -> memref<!tpu.dma_semaphore, #tpu.memory_space<semaphore_mem>>
      tpu.wait_indirect_dma semaphore(%dma_wait3A_296 : memref<!tpu.dma_semaphore, #tpu.memory_space<semaphore_mem>>) src(%dma_wait3A_294 : memref<20000x32xf32, #tpu.memory_space<hbm>>) dst(%dma_wait3A_288 : memref<80x32xf32, #tpu.memory_space<vmem>>)
      %dma_start3A_297 = arith.constant 4 : i32
      %dma_start3A_298 = arith.constant 4 : i32
      %dma_start3A_299 = arith.constant 4 : i32
      %dma_start3A_300 = arith.constant 0 : i32
      %dma_start3A_301 = arith.constant 0 : i32
      %dma_start3A_302 = tpu.memref_slice %arg9[%dma_start3A_297, %dma_start3A_300, %dma_start3A_301] : memref<6x80x32xf32, #tpu.memory_space<vmem>> -> memref<1x80x32xf32, #tpu.memory_space<vmem>>
      %dma_start3A_303 = tpu.memref_squeeze %dma_start3A_302 : memref<1x80x32xf32, #tpu.memory_space<vmem>> -> memref<80x32xf32, #tpu.memory_space<vmem>>
      %dma_start3A_304 = arith.constant 0 : i32
      %dma_start3A_305 = tpu.memref_slice %arg8[%dma_start3A_298, %dma_start3A_304] : memref<12x80xi32, #tpu.memory_space<vmem>> -> memref<1x80xi32, #tpu.memory_space<vmem>>
      %dma_start3A_306 = tpu.memref_squeeze %dma_start3A_305 : memref<1x80xi32, #tpu.memory_space<vmem>> -> memref<80xi32, #tpu.memory_space<vmem>>
      %dma_start3A_307 = arith.constant 0 : i32
      %dma_start3A_308 = arith.constant 0 : i32
      %dma_start3A_309 = tpu.memref_slice %arg10[%dma_start3A_307, %dma_start3A_308] : memref<10112x32xf32, #tpu.memory_space<vmem_shared>> -> memref<10112x32xf32, #tpu.memory_space<vmem_shared>>
      %dma_start3A_310 = tpu.memref_slice %arg12[%dma_start3A_299] : memref<6x!tpu.dma_semaphore, #tpu.memory_space<semaphore_mem>> -> memref<1x!tpu.dma_semaphore, #tpu.memory_space<semaphore_mem>>
      %dma_start3A_311 = tpu.memref_squeeze %dma_start3A_310 : memref<1x!tpu.dma_semaphore, #tpu.memory_space<semaphore_mem>> -> memref<!tpu.dma_semaphore, #tpu.memory_space<semaphore_mem>>
      tpu.enqueue_indirect_dma source(%dma_start3A_303 : memref<80x32xf32, #tpu.memory_space<vmem>>) target(%dma_start3A_309 : memref<10112x32xf32, #tpu.memory_space<vmem_shared>>) offsets(%dma_start3A_306 : memref<80xi32, #tpu.memory_space<vmem>>) semaphore(%dma_start3A_311 : memref<!tpu.dma_semaphore, #tpu.memory_space<semaphore_mem>>) {add = true}
      %dma_wait3A_312 = arith.constant 2 : i32
      %dma_wait3A_313 = arith.constant 0 : i32
      %dma_wait3A_314 = arith.constant 2 : i32
      %dma_wait3A_315 = arith.constant 0 : i32
      %dma_wait3A_316 = arith.constant 0 : i32
      %dma_wait3A_317 = tpu.memref_slice %arg9[%dma_wait3A_312, %dma_wait3A_315, %dma_wait3A_316] : memref<6x80x32xf32, #tpu.memory_space<vmem>> -> memref<1x80x32xf32, #tpu.memory_space<vmem>>
      %dma_wait3A_318 = tpu.memref_squeeze %dma_wait3A_317 : memref<1x80x32xf32, #tpu.memory_space<vmem>> -> memref<80x32xf32, #tpu.memory_space<vmem>>
      %dma_wait3A_319 = arith.constant 0 : i32
      %dma_wait3A_320 = tpu.memref_slice %arg8[%dma_wait3A_313, %dma_wait3A_319] : memref<12x80xi32, #tpu.memory_space<vmem>> -> memref<1x80xi32, #tpu.memory_space<vmem>>
      %dma_wait3A_321 = tpu.memref_squeeze %dma_wait3A_320 : memref<1x80xi32, #tpu.memory_space<vmem>> -> memref<80xi32, #tpu.memory_space<vmem>>
      %dma_wait3A_322 = arith.constant 0 : i32
      %dma_wait3A_323 = arith.constant 0 : i32
      %dma_wait3A_324 = tpu.memref_slice %arg10[%dma_wait3A_322, %dma_wait3A_323] : memref<10112x32xf32, #tpu.memory_space<vmem_shared>> -> memref<10112x32xf32, #tpu.memory_space<vmem_shared>>
      %dma_wait3A_325 = tpu.memref_slice %arg12[%dma_wait3A_314] : memref<6x!tpu.dma_semaphore, #tpu.memory_space<semaphore_mem>> -> memref<1x!tpu.dma_semaphore, #tpu.memory_space<semaphore_mem>>
      %dma_wait3A_326 = tpu.memref_squeeze %dma_wait3A_325 : memref<1x!tpu.dma_semaphore, #tpu.memory_space<semaphore_mem>> -> memref<!tpu.dma_semaphore, #tpu.memory_space<semaphore_mem>>
      tpu.wait_indirect_dma semaphore(%dma_wait3A_326 : memref<!tpu.dma_semaphore, #tpu.memory_space<semaphore_mem>>) src(%dma_wait3A_318 : memref<80x32xf32, #tpu.memory_space<vmem>>) dst(%dma_wait3A_324 : memref<10112x32xf32, #tpu.memory_space<vmem_shared>>)
      %dma_start3A_327 = arith.constant 8 : i32
      %dma_start3A_328 = arith.constant 2 : i32
      %dma_start3A_329 = arith.constant 2 : i32
      %dma_start3A_330 = arith.constant 0 : i32
      %dma_start3A_331 = arith.constant 0 : i32
      %dma_start3A_332 = tpu.memref_slice %arg9[%dma_start3A_328, %dma_start3A_330, %dma_start3A_331] : memref<6x80x32xf32, #tpu.memory_space<vmem>> -> memref<1x80x32xf32, #tpu.memory_space<vmem>>
      %dma_start3A_333 = tpu.memref_squeeze %dma_start3A_332 : memref<1x80x32xf32, #tpu.memory_space<vmem>> -> memref<80x32xf32, #tpu.memory_space<vmem>>
      %dma_start3A_334 = arith.constant 0 : i32
      %dma_start3A_335 = tpu.memref_slice %arg7[%dma_start3A_327, %dma_start3A_334] : memref<12x80xi32, #tpu.memory_space<vmem>> -> memref<1x80xi32, #tpu.memory_space<vmem>>
      %dma_start3A_336 = tpu.memref_squeeze %dma_start3A_335 : memref<1x80xi32, #tpu.memory_space<vmem>> -> memref<80xi32, #tpu.memory_space<vmem>>
      %dma_start3A_337 = arith.constant 0 : i32
      %dma_start3A_338 = arith.constant 0 : i32
      %dma_start3A_339 = tpu.memref_slice %arg4[%dma_start3A_337, %dma_start3A_338] : memref<20000x32xf32, #tpu.memory_space<hbm>> -> memref<20000x32xf32, #tpu.memory_space<hbm>>
      %dma_start3A_340 = tpu.memref_slice %arg11[%dma_start3A_329] : memref<6x!tpu.dma_semaphore, #tpu.memory_space<semaphore_mem>> -> memref<1x!tpu.dma_semaphore, #tpu.memory_space<semaphore_mem>>
      %dma_start3A_341 = tpu.memref_squeeze %dma_start3A_340 : memref<1x!tpu.dma_semaphore, #tpu.memory_space<semaphore_mem>> -> memref<!tpu.dma_semaphore, #tpu.memory_space<semaphore_mem>>
      tpu.enqueue_indirect_dma source(%dma_start3A_339 : memref<20000x32xf32, #tpu.memory_space<hbm>>) target(%dma_start3A_333 : memref<80x32xf32, #tpu.memory_space<vmem>>) offsets(%dma_start3A_336 : memref<80xi32, #tpu.memory_space<vmem>>) semaphore(%dma_start3A_341 : memref<!tpu.dma_semaphore, #tpu.memory_space<semaphore_mem>>)
      %dma_wait3A_342 = arith.constant 0 : i32
      %dma_wait3A_343 = arith.constant 5 : i32
      %dma_wait3A_344 = arith.constant 5 : i32
      %dma_wait3A_345 = arith.constant 0 : i32
      %dma_wait3A_346 = arith.constant 0 : i32
      %dma_wait3A_347 = tpu.memref_slice %arg9[%dma_wait3A_343, %dma_wait3A_345, %dma_wait3A_346] : memref<6x80x32xf32, #tpu.memory_space<vmem>> -> memref<1x80x32xf32, #tpu.memory_space<vmem>>
      %dma_wait3A_348 = tpu.memref_squeeze %dma_wait3A_347 : memref<1x80x32xf32, #tpu.memory_space<vmem>> -> memref<80x32xf32, #tpu.memory_space<vmem>>
      %dma_wait3A_349 = arith.constant 0 : i32
      %dma_wait3A_350 = tpu.memref_slice %arg7[%dma_wait3A_342, %dma_wait3A_349] : memref<12x80xi32, #tpu.memory_space<vmem>> -> memref<1x80xi32, #tpu.memory_space<vmem>>
      %dma_wait3A_351 = tpu.memref_squeeze %dma_wait3A_350 : memref<1x80xi32, #tpu.memory_space<vmem>> -> memref<80xi32, #tpu.memory_space<vmem>>
      %dma_wait3A_352 = arith.constant 0 : i32
      %dma_wait3A_353 = arith.constant 0 : i32
      %dma_wait3A_354 = tpu.memref_slice %arg4[%dma_wait3A_352, %dma_wait3A_353] : memref<20000x32xf32, #tpu.memory_space<hbm>> -> memref<20000x32xf32, #tpu.memory_space<hbm>>
      %dma_wait3A_355 = tpu.memref_slice %arg11[%dma_wait3A_344] : memref<6x!tpu.dma_semaphore, #tpu.memory_space<semaphore_mem>> -> memref<1x!tpu.dma_semaphore, #tpu.memory_space<semaphore_mem>>
      %dma_wait3A_356 = tpu.memref_squeeze %dma_wait3A_355 : memref<1x!tpu.dma_semaphore, #tpu.memory_space<semaphore_mem>> -> memref<!tpu.dma_semaphore, #tpu.memory_space<semaphore_mem>>
      tpu.wait_indirect_dma semaphore(%dma_wait3A_356 : memref<!tpu.dma_semaphore, #tpu.memory_space<semaphore_mem>>) src(%dma_wait3A_354 : memref<20000x32xf32, #tpu.memory_space<hbm>>) dst(%dma_wait3A_348 : memref<80x32xf32, #tpu.memory_space<vmem>>)
      %dma_start3A_357 = arith.constant 5 : i32
      %dma_start3A_358 = arith.constant 5 : i32
      %dma_start3A_359 = arith.constant 5 : i32
      %dma_start3A_360 = arith.constant 0 : i32
      %dma_start3A_361 = arith.constant 0 : i32
      %dma_start3A_362 = tpu.memref_slice %arg9[%dma_start3A_357, %dma_start3A_360, %dma_start3A_361] : memref<6x80x32xf32, #tpu.memory_space<vmem>> -> memref<1x80x32xf32, #tpu.memory_space<vmem>>
      %dma_start3A_363 = tpu.memref_squeeze %dma_start3A_362 : memref<1x80x32xf32, #tpu.memory_space<vmem>> -> memref<80x32xf32, #tpu.memory_space<vmem>>
      %dma_start3A_364 = arith.constant 0 : i32
      %dma_start3A_365 = tpu.memref_slice %arg8[%dma_start3A_358, %dma_start3A_364] : memref<12x80xi32, #tpu.memory_space<vmem>> -> memref<1x80xi32, #tpu.memory_space<vmem>>
      %dma_start3A_366 = tpu.memref_squeeze %dma_start3A_365 : memref<1x80xi32, #tpu.memory_space<vmem>> -> memref<80xi32, #tpu.memory_space<vmem>>
      %dma_start3A_367 = arith.constant 0 : i32
      %dma_start3A_368 = arith.constant 0 : i32
      %dma_start3A_369 = tpu.memref_slice %arg10[%dma_start3A_367, %dma_start3A_368] : memref<10112x32xf32, #tpu.memory_space<vmem_shared>> -> memref<10112x32xf32, #tpu.memory_space<vmem_shared>>
      %dma_start3A_370 = tpu.memref_slice %arg12[%dma_start3A_359] : memref<6x!tpu.dma_semaphore, #tpu.memory_space<semaphore_mem>> -> memref<1x!tpu.dma_semaphore, #tpu.memory_space<semaphore_mem>>
      %dma_start3A_371 = tpu.memref_squeeze %dma_start3A_370 : memref<1x!tpu.dma_semaphore, #tpu.memory_space<semaphore_mem>> -> memref<!tpu.dma_semaphore, #tpu.memory_space<semaphore_mem>>
      tpu.enqueue_indirect_dma source(%dma_start3A_363 : memref<80x32xf32, #tpu.memory_space<vmem>>) target(%dma_start3A_369 : memref<10112x32xf32, #tpu.memory_space<vmem_shared>>) offsets(%dma_start3A_366 : memref<80xi32, #tpu.memory_space<vmem>>) semaphore(%dma_start3A_371 : memref<!tpu.dma_semaphore, #tpu.memory_space<semaphore_mem>>) {add = true}
      %dma_wait3A_372 = arith.constant 3 : i32
      %dma_wait3A_373 = arith.constant 0 : i32
      %dma_wait3A_374 = arith.constant 3 : i32
      %dma_wait3A_375 = arith.constant 0 : i32
      %dma_wait3A_376 = arith.constant 0 : i32
      %dma_wait3A_377 = tpu.memref_slice %arg9[%dma_wait3A_372, %dma_wait3A_375, %dma_wait3A_376] : memref<6x80x32xf32, #tpu.memory_space<vmem>> -> memref<1x80x32xf32, #tpu.memory_space<vmem>>
      %dma_wait3A_378 = tpu.memref_squeeze %dma_wait3A_377 : memref<1x80x32xf32, #tpu.memory_space<vmem>> -> memref<80x32xf32, #tpu.memory_space<vmem>>
      %dma_wait3A_379 = arith.constant 0 : i32
      %dma_wait3A_380 = tpu.memref_slice %arg8[%dma_wait3A_373, %dma_wait3A_379] : memref<12x80xi32, #tpu.memory_space<vmem>> -> memref<1x80xi32, #tpu.memory_space<vmem>>
      %dma_wait3A_381 = tpu.memref_squeeze %dma_wait3A_380 : memref<1x80xi32, #tpu.memory_space<vmem>> -> memref<80xi32, #tpu.memory_space<vmem>>
      %dma_wait3A_382 = arith.constant 0 : i32
      %dma_wait3A_383 = arith.constant 0 : i32
      %dma_wait3A_384 = tpu.memref_slice %arg10[%dma_wait3A_382, %dma_wait3A_383] : memref<10112x32xf32, #tpu.memory_space<vmem_shared>> -> memref<10112x32xf32, #tpu.memory_space<vmem_shared>>
      %dma_wait3A_385 = tpu.memref_slice %arg12[%dma_wait3A_374] : memref<6x!tpu.dma_semaphore, #tpu.memory_space<semaphore_mem>> -> memref<1x!tpu.dma_semaphore, #tpu.memory_space<semaphore_mem>>
      %dma_wait3A_386 = tpu.memref_squeeze %dma_wait3A_385 : memref<1x!tpu.dma_semaphore, #tpu.memory_space<semaphore_mem>> -> memref<!tpu.dma_semaphore, #tpu.memory_space<semaphore_mem>>
      tpu.wait_indirect_dma semaphore(%dma_wait3A_386 : memref<!tpu.dma_semaphore, #tpu.memory_space<semaphore_mem>>) src(%dma_wait3A_378 : memref<80x32xf32, #tpu.memory_space<vmem>>) dst(%dma_wait3A_384 : memref<10112x32xf32, #tpu.memory_space<vmem_shared>>)
      %dma_start3A_387 = arith.constant 9 : i32
      %dma_start3A_388 = arith.constant 3 : i32
      %dma_start3A_389 = arith.constant 3 : i32
      %dma_start3A_390 = arith.constant 0 : i32
      %dma_start3A_391 = arith.constant 0 : i32
      %dma_start3A_392 = tpu.memref_slice %arg9[%dma_start3A_388, %dma_start3A_390, %dma_start3A_391] : memref<6x80x32xf32, #tpu.memory_space<vmem>> -> memref<1x80x32xf32, #tpu.memory_space<vmem>>
      %dma_start3A_393 = tpu.memref_squeeze %dma_start3A_392 : memref<1x80x32xf32, #tpu.memory_space<vmem>> -> memref<80x32xf32, #tpu.memory_space<vmem>>
      %dma_start3A_394 = arith.constant 0 : i32
      %dma_start3A_395 = tpu.memref_slice %arg7[%dma_start3A_387, %dma_start3A_394] : memref<12x80xi32, #tpu.memory_space<vmem>> -> memref<1x80xi32, #tpu.memory_space<vmem>>
      %dma_start3A_396 = tpu.memref_squeeze %dma_start3A_395 : memref<1x80xi32, #tpu.memory_space<vmem>> -> memref<80xi32, #tpu.memory_space<vmem>>
      %dma_start3A_397 = arith.constant 0 : i32
      %dma_start3A_398 = arith.constant 0 : i32
      %dma_start3A_399 = tpu.memref_slice %arg4[%dma_start3A_397, %dma_start3A_398] : memref<20000x32xf32, #tpu.memory_space<hbm>> -> memref<20000x32xf32, #tpu.memory_space<hbm>>
      %dma_start3A_400 = tpu.memref_slice %arg11[%dma_start3A_389] : memref<6x!tpu.dma_semaphore, #tpu.memory_space<semaphore_mem>> -> memref<1x!tpu.dma_semaphore, #tpu.memory_space<semaphore_mem>>
      %dma_start3A_401 = tpu.memref_squeeze %dma_start3A_400 : memref<1x!tpu.dma_semaphore, #tpu.memory_space<semaphore_mem>> -> memref<!tpu.dma_semaphore, #tpu.memory_space<semaphore_mem>>
      tpu.enqueue_indirect_dma source(%dma_start3A_399 : memref<20000x32xf32, #tpu.memory_space<hbm>>) target(%dma_start3A_393 : memref<80x32xf32, #tpu.memory_space<vmem>>) offsets(%dma_start3A_396 : memref<80xi32, #tpu.memory_space<vmem>>) semaphore(%dma_start3A_401 : memref<!tpu.dma_semaphore, #tpu.memory_space<semaphore_mem>>)
      %dma_wait3A_402 = arith.constant 0 : i32
      %dma_wait3A_403 = arith.constant 0 : i32
      %dma_wait3A_404 = arith.constant 0 : i32
      %dma_wait3A_405 = arith.constant 0 : i32
      %dma_wait3A_406 = arith.constant 0 : i32
      %dma_wait3A_407 = tpu.memref_slice %arg9[%dma_wait3A_403, %dma_wait3A_405, %dma_wait3A_406] : memref<6x80x32xf32, #tpu.memory_space<vmem>> -> memref<1x80x32xf32, #tpu.memory_space<vmem>>
      %dma_wait3A_408 = tpu.memref_squeeze %dma_wait3A_407 : memref<1x80x32xf32, #tpu.memory_space<vmem>> -> memref<80x32xf32, #tpu.memory_space<vmem>>
      %dma_wait3A_409 = arith.constant 0 : i32
      %dma_wait3A_410 = tpu.memref_slice %arg7[%dma_wait3A_402, %dma_wait3A_409] : memref<12x80xi32, #tpu.memory_space<vmem>> -> memref<1x80xi32, #tpu.memory_space<vmem>>
      %dma_wait3A_411 = tpu.memref_squeeze %dma_wait3A_410 : memref<1x80xi32, #tpu.memory_space<vmem>> -> memref<80xi32, #tpu.memory_space<vmem>>
      %dma_wait3A_412 = arith.constant 0 : i32
      %dma_wait3A_413 = arith.constant 0 : i32
      %dma_wait3A_414 = tpu.memref_slice %arg4[%dma_wait3A_412, %dma_wait3A_413] : memref<20000x32xf32, #tpu.memory_space<hbm>> -> memref<20000x32xf32, #tpu.memory_space<hbm>>
      %dma_wait3A_415 = tpu.memref_slice %arg11[%dma_wait3A_404] : memref<6x!tpu.dma_semaphore, #tpu.memory_space<semaphore_mem>> -> memref<1x!tpu.dma_semaphore, #tpu.memory_space<semaphore_mem>>
      %dma_wait3A_416 = tpu.memref_squeeze %dma_wait3A_415 : memref<1x!tpu.dma_semaphore, #tpu.memory_space<semaphore_mem>> -> memref<!tpu.dma_semaphore, #tpu.memory_space<semaphore_mem>>
      tpu.wait_indirect_dma semaphore(%dma_wait3A_416 : memref<!tpu.dma_semaphore, #tpu.memory_space<semaphore_mem>>) src(%dma_wait3A_414 : memref<20000x32xf32, #tpu.memory_space<hbm>>) dst(%dma_wait3A_408 : memref<80x32xf32, #tpu.memory_space<vmem>>)
      %dma_start3A_417 = arith.constant 0 : i32
      %dma_start3A_418 = arith.constant 6 : i32
      %dma_start3A_419 = arith.constant 0 : i32
      %dma_start3A_420 = arith.constant 0 : i32
      %dma_start3A_421 = arith.constant 0 : i32
      %dma_start3A_422 = tpu.memref_slice %arg9[%dma_start3A_417, %dma_start3A_420, %dma_start3A_421] : memref<6x80x32xf32, #tpu.memory_space<vmem>> -> memref<1x80x32xf32, #tpu.memory_space<vmem>>
      %dma_start3A_423 = tpu.memref_squeeze %dma_start3A_422 : memref<1x80x32xf32, #tpu.memory_space<vmem>> -> memref<80x32xf32, #tpu.memory_space<vmem>>
      %dma_start3A_424 = arith.constant 0 : i32
      %dma_start3A_425 = tpu.memref_slice %arg8[%dma_start3A_418, %dma_start3A_424] : memref<12x80xi32, #tpu.memory_space<vmem>> -> memref<1x80xi32, #tpu.memory_space<vmem>>
      %dma_start3A_426 = tpu.memref_squeeze %dma_start3A_425 : memref<1x80xi32, #tpu.memory_space<vmem>> -> memref<80xi32, #tpu.memory_space<vmem>>
      %dma_start3A_427 = arith.constant 0 : i32
      %dma_start3A_428 = arith.constant 0 : i32
      %dma_start3A_429 = tpu.memref_slice %arg10[%dma_start3A_427, %dma_start3A_428] : memref<10112x32xf32, #tpu.memory_space<vmem_shared>> -> memref<10112x32xf32, #tpu.memory_space<vmem_shared>>
      %dma_start3A_430 = tpu.memref_slice %arg12[%dma_start3A_419] : memref<6x!tpu.dma_semaphore, #tpu.memory_space<semaphore_mem>> -> memref<1x!tpu.dma_semaphore, #tpu.memory_space<semaphore_mem>>
      %dma_start3A_431 = tpu.memref_squeeze %dma_start3A_430 : memref<1x!tpu.dma_semaphore, #tpu.memory_space<semaphore_mem>> -> memref<!tpu.dma_semaphore, #tpu.memory_space<semaphore_mem>>
      tpu.enqueue_indirect_dma source(%dma_start3A_423 : memref<80x32xf32, #tpu.memory_space<vmem>>) target(%dma_start3A_429 : memref<10112x32xf32, #tpu.memory_space<vmem_shared>>) offsets(%dma_start3A_426 : memref<80xi32, #tpu.memory_space<vmem>>) semaphore(%dma_start3A_431 : memref<!tpu.dma_semaphore, #tpu.memory_space<semaphore_mem>>) {add = true}
      %dma_wait3A_432 = arith.constant 4 : i32
      %dma_wait3A_433 = arith.constant 0 : i32
      %dma_wait3A_434 = arith.constant 4 : i32
      %dma_wait3A_435 = arith.constant 0 : i32
      %dma_wait3A_436 = arith.constant 0 : i32
      %dma_wait3A_437 = tpu.memref_slice %arg9[%dma_wait3A_432, %dma_wait3A_435, %dma_wait3A_436] : memref<6x80x32xf32, #tpu.memory_space<vmem>> -> memref<1x80x32xf32, #tpu.memory_space<vmem>>
      %dma_wait3A_438 = tpu.memref_squeeze %dma_wait3A_437 : memref<1x80x32xf32, #tpu.memory_space<vmem>> -> memref<80x32xf32, #tpu.memory_space<vmem>>
      %dma_wait3A_439 = arith.constant 0 : i32
      %dma_wait3A_440 = tpu.memref_slice %arg8[%dma_wait3A_433, %dma_wait3A_439] : memref<12x80xi32, #tpu.memory_space<vmem>> -> memref<1x80xi32, #tpu.memory_space<vmem>>
      %dma_wait3A_441 = tpu.memref_squeeze %dma_wait3A_440 : memref<1x80xi32, #tpu.memory_space<vmem>> -> memref<80xi32, #tpu.memory_space<vmem>>
      %dma_wait3A_442 = arith.constant 0 : i32
      %dma_wait3A_443 = arith.constant 0 : i32
      %dma_wait3A_444 = tpu.memref_slice %arg10[%dma_wait3A_442, %dma_wait3A_443] : memref<10112x32xf32, #tpu.memory_space<vmem_shared>> -> memref<10112x32xf32, #tpu.memory_space<vmem_shared>>
      %dma_wait3A_445 = tpu.memref_slice %arg12[%dma_wait3A_434] : memref<6x!tpu.dma_semaphore, #tpu.memory_space<semaphore_mem>> -> memref<1x!tpu.dma_semaphore, #tpu.memory_space<semaphore_mem>>
      %dma_wait3A_446 = tpu.memref_squeeze %dma_wait3A_445 : memref<1x!tpu.dma_semaphore, #tpu.memory_space<semaphore_mem>> -> memref<!tpu.dma_semaphore, #tpu.memory_space<semaphore_mem>>
      tpu.wait_indirect_dma semaphore(%dma_wait3A_446 : memref<!tpu.dma_semaphore, #tpu.memory_space<semaphore_mem>>) src(%dma_wait3A_438 : memref<80x32xf32, #tpu.memory_space<vmem>>) dst(%dma_wait3A_444 : memref<10112x32xf32, #tpu.memory_space<vmem_shared>>)
      %dma_start3A_447 = arith.constant 10 : i32
      %dma_start3A_448 = arith.constant 4 : i32
      %dma_start3A_449 = arith.constant 4 : i32
      %dma_start3A_450 = arith.constant 0 : i32
      %dma_start3A_451 = arith.constant 0 : i32
      %dma_start3A_452 = tpu.memref_slice %arg9[%dma_start3A_448, %dma_start3A_450, %dma_start3A_451] : memref<6x80x32xf32, #tpu.memory_space<vmem>> -> memref<1x80x32xf32, #tpu.memory_space<vmem>>
      %dma_start3A_453 = tpu.memref_squeeze %dma_start3A_452 : memref<1x80x32xf32, #tpu.memory_space<vmem>> -> memref<80x32xf32, #tpu.memory_space<vmem>>
      %dma_start3A_454 = arith.constant 0 : i32
      %dma_start3A_455 = tpu.memref_slice %arg7[%dma_start3A_447, %dma_start3A_454] : memref<12x80xi32, #tpu.memory_space<vmem>> -> memref<1x80xi32, #tpu.memory_space<vmem>>
      %dma_start3A_456 = tpu.memref_squeeze %dma_start3A_455 : memref<1x80xi32, #tpu.memory_space<vmem>> -> memref<80xi32, #tpu.memory_space<vmem>>
      %dma_start3A_457 = arith.constant 0 : i32
      %dma_start3A_458 = arith.constant 0 : i32
      %dma_start3A_459 = tpu.memref_slice %arg4[%dma_start3A_457, %dma_start3A_458] : memref<20000x32xf32, #tpu.memory_space<hbm>> -> memref<20000x32xf32, #tpu.memory_space<hbm>>
      %dma_start3A_460 = tpu.memref_slice %arg11[%dma_start3A_449] : memref<6x!tpu.dma_semaphore, #tpu.memory_space<semaphore_mem>> -> memref<1x!tpu.dma_semaphore, #tpu.memory_space<semaphore_mem>>
      %dma_start3A_461 = tpu.memref_squeeze %dma_start3A_460 : memref<1x!tpu.dma_semaphore, #tpu.memory_space<semaphore_mem>> -> memref<!tpu.dma_semaphore, #tpu.memory_space<semaphore_mem>>
      tpu.enqueue_indirect_dma source(%dma_start3A_459 : memref<20000x32xf32, #tpu.memory_space<hbm>>) target(%dma_start3A_453 : memref<80x32xf32, #tpu.memory_space<vmem>>) offsets(%dma_start3A_456 : memref<80xi32, #tpu.memory_space<vmem>>) semaphore(%dma_start3A_461 : memref<!tpu.dma_semaphore, #tpu.memory_space<semaphore_mem>>)
      %dma_wait3A_462 = arith.constant 0 : i32
      %dma_wait3A_463 = arith.constant 1 : i32
      %dma_wait3A_464 = arith.constant 1 : i32
      %dma_wait3A_465 = arith.constant 0 : i32
      %dma_wait3A_466 = arith.constant 0 : i32
      %dma_wait3A_467 = tpu.memref_slice %arg9[%dma_wait3A_463, %dma_wait3A_465, %dma_wait3A_466] : memref<6x80x32xf32, #tpu.memory_space<vmem>> -> memref<1x80x32xf32, #tpu.memory_space<vmem>>
      %dma_wait3A_468 = tpu.memref_squeeze %dma_wait3A_467 : memref<1x80x32xf32, #tpu.memory_space<vmem>> -> memref<80x32xf32, #tpu.memory_space<vmem>>
      %dma_wait3A_469 = arith.constant 0 : i32
      %dma_wait3A_470 = tpu.memref_slice %arg7[%dma_wait3A_462, %dma_wait3A_469] : memref<12x80xi32, #tpu.memory_space<vmem>> -> memref<1x80xi32, #tpu.memory_space<vmem>>
      %dma_wait3A_471 = tpu.memref_squeeze %dma_wait3A_470 : memref<1x80xi32, #tpu.memory_space<vmem>> -> memref<80xi32, #tpu.memory_space<vmem>>
      %dma_wait3A_472 = arith.constant 0 : i32
      %dma_wait3A_473 = arith.constant 0 : i32
      %dma_wait3A_474 = tpu.memref_slice %arg4[%dma_wait3A_472, %dma_wait3A_473] : memref<20000x32xf32, #tpu.memory_space<hbm>> -> memref<20000x32xf32, #tpu.memory_space<hbm>>
      %dma_wait3A_475 = tpu.memref_slice %arg11[%dma_wait3A_464] : memref<6x!tpu.dma_semaphore, #tpu.memory_space<semaphore_mem>> -> memref<1x!tpu.dma_semaphore, #tpu.memory_space<semaphore_mem>>
      %dma_wait3A_476 = tpu.memref_squeeze %dma_wait3A_475 : memref<1x!tpu.dma_semaphore, #tpu.memory_space<semaphore_mem>> -> memref<!tpu.dma_semaphore, #tpu.memory_space<semaphore_mem>>
      tpu.wait_indirect_dma semaphore(%dma_wait3A_476 : memref<!tpu.dma_semaphore, #tpu.memory_space<semaphore_mem>>) src(%dma_wait3A_474 : memref<20000x32xf32, #tpu.memory_space<hbm>>) dst(%dma_wait3A_468 : memref<80x32xf32, #tpu.memory_space<vmem>>)
      %dma_start3A_477 = arith.constant 1 : i32
      %dma_start3A_478 = arith.constant 7 : i32
      %dma_start3A_479 = arith.constant 1 : i32
      %dma_start3A_480 = arith.constant 0 : i32
      %dma_start3A_481 = arith.constant 0 : i32
      %dma_start3A_482 = tpu.memref_slice %arg9[%dma_start3A_477, %dma_start3A_480, %dma_start3A_481] : memref<6x80x32xf32, #tpu.memory_space<vmem>> -> memref<1x80x32xf32, #tpu.memory_space<vmem>>
      %dma_start3A_483 = tpu.memref_squeeze %dma_start3A_482 : memref<1x80x32xf32, #tpu.memory_space<vmem>> -> memref<80x32xf32, #tpu.memory_space<vmem>>
      %dma_start3A_484 = arith.constant 0 : i32
      %dma_start3A_485 = tpu.memref_slice %arg8[%dma_start3A_478, %dma_start3A_484] : memref<12x80xi32, #tpu.memory_space<vmem>> -> memref<1x80xi32, #tpu.memory_space<vmem>>
      %dma_start3A_486 = tpu.memref_squeeze %dma_start3A_485 : memref<1x80xi32, #tpu.memory_space<vmem>> -> memref<80xi32, #tpu.memory_space<vmem>>
      %dma_start3A_487 = arith.constant 0 : i32
      %dma_start3A_488 = arith.constant 0 : i32
      %dma_start3A_489 = tpu.memref_slice %arg10[%dma_start3A_487, %dma_start3A_488] : memref<10112x32xf32, #tpu.memory_space<vmem_shared>> -> memref<10112x32xf32, #tpu.memory_space<vmem_shared>>
      %dma_start3A_490 = tpu.memref_slice %arg12[%dma_start3A_479] : memref<6x!tpu.dma_semaphore, #tpu.memory_space<semaphore_mem>> -> memref<1x!tpu.dma_semaphore, #tpu.memory_space<semaphore_mem>>
      %dma_start3A_491 = tpu.memref_squeeze %dma_start3A_490 : memref<1x!tpu.dma_semaphore, #tpu.memory_space<semaphore_mem>> -> memref<!tpu.dma_semaphore, #tpu.memory_space<semaphore_mem>>
      tpu.enqueue_indirect_dma source(%dma_start3A_483 : memref<80x32xf32, #tpu.memory_space<vmem>>) target(%dma_start3A_489 : memref<10112x32xf32, #tpu.memory_space<vmem_shared>>) offsets(%dma_start3A_486 : memref<80xi32, #tpu.memory_space<vmem>>) semaphore(%dma_start3A_491 : memref<!tpu.dma_semaphore, #tpu.memory_space<semaphore_mem>>) {add = true}
      %dma_wait3A_492 = arith.constant 5 : i32
      %dma_wait3A_493 = arith.constant 0 : i32
      %dma_wait3A_494 = arith.constant 5 : i32
      %dma_wait3A_495 = arith.constant 0 : i32
      %dma_wait3A_496 = arith.constant 0 : i32
      %dma_wait3A_497 = tpu.memref_slice %arg9[%dma_wait3A_492, %dma_wait3A_495, %dma_wait3A_496] : memref<6x80x32xf32, #tpu.memory_space<vmem>> -> memref<1x80x32xf32, #tpu.memory_space<vmem>>
      %dma_wait3A_498 = tpu.memref_squeeze %dma_wait3A_497 : memref<1x80x32xf32, #tpu.memory_space<vmem>> -> memref<80x32xf32, #tpu.memory_space<vmem>>
      %dma_wait3A_499 = arith.constant 0 : i32
      %dma_wait3A_500 = tpu.memref_slice %arg8[%dma_wait3A_493, %dma_wait3A_499] : memref<12x80xi32, #tpu.memory_space<vmem>> -> memref<1x80xi32, #tpu.memory_space<vmem>>
      %dma_wait3A_501 = tpu.memref_squeeze %dma_wait3A_500 : memref<1x80xi32, #tpu.memory_space<vmem>> -> memref<80xi32, #tpu.memory_space<vmem>>
      %dma_wait3A_502 = arith.constant 0 : i32
      %dma_wait3A_503 = arith.constant 0 : i32
      %dma_wait3A_504 = tpu.memref_slice %arg10[%dma_wait3A_502, %dma_wait3A_503] : memref<10112x32xf32, #tpu.memory_space<vmem_shared>> -> memref<10112x32xf32, #tpu.memory_space<vmem_shared>>
      %dma_wait3A_505 = tpu.memref_slice %arg12[%dma_wait3A_494] : memref<6x!tpu.dma_semaphore, #tpu.memory_space<semaphore_mem>> -> memref<1x!tpu.dma_semaphore, #tpu.memory_space<semaphore_mem>>
      %dma_wait3A_506 = tpu.memref_squeeze %dma_wait3A_505 : memref<1x!tpu.dma_semaphore, #tpu.memory_space<semaphore_mem>> -> memref<!tpu.dma_semaphore, #tpu.memory_space<semaphore_mem>>
      tpu.wait_indirect_dma semaphore(%dma_wait3A_506 : memref<!tpu.dma_semaphore, #tpu.memory_space<semaphore_mem>>) src(%dma_wait3A_498 : memref<80x32xf32, #tpu.memory_space<vmem>>) dst(%dma_wait3A_504 : memref<10112x32xf32, #tpu.memory_space<vmem_shared>>)
      %dma_start3A_507 = arith.constant 11 : i32
      %dma_start3A_508 = arith.constant 5 : i32
      %dma_start3A_509 = arith.constant 5 : i32
      %dma_start3A_510 = arith.constant 0 : i32
      %dma_start3A_511 = arith.constant 0 : i32
      %dma_start3A_512 = tpu.memref_slice %arg9[%dma_start3A_508, %dma_start3A_510, %dma_start3A_511] : memref<6x80x32xf32, #tpu.memory_space<vmem>> -> memref<1x80x32xf32, #tpu.memory_space<vmem>>
      %dma_start3A_513 = tpu.memref_squeeze %dma_start3A_512 : memref<1x80x32xf32, #tpu.memory_space<vmem>> -> memref<80x32xf32, #tpu.memory_space<vmem>>
      %dma_start3A_514 = arith.constant 0 : i32
      %dma_start3A_515 = tpu.memref_slice %arg7[%dma_start3A_507, %dma_start3A_514] : memref<12x80xi32, #tpu.memory_space<vmem>> -> memref<1x80xi32, #tpu.memory_space<vmem>>
      %dma_start3A_516 = tpu.memref_squeeze %dma_start3A_515 : memref<1x80xi32, #tpu.memory_space<vmem>> -> memref<80xi32, #tpu.memory_space<vmem>>
      %dma_start3A_517 = arith.constant 0 : i32
      %dma_start3A_518 = arith.constant 0 : i32
      %dma_start3A_519 = tpu.memref_slice %arg4[%dma_start3A_517, %dma_start3A_518] : memref<20000x32xf32, #tpu.memory_space<hbm>> -> memref<20000x32xf32, #tpu.memory_space<hbm>>
      %dma_start3A_520 = tpu.memref_slice %arg11[%dma_start3A_509] : memref<6x!tpu.dma_semaphore, #tpu.memory_space<semaphore_mem>> -> memref<1x!tpu.dma_semaphore, #tpu.memory_space<semaphore_mem>>
      %dma_start3A_521 = tpu.memref_squeeze %dma_start3A_520 : memref<1x!tpu.dma_semaphore, #tpu.memory_space<semaphore_mem>> -> memref<!tpu.dma_semaphore, #tpu.memory_space<semaphore_mem>>
      tpu.enqueue_indirect_dma source(%dma_start3A_519 : memref<20000x32xf32, #tpu.memory_space<hbm>>) target(%dma_start3A_513 : memref<80x32xf32, #tpu.memory_space<vmem>>) offsets(%dma_start3A_516 : memref<80xi32, #tpu.memory_space<vmem>>) semaphore(%dma_start3A_521 : memref<!tpu.dma_semaphore, #tpu.memory_space<semaphore_mem>>)
      %dma_wait3A_522 = arith.constant 0 : i32
      %dma_wait3A_523 = arith.constant 2 : i32
      %dma_wait3A_524 = arith.constant 2 : i32
      %dma_wait3A_525 = arith.constant 0 : i32
      %dma_wait3A_526 = arith.constant 0 : i32
      %dma_wait3A_527 = tpu.memref_slice %arg9[%dma_wait3A_523, %dma_wait3A_525, %dma_wait3A_526] : memref<6x80x32xf32, #tpu.memory_space<vmem>> -> memref<1x80x32xf32, #tpu.memory_space<vmem>>
      %dma_wait3A_528 = tpu.memref_squeeze %dma_wait3A_527 : memref<1x80x32xf32, #tpu.memory_space<vmem>> -> memref<80x32xf32, #tpu.memory_space<vmem>>
      %dma_wait3A_529 = arith.constant 0 : i32
      %dma_wait3A_530 = tpu.memref_slice %arg7[%dma_wait3A_522, %dma_wait3A_529] : memref<12x80xi32, #tpu.memory_space<vmem>> -> memref<1x80xi32, #tpu.memory_space<vmem>>
      %dma_wait3A_531 = tpu.memref_squeeze %dma_wait3A_530 : memref<1x80xi32, #tpu.memory_space<vmem>> -> memref<80xi32, #tpu.memory_space<vmem>>
      %dma_wait3A_532 = arith.constant 0 : i32
      %dma_wait3A_533 = arith.constant 0 : i32
      %dma_wait3A_534 = tpu.memref_slice %arg4[%dma_wait3A_532, %dma_wait3A_533] : memref<20000x32xf32, #tpu.memory_space<hbm>> -> memref<20000x32xf32, #tpu.memory_space<hbm>>
      %dma_wait3A_535 = tpu.memref_slice %arg11[%dma_wait3A_524] : memref<6x!tpu.dma_semaphore, #tpu.memory_space<semaphore_mem>> -> memref<1x!tpu.dma_semaphore, #tpu.memory_space<semaphore_mem>>
      %dma_wait3A_536 = tpu.memref_squeeze %dma_wait3A_535 : memref<1x!tpu.dma_semaphore, #tpu.memory_space<semaphore_mem>> -> memref<!tpu.dma_semaphore, #tpu.memory_space<semaphore_mem>>
      tpu.wait_indirect_dma semaphore(%dma_wait3A_536 : memref<!tpu.dma_semaphore, #tpu.memory_space<semaphore_mem>>) src(%dma_wait3A_534 : memref<20000x32xf32, #tpu.memory_space<hbm>>) dst(%dma_wait3A_528 : memref<80x32xf32, #tpu.memory_space<vmem>>)
      %dma_start3A_537 = arith.constant 2 : i32
      %dma_start3A_538 = arith.constant 8 : i32
      %dma_start3A_539 = arith.constant 2 : i32
      %dma_start3A_540 = arith.constant 0 : i32
      %dma_start3A_541 = arith.constant 0 : i32
      %dma_start3A_542 = tpu.memref_slice %arg9[%dma_start3A_537, %dma_start3A_540, %dma_start3A_541] : memref<6x80x32xf32, #tpu.memory_space<vmem>> -> memref<1x80x32xf32, #tpu.memory_space<vmem>>
      %dma_start3A_543 = tpu.memref_squeeze %dma_start3A_542 : memref<1x80x32xf32, #tpu.memory_space<vmem>> -> memref<80x32xf32, #tpu.memory_space<vmem>>
      %dma_start3A_544 = arith.constant 0 : i32
      %dma_start3A_545 = tpu.memref_slice %arg8[%dma_start3A_538, %dma_start3A_544] : memref<12x80xi32, #tpu.memory_space<vmem>> -> memref<1x80xi32, #tpu.memory_space<vmem>>
      %dma_start3A_546 = tpu.memref_squeeze %dma_start3A_545 : memref<1x80xi32, #tpu.memory_space<vmem>> -> memref<80xi32, #tpu.memory_space<vmem>>
      %dma_start3A_547 = arith.constant 0 : i32
      %dma_start3A_548 = arith.constant 0 : i32
      %dma_start3A_549 = tpu.memref_slice %arg10[%dma_start3A_547, %dma_start3A_548] : memref<10112x32xf32, #tpu.memory_space<vmem_shared>> -> memref<10112x32xf32, #tpu.memory_space<vmem_shared>>
      %dma_start3A_550 = tpu.memref_slice %arg12[%dma_start3A_539] : memref<6x!tpu.dma_semaphore, #tpu.memory_space<semaphore_mem>> -> memref<1x!tpu.dma_semaphore, #tpu.memory_space<semaphore_mem>>
      %dma_start3A_551 = tpu.memref_squeeze %dma_start3A_550 : memref<1x!tpu.dma_semaphore, #tpu.memory_space<semaphore_mem>> -> memref<!tpu.dma_semaphore, #tpu.memory_space<semaphore_mem>>
      tpu.enqueue_indirect_dma source(%dma_start3A_543 : memref<80x32xf32, #tpu.memory_space<vmem>>) target(%dma_start3A_549 : memref<10112x32xf32, #tpu.memory_space<vmem_shared>>) offsets(%dma_start3A_546 : memref<80xi32, #tpu.memory_space<vmem>>) semaphore(%dma_start3A_551 : memref<!tpu.dma_semaphore, #tpu.memory_space<semaphore_mem>>) {add = true}
      %dma_wait3A_552 = arith.constant 0 : i32
      %dma_wait3A_553 = arith.constant 3 : i32
      %dma_wait3A_554 = arith.constant 3 : i32
      %dma_wait3A_555 = arith.constant 0 : i32
      %dma_wait3A_556 = arith.constant 0 : i32
      %dma_wait3A_557 = tpu.memref_slice %arg9[%dma_wait3A_553, %dma_wait3A_555, %dma_wait3A_556] : memref<6x80x32xf32, #tpu.memory_space<vmem>> -> memref<1x80x32xf32, #tpu.memory_space<vmem>>
      %dma_wait3A_558 = tpu.memref_squeeze %dma_wait3A_557 : memref<1x80x32xf32, #tpu.memory_space<vmem>> -> memref<80x32xf32, #tpu.memory_space<vmem>>
      %dma_wait3A_559 = arith.constant 0 : i32
      %dma_wait3A_560 = tpu.memref_slice %arg7[%dma_wait3A_552, %dma_wait3A_559] : memref<12x80xi32, #tpu.memory_space<vmem>> -> memref<1x80xi32, #tpu.memory_space<vmem>>
      %dma_wait3A_561 = tpu.memref_squeeze %dma_wait3A_560 : memref<1x80xi32, #tpu.memory_space<vmem>> -> memref<80xi32, #tpu.memory_space<vmem>>
      %dma_wait3A_562 = arith.constant 0 : i32
      %dma_wait3A_563 = arith.constant 0 : i32
      %dma_wait3A_564 = tpu.memref_slice %arg4[%dma_wait3A_562, %dma_wait3A_563] : memref<20000x32xf32, #tpu.memory_space<hbm>> -> memref<20000x32xf32, #tpu.memory_space<hbm>>
      %dma_wait3A_565 = tpu.memref_slice %arg11[%dma_wait3A_554] : memref<6x!tpu.dma_semaphore, #tpu.memory_space<semaphore_mem>> -> memref<1x!tpu.dma_semaphore, #tpu.memory_space<semaphore_mem>>
      %dma_wait3A_566 = tpu.memref_squeeze %dma_wait3A_565 : memref<1x!tpu.dma_semaphore, #tpu.memory_space<semaphore_mem>> -> memref<!tpu.dma_semaphore, #tpu.memory_space<semaphore_mem>>
      tpu.wait_indirect_dma semaphore(%dma_wait3A_566 : memref<!tpu.dma_semaphore, #tpu.memory_space<semaphore_mem>>) src(%dma_wait3A_564 : memref<20000x32xf32, #tpu.memory_space<hbm>>) dst(%dma_wait3A_558 : memref<80x32xf32, #tpu.memory_space<vmem>>)
      %dma_start3A_567 = arith.constant 3 : i32
      %dma_start3A_568 = arith.constant 9 : i32
      %dma_start3A_569 = arith.constant 3 : i32
      %dma_start3A_570 = arith.constant 0 : i32
      %dma_start3A_571 = arith.constant 0 : i32
      %dma_start3A_572 = tpu.memref_slice %arg9[%dma_start3A_567, %dma_start3A_570, %dma_start3A_571] : memref<6x80x32xf32, #tpu.memory_space<vmem>> -> memref<1x80x32xf32, #tpu.memory_space<vmem>>
      %dma_start3A_573 = tpu.memref_squeeze %dma_start3A_572 : memref<1x80x32xf32, #tpu.memory_space<vmem>> -> memref<80x32xf32, #tpu.memory_space<vmem>>
      %dma_start3A_574 = arith.constant 0 : i32
      %dma_start3A_575 = tpu.memref_slice %arg8[%dma_start3A_568, %dma_start3A_574] : memref<12x80xi32, #tpu.memory_space<vmem>> -> memref<1x80xi32, #tpu.memory_space<vmem>>
      %dma_start3A_576 = tpu.memref_squeeze %dma_start3A_575 : memref<1x80xi32, #tpu.memory_space<vmem>> -> memref<80xi32, #tpu.memory_space<vmem>>
      %dma_start3A_577 = arith.constant 0 : i32
      %dma_start3A_578 = arith.constant 0 : i32
      %dma_start3A_579 = tpu.memref_slice %arg10[%dma_start3A_577, %dma_start3A_578] : memref<10112x32xf32, #tpu.memory_space<vmem_shared>> -> memref<10112x32xf32, #tpu.memory_space<vmem_shared>>
      %dma_start3A_580 = tpu.memref_slice %arg12[%dma_start3A_569] : memref<6x!tpu.dma_semaphore, #tpu.memory_space<semaphore_mem>> -> memref<1x!tpu.dma_semaphore, #tpu.memory_space<semaphore_mem>>
      %dma_start3A_581 = tpu.memref_squeeze %dma_start3A_580 : memref<1x!tpu.dma_semaphore, #tpu.memory_space<semaphore_mem>> -> memref<!tpu.dma_semaphore, #tpu.memory_space<semaphore_mem>>
      tpu.enqueue_indirect_dma source(%dma_start3A_573 : memref<80x32xf32, #tpu.memory_space<vmem>>) target(%dma_start3A_579 : memref<10112x32xf32, #tpu.memory_space<vmem_shared>>) offsets(%dma_start3A_576 : memref<80xi32, #tpu.memory_space<vmem>>) semaphore(%dma_start3A_581 : memref<!tpu.dma_semaphore, #tpu.memory_space<semaphore_mem>>) {add = true}
      %dma_wait3A_582 = arith.constant 0 : i32
      %dma_wait3A_583 = arith.constant 4 : i32
      %dma_wait3A_584 = arith.constant 4 : i32
      %dma_wait3A_585 = arith.constant 0 : i32
      %dma_wait3A_586 = arith.constant 0 : i32
      %dma_wait3A_587 = tpu.memref_slice %arg9[%dma_wait3A_583, %dma_wait3A_585, %dma_wait3A_586] : memref<6x80x32xf32, #tpu.memory_space<vmem>> -> memref<1x80x32xf32, #tpu.memory_space<vmem>>
      %dma_wait3A_588 = tpu.memref_squeeze %dma_wait3A_587 : memref<1x80x32xf32, #tpu.memory_space<vmem>> -> memref<80x32xf32, #tpu.memory_space<vmem>>
      %dma_wait3A_589 = arith.constant 0 : i32
      %dma_wait3A_590 = tpu.memref_slice %arg7[%dma_wait3A_582, %dma_wait3A_589] : memref<12x80xi32, #tpu.memory_space<vmem>> -> memref<1x80xi32, #tpu.memory_space<vmem>>
      %dma_wait3A_591 = tpu.memref_squeeze %dma_wait3A_590 : memref<1x80xi32, #tpu.memory_space<vmem>> -> memref<80xi32, #tpu.memory_space<vmem>>
      %dma_wait3A_592 = arith.constant 0 : i32
      %dma_wait3A_593 = arith.constant 0 : i32
      %dma_wait3A_594 = tpu.memref_slice %arg4[%dma_wait3A_592, %dma_wait3A_593] : memref<20000x32xf32, #tpu.memory_space<hbm>> -> memref<20000x32xf32, #tpu.memory_space<hbm>>
      %dma_wait3A_595 = tpu.memref_slice %arg11[%dma_wait3A_584] : memref<6x!tpu.dma_semaphore, #tpu.memory_space<semaphore_mem>> -> memref<1x!tpu.dma_semaphore, #tpu.memory_space<semaphore_mem>>
      %dma_wait3A_596 = tpu.memref_squeeze %dma_wait3A_595 : memref<1x!tpu.dma_semaphore, #tpu.memory_space<semaphore_mem>> -> memref<!tpu.dma_semaphore, #tpu.memory_space<semaphore_mem>>
      tpu.wait_indirect_dma semaphore(%dma_wait3A_596 : memref<!tpu.dma_semaphore, #tpu.memory_space<semaphore_mem>>) src(%dma_wait3A_594 : memref<20000x32xf32, #tpu.memory_space<hbm>>) dst(%dma_wait3A_588 : memref<80x32xf32, #tpu.memory_space<vmem>>)
      %dma_start3A_597 = arith.constant 4 : i32
      %dma_start3A_598 = arith.constant 10 : i32
      %dma_start3A_599 = arith.constant 4 : i32
      %dma_start3A_600 = arith.constant 0 : i32
      %dma_start3A_601 = arith.constant 0 : i32
      %dma_start3A_602 = tpu.memref_slice %arg9[%dma_start3A_597, %dma_start3A_600, %dma_start3A_601] : memref<6x80x32xf32, #tpu.memory_space<vmem>> -> memref<1x80x32xf32, #tpu.memory_space<vmem>>
      %dma_start3A_603 = tpu.memref_squeeze %dma_start3A_602 : memref<1x80x32xf32, #tpu.memory_space<vmem>> -> memref<80x32xf32, #tpu.memory_space<vmem>>
      %dma_start3A_604 = arith.constant 0 : i32
      %dma_start3A_605 = tpu.memref_slice %arg8[%dma_start3A_598, %dma_start3A_604] : memref<12x80xi32, #tpu.memory_space<vmem>> -> memref<1x80xi32, #tpu.memory_space<vmem>>
      %dma_start3A_606 = tpu.memref_squeeze %dma_start3A_605 : memref<1x80xi32, #tpu.memory_space<vmem>> -> memref<80xi32, #tpu.memory_space<vmem>>
      %dma_start3A_607 = arith.constant 0 : i32
      %dma_start3A_608 = arith.constant 0 : i32
      %dma_start3A_609 = tpu.memref_slice %arg10[%dma_start3A_607, %dma_start3A_608] : memref<10112x32xf32, #tpu.memory_space<vmem_shared>> -> memref<10112x32xf32, #tpu.memory_space<vmem_shared>>
      %dma_start3A_610 = tpu.memref_slice %arg12[%dma_start3A_599] : memref<6x!tpu.dma_semaphore, #tpu.memory_space<semaphore_mem>> -> memref<1x!tpu.dma_semaphore, #tpu.memory_space<semaphore_mem>>
      %dma_start3A_611 = tpu.memref_squeeze %dma_start3A_610 : memref<1x!tpu.dma_semaphore, #tpu.memory_space<semaphore_mem>> -> memref<!tpu.dma_semaphore, #tpu.memory_space<semaphore_mem>>
      tpu.enqueue_indirect_dma source(%dma_start3A_603 : memref<80x32xf32, #tpu.memory_space<vmem>>) target(%dma_start3A_609 : memref<10112x32xf32, #tpu.memory_space<vmem_shared>>) offsets(%dma_start3A_606 : memref<80xi32, #tpu.memory_space<vmem>>) semaphore(%dma_start3A_611 : memref<!tpu.dma_semaphore, #tpu.memory_space<semaphore_mem>>) {add = true}
      %dma_wait3A_612 = arith.constant 0 : i32
      %dma_wait3A_613 = arith.constant 5 : i32
      %dma_wait3A_614 = arith.constant 5 : i32
      %dma_wait3A_615 = arith.constant 0 : i32
      %dma_wait3A_616 = arith.constant 0 : i32
      %dma_wait3A_617 = tpu.memref_slice %arg9[%dma_wait3A_613, %dma_wait3A_615, %dma_wait3A_616] : memref<6x80x32xf32, #tpu.memory_space<vmem>> -> memref<1x80x32xf32, #tpu.memory_space<vmem>>
      %dma_wait3A_618 = tpu.memref_squeeze %dma_wait3A_617 : memref<1x80x32xf32, #tpu.memory_space<vmem>> -> memref<80x32xf32, #tpu.memory_space<vmem>>
      %dma_wait3A_619 = arith.constant 0 : i32
      %dma_wait3A_620 = tpu.memref_slice %arg7[%dma_wait3A_612, %dma_wait3A_619] : memref<12x80xi32, #tpu.memory_space<vmem>> -> memref<1x80xi32, #tpu.memory_space<vmem>>
      %dma_wait3A_621 = tpu.memref_squeeze %dma_wait3A_620 : memref<1x80xi32, #tpu.memory_space<vmem>> -> memref<80xi32, #tpu.memory_space<vmem>>
      %dma_wait3A_622 = arith.constant 0 : i32
      %dma_wait3A_623 = arith.constant 0 : i32
      %dma_wait3A_624 = tpu.memref_slice %arg4[%dma_wait3A_622, %dma_wait3A_623] : memref<20000x32xf32, #tpu.memory_space<hbm>> -> memref<20000x32xf32, #tpu.memory_space<hbm>>
      %dma_wait3A_625 = tpu.memref_slice %arg11[%dma_wait3A_614] : memref<6x!tpu.dma_semaphore, #tpu.memory_space<semaphore_mem>> -> memref<1x!tpu.dma_semaphore, #tpu.memory_space<semaphore_mem>>
      %dma_wait3A_626 = tpu.memref_squeeze %dma_wait3A_625 : memref<1x!tpu.dma_semaphore, #tpu.memory_space<semaphore_mem>> -> memref<!tpu.dma_semaphore, #tpu.memory_space<semaphore_mem>>
      tpu.wait_indirect_dma semaphore(%dma_wait3A_626 : memref<!tpu.dma_semaphore, #tpu.memory_space<semaphore_mem>>) src(%dma_wait3A_624 : memref<20000x32xf32, #tpu.memory_space<hbm>>) dst(%dma_wait3A_618 : memref<80x32xf32, #tpu.memory_space<vmem>>)
      %dma_start3A_627 = arith.constant 5 : i32
      %dma_start3A_628 = arith.constant 11 : i32
      %dma_start3A_629 = arith.constant 5 : i32
      %dma_start3A_630 = arith.constant 0 : i32
      %dma_start3A_631 = arith.constant 0 : i32
      %dma_start3A_632 = tpu.memref_slice %arg9[%dma_start3A_627, %dma_start3A_630, %dma_start3A_631] : memref<6x80x32xf32, #tpu.memory_space<vmem>> -> memref<1x80x32xf32, #tpu.memory_space<vmem>>
      %dma_start3A_633 = tpu.memref_squeeze %dma_start3A_632 : memref<1x80x32xf32, #tpu.memory_space<vmem>> -> memref<80x32xf32, #tpu.memory_space<vmem>>
      %dma_start3A_634 = arith.constant 0 : i32
      %dma_start3A_635 = tpu.memref_slice %arg8[%dma_start3A_628, %dma_start3A_634] : memref<12x80xi32, #tpu.memory_space<vmem>> -> memref<1x80xi32, #tpu.memory_space<vmem>>
      %dma_start3A_636 = tpu.memref_squeeze %dma_start3A_635 : memref<1x80xi32, #tpu.memory_space<vmem>> -> memref<80xi32, #tpu.memory_space<vmem>>
      %dma_start3A_637 = arith.constant 0 : i32
      %dma_start3A_638 = arith.constant 0 : i32
      %dma_start3A_639 = tpu.memref_slice %arg10[%dma_start3A_637, %dma_start3A_638] : memref<10112x32xf32, #tpu.memory_space<vmem_shared>> -> memref<10112x32xf32, #tpu.memory_space<vmem_shared>>
      %dma_start3A_640 = tpu.memref_slice %arg12[%dma_start3A_629] : memref<6x!tpu.dma_semaphore, #tpu.memory_space<semaphore_mem>> -> memref<1x!tpu.dma_semaphore, #tpu.memory_space<semaphore_mem>>
      %dma_start3A_641 = tpu.memref_squeeze %dma_start3A_640 : memref<1x!tpu.dma_semaphore, #tpu.memory_space<semaphore_mem>> -> memref<!tpu.dma_semaphore, #tpu.memory_space<semaphore_mem>>
      tpu.enqueue_indirect_dma source(%dma_start3A_633 : memref<80x32xf32, #tpu.memory_space<vmem>>) target(%dma_start3A_639 : memref<10112x32xf32, #tpu.memory_space<vmem_shared>>) offsets(%dma_start3A_636 : memref<80xi32, #tpu.memory_space<vmem>>) semaphore(%dma_start3A_641 : memref<!tpu.dma_semaphore, #tpu.memory_space<semaphore_mem>>) {add = true}
      %dma_wait3A_642 = arith.constant 0 : i32
      %dma_wait3A_643 = arith.constant 0 : i32
      %dma_wait3A_644 = arith.constant 0 : i32
      %dma_wait3A_645 = arith.constant 0 : i32
      %dma_wait3A_646 = arith.constant 0 : i32
      %dma_wait3A_647 = tpu.memref_slice %arg9[%dma_wait3A_642, %dma_wait3A_645, %dma_wait3A_646] : memref<6x80x32xf32, #tpu.memory_space<vmem>> -> memref<1x80x32xf32, #tpu.memory_space<vmem>>
      %dma_wait3A_648 = tpu.memref_squeeze %dma_wait3A_647 : memref<1x80x32xf32, #tpu.memory_space<vmem>> -> memref<80x32xf32, #tpu.memory_space<vmem>>
      %dma_wait3A_649 = arith.constant 0 : i32
      %dma_wait3A_650 = tpu.memref_slice %arg8[%dma_wait3A_643, %dma_wait3A_649] : memref<12x80xi32, #tpu.memory_space<vmem>> -> memref<1x80xi32, #tpu.memory_space<vmem>>
      %dma_wait3A_651 = tpu.memref_squeeze %dma_wait3A_650 : memref<1x80xi32, #tpu.memory_space<vmem>> -> memref<80xi32, #tpu.memory_space<vmem>>
      %dma_wait3A_652 = arith.constant 0 : i32
      %dma_wait3A_653 = arith.constant 0 : i32
      %dma_wait3A_654 = tpu.memref_slice %arg10[%dma_wait3A_652, %dma_wait3A_653] : memref<10112x32xf32, #tpu.memory_space<vmem_shared>> -> memref<10112x32xf32, #tpu.memory_space<vmem_shared>>
      %dma_wait3A_655 = tpu.memref_slice %arg12[%dma_wait3A_644] : memref<6x!tpu.dma_semaphore, #tpu.memory_space<semaphore_mem>> -> memref<1x!tpu.dma_semaphore, #tpu.memory_space<semaphore_mem>>
      %dma_wait3A_656 = tpu.memref_squeeze %dma_wait3A_655 : memref<1x!tpu.dma_semaphore, #tpu.memory_space<semaphore_mem>> -> memref<!tpu.dma_semaphore, #tpu.memory_space<semaphore_mem>>
      tpu.wait_indirect_dma semaphore(%dma_wait3A_656 : memref<!tpu.dma_semaphore, #tpu.memory_space<semaphore_mem>>) src(%dma_wait3A_648 : memref<80x32xf32, #tpu.memory_space<vmem>>) dst(%dma_wait3A_654 : memref<10112x32xf32, #tpu.memory_space<vmem_shared>>)
      %dma_wait3A_657 = arith.constant 1 : i32
      %dma_wait3A_658 = arith.constant 0 : i32
      %dma_wait3A_659 = arith.constant 1 : i32
      %dma_wait3A_660 = arith.constant 0 : i32
      %dma_wait3A_661 = arith.constant 0 : i32
      %dma_wait3A_662 = tpu.memref_slice %arg9[%dma_wait3A_657, %dma_wait3A_660, %dma_wait3A_661] : memref<6x80x32xf32, #tpu.memory_space<vmem>> -> memref<1x80x32xf32, #tpu.memory_space<vmem>>
      %dma_wait3A_663 = tpu.memref_squeeze %dma_wait3A_662 : memref<1x80x32xf32, #tpu.memory_space<vmem>> -> memref<80x32xf32, #tpu.memory_space<vmem>>
      %dma_wait3A_664 = arith.constant 0 : i32
      %dma_wait3A_665 = tpu.memref_slice %arg8[%dma_wait3A_658, %dma_wait3A_664] : memref<12x80xi32, #tpu.memory_space<vmem>> -> memref<1x80xi32, #tpu.memory_space<vmem>>
      %dma_wait3A_666 = tpu.memref_squeeze %dma_wait3A_665 : memref<1x80xi32, #tpu.memory_space<vmem>> -> memref<80xi32, #tpu.memory_space<vmem>>
      %dma_wait3A_667 = arith.constant 0 : i32
      %dma_wait3A_668 = arith.constant 0 : i32
      %dma_wait3A_669 = tpu.memref_slice %arg10[%dma_wait3A_667, %dma_wait3A_668] : memref<10112x32xf32, #tpu.memory_space<vmem_shared>> -> memref<10112x32xf32, #tpu.memory_space<vmem_shared>>
      %dma_wait3A_670 = tpu.memref_slice %arg12[%dma_wait3A_659] : memref<6x!tpu.dma_semaphore, #tpu.memory_space<semaphore_mem>> -> memref<1x!tpu.dma_semaphore, #tpu.memory_space<semaphore_mem>>
      %dma_wait3A_671 = tpu.memref_squeeze %dma_wait3A_670 : memref<1x!tpu.dma_semaphore, #tpu.memory_space<semaphore_mem>> -> memref<!tpu.dma_semaphore, #tpu.memory_space<semaphore_mem>>
      tpu.wait_indirect_dma semaphore(%dma_wait3A_671 : memref<!tpu.dma_semaphore, #tpu.memory_space<semaphore_mem>>) src(%dma_wait3A_663 : memref<80x32xf32, #tpu.memory_space<vmem>>) dst(%dma_wait3A_669 : memref<10112x32xf32, #tpu.memory_space<vmem_shared>>)
      %dma_wait3A_672 = arith.constant 2 : i32
      %dma_wait3A_673 = arith.constant 0 : i32
      %dma_wait3A_674 = arith.constant 2 : i32
      %dma_wait3A_675 = arith.constant 0 : i32
      %dma_wait3A_676 = arith.constant 0 : i32
      %dma_wait3A_677 = tpu.memref_slice %arg9[%dma_wait3A_672, %dma_wait3A_675, %dma_wait3A_676] : memref<6x80x32xf32, #tpu.memory_space<vmem>> -> memref<1x80x32xf32, #tpu.memory_space<vmem>>
      %dma_wait3A_678 = tpu.memref_squeeze %dma_wait3A_677 : memref<1x80x32xf32, #tpu.memory_space<vmem>> -> memref<80x32xf32, #tpu.memory_space<vmem>>
      %dma_wait3A_679 = arith.constant 0 : i32
      %dma_wait3A_680 = tpu.memref_slice %arg8[%dma_wait3A_673, %dma_wait3A_679] : memref<12x80xi32, #tpu.memory_space<vmem>> -> memref<1x80xi32, #tpu.memory_space<vmem>>
      %dma_wait3A_681 = tpu.memref_squeeze %dma_wait3A_680 : memref<1x80xi32, #tpu.memory_space<vmem>> -> memref<80xi32, #tpu.memory_space<vmem>>
      %dma_wait3A_682 = arith.constant 0 : i32
      %dma_wait3A_683 = arith.constant 0 : i32
      %dma_wait3A_684 = tpu.memref_slice %arg10[%dma_wait3A_682, %dma_wait3A_683] : memref<10112x32xf32, #tpu.memory_space<vmem_shared>> -> memref<10112x32xf32, #tpu.memory_space<vmem_shared>>
      %dma_wait3A_685 = tpu.memref_slice %arg12[%dma_wait3A_674] : memref<6x!tpu.dma_semaphore, #tpu.memory_space<semaphore_mem>> -> memref<1x!tpu.dma_semaphore, #tpu.memory_space<semaphore_mem>>
      %dma_wait3A_686 = tpu.memref_squeeze %dma_wait3A_685 : memref<1x!tpu.dma_semaphore, #tpu.memory_space<semaphore_mem>> -> memref<!tpu.dma_semaphore, #tpu.memory_space<semaphore_mem>>
      tpu.wait_indirect_dma semaphore(%dma_wait3A_686 : memref<!tpu.dma_semaphore, #tpu.memory_space<semaphore_mem>>) src(%dma_wait3A_678 : memref<80x32xf32, #tpu.memory_space<vmem>>) dst(%dma_wait3A_684 : memref<10112x32xf32, #tpu.memory_space<vmem_shared>>)
      %dma_wait3A_687 = arith.constant 3 : i32
      %dma_wait3A_688 = arith.constant 0 : i32
      %dma_wait3A_689 = arith.constant 3 : i32
      %dma_wait3A_690 = arith.constant 0 : i32
      %dma_wait3A_691 = arith.constant 0 : i32
      %dma_wait3A_692 = tpu.memref_slice %arg9[%dma_wait3A_687, %dma_wait3A_690, %dma_wait3A_691] : memref<6x80x32xf32, #tpu.memory_space<vmem>> -> memref<1x80x32xf32, #tpu.memory_space<vmem>>
      %dma_wait3A_693 = tpu.memref_squeeze %dma_wait3A_692 : memref<1x80x32xf32, #tpu.memory_space<vmem>> -> memref<80x32xf32, #tpu.memory_space<vmem>>
      %dma_wait3A_694 = arith.constant 0 : i32
      %dma_wait3A_695 = tpu.memref_slice %arg8[%dma_wait3A_688, %dma_wait3A_694] : memref<12x80xi32, #tpu.memory_space<vmem>> -> memref<1x80xi32, #tpu.memory_space<vmem>>
      %dma_wait3A_696 = tpu.memref_squeeze %dma_wait3A_695 : memref<1x80xi32, #tpu.memory_space<vmem>> -> memref<80xi32, #tpu.memory_space<vmem>>
      %dma_wait3A_697 = arith.constant 0 : i32
      %dma_wait3A_698 = arith.constant 0 : i32
      %dma_wait3A_699 = tpu.memref_slice %arg10[%dma_wait3A_697, %dma_wait3A_698] : memref<10112x32xf32, #tpu.memory_space<vmem_shared>> -> memref<10112x32xf32, #tpu.memory_space<vmem_shared>>
      %dma_wait3A_700 = tpu.memref_slice %arg12[%dma_wait3A_689] : memref<6x!tpu.dma_semaphore, #tpu.memory_space<semaphore_mem>> -> memref<1x!tpu.dma_semaphore, #tpu.memory_space<semaphore_mem>>
      %dma_wait3A_701 = tpu.memref_squeeze %dma_wait3A_700 : memref<1x!tpu.dma_semaphore, #tpu.memory_space<semaphore_mem>> -> memref<!tpu.dma_semaphore, #tpu.memory_space<semaphore_mem>>
      tpu.wait_indirect_dma semaphore(%dma_wait3A_701 : memref<!tpu.dma_semaphore, #tpu.memory_space<semaphore_mem>>) src(%dma_wait3A_693 : memref<80x32xf32, #tpu.memory_space<vmem>>) dst(%dma_wait3A_699 : memref<10112x32xf32, #tpu.memory_space<vmem_shared>>)
      %dma_wait3A_702 = arith.constant 4 : i32
      %dma_wait3A_703 = arith.constant 0 : i32
      %dma_wait3A_704 = arith.constant 4 : i32
      %dma_wait3A_705 = arith.constant 0 : i32
      %dma_wait3A_706 = arith.constant 0 : i32
      %dma_wait3A_707 = tpu.memref_slice %arg9[%dma_wait3A_702, %dma_wait3A_705, %dma_wait3A_706] : memref<6x80x32xf32, #tpu.memory_space<vmem>> -> memref<1x80x32xf32, #tpu.memory_space<vmem>>
      %dma_wait3A_708 = tpu.memref_squeeze %dma_wait3A_707 : memref<1x80x32xf32, #tpu.memory_space<vmem>> -> memref<80x32xf32, #tpu.memory_space<vmem>>
      %dma_wait3A_709 = arith.constant 0 : i32
      %dma_wait3A_710 = tpu.memref_slice %arg8[%dma_wait3A_703, %dma_wait3A_709] : memref<12x80xi32, #tpu.memory_space<vmem>> -> memref<1x80xi32, #tpu.memory_space<vmem>>
      %dma_wait3A_711 = tpu.memref_squeeze %dma_wait3A_710 : memref<1x80xi32, #tpu.memory_space<vmem>> -> memref<80xi32, #tpu.memory_space<vmem>>
      %dma_wait3A_712 = arith.constant 0 : i32
      %dma_wait3A_713 = arith.constant 0 : i32
      %dma_wait3A_714 = tpu.memref_slice %arg10[%dma_wait3A_712, %dma_wait3A_713] : memref<10112x32xf32, #tpu.memory_space<vmem_shared>> -> memref<10112x32xf32, #tpu.memory_space<vmem_shared>>
      %dma_wait3A_715 = tpu.memref_slice %arg12[%dma_wait3A_704] : memref<6x!tpu.dma_semaphore, #tpu.memory_space<semaphore_mem>> -> memref<1x!tpu.dma_semaphore, #tpu.memory_space<semaphore_mem>>
      %dma_wait3A_716 = tpu.memref_squeeze %dma_wait3A_715 : memref<1x!tpu.dma_semaphore, #tpu.memory_space<semaphore_mem>> -> memref<!tpu.dma_semaphore, #tpu.memory_space<semaphore_mem>>
      tpu.wait_indirect_dma semaphore(%dma_wait3A_716 : memref<!tpu.dma_semaphore, #tpu.memory_space<semaphore_mem>>) src(%dma_wait3A_708 : memref<80x32xf32, #tpu.memory_space<vmem>>) dst(%dma_wait3A_714 : memref<10112x32xf32, #tpu.memory_space<vmem_shared>>)
      %dma_wait3A_717 = arith.constant 5 : i32
      %dma_wait3A_718 = arith.constant 0 : i32
      %dma_wait3A_719 = arith.constant 5 : i32
      %dma_wait3A_720 = arith.constant 0 : i32
      %dma_wait3A_721 = arith.constant 0 : i32
      %dma_wait3A_722 = tpu.memref_slice %arg9[%dma_wait3A_717, %dma_wait3A_720, %dma_wait3A_721] : memref<6x80x32xf32, #tpu.memory_space<vmem>> -> memref<1x80x32xf32, #tpu.memory_space<vmem>>
      %dma_wait3A_723 = tpu.memref_squeeze %dma_wait3A_722 : memref<1x80x32xf32, #tpu.memory_space<vmem>> -> memref<80x32xf32, #tpu.memory_space<vmem>>
      %dma_wait3A_724 = arith.constant 0 : i32
      %dma_wait3A_725 = tpu.memref_slice %arg8[%dma_wait3A_718, %dma_wait3A_724] : memref<12x80xi32, #tpu.memory_space<vmem>> -> memref<1x80xi32, #tpu.memory_space<vmem>>
      %dma_wait3A_726 = tpu.memref_squeeze %dma_wait3A_725 : memref<1x80xi32, #tpu.memory_space<vmem>> -> memref<80xi32, #tpu.memory_space<vmem>>
      %dma_wait3A_727 = arith.constant 0 : i32
      %dma_wait3A_728 = arith.constant 0 : i32
      %dma_wait3A_729 = tpu.memref_slice %arg10[%dma_wait3A_727, %dma_wait3A_728] : memref<10112x32xf32, #tpu.memory_space<vmem_shared>> -> memref<10112x32xf32, #tpu.memory_space<vmem_shared>>
      %dma_wait3A_730 = tpu.memref_slice %arg12[%dma_wait3A_719] : memref<6x!tpu.dma_semaphore, #tpu.memory_space<semaphore_mem>> -> memref<1x!tpu.dma_semaphore, #tpu.memory_space<semaphore_mem>>
      %dma_wait3A_731 = tpu.memref_squeeze %dma_wait3A_730 : memref<1x!tpu.dma_semaphore, #tpu.memory_space<semaphore_mem>> -> memref<!tpu.dma_semaphore, #tpu.memory_space<semaphore_mem>>
      tpu.wait_indirect_dma semaphore(%dma_wait3A_731 : memref<!tpu.dma_semaphore, #tpu.memory_space<semaphore_mem>>) src(%dma_wait3A_723 : memref<80x32xf32, #tpu.memory_space<vmem>>) dst(%dma_wait3A_729 : memref<10112x32xf32, #tpu.memory_space<vmem_shared>>)
    }
    %scan3A_7 = arith.constant 21 : i32
    %barrier3A_8 = arith.constant 0 : index
    tpu.barrier barrier_id(%barrier3A_8)
    %mul3A_9 = arith.constant 632 : i32
    %mul3A_10 = arith.muli %arg1, %mul3A_9 : i32
    %mul3A_11 = arith.constant 632 : i32
    %mul3A_12 = arith.muli %arg1, %mul3A_11 : i32
    "tpu.region"() ({
      %run_scoped3A = tpu.sem_alloc : memref<!tpu.dma_semaphore, #tpu.memory_space<semaphore_mem>>
      %dma_start3A = arith.constant 0 : i32
      %dma_start3A_13 = tpu.memref_slice %arg6[%arg0, %mul3A_12, %dma_start3A] : memref<2x10112x32xf32, #tpu.memory_space<hbm>> -> memref<1x632x32xf32, #tpu.memory_space<hbm>>
      %dma_start3A_14 = tpu.memref_squeeze %dma_start3A_13 : memref<1x632x32xf32, #tpu.memory_space<hbm>> -> memref<632x32xf32, #tpu.memory_space<hbm>>
      %dma_start3A_15 = arith.constant 0 : i32
      %dma_start3A_16 = tpu.memref_slice %arg10[%mul3A_10, %dma_start3A_15] : memref<10112x32xf32, #tpu.memory_space<vmem_shared>> -> memref<632x32xf32, #tpu.memory_space<vmem_shared>>
      tpu.enqueue_dma source(%dma_start3A_16 : memref<632x32xf32, #tpu.memory_space<vmem_shared>>) target(%dma_start3A_14 : memref<632x32xf32, #tpu.memory_space<hbm>>) target_semaphore(%run_scoped3A : memref<!tpu.dma_semaphore, #tpu.memory_space<semaphore_mem>>)
      %dma_wait3A = arith.constant 0 : i32
      %dma_wait3A_17 = tpu.memref_slice %arg6[%arg0, %mul3A_12, %dma_wait3A] : memref<2x10112x32xf32, #tpu.memory_space<hbm>> -> memref<1x632x32xf32, #tpu.memory_space<hbm>>
      %dma_wait3A_18 = tpu.memref_squeeze %dma_wait3A_17 : memref<1x632x32xf32, #tpu.memory_space<hbm>> -> memref<632x32xf32, #tpu.memory_space<hbm>>
      %dma_wait3A_19 = arith.constant 0 : i32
      %dma_wait3A_20 = tpu.memref_slice %arg10[%mul3A_10, %dma_wait3A_19] : memref<10112x32xf32, #tpu.memory_space<vmem_shared>> -> memref<632x32xf32, #tpu.memory_space<vmem_shared>>
      tpu.wait_dma2 semaphore(%run_scoped3A : memref<!tpu.dma_semaphore, #tpu.memory_space<semaphore_mem>>) src(%dma_wait3A_20 : memref<632x32xf32, #tpu.memory_space<vmem_shared>>) dst(%dma_wait3A_18 : memref<632x32xf32, #tpu.memory_space<hbm>>)
      tpu.yield
    }) : () -> ()
    return
  }
}

module attributes {stable_mosaic.version = 14 : i64} {
  func.func @_tcr1_body(%arg0: memref<10000x128xf32, #tpu.memory_space<vmem>>, %arg1: memref<128x128xf32, #tpu.memory_space<vmem>>, %arg2: memref<1x128xf32, #tpu.memory_space<vmem>>, %arg3: memref<10000x128xf32, #tpu.memory_space<vmem>>) attributes {dimension_semantics = [], scalar_prefetch = 0 : i64, scratch_operands = 0 : i64, tpu.core_type = #tpu.core_type<tc>} {
    %get3A = arith.constant 0 : index
    %get3A_0 = arith.constant 0 : index
    %get3A_1 = vector.load %arg0[%get3A, %get3A_0] : memref<10000x128xf32, #tpu.memory_space<vmem>>, vector<10000x128xf32>
    %get3A_2 = arith.constant 0 : index
    %get3A_3 = arith.constant 0 : index
    %get3A_4 = vector.load %arg1[%get3A_2, %get3A_3] : memref<128x128xf32, #tpu.memory_space<vmem>>, vector<128x128xf32>
    %dot_general3A = arith.constant dense<0.000000e+00> : vector<10000x128xf32>
    %dot_general3A_5 = tpu.matmul %get3A_1, %get3A_4, %dot_general3A {dimension_numbers = #tpu.dot_dimension_numbers<[1], [0], [0], [1], [0, 0, 1, 1], [], []>, transpose_lhs_hint = false} : vector<10000x128xf32>, vector<128x128xf32>, vector<10000x128xf32> -> vector<10000x128xf32>
    %get3A_6 = arith.constant 0 : index
    %get3A_7 = arith.constant 0 : index
    %get3A_8 = vector.load %arg2[%get3A_6, %get3A_7] : memref<1x128xf32, #tpu.memory_space<vmem>>, vector<1x128xf32>
    %add3A = vector.broadcast %get3A_8 : vector<1x128xf32> to vector<10000x128xf32>
    %add3A_9 = arith.addf %dot_general3A_5, %add3A : vector<10000x128xf32>
    %swap3A = arith.constant 0 : index
    %swap3A_10 = arith.constant 0 : index
    %swap3A_11 = vector.load %arg3[%swap3A, %swap3A_10] : memref<10000x128xf32, #tpu.memory_space<vmem>>, vector<10000x128xf32>
    tpu.vector_store %arg3[%swap3A, %swap3A_10], %add3A_9 {strides = array<i32>} : memref<10000x128xf32, #tpu.memory_space<vmem>>, vector<10000x128xf32>,
    return
  }
}

module attributes {stable_mosaic.version = 14 : i64} {
  func.func @_tc1_body(%arg0: memref<2x10112x64xf32, #tpu.memory_space<vmem>>, %arg1: memref<10112x16xf32, #tpu.memory_space<vmem>>, %arg2: memref<10000x128xf32, #tpu.memory_space<vmem>>, %arg3: memref<128x128xf32, #tpu.memory_space<vmem>>, %arg4: memref<1x128xf32, #tpu.memory_space<vmem>>, %arg5: memref<1x128xf32, #tpu.memory_space<vmem>>, %arg6: memref<128x64xf32, #tpu.memory_space<vmem>>, %arg7: memref<10000x128xf32, #tpu.memory_space<vmem>>, %arg8: memref<10000x64xf32, #tpu.memory_space<vmem>>) attributes {dimension_semantics = [], scalar_prefetch = 0 : i64, scratch_operands = 0 : i64, tpu.core_type = #tpu.core_type<tc>} {
    %get3A = arith.constant 0 : index
    %get3A_0 = arith.constant 0 : index
    %get3A_1 = vector.load %arg1[%get3A, %get3A_0] : memref<10112x16xf32, #tpu.memory_space<vmem>>, vector<10000x1xf32>
    %max3A = arith.constant 1.000000e+00 : f32
    %max3A_2 = vector.broadcast %max3A : f32 to vector<10000x1xf32>
    %max3A_3 = arith.maximumf %get3A_1, %max3A_2 : vector<10000x1xf32>
    %get3A_4 = arith.constant 0 : index
    %get3A_5 = arith.constant 0 : index
    %get3A_6 = arith.constant 0 : index
    %get3A_7 = vector.load %arg0[%get3A_4, %get3A_5, %get3A_6] : memref<2x10112x64xf32, #tpu.memory_space<vmem>>, vector<1x10000x64xf32>
    %get3A_8 = vector.shape_cast %get3A_7 : vector<1x10000x64xf32> to vector<10000x64xf32>
    %div3A = vector.broadcast %max3A_3 : vector<10000x1xf32> to vector<10000x64xf32>
    %div3A_9 = arith.divf %get3A_8, %div3A : vector<10000x64xf32>
    %get3A_10 = arith.constant 0 : index
    %get3A_11 = arith.constant 0 : index
    %get3A_12 = vector.load %arg3[%get3A_10, %get3A_11] : memref<128x128xf32, #tpu.memory_space<vmem>>, vector<64x128xf32>
    %dot_general3A = arith.constant dense<0.000000e+00> : vector<10000x128xf32>
    %dot_general3A_13 = tpu.matmul %div3A_9, %get3A_12, %dot_general3A {dimension_numbers = #tpu.dot_dimension_numbers<[1], [0], [0], [1], [0, 0, 1, 1], [], []>, transpose_lhs_hint = false} : vector<10000x64xf32>, vector<64x128xf32>, vector<10000x128xf32> -> vector<10000x128xf32>
    %get3A_14 = arith.constant 1 : index
    %get3A_15 = arith.constant 0 : index
    %get3A_16 = arith.constant 0 : index
    %get3A_17 = vector.load %arg0[%get3A_14, %get3A_15, %get3A_16] : memref<2x10112x64xf32, #tpu.memory_space<vmem>>, vector<1x10000x64xf32>
    %get3A_18 = vector.shape_cast %get3A_17 : vector<1x10000x64xf32> to vector<10000x64xf32>
    %div3A_19 = vector.broadcast %max3A_3 : vector<10000x1xf32> to vector<10000x64xf32>
    %div3A_20 = arith.divf %get3A_18, %div3A_19 : vector<10000x64xf32>
    %get3A_21 = arith.constant 64 : index
    %get3A_22 = arith.constant 0 : index
    %get3A_23 = vector.load %arg3[%get3A_21, %get3A_22] : memref<128x128xf32, #tpu.memory_space<vmem>>, vector<64x128xf32>
    %dot_general3A_24 = arith.constant dense<0.000000e+00> : vector<10000x128xf32>
    %dot_general3A_25 = tpu.matmul %div3A_20, %get3A_23, %dot_general3A_24 {dimension_numbers = #tpu.dot_dimension_numbers<[1], [0], [0], [1], [0, 0, 1, 1], [], []>, transpose_lhs_hint = false} : vector<10000x64xf32>, vector<64x128xf32>, vector<10000x128xf32> -> vector<10000x128xf32>
    %add3A = arith.addf %dot_general3A_13, %dot_general3A_25 : vector<10000x128xf32>
    %get3A_26 = arith.constant 0 : index
    %get3A_27 = arith.constant 0 : index
    %get3A_28 = vector.load %arg2[%get3A_26, %get3A_27] : memref<10000x128xf32, #tpu.memory_space<vmem>>, vector<10000x128xf32>
    %add3A_29 = arith.addf %add3A, %get3A_28 : vector<10000x128xf32>
    %reduce_sum3A = arith.constant dense<0.000000e+00> : vector<128xf32>
    %reduce_sum3A_30 = vector.multi_reduction <add>, %add3A_29, %reduce_sum3A [0] : vector<10000x128xf32> to vector<128xf32>
    %broadcast_in_dim3A = vector.shape_cast %reduce_sum3A_30 : vector<128xf32> to vector<1x128xf32>
    %div3A_31 = arith.constant 1.000000e+04 : f32
    %div3A_32 = vector.broadcast %div3A_31 : f32 to vector<1x128xf32>
    %div3A_33 = arith.divf %broadcast_in_dim3A, %div3A_32 : vector<1x128xf32>
    %sub3A = vector.broadcast %div3A_33 : vector<1x128xf32> to vector<10000x128xf32>
    %sub3A_34 = arith.subf %add3A_29, %sub3A : vector<10000x128xf32>
    %integer_pow3A = arith.mulf %sub3A_34, %sub3A_34 : vector<10000x128xf32>
    %reduce_sum3A_35 = arith.constant dense<0.000000e+00> : vector<128xf32>
    %reduce_sum3A_36 = vector.multi_reduction <add>, %integer_pow3A, %reduce_sum3A_35 [0] : vector<10000x128xf32> to vector<128xf32>
    %broadcast_in_dim3A_37 = vector.shape_cast %reduce_sum3A_36 : vector<128xf32> to vector<1x128xf32>
    %div3A_38 = arith.constant 1.000000e+04 : f32
    %div3A_39 = vector.broadcast %div3A_38 : f32 to vector<1x128xf32>
    %div3A_40 = arith.divf %broadcast_in_dim3A_37, %div3A_39 : vector<1x128xf32>
    %get3A_41 = arith.constant 0 : index
    %get3A_42 = arith.constant 0 : index
    %get3A_43 = vector.load %arg4[%get3A_41, %get3A_42] : memref<1x128xf32, #tpu.memory_space<vmem>>, vector<1x128xf32>
    %sub3A_44 = vector.broadcast %div3A_33 : vector<1x128xf32> to vector<10000x128xf32>
    %sub3A_45 = arith.subf %add3A_29, %sub3A_44 : vector<10000x128xf32>
    %mul3A = vector.broadcast %get3A_43 : vector<1x128xf32> to vector<10000x128xf32>
    %mul3A_46 = arith.mulf %mul3A, %sub3A_45 : vector<10000x128xf32>
    %add3A_47 = arith.constant 9.99999974E-6 : f32
    %add3A_48 = vector.broadcast %add3A_47 : f32 to vector<1x128xf32>
    %add3A_49 = arith.addf %div3A_40, %add3A_48 : vector<1x128xf32>
    %rsqrt3A = math.rsqrt %add3A_49 : vector<1x128xf32>
    %mul3A_50 = vector.broadcast %rsqrt3A : vector<1x128xf32> to vector<10000x128xf32>
    %mul3A_51 = arith.mulf %mul3A_46, %mul3A_50 : vector<10000x128xf32>
    %get3A_52 = arith.constant 0 : index
    %get3A_53 = arith.constant 0 : index
    %get3A_54 = vector.load %arg5[%get3A_52, %get3A_53] : memref<1x128xf32, #tpu.memory_space<vmem>>, vector<1x128xf32>
    %add3A_55 = vector.broadcast %get3A_54 : vector<1x128xf32> to vector<10000x128xf32>
    %add3A_56 = arith.addf %mul3A_51, %add3A_55 : vector<10000x128xf32>
    %max3A_57 = arith.constant 0.000000e+00 : f32
    %max3A_58 = vector.broadcast %max3A_57 : f32 to vector<10000x128xf32>
    %max3A_59 = arith.maximumf %add3A_56, %max3A_58 : vector<10000x128xf32>
    %swap3A = arith.constant 0 : index
    %swap3A_60 = arith.constant 0 : index
    %swap3A_61 = vector.load %arg7[%swap3A, %swap3A_60] : memref<10000x128xf32, #tpu.memory_space<vmem>>, vector<10000x128xf32>
    tpu.vector_store %arg7[%swap3A, %swap3A_60], %max3A_59 {strides = array<i32>} : memref<10000x128xf32, #tpu.memory_space<vmem>>, vector<10000x128xf32>,
    %get3A_62 = arith.constant 0 : index
    %get3A_63 = arith.constant 0 : index
    %get3A_64 = vector.load %arg6[%get3A_62, %get3A_63] : memref<128x64xf32, #tpu.memory_space<vmem>>, vector<128x64xf32>
    %dot_general3A_65 = arith.constant dense<0.000000e+00> : vector<10000x64xf32>
    %dot_general3A_66 = tpu.matmul %max3A_59, %get3A_64, %dot_general3A_65 {dimension_numbers = #tpu.dot_dimension_numbers<[1], [0], [0], [1], [0, 0, 1, 1], [], []>, transpose_lhs_hint = false} : vector<10000x128xf32>, vector<128x64xf32>, vector<10000x64xf32> -> vector<10000x64xf32>
    %swap3A_67 = arith.constant 0 : index
    %swap3A_68 = arith.constant 0 : index
    %swap3A_69 = vector.load %arg8[%swap3A_67, %swap3A_68] : memref<10000x64xf32, #tpu.memory_space<vmem>>, vector<10000x64xf32>
    tpu.vector_store %arg8[%swap3A_67, %swap3A_68], %dot_general3A_66 {strides = array<i32>} : memref<10000x64xf32, #tpu.memory_space<vmem>>, vector<10000x64xf32>,
    return
  }
}

module attributes {stable_mosaic.version = 14 : i64} {
  func.func @_tcr2_body(%arg0: memref<10000x128xf32, #tpu.memory_space<vmem>>, %arg1: memref<128x64xf32, #tpu.memory_space<vmem>>, %arg2: memref<1x64xf32, #tpu.memory_space<vmem>>, %arg3: memref<10000x64xf32, #tpu.memory_space<vmem>>) attributes {dimension_semantics = [], scalar_prefetch = 0 : i64, scratch_operands = 0 : i64, tpu.core_type = #tpu.core_type<tc>} {
    %get3A = arith.constant 0 : index
    %get3A_0 = arith.constant 0 : index
    %get3A_1 = vector.load %arg0[%get3A, %get3A_0] : memref<10000x128xf32, #tpu.memory_space<vmem>>, vector<10000x128xf32>
    %get3A_2 = arith.constant 0 : index
    %get3A_3 = arith.constant 0 : index
    %get3A_4 = vector.load %arg1[%get3A_2, %get3A_3] : memref<128x64xf32, #tpu.memory_space<vmem>>, vector<128x64xf32>
    %dot_general3A = arith.constant dense<0.000000e+00> : vector<10000x64xf32>
    %dot_general3A_5 = tpu.matmul %get3A_1, %get3A_4, %dot_general3A {dimension_numbers = #tpu.dot_dimension_numbers<[1], [0], [0], [1], [0, 0, 1, 1], [], []>, transpose_lhs_hint = false} : vector<10000x128xf32>, vector<128x64xf32>, vector<10000x64xf32> -> vector<10000x64xf32>
    %get3A_6 = arith.constant 0 : index
    %get3A_7 = arith.constant 0 : index
    %get3A_8 = vector.load %arg2[%get3A_6, %get3A_7] : memref<1x64xf32, #tpu.memory_space<vmem>>, vector<1x64xf32>
    %add3A = vector.broadcast %get3A_8 : vector<1x64xf32> to vector<10000x64xf32>
    %add3A_9 = arith.addf %dot_general3A_5, %add3A : vector<10000x64xf32>
    %swap3A = arith.constant 0 : index
    %swap3A_10 = arith.constant 0 : index
    %swap3A_11 = vector.load %arg3[%swap3A, %swap3A_10] : memref<10000x64xf32, #tpu.memory_space<vmem>>, vector<10000x64xf32>
    tpu.vector_store %arg3[%swap3A, %swap3A_10], %add3A_9 {strides = array<i32>} : memref<10000x64xf32, #tpu.memory_space<vmem>>, vector<10000x64xf32>,
    return
  }
}

module attributes {stable_mosaic.version = 14 : i64} {
  func.func @_tc2_body(%arg0: memref<2x10112x32xf32, #tpu.memory_space<vmem>>, %arg1: memref<10112x16xf32, #tpu.memory_space<vmem>>, %arg2: memref<10000x64xf32, #tpu.memory_space<vmem>>, %arg3: memref<1x64xf32, #tpu.memory_space<vmem>>, %arg4: memref<1x64xf32, #tpu.memory_space<vmem>>, %arg5: memref<10000x64xf32, #tpu.memory_space<vmem>>) attributes {dimension_semantics = [], scalar_prefetch = 0 : i64, scratch_operands = 0 : i64, tpu.core_type = #tpu.core_type<tc>} {
    %get3A = arith.constant 0 : index
    %get3A_0 = arith.constant 0 : index
    %get3A_1 = vector.load %arg1[%get3A, %get3A_0] : memref<10112x16xf32, #tpu.memory_space<vmem>>, vector<10000x1xf32>
    %max3A = arith.constant 1.000000e+00 : f32
    %max3A_2 = vector.broadcast %max3A : f32 to vector<10000x1xf32>
    %max3A_3 = arith.maximumf %get3A_1, %max3A_2 : vector<10000x1xf32>
    %get3A_4 = arith.constant 0 : index
    %get3A_5 = arith.constant 0 : index
    %get3A_6 = arith.constant 0 : index
    %get3A_7 = vector.load %arg0[%get3A_4, %get3A_5, %get3A_6] : memref<2x10112x32xf32, #tpu.memory_space<vmem>>, vector<1x10000x32xf32>
    %get3A_8 = vector.shape_cast %get3A_7 : vector<1x10000x32xf32> to vector<10000x32xf32>
    %get3A_9 = arith.constant 1 : index
    %get3A_10 = arith.constant 0 : index
    %get3A_11 = arith.constant 0 : index
    %get3A_12 = vector.load %arg0[%get3A_9, %get3A_10, %get3A_11] : memref<2x10112x32xf32, #tpu.memory_space<vmem>>, vector<1x10000x32xf32>
    %get3A_13 = vector.shape_cast %get3A_12 : vector<1x10000x32xf32> to vector<10000x32xf32>
    %concatenate3A = tpu.concatenate %get3A_8, %get3A_13 in 1 : vector<10000x32xf32>, vector<10000x32xf32> -> vector<10000x64xf32>
    %div3A = vector.broadcast %max3A_3 : vector<10000x1xf32> to vector<10000x64xf32>
    %div3A_14 = arith.divf %concatenate3A, %div3A : vector<10000x64xf32>
    %get3A_15 = arith.constant 0 : index
    %get3A_16 = arith.constant 0 : index
    %get3A_17 = vector.load %arg2[%get3A_15, %get3A_16] : memref<10000x64xf32, #tpu.memory_space<vmem>>, vector<10000x64xf32>
    %add3A = arith.addf %div3A_14, %get3A_17 : vector<10000x64xf32>
    %reduce_sum3A = arith.constant dense<0.000000e+00> : vector<64xf32>
    %reduce_sum3A_18 = vector.multi_reduction <add>, %add3A, %reduce_sum3A [0] : vector<10000x64xf32> to vector<64xf32>
    %broadcast_in_dim3A = vector.shape_cast %reduce_sum3A_18 : vector<64xf32> to vector<1x64xf32>
    %div3A_19 = arith.constant 1.000000e+04 : f32
    %div3A_20 = vector.broadcast %div3A_19 : f32 to vector<1x64xf32>
    %div3A_21 = arith.divf %broadcast_in_dim3A, %div3A_20 : vector<1x64xf32>
    %sub3A = vector.broadcast %div3A_21 : vector<1x64xf32> to vector<10000x64xf32>
    %sub3A_22 = arith.subf %add3A, %sub3A : vector<10000x64xf32>
    %integer_pow3A = arith.mulf %sub3A_22, %sub3A_22 : vector<10000x64xf32>
    %reduce_sum3A_23 = arith.constant dense<0.000000e+00> : vector<64xf32>
    %reduce_sum3A_24 = vector.multi_reduction <add>, %integer_pow3A, %reduce_sum3A_23 [0] : vector<10000x64xf32> to vector<64xf32>
    %broadcast_in_dim3A_25 = vector.shape_cast %reduce_sum3A_24 : vector<64xf32> to vector<1x64xf32>
    %div3A_26 = arith.constant 1.000000e+04 : f32
    %div3A_27 = vector.broadcast %div3A_26 : f32 to vector<1x64xf32>
    %div3A_28 = arith.divf %broadcast_in_dim3A_25, %div3A_27 : vector<1x64xf32>
    %get3A_29 = arith.constant 0 : index
    %get3A_30 = arith.constant 0 : index
    %get3A_31 = vector.load %arg3[%get3A_29, %get3A_30] : memref<1x64xf32, #tpu.memory_space<vmem>>, vector<1x64xf32>
    %sub3A_32 = vector.broadcast %div3A_21 : vector<1x64xf32> to vector<10000x64xf32>
    %sub3A_33 = arith.subf %add3A, %sub3A_32 : vector<10000x64xf32>
    %mul3A = vector.broadcast %get3A_31 : vector<1x64xf32> to vector<10000x64xf32>
    %mul3A_34 = arith.mulf %mul3A, %sub3A_33 : vector<10000x64xf32>
    %add3A_35 = arith.constant 9.99999974E-6 : f32
    %add3A_36 = vector.broadcast %add3A_35 : f32 to vector<1x64xf32>
    %add3A_37 = arith.addf %div3A_28, %add3A_36 : vector<1x64xf32>
    %rsqrt3A = math.rsqrt %add3A_37 : vector<1x64xf32>
    %mul3A_38 = vector.broadcast %rsqrt3A : vector<1x64xf32> to vector<10000x64xf32>
    %mul3A_39 = arith.mulf %mul3A_34, %mul3A_38 : vector<10000x64xf32>
    %get3A_40 = arith.constant 0 : index
    %get3A_41 = arith.constant 0 : index
    %get3A_42 = vector.load %arg4[%get3A_40, %get3A_41] : memref<1x64xf32, #tpu.memory_space<vmem>>, vector<1x64xf32>
    %add3A_43 = vector.broadcast %get3A_42 : vector<1x64xf32> to vector<10000x64xf32>
    %add3A_44 = arith.addf %mul3A_39, %add3A_43 : vector<10000x64xf32>
    %max3A_45 = arith.constant 0.000000e+00 : f32
    %max3A_46 = vector.broadcast %max3A_45 : f32 to vector<10000x64xf32>
    %max3A_47 = arith.maximumf %add3A_44, %max3A_46 : vector<10000x64xf32>
    %swap3A = arith.constant 0 : index
    %swap3A_48 = arith.constant 0 : index
    %swap3A_49 = vector.load %arg5[%swap3A, %swap3A_48] : memref<10000x64xf32, #tpu.memory_space<vmem>>, vector<10000x64xf32>
    tpu.vector_store %arg5[%swap3A, %swap3A_48], %max3A_47 {strides = array<i32>} : memref<10000x64xf32, #tpu.memory_space<vmem>>, vector<10000x64xf32>,
    return
  }
}

</mosaic_0001>

<sc_bundles>
// kernel: kernel.11.cloned.1.call-start
scs
__scs_entry_jumppad:
0x0: {  	(pc) =	sbr.rel $0x88, $3  }
0x1: {  	(tag) =	ssettag $0x0;
	lr =	simm.s32 $0x1  }
0x2: {  	[smem:$0x3F95] =	sst lr;
	_ =	strace $0xD0000000  }
0x3: {  	_ = 	snop  }
0x4: {  	_ = 	snop  }
0x5: {  	_ = 	snop  }
0x6: {  	_ = 	snop  }
0x7: {  	_ = 	snop  }
__scs_overlays_trampoline_lowered:
0x8: {  	[smem:$0x3FA4] =	sst s0  }
0x9: {  	[smem:$0x3FA5] =	sst s1  }
0xa: {  	[smem:$0x3FA6] =	sst s2  }
0xb: {  	[smem:$0x3FA7] =	sst s3  }
0xc: {  	[smem:$0x3FA8] =	sst s4  }
0xd: {  	[smem:$0x3FA9] =	sst s5  }
0xe: {  	[smem:$0x3FAA] =	sst s6  }
0xf: {  	[smem:$0x3FAB] =	sst s7  }
0x10: {  	[smem:$0x3FAC] =	sst s8  }
0x11: {  	[smem:$0x3FAD] =	sst s9;
	s0 =	simm.s32 @!p0 $0x0  }
0x12: {  	s1 =	sld [smem:$0x3F93];
	s0 =	simm.s32 @p0 $0x1  }
0x13: {  	[smem:$0x3FAE] =	sst s0;
	s0 =	simm.s32 @!p1 $0x0  }
0x14: {  	s2 =	sld [smem:$0x3F92];
	s0 =	simm.s32 @p1 $0x1  }
0x15: {  	[smem:$0x3FAF] =	sst s0;
	s0 =	simm.s32 @!p2 $0x0  }
0x16: {  	s3 =	sld [smem:$0x3FDB];
	s0 =	simm.s32 @p2 $0x1  }
0x17: {  	s4 =	simm.s32 $0x1BF5;
	[smem:$0x3FB1] =	sst s0  }
0x18: {  	s0 =	sld [smem:$0x3F94];
	_ =	swait.ge [sflag:s4], $0x0  }
0x19: {  	s7 =	sld [smem:$0x3F95]  }
0x1a: {  	s8 =	sadd.s32 $0xFFFFE003, lr  }
0x1b: {  	s9 =	sadd.s32 $0xFFFFFEF7, lr;
	s5 =	simm.s32 $0xFFFFFFFF;
	p2 =	slt.u32 s8, $0xFFFFF086  }
0x1c: {  	p1 =	slt.u32 s9, $0xF7A;
	s5 =	simm.s32 @!p2 $0x0  }
0x1d: {  	s5 =	simm.s32 @p1 $0x1;
	p0 =	seq.s32 s7, s2  }
0x1e: {  	s7 =	smul.u32 @!p0 $0xF7A, s2;
	p2 =	seq.s32 @!p0 s5, $0x0  }
0x1f: {  	s9 =	smul.u32 $0xF7A, s1;
	s8 =	simm.s32 @!p0 $0x1BF5;
	p2 =	por !p2, p0  }
0x20: {  	[sflag:s8] =	ssyncset.s32 @!p0 $0xFFFFF086;
	s6 =	sadd.s32 @!p0 s3, s7;
	s7 =	simm.s32 @!p0 $0x108  }
0x21: {  	s3 =	sadd.s32 s3, s9;
	s6 =	sadd.s32 @!p0 $0x88, s6;
	s7 =	simm.s32 @p2 $0x1082  }
0x22: {  	[simem:s7], [sflag:s8] =	dma.local @!p0 [hbm:s6], $0xF7A  }
0x23: {  	s9 =	sor.u32 $0xD0000000, s2;
	s6 =	simm.s32 $0x108;
	_ =	swait.ge @!p0 [sflag:s8], $0x0  }
0x24: {  	s3 =	sadd.s32 $0x88, s3;
	s6 =	simm.s32 @!p1 $0x1082;
	[sflag:s4] =	ssyncset.s32 $0xFFFFF086  }
0x25: {  	[simem:s6], [sflag:s4] =	dma.local [hbm:s3], $0xF7A  }
0x26: {  	[smem:$0x3F95] =	sst s1;
	(tag) =	ssettag s2;
	_ =	strace s9  }
0x27: {  	s1 =	sld [smem:$0x3FA5]  }
0x28: {  	s2 =	sld [smem:$0x3FA6]  }
0x29: {  	s4 =	sld [smem:$0x3FA8]  }
0x2a: {  	p0 =	seq.s32 s5, $0x0;
	s5 =	sld [smem:$0x3FA9]  }
0x2b: {  	s6 =	sld [smem:$0x3FAA]  }
0x2c: {  	s7 =	sld [smem:$0x3FAB]  }
0x2d: {  	s3 =	simm.s32 $0x108;
	s8 =	sld [smem:$0x3FAC]  }
0x2e: {  	s3 =	simm.s32 @!p0 $0x1082;
	s9 =	sld [smem:$0x3FAD]  }
0x2f: {  	lr =	sadd.s32 s0, s3;
	s0 =	sld [smem:$0x3FA4]  }
0x30: {  	s3 =	sld [smem:$0x3FA7]  }
0x31: {  	[smem:$0x3FB0] =	sst s10  }
0x32: {  	s10 =	sld [smem:$0x3FAE];
	_ =	sdelay $0x3  }
0x33: {  	p0 =	seq.s32 s10, $0x1;
	s10 =	sld [smem:$0x3FB0];
	_ =	sdelay $0x3  }
0x34: {  	[smem:$0x3FB0] =	sst s10  }
0x35: {  	s10 =	sld [smem:$0x3FAF];
	_ =	sdelay $0x3  }
0x36: {  	p1 =	seq.s32 s10, $0x1;
	s10 =	sld [smem:$0x3FB0];
	_ =	sdelay $0x3  }
0x37: {  	[smem:$0x3FB0] =	sst s10  }
0x38: {  	s10 =	sld [smem:$0x3FB1]  }
0x39: {  	_ = 	snop;
	(pc) =	sbr.ind lr, $3  }
0x3a: {  	_ = 	snop  }
0x3b: {  	_ = 	snop  }
0x3c: {  	p2 =	seq.s32 s10, $0x1;
	s10 =	sld [smem:$0x3FB0]  }
0x3d: {  	_ =	shalt  }
0x3e: {  	_ =	shalt  }
0x3f: {  	_ =	shalt  }
0x40: {  	_ =	shalt  }
0x41: {  	_ =	shalt  }
0x42: {  	_ =	shalt  }
0x43: {  	_ =	shalt  }
0x44: {  	_ =	shalt  }
0x45: {  	_ =	shalt  }
0x46: {  	_ =	shalt  }
0x47: {  	_ =	shalt  }
0x48: {  	_ =	shalt  }
0x49: {  	_ =	shalt  }
0x4a: {  	_ =	shalt  }
0x4b: {  	_ =	shalt  }
0x4c: {  	_ =	shalt  }
0x4d: {  	_ =	shalt  }
0x4e: {  	_ =	shalt  }
0x4f: {  	_ =	shalt  }
0x50: {  	_ =	shalt  }
0x51: {  	_ =	shalt  }
0x52: {  	_ =	shalt  }
0x53: {  	_ =	shalt  }
0x54: {  	_ =	shalt  }
0x55: {  	_ =	shalt  }
0x56: {  	_ =	shalt  }
0x57: {  	_ =	shalt  }
0x58: {  	_ =	shalt  }
0x59: {  	_ =	shalt  }
0x5a: {  	_ =	shalt  }
0x5b: {  	_ =	shalt  }
0x5c: {  	_ =	shalt  }
0x5d: {  	_ =	shalt  }
0x5e: {  	_ =	shalt  }
0x5f: {  	_ =	shalt  }
0x60: {  	_ =	shalt  }
0x61: {  	_ =	shalt  }
0x62: {  	_ =	shalt  }
0x63: {  	_ =	shalt  }
0x64: {  	_ =	shalt  }
0x65: {  	_ =	shalt  }
0x66: {  	_ =	shalt  }
0x67: {  	_ =	shalt  }
0x68: {  	_ =	shalt  }
0x69: {  	_ =	shalt  }
0x6a: {  	_ =	shalt  }
0x6b: {  	_ =	shalt  }
0x6c: {  	_ =	shalt  }
0x6d: {  	_ =	shalt  }
0x6e: {  	_ =	shalt  }
0x6f: {  	_ =	shalt  }
0x70: {  	_ =	shalt  }
0x71: {  	_ =	shalt  }
0x72: {  	_ =	shalt  }
0x73: {  	_ =	shalt  }
0x74: {  	_ =	shalt  }
0x75: {  	_ =	shalt  }
0x76: {  	_ =	shalt  }
0x77: {  	_ =	shalt  }
0x78: {  	_ =	shalt  }
0x79: {  	_ =	shalt  }
0x7a: {  	_ =	shalt  }
0x7b: {  	_ =	shalt  }
0x7c: {  	_ =	shalt  }
0x7d: {  	_ =	shalt  }
0x7e: {  	_ =	shalt  }
0x7f: {  	_ =	shalt  }
0x80: {  	_ =	shalt  }
0x81: {  	_ =	shalt  }
0x82: {  	_ =	shalt  }
0x83: {  	_ =	shalt  }
0x84: {  	_ =	shalt  }
0x85: {  	_ =	shalt  }
0x86: {  	_ =	shalt  }
0x87: {  	_ =	shalt  }
.Lfunc_end0:
.L_simem_size_0:
called_computation.1_lowered:
.L_overlay_start_0:
0x88: {  	s2 =	sld [smem:$0x3FD9]  }
0x89: {  	s3 =	sld [smem:$0x3FFE];
	_ =	sdelay $0x1  }
0x8a: {  	s1 =	srdreg.scid  }
0x8b: {  	s0 =	sand.u32 $0x1, s1  }
0x8c: {  	s17 =	sshll.u32 s0, $0xA;
	s2 =	sadd.s32 s3, s2  }
0x8d: {  	s2 =	sadd.s32 s2, s17  }
0x8e: {  	[smem:$0x3FBC] =	sst s2  }
0x8f: {  	_ = 	snop  }
0x90: {  	s2 =	sld [smem:$0x3FD0];
	(tm) =	ssettm $0x1  }
0x91: {  	s18 =	sld [smem:$0x3FFB];
	_ =	sdelay $0x3  }
0x92: {  	_ =	strace s18  }
0x93: {  	s3 =	sld [smem:$0x3FFC];
	_ =	sdelay $0x3  }
0x94: {  	_ =	strace s3  }
0x95: {  	s3 =	sld [smem:$0x3FFD];
	_ =	sdelay $0x3  }
0x96: {  	_ =	strace s3  }
0x97: {  	_ =	strace $0x8FFFFFFF  }
0x98: {  	s19 =	sld [smem:$0x3FDB];
	_ =	sdelay $0x1  }
0x99: {  	s4 =	simm.s32 $_scs_section_size  }
0x9a: {  	s5 =	simm.s32 $_size__tile_overlayer_lowered;
	s6 =	simm.s32 $_tile_overlayer_lowered  }
0x9b: {  	s22 =	simm.s32 $0x1BFF;
	s21 =	sshll.u32 s6, $0x1;
	s3 =	sadd.s32 s4, s19  }
0x9c: {  	s7 =	simm.s32 $0x0;
	s20 =	sshll.u32 s5, $0x1;
	s5 =	sadd.s32 s21, s3  }
0x9d: {  	[timem:s7], [sflag:s22] =	dma.local [hbm:s5], s20  }
0x9e: {  	_ =	swait.ge [sflag:s22], s20  }
0x9f: {  	s4 =	ssub.s32 $0x0, s20;
	[sflag:s22] =	ssyncset.done $0x0  }
0xa0: {  	[sflag:s22] =	ssyncadd.s32 s4;
	_ =	sdelay $0x1  }
0xa1: {  	s23 =	simm.s32 $0x1B8B  }
0xa2: {  	_ =	swait.ge [sflag:s23], $0x1  }
0xa3: {  	[sflag:s23] =	ssyncset.done $0x0  }
0xa4: {  	s25 =	simm.s32 $0x1B8E;
	s24 =	sld [smem:$0x3FFE];
	[sflag:s23] =	ssyncadd.s32 $0xFFFFFFFF  }
0xa5: {  	s26 =	simm.s32 $execute0_lowered;
	[smem:$0x3FD2] =	sst s25  }
0xa6: {  	s5 =	sshll.u32 s26, $0x1;
	_ =	strace $0x80000049;
	[dreg:$0x1] =	wrdreg $0xFFFFFFFF  }
0xa7: {  	s28 =	simm.s32 $_size_execute0_lowered;
	s3 =	sadd.s32 s3, s5;
	[dreg:$0x0] =	wrdreg $0x0  }
0xa8: {  	s5 =	sshll.u32 s28, $0x1;
	[dreg:$0x2] =	wrdreg s3  }
0xa9: {  	[dreg:$0x3] =	wrdreg s5  }
0xaa: {  	[dreg:$0x4] =	wrdreg $0xC0  }
0xab: {  	_ =	task [dreg:s7], $0x5FFFF  }
0xac: {  	[dreg:$0x1] =	wrdreg $0xFFFFFFFF  }
0xad: {  	[dreg:$0x0] =	wrdreg $0x60  }
0xae: {  	[dreg:$0x2] =	wrdreg s24  }
0xaf: {  	[dreg:$0x3] =	wrdreg s2  }
0xb0: {  	[dreg:$0x4] =	wrdreg $0x43800  }
0xb1: {  	[dreg:$0x5] =	wrdreg $0x9  }
0xb2: {  	_ =	task.clear_ibuf [dreg:s7], $0x6FFFF;
	_ =	strace $0x90000049  }
0xb3: {  	s29 =	simm.s32 $0x9;
	_ =	strace $0x8000004B  }
0xb4: {  	_ =	swait.ge [sflag:s29], $0x1  }
0xb5: {  	[sflag:s29] =	ssyncadd.s32 $0xFFFFFFFF  }
0xb6: {  	_ =	strace $0x9000004B  }
0xb7: {  	_ =	sfence  }
0xb8: {  	s30 =	sld [smem:$0x0];
	_ =	sdelay $0x2  }
0xb9: {  	s31 =	sshll.u32 s1, $0xD;
	s1 =	sshrl.u32 s1, $0x2  }
0xba: {  	s3 =	sand.u32 $0x4000, s31;
	s1 =	sadd.s32 s1, s30  }
0xbb: {  	s0 =	sor.u32 s3, s0;
	s1 =	sshll.u32 s1, $0x11  }
0xbc: {  	s0 =	sor.u32 s1, s0  }
0xbd: {  	s0 =	sadd.s32 $0x8F2B, s0  }
0xbe: {  	[sflag:s0] =	ssyncadd.remote.s32 $0x1  }
0xbf: {  	_ =	sfence.sel $0xFFFF  }
0xc0: {  	[dreg:$0x0] =	wrdreg $0xFFFFFFFF;
	(pc) =	sbr.abs _section_cstart, $3  }
0xc1: {  	[dreg:$0x1] =	wrdreg $0xFFFFFFFF  }
0xc2: {  	_ =	task.clear_ibuf [dreg:s7], $0x2FFFF;
	_ =	strace $0x9FFFFFFF  }
0xc3: {  	(tm) =	ssettm $0x7FFFFFFF  }
tec
execute0_lowered:
.L_overlay_start_1:
0x0: {  	(tag) =	ssettag $0x1  }
0x1: {  	s0 =	rddreg [dreg:$0x0]  }
0x2: {  	s1 =	srdreg.scid;
	s5 =	rddreg [dreg:$0x1]  }
0x3: {  	s12 =	stileid.u32;
	s2 =	rddreg [dreg:$0x2]  }
0x4: {  	s3 =	simm.s32 $0x0;
	s13 =	simm.s32 $0x190;
	s14 =	simm.s32 $0x460  }
0x5: {  	s15 =	simm.s32 $0x1E0;
	s16 =	simm.s32 $0x4B0;
	s17 =	simm.s32 $0x230  }
0x6: {  	s18 =	simm.s32 $0x500;
	s19 =	simm.s32 $0x280;
	s6 =	smul.u32 $0x4EC0, s12  }
0x7: {  	s20 =	simm.s32 $0x550;
	s22 =	smul.u32 $0x9D8, s12;
	[smem:$0x7FF] =	sst s3  }
0x8: {  	s7 =	smul.u32 $0x4F00, s12;
	s24 =	sshll.u32 s12, $0x6;
	s12 =	simm.s32 $0x410  }
0x9: {  	s21 =	simm.s32 $0x2D0;
	_ =	strace $0x8000004A;
	[dreg:$0x9] =	wrdreg s12  }
0xa: {  	s28 =	simm.s32 $0x6;
	s29 =	simm.s32 $0xA;
	[dreg:$0xa] =	wrdreg s13  }
0xb: {  	s30 =	simm.s32 $0xB;
	s1 =	sand.u32 $0x1, s1;
	[dreg:$0xb] =	wrdreg s14  }
0xc: {  	s31 =	simm.s32 $0xC;
	s4 =	smul.u32 $0x4EC00, s1;
	[dreg:$0xc] =	wrdreg s15  }
0xd: {  	s9 =	ssub.s32 $0x2, s1;
	s1 =	smul.u32 $0x4F000, s1;
	[dreg:$0xd] =	wrdreg s16  }
0xe: {  	s12 =	simm.s32 $0x50;
	s13 =	simm.s32 $0x780;
	[dreg:$0xe] =	wrdreg s17  }
0xf: {  	s14 =	simm.s32 $0x1180;
	s15 =	simm.s32 $0x1B80;
	[dreg:$0xf] =	wrdreg s18  }
0x10: {  	s16 =	simm.s32 $0x2580;
	s17 =	simm.s32 $0x1;
	[dreg:$0x10] =	wrdreg s19  }
0x11: {  	s18 =	simm.s32 $0x2F80;
	[dreg:$0x11] =	wrdreg s20;
	s19 =	simm.s32 $0x2  }
0x12: {  	[dreg:$0x12] =	wrdreg s21;
	s20 =	simm.s32 $0x3980;
	s21 =	simm.s32 $0x3  }
0x13: {  	s10 =	sshrl.u32 s7, $0x3;
	s11 =	sshrl.u32 s9, $0x1;
	s23 =	sadd.s32 s7, s2  }
0x14: {  	s4 =	sadd.s32 s4, s6;
	s6 =	sadd.s32 s22, s0;
	s9 =	ssub.s32 s9, s11  }
0x15: {  	s11 =	sor.u32 $0x1C0D, s24;
	s1 =	sadd.s32 s7, s1;
	s22 =	simm.s32 $0x5A0  }
0x16: {  	s24 =	simm.s32 $0x5F0;
	s4 =	sshrl.u32 s4, $0x3;
	[dreg:$0x13] =	wrdreg s22  }
0x17: {  	s7 =	smov.u32 s11;
	s26 =	sadd.s32 $0x16000, s6;
	[dreg:$0x15] =	wrdreg s24  }
0x18: {  	s1 =	sshrl.u32 s1, $0x3;
	s6 =	simm.s32 $0xA0;
	[dreg:$0x5] =	wrdreg s26  }
0x19: {  	s9 =	smax.u32 s9, $0x1;
	s11 =	simm.s32 $0x140;
	[dreg:$0x6] =	wrdreg s6  }
0x1a: {  	s22 =	simm.s32 $0x7;
	s24 =	simm.s32 $0x8;
	[dreg:$0x1b] =	wrdreg s9  }
0x1b: {  	s8 =	sadd.s32 s4, s0;
	s4 =	sadd.s32 $0x1FE00, s0;
	[dreg:$0x8] =	wrdreg s11  }
0x1c: {  	s0 =	sadd.s32 s10, s0;
	s1 =	sadd.s32 s5, s1;
	[dreg:$0x19] =	wrdreg s7  }
0x1d: {  	s10 =	simm.s32 $0xD;
	s26 =	simm.s32 $0x640;
	[dreg:$0x1a] =	wrdreg s1  }
0x1e: {  	s11 =	simm.s32 $0x3C0;
	s0 =	sadd.s32 $0x33800, s0;
	[dreg:$0x17] =	wrdreg s26  }
0x1f: {  	s5 =	simm.s32 $0x730;
	s25 =	sadd.s32 $0x2400, s8;
	[dreg:$0x18] =	wrdreg s0  }
0x20: {  	s9 =	simm.s32 $0x0;
	s8 =	simm.s32 $0xF0;
	[dreg:$0x4] =	wrdreg s25  }
0x21: {  	[dreg:$0x7] =	wrdreg s8;
	s8 =	sshrl.u32 s23, $0x3;
	s23 =	simm.s32 $0x320  }
0x22: {  	s26 =	simm.s32 $0x9;
	s25 =	simm.s32 $0x370;
	[dreg:$0x14] =	wrdreg s23  }
0x23: {  	s1 =	simm.s32 $0x690;
	s0 =	simm.s32 $0x6E0;
	[dreg:$0x16] =	wrdreg s25  }
0x24: {  	s23 =	simm.s32 $0x4;
	s25 =	simm.s32 $0x5;
	[dreg:$0x1c] =	wrdreg s8  }
.LBB2_1:
0x25: {  	[dreg:$0x1d] =	wrdreg s9  }
0x26: {  	s6 =	rddreg [dreg:$0x18]  }
0x27: {  	[spmem:s8], [sflag:s7] =	dma.local [hbm:s6], $0x9E0  }
0x28: {  	_ =	swait.ge [sflag:s10], $0x9E0  }
0x29: {  	[sflag:s10] =	ssyncset.done $0x0  }
0x2a: {  	[sflag:s10] =	ssyncadd.s32 $0xFFFFF620  }
0x2b: {  	[bflag:$0x0] =	sbarrier.arrive $0xFFFF  }
0x2c: {  	s7 =	rddreg [dreg:$0x4]  }
0x2d: {  	s6 =	sadd.s32 $0x0, s7  }
0x2e: {  	[tilespmem:s3], [sflag:$0xD] =	stream.linear.gather [hbm4b:s6+s3], $0x3C0, $0x38;
	[tilespmem:$0x9280] =	vst v63  }
0x2f: {  	_ =	swait.ge [sflag:s10], $0x3C0  }
0x30: {  	s8 =	rddreg [dreg:$0x5];
	[sflag:s10] =	ssyncset.done $0x0  }
0x31: {  	[sflag:s10] =	ssyncadd.s32 $0xFFFFFC40;
	s6 =	sadd.s32 $0x0, s8  }
0x32: {  	[tilespmem:s11], [sflag:$0xD] =	stream.linear.gather [hbm4b:s6+s3], $0x3C0, $0x38;
	[tilespmem:$0x9280] =	vst v63  }
0x33: {  	_ =	swait.ge [sflag:s10], $0x3C0  }
0x34: {  	[sflag:s10] =	ssyncset.done $0x0  }
0x35: {  	[sflag:s10] =	ssyncadd.s32 $0xFFFFFC40  }
0x36: {  	[tilespmem:s13], [sflag:$0x1] =	stream.indirect.gather [hbm4b:s4+s12], $0x20, s3, s12, $0xb8;
	[tilespmem:$0x9280] =	vst v63  }
0x37: {  	_ = 	snop  }
0x38: {  	[tilespmem:s14], [sflag:$0x2] =	stream.indirect.gather [hbm4b:s4+s12], $0x20, s12, s12, $0xb8;
	[tilespmem:$0x9280] =	vst v63  }
0x39: {  	s9 =	rddreg [dreg:$0x6]  }
0x3a: {  	[tilespmem:s15], [sflag:$0x3] =	stream.indirect.gather [hbm4b:s4+s12], $0x20, s9, s12, $0xb8;
	[tilespmem:$0x9280] =	vst v63  }
0x3b: {  	s7 =	rddreg [dreg:$0x7]  }
0x3c: {  	[tilespmem:s16], [sflag:$0x4] =	stream.indirect.gather [hbm4b:s4+s12], $0x20, s7, s12, $0xb8;
	[tilespmem:$0x9280] =	vst v63  }
0x3d: {  	_ =	swait.ge [sflag:s17], $0xA00  }
0x3e: {  	[sflag:s17] =	ssyncset.done $0x0  }
0x3f: {  	[sflag:s17] =	ssyncadd.s32 $0xFFFFF600  }
0x40: {  	[spmem:s2] =	stream.indirect.scatter.add.f32 [tilespmem:s13], [sflag:$0x7], $0x20, s11, s12, $0xb8;
	[tilespmem:$0x9280] =	vst v63  }
0x41: {  	s8 =	rddreg [dreg:$0x8]  }
0x42: {  	[tilespmem:s18], [sflag:$0x5] =	stream.indirect.gather [hbm4b:s4+s12], $0x20, s8, s12, $0xb8;
	[tilespmem:$0x9280] =	vst v63  }
0x43: {  	_ =	swait.ge [sflag:s19], $0xA00  }
0x44: {  	[sflag:s19] =	ssyncset.done $0x0  }
0x45: {  	s9 =	rddreg [dreg:$0x9];
	[sflag:s19] =	ssyncadd.s32 $0xFFFFF600  }
0x46: {  	[spmem:s2] =	stream.indirect.scatter.add.f32 [tilespmem:s14], [sflag:$0x8], $0x20, s9, s12, $0xb8;
	[tilespmem:$0x9280] =	vst v63  }
0x47: {  	s7 =	rddreg [dreg:$0xa]  }
0x48: {  	[tilespmem:s20], [sflag:$0x6] =	stream.indirect.gather [hbm4b:s4+s12], $0x20, s7, s12, $0xb8;
	[tilespmem:$0x9280] =	vst v63  }
0x49: {  	_ =	swait.ge [sflag:s21], $0xA00  }
0x4a: {  	[sflag:s21] =	ssyncset.done $0x0  }
0x4b: {  	s9 =	rddreg [dreg:$0xb];
	[sflag:s21] =	ssyncadd.s32 $0xFFFFF600  }
0x4c: {  	[spmem:s2] =	stream.indirect.scatter.add.f32 [tilespmem:s15], [sflag:$0x9], $0x20, s9, s12, $0xb8;
	[tilespmem:$0x9280] =	vst v63  }
0x4d: {  	_ =	swait.ge [sflag:s22], $0xA00  }
0x4e: {  	[sflag:s22] =	ssyncset.done $0x0  }
0x4f: {  	s7 =	rddreg [dreg:$0xc];
	[sflag:s22] =	ssyncadd.s32 $0xFFFFF600  }
0x50: {  	[tilespmem:s13], [sflag:$0x1] =	stream.indirect.gather [hbm4b:s4+s12], $0x20, s7, s12, $0xb8;
	[tilespmem:$0x9280] =	vst v63  }
0x51: {  	_ =	swait.ge [sflag:s23], $0xA00  }
0x52: {  	[sflag:s23] =	ssyncset.done $0x0  }
0x53: {  	s8 =	rddreg [dreg:$0xd];
	[sflag:s23] =	ssyncadd.s32 $0xFFFFF600  }
0x54: {  	[spmem:s2] =	stream.indirect.scatter.add.f32 [tilespmem:s16], [sflag:$0xA], $0x20, s8, s12, $0xb8;
	[tilespmem:$0x9280] =	vst v63  }
0x55: {  	_ =	swait.ge [sflag:s24], $0xA00  }
0x56: {  	[sflag:s24] =	ssyncset.done $0x0  }
0x57: {  	s9 =	rddreg [dreg:$0xe];
	[sflag:s24] =	ssyncadd.s32 $0xFFFFF600  }
0x58: {  	[tilespmem:s14], [sflag:$0x2] =	stream.indirect.gather [hbm4b:s4+s12], $0x20, s9, s12, $0xb8;
	[tilespmem:$0x9280] =	vst v63  }
0x59: {  	_ =	swait.ge [sflag:s25], $0xA00  }
0x5a: {  	[sflag:s25] =	ssyncset.done $0x0  }
0x5b: {  	s7 =	rddreg [dreg:$0xf];
	[sflag:s25] =	ssyncadd.s32 $0xFFFFF600  }
0x5c: {  	[spmem:s2] =	stream.indirect.scatter.add.f32 [tilespmem:s18], [sflag:$0xB], $0x20, s7, s12, $0xb8;
	[tilespmem:$0x9280] =	vst v63  }
0x5d: {  	_ =	swait.ge [sflag:s26], $0xA00  }
0x5e: {  	[sflag:s26] =	ssyncset.done $0x0  }
0x5f: {  	s8 =	rddreg [dreg:$0x10];
	[sflag:s26] =	ssyncadd.s32 $0xFFFFF600  }
0x60: {  	[tilespmem:s15], [sflag:$0x3] =	stream.indirect.gather [hbm4b:s4+s12], $0x20, s8, s12, $0xb8;
	[tilespmem:$0x9280] =	vst v63  }
0x61: {  	_ =	swait.ge [sflag:s28], $0xA00  }
0x62: {  	[sflag:s28] =	ssyncset.done $0x0  }
0x63: {  	s9 =	rddreg [dreg:$0x11];
	[sflag:s28] =	ssyncadd.s32 $0xFFFFF600  }
0x64: {  	[spmem:s2] =	stream.indirect.scatter.add.f32 [tilespmem:s20], [sflag:$0xC], $0x20, s9, s12, $0xb8;
	[tilespmem:$0x9280] =	vst v63  }
0x65: {  	_ =	swait.ge [sflag:s29], $0xA00  }
0x66: {  	[sflag:s29] =	ssyncset.done $0x0  }
0x67: {  	s7 =	rddreg [dreg:$0x12];
	[sflag:s29] =	ssyncadd.s32 $0xFFFFF600  }
0x68: {  	[tilespmem:s16], [sflag:$0x4] =	stream.indirect.gather [hbm4b:s4+s12], $0x20, s7, s12, $0xb8;
	[tilespmem:$0x9280] =	vst v63  }
0x69: {  	_ =	swait.ge [sflag:s17], $0xA00  }
0x6a: {  	[sflag:s17] =	ssyncset.done $0x0  }
0x6b: {  	s8 =	rddreg [dreg:$0x13];
	[sflag:s17] =	ssyncadd.s32 $0xFFFFF600  }
0x6c: {  	[spmem:s2] =	stream.indirect.scatter.add.f32 [tilespmem:s13], [sflag:$0x7], $0x20, s8, s12, $0xb8;
	[tilespmem:$0x9280] =	vst v63  }
0x6d: {  	_ =	swait.ge [sflag:s30], $0xA00  }
0x6e: {  	[sflag:s30] =	ssyncset.done $0x0  }
0x6f: {  	s9 =	rddreg [dreg:$0x14];
	[sflag:s30] =	ssyncadd.s32 $0xFFFFF600  }
0x70: {  	[tilespmem:s18], [sflag:$0x5] =	stream.indirect.gather [hbm4b:s4+s12], $0x20, s9, s12, $0xb8;
	[tilespmem:$0x9280] =	vst v63  }
0x71: {  	_ =	swait.ge [sflag:s19], $0xA00  }
0x72: {  	[sflag:s19] =	ssyncset.done $0x0  }
0x73: {  	s7 =	rddreg [dreg:$0x15];
	[sflag:s19] =	ssyncadd.s32 $0xFFFFF600  }
0x74: {  	[spmem:s2] =	stream.indirect.scatter.add.f32 [tilespmem:s14], [sflag:$0x8], $0x20, s7, s12, $0xb8;
	[tilespmem:$0x9280] =	vst v63  }
0x75: {  	_ =	swait.ge [sflag:s31], $0xA00  }
0x76: {  	[sflag:s31] =	ssyncset.done $0x0  }
0x77: {  	s8 =	rddreg [dreg:$0x16];
	[sflag:s31] =	ssyncadd.s32 $0xFFFFF600  }
0x78: {  	[tilespmem:s20], [sflag:$0x6] =	stream.indirect.gather [hbm4b:s4+s12], $0x20, s8, s12, $0xb8;
	[tilespmem:$0x9280] =	vst v63  }
0x79: {  	_ =	swait.ge [sflag:s21], $0xA00  }
0x7a: {  	[sflag:s21] =	ssyncset.done $0x0  }
0x7b: {  	s9 =	rddreg [dreg:$0x17];
	[sflag:s21] =	ssyncadd.s32 $0xFFFFF600  }
0x7c: {  	[spmem:s2] =	stream.indirect.scatter.add.f32 [tilespmem:s15], [sflag:$0x9], $0x20, s9, s12, $0xb8;
	[tilespmem:$0x9280] =	vst v63  }
0x7d: {  	_ =	swait.ge [sflag:s23], $0xA00  }
0x7e: {  	[sflag:s23] =	ssyncset.done $0x0  }
0x7f: {  	[sflag:s23] =	ssyncadd.s32 $0xFFFFF600  }
0x80: {  	[spmem:s2] =	stream.indirect.scatter.add.f32 [tilespmem:s16], [sflag:$0xA], $0x20, s1, s12, $0xb8;
	[tilespmem:$0x9280] =	vst v63  }
0x81: {  	_ =	swait.ge [sflag:s25], $0xA00  }
0x82: {  	[sflag:s25] =	ssyncset.done $0x0  }
0x83: {  	[sflag:s25] =	ssyncadd.s32 $0xFFFFF600  }
0x84: {  	[spmem:s2] =	stream.indirect.scatter.add.f32 [tilespmem:s18], [sflag:$0xB], $0x20, s0, s12, $0xb8;
	[tilespmem:$0x9280] =	vst v63  }
0x85: {  	_ =	swait.ge [sflag:s28], $0xA00  }
0x86: {  	[sflag:s28] =	ssyncset.done $0x0  }
0x87: {  	[sflag:s28] =	ssyncadd.s32 $0xFFFFF600  }
0x88: {  	[spmem:s2] =	stream.indirect.scatter.add.f32 [tilespmem:s20], [sflag:$0xC], $0x20, s5, s12, $0xb8;
	[tilespmem:$0x9280] =	vst v63  }
0x89: {  	_ =	swait.ge [sflag:s22], $0xA00  }
0x8a: {  	[sflag:s22] =	ssyncset.done $0x0  }
0x8b: {  	[sflag:s22] =	ssyncadd.s32 $0xFFFFF600  }
0x8c: {  	_ =	swait.ge [sflag:s24], $0xA00  }
0x8d: {  	[sflag:s24] =	ssyncset.done $0x0  }
0x8e: {  	[sflag:s24] =	ssyncadd.s32 $0xFFFFF600  }
0x8f: {  	_ =	swait.ge [sflag:s26], $0xA00  }
0x90: {  	[sflag:s26] =	ssyncset.done $0x0  }
0x91: {  	[sflag:s26] =	ssyncadd.s32 $0xFFFFF600  }
0x92: {  	_ =	swait.ge [sflag:s29], $0xA00  }
0x93: {  	[sflag:s29] =	ssyncset.done $0x0  }
0x94: {  	[sflag:s29] =	ssyncadd.s32 $0xFFFFF600  }
0x95: {  	_ =	swait.ge [sflag:s30], $0xA00  }
0x96: {  	[sflag:s30] =	ssyncset.done $0x0  }
0x97: {  	[sflag:s30] =	ssyncadd.s32 $0xFFFFF600  }
0x98: {  	s6 =	simm.s32 $0xF0;
	_ =	swait.ge [sflag:s31], $0xA00  }
0x99: {  	s8 =	simm.s32 $0x78;
	s9 =	rddreg [dreg:$0x4];
	[sflag:s31] =	ssyncset.done $0x0  }
.LBB2_2:
0x9a: {  	[sflag:s31] =	ssyncadd.s32 $0xFFFFF600;
	s9 =	sadd.s32 s8, s9  }
0x9b: {  	[tilespmem:s3], [sflag:$0xD] =	stream.linear.gather [hbm4b:s9+s3], $0x3C0, $0x38;
	[tilespmem:$0x9280] =	vst v63  }
0x9c: {  	_ =	swait.ge [sflag:s10], $0x3C0  }
0x9d: {  	s9 =	rddreg [dreg:$0x5];
	[sflag:s10] =	ssyncset.done $0x0  }
0x9e: {  	[sflag:s10] =	ssyncadd.s32 $0xFFFFFC40;
	s9 =	sadd.s32 s8, s9  }
0x9f: {  	[tilespmem:s11], [sflag:$0xD] =	stream.linear.gather [hbm4b:s9+s3], $0x3C0, $0x38;
	[tilespmem:$0x9280] =	vst v63  }
0xa0: {  	_ =	swait.ge [sflag:s10], $0x3C0  }
0xa1: {  	[sflag:s10] =	ssyncset.done $0x0  }
0xa2: {  	[sflag:s10] =	ssyncadd.s32 $0xFFFFFC40  }
0xa3: {  	[tilespmem:s13], [sflag:$0x1] =	stream.indirect.gather [hbm4b:s4+s12], $0x20, s3, s12, $0xb8;
	[tilespmem:$0x9280] =	vst v63  }
0xa4: {  	s7 =	smov.u32 s6  }
0xa5: {  	[tilespmem:s14], [sflag:$0x2] =	stream.indirect.gather [hbm4b:s4+s12], $0x20, s12, s12, $0xb8;
	[tilespmem:$0x9280] =	vst v63  }
0xa6: {  	s8 =	smov.u32 s7;
	s7 =	rddreg [dreg:$0x6]  }
0xa7: {  	[tilespmem:s15], [sflag:$0x3] =	stream.indirect.gather [hbm4b:s4+s12], $0x20, s7, s12, $0xb8;
	[tilespmem:$0x9280] =	vst v63  }
0xa8: {  	s9 =	rddreg [dreg:$0x7]  }
0xa9: {  	[tilespmem:s16], [sflag:$0x4] =	stream.indirect.gather [hbm4b:s4+s12], $0x20, s9, s12, $0xb8;
	[tilespmem:$0x9280] =	vst v63  }
0xaa: {  	_ =	swait.ge [sflag:s17], $0xA00  }
0xab: {  	[sflag:s17] =	ssyncset.done $0x0  }
0xac: {  	[sflag:s17] =	ssyncadd.s32 $0xFFFFF600  }
0xad: {  	[spmem:s2] =	stream.indirect.scatter.add.f32 [tilespmem:s13], [sflag:$0x7], $0x20, s11, s12, $0xb8;
	[tilespmem:$0x9280] =	vst v63  }
0xae: {  	s9 =	rddreg [dreg:$0x8]  }
0xaf: {  	[tilespmem:s18], [sflag:$0x5] =	stream.indirect.gather [hbm4b:s4+s12], $0x20, s9, s12, $0xb8;
	[tilespmem:$0x9280] =	vst v63  }
0xb0: {  	_ =	swait.ge [sflag:s19], $0xA00  }
0xb1: {  	[sflag:s19] =	ssyncset.done $0x0  }
0xb2: {  	s7 =	rddreg [dreg:$0x9];
	[sflag:s19] =	ssyncadd.s32 $0xFFFFF600  }
0xb3: {  	[spmem:s2] =	stream.indirect.scatter.add.f32 [tilespmem:s14], [sflag:$0x8], $0x20, s7, s12, $0xb8;
	[tilespmem:$0x9280] =	vst v63  }
0xb4: {  	s9 =	rddreg [dreg:$0xa]  }
0xb5: {  	[tilespmem:s20], [sflag:$0x6] =	stream.indirect.gather [hbm4b:s4+s12], $0x20, s9, s12, $0xb8;
	[tilespmem:$0x9280] =	vst v63  }
0xb6: {  	_ =	swait.ge [sflag:s21], $0xA00  }
0xb7: {  	[sflag:s21] =	ssyncset.done $0x0  }
0xb8: {  	s9 =	rddreg [dreg:$0xb];
	[sflag:s21] =	ssyncadd.s32 $0xFFFFF600  }
0xb9: {  	[spmem:s2] =	stream.indirect.scatter.add.f32 [tilespmem:s15], [sflag:$0x9], $0x20, s9, s12, $0xb8;
	[tilespmem:$0x9280] =	vst v63  }
0xba: {  	_ =	swait.ge [sflag:s22], $0xA00  }
0xbb: {  	[sflag:s22] =	ssyncset.done $0x0  }
0xbc: {  	s9 =	rddreg [dreg:$0xc];
	[sflag:s22] =	ssyncadd.s32 $0xFFFFF600  }
0xbd: {  	[tilespmem:s13], [sflag:$0x1] =	stream.indirect.gather [hbm4b:s4+s12], $0x20, s9, s12, $0xb8;
	[tilespmem:$0x9280] =	vst v63  }
0xbe: {  	_ =	swait.ge [sflag:s23], $0xA00  }
0xbf: {  	[sflag:s23] =	ssyncset.done $0x0  }
0xc0: {  	s9 =	rddreg [dreg:$0xd];
	[sflag:s23] =	ssyncadd.s32 $0xFFFFF600  }
0xc1: {  	[spmem:s2] =	stream.indirect.scatter.add.f32 [tilespmem:s16], [sflag:$0xA], $0x20, s9, s12, $0xb8;
	[tilespmem:$0x9280] =	vst v63  }
0xc2: {  	_ =	swait.ge [sflag:s24], $0xA00  }
0xc3: {  	[sflag:s24] =	ssyncset.done $0x0  }
0xc4: {  	s9 =	rddreg [dreg:$0xe];
	[sflag:s24] =	ssyncadd.s32 $0xFFFFF600  }
0xc5: {  	[tilespmem:s14], [sflag:$0x2] =	stream.indirect.gather [hbm4b:s4+s12], $0x20, s9, s12, $0xb8;
	[tilespmem:$0x9280] =	vst v63  }
0xc6: {  	_ =	swait.ge [sflag:s25], $0xA00  }
0xc7: {  	[sflag:s25] =	ssyncset.done $0x0  }
0xc8: {  	s9 =	rddreg [dreg:$0xf];
	[sflag:s25] =	ssyncadd.s32 $0xFFFFF600  }
0xc9: {  	[spmem:s2] =	stream.indirect.scatter.add.f32 [tilespmem:s18], [sflag:$0xB], $0x20, s9, s12, $0xb8;
	[tilespmem:$0x9280] =	vst v63  }
0xca: {  	_ =	swait.ge [sflag:s26], $0xA00  }
0xcb: {  	[sflag:s26] =	ssyncset.done $0x0  }
0xcc: {  	s9 =	rddreg [dreg:$0x10];
	[sflag:s26] =	ssyncadd.s32 $0xFFFFF600  }
0xcd: {  	[tilespmem:s15], [sflag:$0x3] =	stream.indirect.gather [hbm4b:s4+s12], $0x20, s9, s12, $0xb8;
	[tilespmem:$0x9280] =	vst v63  }
0xce: {  	_ =	swait.ge [sflag:s28], $0xA00  }
0xcf: {  	[sflag:s28] =	ssyncset.done $0x0  }
0xd0: {  	s9 =	rddreg [dreg:$0x11];
	[sflag:s28] =	ssyncadd.s32 $0xFFFFF600  }
0xd1: {  	[spmem:s2] =	stream.indirect.scatter.add.f32 [tilespmem:s20], [sflag:$0xC], $0x20, s9, s12, $0xb8;
	[tilespmem:$0x9280] =	vst v63  }
0xd2: {  	_ =	swait.ge [sflag:s29], $0xA00  }
0xd3: {  	[sflag:s29] =	ssyncset.done $0x0  }
0xd4: {  	s9 =	rddreg [dreg:$0x12];
	[sflag:s29] =	ssyncadd.s32 $0xFFFFF600  }
0xd5: {  	[tilespmem:s16], [sflag:$0x4] =	stream.indirect.gather [hbm4b:s4+s12], $0x20, s9, s12, $0xb8;
	[tilespmem:$0x9280] =	vst v63  }
0xd6: {  	_ =	swait.ge [sflag:s17], $0xA00  }
0xd7: {  	[sflag:s17] =	ssyncset.done $0x0  }
0xd8: {  	s9 =	rddreg [dreg:$0x13];
	[sflag:s17] =	ssyncadd.s32 $0xFFFFF600  }
0xd9: {  	[spmem:s2] =	stream.indirect.scatter.add.f32 [tilespmem:s13], [sflag:$0x7], $0x20, s9, s12, $0xb8;
	[tilespmem:$0x9280] =	vst v63  }
0xda: {  	_ =	swait.ge [sflag:s30], $0xA00  }
0xdb: {  	[sflag:s30] =	ssyncset.done $0x0  }
0xdc: {  	s9 =	rddreg [dreg:$0x14];
	[sflag:s30] =	ssyncadd.s32 $0xFFFFF600  }
0xdd: {  	[tilespmem:s18], [sflag:$0x5] =	stream.indirect.gather [hbm4b:s4+s12], $0x20, s9, s12, $0xb8;
	[tilespmem:$0x9280] =	vst v63  }
0xde: {  	_ =	swait.ge [sflag:s19], $0xA00  }
0xdf: {  	[sflag:s19] =	ssyncset.done $0x0  }
0xe0: {  	s9 =	rddreg [dreg:$0x15];
	[sflag:s19] =	ssyncadd.s32 $0xFFFFF600  }
0xe1: {  	[spmem:s2] =	stream.indirect.scatter.add.f32 [tilespmem:s14], [sflag:$0x8], $0x20, s9, s12, $0xb8;
	[tilespmem:$0x9280] =	vst v63  }
0xe2: {  	_ =	swait.ge [sflag:s31], $0xA00  }
0xe3: {  	[sflag:s31] =	ssyncset.done $0x0  }
0xe4: {  	s9 =	rddreg [dreg:$0x16];
	[sflag:s31] =	ssyncadd.s32 $0xFFFFF600  }
0xe5: {  	[tilespmem:s20], [sflag:$0x6] =	stream.indirect.gather [hbm4b:s4+s12], $0x20, s9, s12, $0xb8;
	[tilespmem:$0x9280] =	vst v63  }
0xe6: {  	_ =	swait.ge [sflag:s21], $0xA00  }
0xe7: {  	[sflag:s21] =	ssyncset.done $0x0  }
0xe8: {  	s9 =	rddreg [dreg:$0x17];
	[sflag:s21] =	ssyncadd.s32 $0xFFFFF600  }
0xe9: {  	[spmem:s2] =	stream.indirect.scatter.add.f32 [tilespmem:s15], [sflag:$0x9], $0x20, s9, s12, $0xb8;
	[tilespmem:$0x9280] =	vst v63  }
0xea: {  	_ =	swait.ge [sflag:s23], $0xA00  }
0xeb: {  	[sflag:s23] =	ssyncset.done $0x0  }
0xec: {  	[sflag:s23] =	ssyncadd.s32 $0xFFFFF600  }
0xed: {  	[spmem:s2] =	stream.indirect.scatter.add.f32 [tilespmem:s16], [sflag:$0xA], $0x20, s1, s12, $0xb8;
	[tilespmem:$0x9280] =	vst v63  }
0xee: {  	_ =	swait.ge [sflag:s25], $0xA00  }
0xef: {  	[sflag:s25] =	ssyncset.done $0x0  }
0xf0: {  	[sflag:s25] =	ssyncadd.s32 $0xFFFFF600  }
0xf1: {  	[spmem:s2] =	stream.indirect.scatter.add.f32 [tilespmem:s18], [sflag:$0xB], $0x20, s0, s12, $0xb8;
	[tilespmem:$0x9280] =	vst v63  }
0xf2: {  	_ =	swait.ge [sflag:s28], $0xA00  }
0xf3: {  	[sflag:s28] =	ssyncset.done $0x0  }
0xf4: {  	[sflag:s28] =	ssyncadd.s32 $0xFFFFF600  }
0xf5: {  	[spmem:s2] =	stream.indirect.scatter.add.f32 [tilespmem:s20], [sflag:$0xC], $0x20, s5, s12, $0xb8;
	[tilespmem:$0x9280] =	vst v63  }
0xf6: {  	_ =	swait.ge [sflag:s22], $0xA00  }
0xf7: {  	[sflag:s22] =	ssyncset.done $0x0  }
0xf8: {  	[sflag:s22] =	ssyncadd.s32 $0xFFFFF600  }
0xf9: {  	_ =	swait.ge [sflag:s24], $0xA00  }
0xfa: {  	[sflag:s24] =	ssyncset.done $0x0  }
0xfb: {  	[sflag:s24] =	ssyncadd.s32 $0xFFFFF600  }
0xfc: {  	_ =	swait.ge [sflag:s26], $0xA00  }
0xfd: {  	[sflag:s26] =	ssyncset.done $0x0  }
0xfe: {  	[sflag:s26] =	ssyncadd.s32 $0xFFFFF600  }
0xff: {  	_ =	swait.ge [sflag:s29], $0xA00  }
0x100: {  	[sflag:s29] =	ssyncset.done $0x0  }
0x101: {  	p0 =	sne.s32 s6, $0x960;
	[sflag:s29] =	ssyncadd.s32 $0xFFFFF600  }
.Ltmp0:
0x102: {  	_ =	swait.ge [sflag:s30], $0xA00;
	(pc) =	sbr.rel @p0 .LBB2_2-.Ltmp0, $4  }
0x103: {  	[sflag:s30] =	ssyncset.done $0x0  }
0x104: {  	[sflag:s30] =	ssyncadd.s32 $0xFFFFF600  }
0x105: {  	_ =	swait.ge [sflag:s31], $0xA00  }
0x106: {  	s6 =	sadd.s32 $0x78, s6;
	s9 =	rddreg [dreg:$0x4];
	[sflag:s31] =	ssyncset.done $0x0  }
0x107: {  	[sflag:s31] =	ssyncadd.s32 $0xFFFFF600;
	s6 =	sadd.s32 s8, s9  }
0x108: {  	[tilespmem:s3], [sflag:$0xD] =	stream.linear.gather [hbm4b:s6+s3], $0x3C0, $0x38;
	[tilespmem:$0x9280] =	vst v63  }
0x109: {  	_ =	swait.ge [sflag:s10], $0x3C0  }
0x10a: {  	s7 =	rddreg [dreg:$0x5];
	[sflag:s10] =	ssyncset.done $0x0  }
0x10b: {  	[sflag:s10] =	ssyncadd.s32 $0xFFFFFC40;
	s6 =	sadd.s32 s8, s7  }
0x10c: {  	[tilespmem:s11], [sflag:$0xD] =	stream.linear.gather [hbm4b:s6+s3], $0x3C0, $0x38;
	[tilespmem:$0x9280] =	vst v63  }
0x10d: {  	_ =	swait.ge [sflag:s10], $0x3C0  }
0x10e: {  	[sflag:s10] =	ssyncset.done $0x0  }
0x10f: {  	[sflag:s10] =	ssyncadd.s32 $0xFFFFFC40  }
0x110: {  	[tilespmem:s13], [sflag:$0x1] =	stream.indirect.gather [hbm4b:s4+s12], $0x20, s3, s12, $0xb8;
	[tilespmem:$0x9280] =	vst v63  }
0x111: {  	_ = 	snop  }
0x112: {  	[tilespmem:s14], [sflag:$0x2] =	stream.indirect.gather [hbm4b:s4+s12], $0x20, s12, s12, $0xb8;
	[tilespmem:$0x9280] =	vst v63  }
0x113: {  	s9 =	rddreg [dreg:$0x6]  }
0x114: {  	[tilespmem:s15], [sflag:$0x3] =	stream.indirect.gather [hbm4b:s4+s12], $0x20, s9, s12, $0xb8;
	[tilespmem:$0x9280] =	vst v63  }
0x115: {  	s7 =	rddreg [dreg:$0x7]  }
0x116: {  	[tilespmem:s16], [sflag:$0x4] =	stream.indirect.gather [hbm4b:s4+s12], $0x20, s7, s12, $0xb8;
	[tilespmem:$0x9280] =	vst v63  }
0x117: {  	_ =	swait.ge [sflag:s17], $0xA00  }
0x118: {  	[sflag:s17] =	ssyncset.done $0x0  }
0x119: {  	[sflag:s17] =	ssyncadd.s32 $0xFFFFF600  }
0x11a: {  	[spmem:s2] =	stream.indirect.scatter.add.f32 [tilespmem:s13], [sflag:$0x7], $0x20, s11, s12, $0xb8;
	[tilespmem:$0x9280] =	vst v63  }
0x11b: {  	s7 =	rddreg [dreg:$0x8]  }
0x11c: {  	[tilespmem:s18], [sflag:$0x5] =	stream.indirect.gather [hbm4b:s4+s12], $0x20, s7, s12, $0xb8;
	[tilespmem:$0x9280] =	vst v63  }
0x11d: {  	_ =	swait.ge [sflag:s19], $0xA00  }
0x11e: {  	[sflag:s19] =	ssyncset.done $0x0  }
0x11f: {  	s8 =	rddreg [dreg:$0x9];
	[sflag:s19] =	ssyncadd.s32 $0xFFFFF600  }
0x120: {  	[spmem:s2] =	stream.indirect.scatter.add.f32 [tilespmem:s14], [sflag:$0x8], $0x20, s8, s12, $0xb8;
	[tilespmem:$0x9280] =	vst v63  }
0x121: {  	s9 =	rddreg [dreg:$0xa]  }
0x122: {  	[tilespmem:s20], [sflag:$0x6] =	stream.indirect.gather [hbm4b:s4+s12], $0x20, s9, s12, $0xb8;
	[tilespmem:$0x9280] =	vst v63  }
0x123: {  	_ =	swait.ge [sflag:s21], $0xA00  }
0x124: {  	[sflag:s21] =	ssyncset.done $0x0  }
0x125: {  	s8 =	rddreg [dreg:$0xb];
	[sflag:s21] =	ssyncadd.s32 $0xFFFFF600  }
0x126: {  	[spmem:s2] =	stream.indirect.scatter.add.f32 [tilespmem:s15], [sflag:$0x9], $0x20, s8, s12, $0xb8;
	[tilespmem:$0x9280] =	vst v63  }
0x127: {  	_ =	swait.ge [sflag:s22], $0xA00  }
0x128: {  	[sflag:s22] =	ssyncset.done $0x0  }
0x129: {  	s9 =	rddreg [dreg:$0xc];
	[sflag:s22] =	ssyncadd.s32 $0xFFFFF600  }
0x12a: {  	[tilespmem:s13], [sflag:$0x1] =	stream.indirect.gather [hbm4b:s4+s12], $0x20, s9, s12, $0xb8;
	[tilespmem:$0x9280] =	vst v63  }
0x12b: {  	_ =	swait.ge [sflag:s23], $0xA00  }
0x12c: {  	[sflag:s23] =	ssyncset.done $0x0  }
0x12d: {  	s7 =	rddreg [dreg:$0xd];
	[sflag:s23] =	ssyncadd.s32 $0xFFFFF600  }
0x12e: {  	[spmem:s2] =	stream.indirect.scatter.add.f32 [tilespmem:s16], [sflag:$0xA], $0x20, s7, s12, $0xb8;
	[tilespmem:$0x9280] =	vst v63  }
0x12f: {  	_ =	swait.ge [sflag:s24], $0xA00  }
0x130: {  	[sflag:s24] =	ssyncset.done $0x0  }
0x131: {  	s8 =	rddreg [dreg:$0xe];
	[sflag:s24] =	ssyncadd.s32 $0xFFFFF600  }
0x132: {  	[tilespmem:s14], [sflag:$0x2] =	stream.indirect.gather [hbm4b:s4+s12], $0x20, s8, s12, $0xb8;
	[tilespmem:$0x9280] =	vst v63  }
0x133: {  	_ =	swait.ge [sflag:s25], $0xA00  }
0x134: {  	[sflag:s25] =	ssyncset.done $0x0  }
0x135: {  	s9 =	rddreg [dreg:$0xf];
	[sflag:s25] =	ssyncadd.s32 $0xFFFFF600  }
0x136: {  	[spmem:s2] =	stream.indirect.scatter.add.f32 [tilespmem:s18], [sflag:$0xB], $0x20, s9, s12, $0xb8;
	[tilespmem:$0x9280] =	vst v63  }
0x137: {  	_ =	swait.ge [sflag:s26], $0xA00  }
0x138: {  	[sflag:s26] =	ssyncset.done $0x0  }
0x139: {  	s7 =	rddreg [dreg:$0x10];
	[sflag:s26] =	ssyncadd.s32 $0xFFFFF600  }
0x13a: {  	[tilespmem:s15], [sflag:$0x3] =	stream.indirect.gather [hbm4b:s4+s12], $0x20, s7, s12, $0xb8;
	[tilespmem:$0x9280] =	vst v63  }
0x13b: {  	_ =	swait.ge [sflag:s28], $0xA00  }
0x13c: {  	[sflag:s28] =	ssyncset.done $0x0  }
0x13d: {  	s8 =	rddreg [dreg:$0x11];
	[sflag:s28] =	ssyncadd.s32 $0xFFFFF600  }
0x13e: {  	[spmem:s2] =	stream.indirect.scatter.add.f32 [tilespmem:s20], [sflag:$0xC], $0x20, s8, s12, $0xb8;
	[tilespmem:$0x9280] =	vst v63  }
0x13f: {  	_ =	swait.ge [sflag:s29], $0xA00  }
0x140: {  	[sflag:s29] =	ssyncset.done $0x0  }
0x141: {  	s9 =	rddreg [dreg:$0x12];
	[sflag:s29] =	ssyncadd.s32 $0xFFFFF600  }
0x142: {  	[tilespmem:s16], [sflag:$0x4] =	stream.indirect.gather [hbm4b:s4+s12], $0x20, s9, s12, $0xb8;
	[tilespmem:$0x9280] =	vst v63  }
0x143: {  	_ =	swait.ge [sflag:s17], $0xA00  }
0x144: {  	[sflag:s17] =	ssyncset.done $0x0  }
0x145: {  	s7 =	rddreg [dreg:$0x13];
	[sflag:s17] =	ssyncadd.s32 $0xFFFFF600  }
0x146: {  	[spmem:s2] =	stream.indirect.scatter.add.f32 [tilespmem:s13], [sflag:$0x7], $0x20, s7, s12, $0xb8;
	[tilespmem:$0x9280] =	vst v63  }
0x147: {  	_ =	swait.ge [sflag:s30], $0xA00  }
0x148: {  	[sflag:s30] =	ssyncset.done $0x0  }
0x149: {  	s8 =	rddreg [dreg:$0x14];
	[sflag:s30] =	ssyncadd.s32 $0xFFFFF600  }
0x14a: {  	[tilespmem:s18], [sflag:$0x5] =	stream.indirect.gather [hbm4b:s4+s12], $0x20, s8, s12, $0xb8;
	[tilespmem:$0x9280] =	vst v63  }
0x14b: {  	_ =	swait.ge [sflag:s19], $0xA00  }
0x14c: {  	[sflag:s19] =	ssyncset.done $0x0  }
0x14d: {  	s9 =	rddreg [dreg:$0x15];
	[sflag:s19] =	ssyncadd.s32 $0xFFFFF600  }
0x14e: {  	[spmem:s2] =	stream.indirect.scatter.add.f32 [tilespmem:s14], [sflag:$0x8], $0x20, s9, s12, $0xb8;
	[tilespmem:$0x9280] =	vst v63  }
0x14f: {  	_ =	swait.ge [sflag:s31], $0xA00  }
0x150: {  	[sflag:s31] =	ssyncset.done $0x0  }
0x151: {  	s7 =	rddreg [dreg:$0x16];
	[sflag:s31] =	ssyncadd.s32 $0xFFFFF600  }
0x152: {  	[tilespmem:s20], [sflag:$0x6] =	stream.indirect.gather [hbm4b:s4+s12], $0x20, s7, s12, $0xb8;
	[tilespmem:$0x9280] =	vst v63  }
0x153: {  	_ =	swait.ge [sflag:s21], $0xA00  }
0x154: {  	[sflag:s21] =	ssyncset.done $0x0  }
0x155: {  	s8 =	rddreg [dreg:$0x17];
	[sflag:s21] =	ssyncadd.s32 $0xFFFFF600  }
0x156: {  	[spmem:s2] =	stream.indirect.scatter.add.f32 [tilespmem:s15], [sflag:$0x9], $0x20, s8, s12, $0xb8;
	[tilespmem:$0x9280] =	vst v63  }
0x157: {  	_ =	swait.ge [sflag:s23], $0xA00  }
0x158: {  	[sflag:s23] =	ssyncset.done $0x0  }
0x159: {  	[sflag:s23] =	ssyncadd.s32 $0xFFFFF600  }
0x15a: {  	[spmem:s2] =	stream.indirect.scatter.add.f32 [tilespmem:s16], [sflag:$0xA], $0x20, s1, s12, $0xb8;
	[tilespmem:$0x9280] =	vst v63  }
0x15b: {  	_ =	swait.ge [sflag:s25], $0xA00  }
0x15c: {  	[sflag:s25] =	ssyncset.done $0x0  }
0x15d: {  	[sflag:s25] =	ssyncadd.s32 $0xFFFFF600  }
0x15e: {  	[spmem:s2] =	stream.indirect.scatter.add.f32 [tilespmem:s18], [sflag:$0xB], $0x20, s0, s12, $0xb8;
	[tilespmem:$0x9280] =	vst v63  }
0x15f: {  	_ =	swait.ge [sflag:s28], $0xA00  }
0x160: {  	[sflag:s28] =	ssyncset.done $0x0  }
0x161: {  	[sflag:s28] =	ssyncadd.s32 $0xFFFFF600  }
0x162: {  	[spmem:s2] =	stream.indirect.scatter.add.f32 [tilespmem:s20], [sflag:$0xC], $0x20, s5, s12, $0xb8;
	[tilespmem:$0x9280] =	vst v63  }
0x163: {  	_ =	swait.ge [sflag:s22], $0xA00  }
0x164: {  	[sflag:s22] =	ssyncset.done $0x0  }
0x165: {  	[sflag:s22] =	ssyncadd.s32 $0xFFFFF600  }
0x166: {  	_ =	swait.ge [sflag:s24], $0xA00  }
0x167: {  	[sflag:s24] =	ssyncset.done $0x0  }
0x168: {  	[sflag:s24] =	ssyncadd.s32 $0xFFFFF600  }
0x169: {  	_ =	swait.ge [sflag:s26], $0xA00  }
0x16a: {  	[sflag:s26] =	ssyncset.done $0x0  }
0x16b: {  	[sflag:s26] =	ssyncadd.s32 $0xFFFFF600  }
0x16c: {  	_ =	swait.ge [sflag:s29], $0xA00  }
0x16d: {  	[sflag:s29] =	ssyncset.done $0x0  }
0x16e: {  	[sflag:s29] =	ssyncadd.s32 $0xFFFFF600  }
0x16f: {  	_ =	swait.ge [sflag:s30], $0xA00  }
0x170: {  	[sflag:s30] =	ssyncset.done $0x0  }
0x171: {  	[sflag:s30] =	ssyncadd.s32 $0xFFFFF600  }
0x172: {  	_ =	swait.ge [sflag:s31], $0xA00  }
0x173: {  	[sflag:s31] =	ssyncset.done $0x0  }
0x174: {  	[sflag:s31] =	ssyncadd.s32 $0xFFFFF600  }
0x175: {  	[bflag:$0x0] =	sbarrier.arrive $0xFFFF  }
0x176: {  	s7 =	rddreg [dreg:$0x19]  }
0x177: {  	s9 =	rddreg [dreg:$0x1a]  }
0x178: {  	s8 =	rddreg [dreg:$0x1c]  }
0x179: {  	[hbm:s9], [sflag:s7] =	dma.local [spmem:s8], $0x9E0  }
0x17a: {  	_ =	swait.ge [sflag:s10], $0x9E0  }
0x17b: {  	s6 =	rddreg [dreg:$0x1d]  }
0x17c: {  	s9 =	sadd.s32 $0x1, s6;
	s6 =	rddreg [dreg:$0x1b]  }
0x17d: {  	p0 =	sne.s32 s9, s6  }
.Ltmp1:
0x17e: {  	_ = 	snop;
	(pc) =	sbr.rel @p0 .LBB2_1-.Ltmp1, $3  }
0x17f: {  	_ =	sdelay $0x1  }
0x180: {  	[sflag:s10] =	ssyncset.done $0x0  }
0x181: {  	[sflag:s10] =	ssyncadd.s32 $0xFFFFF620  }
0x182: {  	_ =	sfence.sel $0x180000  }
0x183: {  	[bflag:$0x0] =	sbarrier.arrive $0xFFFF  }
0x184: {  	_ =	strace $0x9000004A  }
0x185: {  	s0 =	stileid.u32;
	[bflag:$0x2] =	sbarrier.arrive $0xFFFF  }
0x186: {  	p0 =	sne.s32 s0, $0x0;
	s0 =	rddreg [dreg:$0x3]  }
0x187: {  	s0 =	sadd.s32 @!p0 $0x100000, s0  }
0x188: {  	[sflag:s0] =	ssyncadd.tile.s32 @!p0 $0x1;
	_ =	shalt  }
.Lfunc_end2:
_tile_overlayer_lowered:
.L_overlay_start_2:
0x189: {  	(tag) =	ssettag $0x2  }
0x18a: {  	s0 =	rddreg [dreg:$0x0];
	s2 =	stileid.u32  }
0x18b: {  	s1 =	rddreg [dreg:$0x1];
	p0 =	sne.s32 s2, $0x0  }
0x18c: {  	s3 =	rddreg [dreg:$0x2];
	[bflag:$0x3] =	sbarrier.arrive $0xFFFF;
	s2 =	simm.s32 @!p0 $0x1C0D  }
0x18d: {  	[timem:s3], [sflag:s2] =	dma.local @!p0 [hbm:s0], s1  }
0x18e: {  	s0 =	simm.s32 @!p0 $0xD  }
0x18f: {  	_ =	swait.ge @!p0 [sflag:s0], s1  }
0x190: {  	s1 =	ssub.s32 @!p0 $0x0, s1;
	[sflag:s0] =	ssyncset.done @!p0 $0x0  }
0x191: {  	[sflag:s0] =	ssyncadd.s32 @!p0 s1  }
0x192: {  	[bflag:$0x3] =	sbarrier.arrive $0xFFFF  }
0x193: {  	_ =	shalt  }

// kernel: kernel.8.cloned.1.call-start
scs
__scs_entry_jumppad:
0x0: {  	(pc) =	sbr.rel $0x88, $3  }
0x1: {  	(tag) =	ssettag $0x0;
	lr =	simm.s32 $0x1  }
0x2: {  	[smem:$0x3F95] =	sst lr;
	_ =	strace $0xD0000000  }
0x3: {  	_ = 	snop  }
0x4: {  	_ = 	snop  }
0x5: {  	_ = 	snop  }
0x6: {  	_ = 	snop  }
0x7: {  	_ = 	snop  }
__scs_overlays_trampoline_lowered:
0x8: {  	[smem:$0x3FA4] =	sst s0  }
0x9: {  	[smem:$0x3FA5] =	sst s1  }
0xa: {  	[smem:$0x3FA6] =	sst s2  }
0xb: {  	[smem:$0x3FA7] =	sst s3  }
0xc: {  	[smem:$0x3FA8] =	sst s4  }
0xd: {  	[smem:$0x3FA9] =	sst s5  }
0xe: {  	[smem:$0x3FAA] =	sst s6  }
0xf: {  	[smem:$0x3FAB] =	sst s7  }
0x10: {  	[smem:$0x3FAC] =	sst s8  }
0x11: {  	[smem:$0x3FAD] =	sst s9;
	s0 =	simm.s32 @!p0 $0x0  }
0x12: {  	s1 =	sld [smem:$0x3F93];
	s0 =	simm.s32 @p0 $0x1  }
0x13: {  	[smem:$0x3FAE] =	sst s0;
	s0 =	simm.s32 @!p1 $0x0  }
0x14: {  	s2 =	sld [smem:$0x3F92];
	s0 =	simm.s32 @p1 $0x1  }
0x15: {  	[smem:$0x3FAF] =	sst s0;
	s0 =	simm.s32 @!p2 $0x0  }
0x16: {  	s3 =	sld [smem:$0x3FDB];
	s0 =	simm.s32 @p2 $0x1  }
0x17: {  	s4 =	simm.s32 $0x1BF5;
	[smem:$0x3FB1] =	sst s0  }
0x18: {  	s0 =	sld [smem:$0x3F94];
	_ =	swait.ge [sflag:s4], $0x0  }
0x19: {  	s7 =	sld [smem:$0x3F95]  }
0x1a: {  	s8 =	sadd.s32 $0xFFFFE003, lr  }
0x1b: {  	s9 =	sadd.s32 $0xFFFFFEF7, lr;
	s5 =	simm.s32 $0xFFFFFFFF;
	p2 =	slt.u32 s8, $0xFFFFF086  }
0x1c: {  	p1 =	slt.u32 s9, $0xF7A;
	s5 =	simm.s32 @!p2 $0x0  }
0x1d: {  	s5 =	simm.s32 @p1 $0x1;
	p0 =	seq.s32 s7, s2  }
0x1e: {  	s7 =	smul.u32 @!p0 $0xF7A, s2;
	p2 =	seq.s32 @!p0 s5, $0x0  }
0x1f: {  	s9 =	smul.u32 $0xF7A, s1;
	s8 =	simm.s32 @!p0 $0x1BF5;
	p2 =	por !p2, p0  }
0x20: {  	[sflag:s8] =	ssyncset.s32 @!p0 $0xFFFFF086;
	s6 =	sadd.s32 @!p0 s3, s7;
	s7 =	simm.s32 @!p0 $0x108  }
0x21: {  	s3 =	sadd.s32 s3, s9;
	s6 =	sadd.s32 @!p0 $0x88, s6;
	s7 =	simm.s32 @p2 $0x1082  }
0x22: {  	[simem:s7], [sflag:s8] =	dma.local @!p0 [hbm:s6], $0xF7A  }
0x23: {  	s9 =	sor.u32 $0xD0000000, s2;
	s6 =	simm.s32 $0x108;
	_ =	swait.ge @!p0 [sflag:s8], $0x0  }
0x24: {  	s3 =	sadd.s32 $0x88, s3;
	s6 =	simm.s32 @!p1 $0x1082;
	[sflag:s4] =	ssyncset.s32 $0xFFFFF086  }
0x25: {  	[simem:s6], [sflag:s4] =	dma.local [hbm:s3], $0xF7A  }
0x26: {  	[smem:$0x3F95] =	sst s1;
	(tag) =	ssettag s2;
	_ =	strace s9  }
0x27: {  	s1 =	sld [smem:$0x3FA5]  }
0x28: {  	s2 =	sld [smem:$0x3FA6]  }
0x29: {  	s4 =	sld [smem:$0x3FA8]  }
0x2a: {  	p0 =	seq.s32 s5, $0x0;
	s5 =	sld [smem:$0x3FA9]  }
0x2b: {  	s6 =	sld [smem:$0x3FAA]  }
0x2c: {  	s7 =	sld [smem:$0x3FAB]  }
0x2d: {  	s3 =	simm.s32 $0x108;
	s8 =	sld [smem:$0x3FAC]  }
0x2e: {  	s3 =	simm.s32 @!p0 $0x1082;
	s9 =	sld [smem:$0x3FAD]  }
0x2f: {  	lr =	sadd.s32 s0, s3;
	s0 =	sld [smem:$0x3FA4]  }
0x30: {  	s3 =	sld [smem:$0x3FA7]  }
0x31: {  	[smem:$0x3FB0] =	sst s10  }
0x32: {  	s10 =	sld [smem:$0x3FAE];
	_ =	sdelay $0x3  }
0x33: {  	p0 =	seq.s32 s10, $0x1;
	s10 =	sld [smem:$0x3FB0];
	_ =	sdelay $0x3  }
0x34: {  	[smem:$0x3FB0] =	sst s10  }
0x35: {  	s10 =	sld [smem:$0x3FAF];
	_ =	sdelay $0x3  }
0x36: {  	p1 =	seq.s32 s10, $0x1;
	s10 =	sld [smem:$0x3FB0];
	_ =	sdelay $0x3  }
0x37: {  	[smem:$0x3FB0] =	sst s10  }
0x38: {  	s10 =	sld [smem:$0x3FB1]  }
0x39: {  	_ = 	snop;
	(pc) =	sbr.ind lr, $3  }
0x3a: {  	_ = 	snop  }
0x3b: {  	_ = 	snop  }
0x3c: {  	p2 =	seq.s32 s10, $0x1;
	s10 =	sld [smem:$0x3FB0]  }
0x3d: {  	_ =	shalt  }
0x3e: {  	_ =	shalt  }
0x3f: {  	_ =	shalt  }
0x40: {  	_ =	shalt  }
0x41: {  	_ =	shalt  }
0x42: {  	_ =	shalt  }
0x43: {  	_ =	shalt  }
0x44: {  	_ =	shalt  }
0x45: {  	_ =	shalt  }
0x46: {  	_ =	shalt  }
0x47: {  	_ =	shalt  }
0x48: {  	_ =	shalt  }
0x49: {  	_ =	shalt  }
0x4a: {  	_ =	shalt  }
0x4b: {  	_ =	shalt  }
0x4c: {  	_ =	shalt  }
0x4d: {  	_ =	shalt  }
0x4e: {  	_ =	shalt  }
0x4f: {  	_ =	shalt  }
0x50: {  	_ =	shalt  }
0x51: {  	_ =	shalt  }
0x52: {  	_ =	shalt  }
0x53: {  	_ =	shalt  }
0x54: {  	_ =	shalt  }
0x55: {  	_ =	shalt  }
0x56: {  	_ =	shalt  }
0x57: {  	_ =	shalt  }
0x58: {  	_ =	shalt  }
0x59: {  	_ =	shalt  }
0x5a: {  	_ =	shalt  }
0x5b: {  	_ =	shalt  }
0x5c: {  	_ =	shalt  }
0x5d: {  	_ =	shalt  }
0x5e: {  	_ =	shalt  }
0x5f: {  	_ =	shalt  }
0x60: {  	_ =	shalt  }
0x61: {  	_ =	shalt  }
0x62: {  	_ =	shalt  }
0x63: {  	_ =	shalt  }
0x64: {  	_ =	shalt  }
0x65: {  	_ =	shalt  }
0x66: {  	_ =	shalt  }
0x67: {  	_ =	shalt  }
0x68: {  	_ =	shalt  }
0x69: {  	_ =	shalt  }
0x6a: {  	_ =	shalt  }
0x6b: {  	_ =	shalt  }
0x6c: {  	_ =	shalt  }
0x6d: {  	_ =	shalt  }
0x6e: {  	_ =	shalt  }
0x6f: {  	_ =	shalt  }
0x70: {  	_ =	shalt  }
0x71: {  	_ =	shalt  }
0x72: {  	_ =	shalt  }
0x73: {  	_ =	shalt  }
0x74: {  	_ =	shalt  }
0x75: {  	_ =	shalt  }
0x76: {  	_ =	shalt  }
0x77: {  	_ =	shalt  }
0x78: {  	_ =	shalt  }
0x79: {  	_ =	shalt  }
0x7a: {  	_ =	shalt  }
0x7b: {  	_ =	shalt  }
0x7c: {  	_ =	shalt  }
0x7d: {  	_ =	shalt  }
0x7e: {  	_ =	shalt  }
0x7f: {  	_ =	shalt  }
0x80: {  	_ =	shalt  }
0x81: {  	_ =	shalt  }
0x82: {  	_ =	shalt  }
0x83: {  	_ =	shalt  }
0x84: {  	_ =	shalt  }
0x85: {  	_ =	shalt  }
0x86: {  	_ =	shalt  }
0x87: {  	_ =	shalt  }
.Lfunc_end0:
.L_simem_size_0:
called_computation_lowered:
.L_overlay_start_0:
0x88: {  	s2 =	sld [smem:$0x3FD9]  }
0x89: {  	s3 =	sld [smem:$0x3FFE];
	_ =	sdelay $0x1  }
0x8a: {  	s1 =	srdreg.scid  }
0x8b: {  	s0 =	sand.u32 $0x1, s1  }
0x8c: {  	s17 =	sshll.u32 s0, $0xA;
	s2 =	sadd.s32 s3, s2  }
0x8d: {  	s2 =	sadd.s32 s2, s17  }
0x8e: {  	[smem:$0x3FBC] =	sst s2  }
0x8f: {  	_ = 	snop  }
0x90: {  	s2 =	sld [smem:$0x3FC9]  }
0x91: {  	s18 =	sld [smem:$0x3FD0];
	(tm) =	ssettm $0x1  }
0x92: {  	s4 =	sld [smem:$0x3FFB];
	_ =	sdelay $0x3  }
0x93: {  	_ =	strace s4  }
0x94: {  	s4 =	sld [smem:$0x3FFC];
	_ =	sdelay $0x3  }
0x95: {  	_ =	strace s4  }
0x96: {  	s4 =	sld [smem:$0x3FFD];
	_ =	sdelay $0x3  }
0x97: {  	_ =	strace s4  }
0x98: {  	_ =	strace $0x8FFFFFFF  }
0x99: {  	s19 =	sld [smem:$0x3FDB];
	_ =	sdelay $0x1  }
0x9a: {  	s5 =	simm.s32 $_scs_section_size  }
0x9b: {  	s6 =	simm.s32 $_size__tile_overlayer_lowered;
	s7 =	simm.s32 $_tile_overlayer_lowered  }
0x9c: {  	s22 =	simm.s32 $0x1BFF;
	s21 =	sshll.u32 s7, $0x1;
	s4 =	sadd.s32 s5, s19  }
0x9d: {  	s8 =	simm.s32 $0x0;
	s20 =	sshll.u32 s6, $0x1;
	s6 =	sadd.s32 s21, s4  }
0x9e: {  	[timem:s8], [sflag:s22] =	dma.local [hbm:s6], s20  }
0x9f: {  	_ =	swait.ge [sflag:s22], s20  }
0xa0: {  	s5 =	ssub.s32 $0x0, s20;
	[sflag:s22] =	ssyncset.done $0x0  }
0xa1: {  	[sflag:s22] =	ssyncadd.s32 s5;
	_ =	sdelay $0x1  }
0xa2: {  	s23 =	simm.s32 $0x1B8B  }
0xa3: {  	_ =	swait.ge [sflag:s23], $0x1  }
0xa4: {  	[sflag:s23] =	ssyncset.done $0x0  }
0xa5: {  	s25 =	simm.s32 $0x1B8E;
	s24 =	sld [smem:$0x3FFE];
	[sflag:s23] =	ssyncadd.s32 $0xFFFFFFFF  }
0xa6: {  	s26 =	simm.s32 $execute0_lowered;
	[smem:$0x3FD2] =	sst s25  }
0xa7: {  	s6 =	sshll.u32 s26, $0x1;
	_ =	strace $0x80000046;
	[dreg:$0x1] =	wrdreg $0xFFFFFFFF  }
0xa8: {  	s28 =	simm.s32 $_size_execute0_lowered;
	s4 =	sadd.s32 s4, s6;
	[dreg:$0x0] =	wrdreg $0x0  }
0xa9: {  	s6 =	sshll.u32 s28, $0x1;
	[dreg:$0x2] =	wrdreg s4  }
0xaa: {  	[dreg:$0x3] =	wrdreg s6  }
0xab: {  	[dreg:$0x4] =	wrdreg $0xC0  }
0xac: {  	_ =	task [dreg:s8], $0x5FFFF  }
0xad: {  	[dreg:$0x1] =	wrdreg $0xFFFFFFFF  }
0xae: {  	[dreg:$0x0] =	wrdreg $0x60  }
0xaf: {  	[dreg:$0x2] =	wrdreg s24  }
0xb0: {  	[dreg:$0x3] =	wrdreg s2  }
0xb1: {  	[dreg:$0x4] =	wrdreg s18  }
0xb2: {  	[dreg:$0x5] =	wrdreg $0x7F800  }
0xb3: {  	[dreg:$0x6] =	wrdreg $0x122800  }
0xb4: {  	[dreg:$0x7] =	wrdreg $0x9  }
0xb5: {  	_ =	task.clear_ibuf [dreg:s8], $0x8FFFF;
	_ =	strace $0x90000046  }
0xb6: {  	s29 =	simm.s32 $0x9;
	_ =	strace $0x80000048  }
0xb7: {  	_ =	swait.ge [sflag:s29], $0x1  }
0xb8: {  	[sflag:s29] =	ssyncadd.s32 $0xFFFFFFFF  }
0xb9: {  	_ =	strace $0x90000048  }
0xba: {  	_ =	sfence  }
0xbb: {  	s30 =	sld [smem:$0x0];
	_ =	sdelay $0x2  }
0xbc: {  	s31 =	sshll.u32 s1, $0xD;
	s1 =	sshrl.u32 s1, $0x2  }
0xbd: {  	s3 =	sand.u32 $0x4000, s31;
	s1 =	sadd.s32 s1, s30  }
0xbe: {  	s0 =	sor.u32 s3, s0;
	s1 =	sshll.u32 s1, $0x11  }
0xbf: {  	s0 =	sor.u32 s1, s0  }
0xc0: {  	s0 =	sadd.s32 $0x8F2B, s0  }
0xc1: {  	[sflag:s0] =	ssyncadd.remote.s32 $0x1  }
0xc2: {  	_ =	sfence.sel $0xFFFF  }
0xc3: {  	[dreg:$0x0] =	wrdreg $0xFFFFFFFF;
	(pc) =	sbr.abs _section_cstart, $3  }
0xc4: {  	[dreg:$0x1] =	wrdreg $0xFFFFFFFF  }
0xc5: {  	_ =	task.clear_ibuf [dreg:s8], $0x2FFFF;
	_ =	strace $0x9FFFFFFF  }
0xc6: {  	(tm) =	ssettm $0x7FFFFFFF  }
0xc7: {  	_ =	shalt  }
tec
execute0_lowered:
.L_overlay_start_1:
0x0: {  	(tag) =	ssettag $0x1  }
0x1: {  	s2 =	rddreg [dreg:$0x0]  }
0x2: {  	s1 =	rddreg [dreg:$0x1]  }
0x3: {  	s5 =	rddreg [dreg:$0x2];
	s13 =	stileid.u32  }
0x4: {  	s3 =	rddreg [dreg:$0x3];
	s7 =	smul.u32 $0x4EC0, s13  }
0x5: {  	s4 =	rddreg [dreg:$0x4];
	s8 =	smul.u32 $0x9D8, s13  }
0x6: {  	s14 =	simm.s32 $0x0;
	s31 =	simm.s32 $0xA0;
	s9 =	smul.u32 $0x9E00, s13  }
0x7: {  	[smem:$0x7FF] =	sst s14;
	s10 =	smul.u32 $0x2780, s13;
	s28 =	sshll.u32 s13, $0x6  }
0x8: {  	s13 =	simm.s32 $0xF0;
	_ =	strace $0x80000047;
	[dreg:$0x8] =	wrdreg s31  }
0x9: {  	s15 =	simm.s32 $0x190;
	[dreg:$0x9] =	wrdreg s13  }
0xa: {  	s16 =	simm.s32 $0x460;
	[dreg:$0xa] =	wrdreg s15  }
0xb: {  	s0 =	srdreg.scid;
	s18 =	simm.s32 $0x1E0;
	[dreg:$0xb] =	wrdreg s16  }
0xc: {  	s19 =	simm.s32 $0x4B0;
	s20 =	simm.s32 $0x230;
	[dreg:$0xc] =	wrdreg s18  }
0xd: {  	s21 =	simm.s32 $0x500;
	s0 =	sand.u32 $0x1, s0;
	[dreg:$0xd] =	wrdreg s19  }
0xe: {  	s22 =	simm.s32 $0x280;
	s6 =	smul.u32 $0x4EC00, s0;
	[dreg:$0xe] =	wrdreg s20  }
0xf: {  	s23 =	simm.s32 $0x550;
	s24 =	smul.u32 $0x9E000, s0;
	[dreg:$0xf] =	wrdreg s21  }
0x10: {  	s12 =	ssub.s32 $0x2, s0;
	p0 =	sne.s32 s0, $0x0;
	[dreg:$0x10] =	wrdreg s22  }
0x11: {  	[dreg:$0x11] =	wrdreg s23;
	s13 =	simm.s32 $0x2F80;
	s22 =	simm.s32 $0x4380  }
0x12: {  	s15 =	simm.s32 $0x1;
	s16 =	simm.s32 $0x6B80;
	s31 =	simm.s32 $0x6E0  }
0x13: {  	p1 =	seq.s32 s0, $0x0;
	s18 =	simm.s32 $0x3;
	s19 =	simm.s32 $0x4  }
0x14: {  	s20 =	simm.s32 $0x5;
	s8 =	sadd.s32 s8, s2;
	s11 =	sshrl.u32 s10, $0x3  }
0x15: {  	s25 =	sshrl.u32 s12, $0x1;
	s26 =	sadd.s32 s9, s3;
	s30 =	sadd.s32 s10, s4  }
0x16: {  	[dreg:$0x18] =	wrdreg s31;
	s6 =	sadd.s32 s6, s7;
	s7 =	sadd.s32 s9, s24  }
0x17: {  	s9 =	sshrl.u32 s9, $0x3;
	s29 =	sadd.s32 $0x16000, s8;
	[dreg:$0x1b] =	wrdreg s30  }
0x18: {  	s24 =	simm.s32 $0x2D0;
	s6 =	sshrl.u32 s6, $0x3;
	[dreg:$0x7] =	wrdreg s29  }
0x19: {  	s7 =	sshrl.u32 s7, $0x3;
	s5 =	sadd.s32 s5, s9;
	[dreg:$0x12] =	wrdreg s24  }
0x1a: {  	s9 =	sor.u32 $0x1C13, s28;
	s28 =	simm.s32 $0x5F0;
	[dreg:$0x19] =	wrdreg s5  }
0x1b: {  	s29 =	simm.s32 $0x370;
	s6 =	sadd.s32 s6, s2;
	[dreg:$0x15] =	wrdreg s28  }
0x1c: {  	s7 =	sadd.s32 s7, s2;
	s2 =	sadd.s32 s11, s2;
	[dreg:$0x16] =	wrdreg s29  }
0x1d: {  	s11 =	ssub.s32 s12, s25;
	s25 =	simm.s32 $0x5A0;
	[dreg:$0x1a] =	wrdreg s9  }
0x1e: {  	s5 =	sshrl.u32 s26, $0x3;
	s26 =	simm.s32 $0x320;
	[dreg:$0x13] =	wrdreg s25  }
0x1f: {  	s21 =	simm.s32 $0x5780;
	s23 =	simm.s32 $0x6;
	[dreg:$0x14] =	wrdreg s26  }
0x20: {  	s8 =	simm.s32 $0x0;
	s6 =	sadd.s32 $0x2400, s6;
	[smem:$0x7FD] =	sst s5  }
0x21: {  	s24 =	simm.s32 $0x13;
	s10 =	sadd.s32 $0x1FE00, s2;
	[dreg:$0x6] =	wrdreg s6  }
0x22: {  	s7 =	sadd.s32 $0x29E00, s7;
	s2 =	sadd.s32 $0x24E00, s2;
	[dreg:$0x1c] =	wrdreg s10  }
0x23: {  	s17 =	smax.u32 s11, $0x1;
	s11 =	simm.s32 $0x1B80;
	[dreg:$0x1d] =	wrdreg s7  }
0x24: {  	s25 =	simm.s32 $0x2;
	s26 =	simm.s32 $0x780;
	[dreg:$0x1e] =	wrdreg s2  }
0x25: {  	[dreg:$0x1f] =	wrdreg s17;
	s7 =	simm.s32 $0x13;
	s6 =	sshrl.u32 s30, $0x3  }
0x26: {  	s17 =	simm.s32 $0x50;
	s30 =	simm.s32 $0x640;
	[smem:$0x7FC] =	sst s6  }
0x27: {  	v0 =	vimm.f32 $1.000000000e+00;
	s10 =	simm.s32 $0x780;
	s6 =	simm.s32 $0x3C0;
	[dreg:$0x17] =	wrdreg s30  }
.LBB2_1:
0x28: {  	[smem:$0x7FB] =	sst s8  }
0x29: {  	s0 =	rddreg [dreg:$0x19]  }
0x2a: {  	[spmem:s5], [sflag:s9] =	dma.local [hbm:s0], $0x13C0  }
0x2b: {  	_ =	swait.ge [sflag:s7], $0x13C0  }
0x2c: {  	s2 =	sld [smem:$0x7FC]  }
0x2d: {  	[sflag:s7] =	ssyncset.done $0x0  }
0x2e: {  	s31 =	rddreg [dreg:$0x1c];
	[sflag:s7] =	ssyncadd.s32 $0xFFFFEC40  }
0x2f: {  	[spmem:s2], [sflag:s9] =	dma.local [hbm:s31], $0x4F0  }
0x30: {  	_ =	swait.ge [sflag:s7], $0x4F0  }
0x31: {  	[sflag:s7] =	ssyncset.done $0x0  }
0x32: {  	s0 =	simm.s32 $0x40;
	s2 =	simm.s32 $0x0;
	[sflag:s7] =	ssyncadd.s32 $0xFFFFFB10  }
.LBB2_2:
0x33: {  	p2 =	sne.s32 s0, $0x13C0;
	[tilespmem:s2+$0x11D80] =	vst v0;
	s2 =	smov.u32 s0;
	s0 =	sadd.s32 $0x40, s0  }
.Ltmp0:
0x34: {  	(pc) =	sbr.rel @p2 .LBB2_2-.Ltmp0, $2  }
0x35: {  	_ =	sdelay $0x2  }
0x36: {  	s2 =	sshra.s32 s2, $0x2  }
0x37: {  	[tilespmem:s2+$0x11D80] =	vst v0  }
0x38: {  	[bflag:$0x0] =	sbarrier.arrive $0xFFFF  }
0x39: {  	s0 =	rddreg [dreg:$0x6]  }
0x3a: {  	s0 =	sadd.s32 $0x0, s0  }
0x3b: {  	[tilespmem:s14], [sflag:$0x13] =	stream.linear.gather [hbm4b:s0+s14], $0x3C0, $0x38;
	[tilespmem:$0x14A00] =	vst v63  }
0x3c: {  	_ =	swait.ge [sflag:s7], $0x3C0  }
0x3d: {  	s8 =	rddreg [dreg:$0x7];
	[sflag:s7] =	ssyncset.done $0x0  }
0x3e: {  	[sflag:s7] =	ssyncadd.s32 $0xFFFFFC40;
	s0 =	sadd.s32 $0x0, s8  }
0x3f: {  	[tilespmem:s6], [sflag:$0x13] =	stream.linear.gather [hbm4b:s0+s14], $0x3C0, $0x38;
	[tilespmem:$0x14A00] =	vst v63  }
0x40: {  	_ =	swait.ge [sflag:s7], $0x3C0  }
0x41: {  	[sflag:s7] =	ssyncset.done $0x0  }
0x42: {  	[sflag:s7] =	ssyncadd.s32 $0xFFFFFC40  }
0x43: {  	[tilespmem:s10], [sflag:$0x1] =	stream.indirect.gather [hbm4b:s1+s17], $0x40, s14, s17, $0xb8;
	[tilespmem:$0x14A00] =	vst v63  }
0x44: {  	_ = 	snop  }
0x45: {  	[tilespmem:s11], [sflag:$0x2] =	stream.indirect.gather [hbm4b:s1+s17], $0x40, s17, s17, $0xb8;
	[tilespmem:$0x14A00] =	vst v63  }
0x46: {  	s9 =	rddreg [dreg:$0x8]  }
0x47: {  	[tilespmem:s13], [sflag:$0x3] =	stream.indirect.gather [hbm4b:s1+s17], $0x40, s9, s17, $0xb8;
	[tilespmem:$0x14A00] =	vst v63  }
0x48: {  	s12 =	rddreg [dreg:$0x9]  }
0x49: {  	[tilespmem:s22], [sflag:$0x4] =	stream.indirect.gather [hbm4b:s1+s17], $0x40, s12, s17, $0xb8;
	[tilespmem:$0x14A00] =	vst v63  }
0x4a: {  	_ =	swait.ge [sflag:s15], $0x1400  }
0x4b: {  	[sflag:s15] =	ssyncset.done $0x0  }
0x4c: {  	s2 =	simm.s32 @p0 $0x50;
	[sflag:s15] =	ssyncadd.s32 $0xFFFFEC00  }
0x4d: {  	[spmem:s3] =	stream.indirect.scatter.add.f32 [tilespmem:s10], [sflag:$0x7], $0x40, s6, s17, $0xb8;
	[tilespmem:$0x14A00] =	vst v63  }
0x4e: {  	s5 =	simm.s32 @p0 $0x140;
	s0 =	simm.s32 @p0 $0x2;
	s6 =	simm.s32 @p0 $0x5780  }
0x4f: {  	[tilespmem:s6], [sflag:$0x5] =	stream.indirect.gather @p0 [hbm4b:s1+s2], $0x40, s5, s2, $0xb8;
	[tilespmem:$0x14A00] =	vst v63  }
0x50: {  	_ =	swait.ge @p0 [sflag:s0], $0x1400  }
0x51: {  	[sflag:s0] =	ssyncset.done @p0 $0x0  }
0x52: {  	s5 =	simm.s32 @p0 $0x1B80;
	[sflag:s0] =	ssyncadd.s32 @p0 $0xFFFFEC00;
	s0 =	simm.s32 @p0 $0x410  }
0x53: {  	[spmem:s3] =	stream.indirect.scatter.add.f32 @p0 [tilespmem:s5], [sflag:$0x8], $0x40, s0, s2, $0xb8;
	[tilespmem:$0x14A00] =	vst v63  }
0x54: {  	s8 =	simm.s32 @!p0 $0x11D80;
	s12 =	simm.s32 @!p0 $0x50;
	s0 =	simm.s32 @!p0 $0x3C0  }
0x55: {  	[spmem:s4] =	stream.indirect.scatter.add.f32 @!p0 [tilespmem:s8], [sflag:$0xD], $0x10, s0, s12, $0xb8;
	[tilespmem:$0x14A00] =	vst v63  }
0x56: {  	s6 =	simm.s32 @!p0 $0x2;
	s5 =	simm.s32 @!p0 $0x5780;
	s0 =	simm.s32 @!p0 $0x140  }
0x57: {  	[tilespmem:s5], [sflag:$0x5] =	stream.indirect.gather @!p0 [hbm4b:s1+s12], $0x40, s0, s12, $0xb8;
	[tilespmem:$0x14A00] =	vst v63  }
0x58: {  	_ =	swait.ge @!p0 [sflag:s6], $0x1400  }
0x59: {  	[sflag:s6] =	ssyncset.done @!p0 $0x0  }
0x5a: {  	s5 =	simm.s32 @!p0 $0x410;
	s0 =	simm.s32 @!p0 $0x1B80;
	[sflag:s6] =	ssyncadd.s32 @!p0 $0xFFFFEC00  }
0x5b: {  	[spmem:s3] =	stream.indirect.scatter.add.f32 @!p0 [tilespmem:s0], [sflag:$0x8], $0x40, s5, s12, $0xb8;
	[tilespmem:$0x14A00] =	vst v63  }
0x5c: {  	_ = 	snop  }
0x5d: {  	[spmem:s4] =	stream.indirect.scatter.add.f32 @!p0 [tilespmem:s8], [sflag:$0xE], $0x10, s5, s12, $0xb8;
	[tilespmem:$0x14A00] =	vst v63  }
0x5e: {  	s14 =	rddreg [dreg:$0xa]  }
0x5f: {  	[tilespmem:s16], [sflag:$0x6] =	stream.indirect.gather [hbm4b:s1+s17], $0x40, s14, s17, $0xb8;
	[tilespmem:$0x14A00] =	vst v63  }
0x60: {  	_ =	swait.ge [sflag:s18], $0x1400  }
0x61: {  	[sflag:s18] =	ssyncset.done $0x0  }
0x62: {  	s5 =	simm.s32 @p0 $0x7;
	s6 =	rddreg [dreg:$0xb];
	[sflag:s18] =	ssyncadd.s32 $0xFFFFEC00  }
0x63: {  	[spmem:s3] =	stream.indirect.scatter.add.f32 [tilespmem:s13], [sflag:$0x9], $0x40, s6, s17, $0xb8;
	[tilespmem:$0x14A00] =	vst v63  }
0x64: {  	_ =	swait.ge @p0 [sflag:s5], $0x1400  }
0x65: {  	[sflag:s5] =	ssyncset.done @p0 $0x0  }
0x66: {  	s0 =	simm.s32 @!p0 $0x460;
	[sflag:s5] =	ssyncadd.s32 @p0 $0xFFFFEC00;
	s5 =	simm.s32 @!p0 $0x7  }
0x67: {  	[spmem:s4] =	stream.indirect.scatter.add.f32 @!p0 [tilespmem:s8], [sflag:$0xF], $0x10, s0, s12, $0xb8;
	[tilespmem:$0x14A00] =	vst v63  }
0x68: {  	_ =	swait.ge @!p0 [sflag:s5], $0x1400  }
0x69: {  	[sflag:s5] =	ssyncset.done @!p0 $0x0  }
0x6a: {  	[sflag:s5] =	ssyncadd.s32 @!p0 $0xFFFFEC00;
	s5 =	simm.s32 @!p0 $0xD  }
0x6b: {  	_ =	swait.ge @!p0 [sflag:s5], $0x500  }
0x6c: {  	[sflag:s5] =	ssyncset.done @!p0 $0x0  }
0x6d: {  	s7 =	rddreg [dreg:$0xc];
	[sflag:s5] =	ssyncadd.s32 @!p0 $0xFFFFFB00  }
0x6e: {  	[tilespmem:s10], [sflag:$0x1] =	stream.indirect.gather [hbm4b:s1+s17], $0x40, s7, s17, $0xb8;
	[tilespmem:$0x14A00] =	vst v63  }
0x6f: {  	_ =	swait.ge [sflag:s19], $0x1400  }
0x70: {  	[sflag:s19] =	ssyncset.done $0x0  }
0x71: {  	s5 =	simm.s32 @p0 $0x8;
	s9 =	rddreg [dreg:$0xd];
	[sflag:s19] =	ssyncadd.s32 $0xFFFFEC00  }
0x72: {  	[spmem:s3] =	stream.indirect.scatter.add.f32 [tilespmem:s22], [sflag:$0xA], $0x40, s9, s17, $0xb8;
	[tilespmem:$0x14A00] =	vst v63  }
0x73: {  	_ =	swait.ge @p0 [sflag:s5], $0x1400  }
0x74: {  	[sflag:s5] =	ssyncset.done @p0 $0x0  }
0x75: {  	s0 =	simm.s32 @!p0 $0x4B0;
	[sflag:s5] =	ssyncadd.s32 @p0 $0xFFFFEC00;
	s5 =	simm.s32 @!p0 $0x8  }
0x76: {  	[spmem:s4] =	stream.indirect.scatter.add.f32 @!p0 [tilespmem:s8], [sflag:$0x10], $0x10, s0, s12, $0xb8;
	[tilespmem:$0x14A00] =	vst v63  }
0x77: {  	_ =	swait.ge @!p0 [sflag:s5], $0x1400  }
0x78: {  	[sflag:s5] =	ssyncset.done @!p0 $0x0  }
0x79: {  	[sflag:s5] =	ssyncadd.s32 @!p0 $0xFFFFEC00;
	s5 =	simm.s32 @!p0 $0xE  }
0x7a: {  	_ =	swait.ge @!p0 [sflag:s5], $0x500  }
0x7b: {  	[sflag:s5] =	ssyncset.done @!p0 $0x0  }
0x7c: {  	s14 =	rddreg [dreg:$0xe];
	[sflag:s5] =	ssyncadd.s32 @!p0 $0xFFFFFB00  }
0x7d: {  	[tilespmem:s11], [sflag:$0x2] =	stream.indirect.gather [hbm4b:s1+s17], $0x40, s14, s17, $0xb8;
	[tilespmem:$0x14A00] =	vst v63  }
0x7e: {  	_ =	swait.ge [sflag:s20], $0x1400  }
0x7f: {  	[sflag:s20] =	ssyncset.done $0x0  }
0x80: {  	s5 =	simm.s32 @p0 $0x9;
	s19 =	rddreg [dreg:$0xf];
	[sflag:s20] =	ssyncadd.s32 $0xFFFFEC00  }
0x81: {  	[spmem:s3] =	stream.indirect.scatter.add.f32 [tilespmem:s21], [sflag:$0xB], $0x40, s19, s17, $0xb8;
	[tilespmem:$0x14A00] =	vst v63  }
0x82: {  	_ =	swait.ge @p0 [sflag:s5], $0x1400  }
0x83: {  	[sflag:s5] =	ssyncset.done @p0 $0x0  }
0x84: {  	s0 =	simm.s32 @!p0 $0x500;
	[sflag:s5] =	ssyncadd.s32 @p0 $0xFFFFEC00;
	s5 =	simm.s32 @!p0 $0x9  }
0x85: {  	[spmem:s4] =	stream.indirect.scatter.add.f32 @!p0 [tilespmem:s8], [sflag:$0x11], $0x10, s0, s12, $0xb8;
	[tilespmem:$0x14A00] =	vst v63  }
0x86: {  	_ =	swait.ge @!p0 [sflag:s5], $0x1400  }
0x87: {  	[sflag:s5] =	ssyncset.done @!p0 $0x0  }
0x88: {  	[sflag:s5] =	ssyncadd.s32 @!p0 $0xFFFFEC00;
	s5 =	simm.s32 @!p0 $0xF  }
0x89: {  	_ =	swait.ge @!p0 [sflag:s5], $0x500  }
0x8a: {  	[sflag:s5] =	ssyncset.done @!p0 $0x0  }
0x8b: {  	s6 =	rddreg [dreg:$0x10];
	[sflag:s5] =	ssyncadd.s32 @!p0 $0xFFFFFB00  }
0x8c: {  	[tilespmem:s13], [sflag:$0x3] =	stream.indirect.gather [hbm4b:s1+s17], $0x40, s6, s17, $0xb8;
	[tilespmem:$0x14A00] =	vst v63  }
0x8d: {  	_ =	swait.ge [sflag:s23], $0x1400  }
0x8e: {  	[sflag:s23] =	ssyncset.done $0x0  }
0x8f: {  	s0 =	simm.s32 @p0 $0xA;
	s7 =	rddreg [dreg:$0x11];
	[sflag:s23] =	ssyncadd.s32 $0xFFFFEC00  }
0x90: {  	[spmem:s3] =	stream.indirect.scatter.add.f32 [tilespmem:s16], [sflag:$0xC], $0x40, s7, s17, $0xb8;
	[tilespmem:$0x14A00] =	vst v63  }
0x91: {  	_ =	swait.ge @p0 [sflag:s0], $0x1400  }
0x92: {  	[sflag:s0] =	ssyncset.done @p0 $0x0  }
0x93: {  	[sflag:s0] =	ssyncadd.s32 @p0 $0xFFFFEC00;
	s0 =	simm.s32 @!p0 $0x550  }
0x94: {  	[spmem:s4] =	stream.indirect.scatter.add.f32 @!p0 [tilespmem:s8], [sflag:$0x12], $0x10, s0, s12, $0xb8;
	[tilespmem:$0x14A00] =	vst v63  }
0x95: {  	s0 =	simm.s32 @!p0 $0xA  }
0x96: {  	_ =	swait.ge @!p0 [sflag:s0], $0x1400  }
0x97: {  	[sflag:s0] =	ssyncset.done @!p0 $0x0  }
0x98: {  	s5 =	simm.s32 @!p0 $0x10;
	[sflag:s0] =	ssyncadd.s32 @!p0 $0xFFFFEC00  }
0x99: {  	_ =	swait.ge @!p0 [sflag:s5], $0x500  }
0x9a: {  	[sflag:s5] =	ssyncset.done @!p0 $0x0  }
0x9b: {  	s9 =	rddreg [dreg:$0x12];
	[sflag:s5] =	ssyncadd.s32 @!p0 $0xFFFFFB00  }
0x9c: {  	[tilespmem:s22], [sflag:$0x4] =	stream.indirect.gather [hbm4b:s1+s17], $0x40, s9, s17, $0xb8;
	[tilespmem:$0x14A00] =	vst v63  }
0x9d: {  	_ =	swait.ge [sflag:s15], $0x1400  }
0x9e: {  	[sflag:s15] =	ssyncset.done $0x0  }
0x9f: {  	s0 =	simm.s32 @p0 $0xB;
	s14 =	rddreg [dreg:$0x13];
	[sflag:s15] =	ssyncadd.s32 $0xFFFFEC00  }
0xa0: {  	[spmem:s3] =	stream.indirect.scatter.add.f32 [tilespmem:s10], [sflag:$0x7], $0x40, s14, s17, $0xb8;
	[tilespmem:$0x14A00] =	vst v63  }
0xa1: {  	_ =	swait.ge @p0 [sflag:s0], $0x1400  }
0xa2: {  	[sflag:s0] =	ssyncset.done @p0 $0x0  }
0xa3: {  	[sflag:s0] =	ssyncadd.s32 @p0 $0xFFFFEC00;
	s0 =	simm.s32 @!p0 $0x5A0  }
0xa4: {  	[spmem:s4] =	stream.indirect.scatter.add.f32 @!p0 [tilespmem:s8], [sflag:$0xD], $0x10, s0, s12, $0xb8;
	[tilespmem:$0x14A00] =	vst v63  }
0xa5: {  	s0 =	simm.s32 @!p0 $0xB  }
0xa6: {  	_ =	swait.ge @!p0 [sflag:s0], $0x1400  }
0xa7: {  	[sflag:s0] =	ssyncset.done @!p0 $0x0  }
0xa8: {  	s5 =	simm.s32 @!p0 $0x11;
	[sflag:s0] =	ssyncadd.s32 @!p0 $0xFFFFEC00  }
0xa9: {  	_ =	swait.ge @!p0 [sflag:s5], $0x500  }
0xaa: {  	[sflag:s5] =	ssyncset.done @!p0 $0x0  }
0xab: {  	s15 =	rddreg [dreg:$0x14];
	[sflag:s5] =	ssyncadd.s32 @!p0 $0xFFFFFB00  }
0xac: {  	[tilespmem:s21], [sflag:$0x5] =	stream.indirect.gather [hbm4b:s1+s17], $0x40, s15, s17, $0xb8;
	[tilespmem:$0x14A00] =	vst v63  }
0xad: {  	_ =	swait.ge [sflag:s25], $0x1400  }
0xae: {  	[sflag:s25] =	ssyncset.done $0x0  }
0xaf: {  	s0 =	simm.s32 @p0 $0xC;
	s19 =	rddreg [dreg:$0x15];
	[sflag:s25] =	ssyncadd.s32 $0xFFFFEC00  }
0xb0: {  	[spmem:s3] =	stream.indirect.scatter.add.f32 [tilespmem:s11], [sflag:$0x8], $0x40, s19, s17, $0xb8;
	[tilespmem:$0x14A00] =	vst v63  }
0xb1: {  	_ =	swait.ge @p0 [sflag:s0], $0x1400  }
0xb2: {  	[sflag:s0] =	ssyncset.done @p0 $0x0  }
0xb3: {  	[sflag:s0] =	ssyncadd.s32 @p0 $0xFFFFEC00;
	s0 =	simm.s32 @!p0 $0x5F0  }
0xb4: {  	[spmem:s4] =	stream.indirect.scatter.add.f32 @!p0 [tilespmem:s8], [sflag:$0xE], $0x10, s0, s12, $0xb8;
	[tilespmem:$0x14A00] =	vst v63  }
0xb5: {  	s0 =	simm.s32 @!p0 $0xC  }
0xb6: {  	_ =	swait.ge @!p0 [sflag:s0], $0x1400  }
0xb7: {  	[sflag:s0] =	ssyncset.done @!p0 $0x0  }
0xb8: {  	s5 =	simm.s32 @!p0 $0x12;
	[sflag:s0] =	ssyncadd.s32 @!p0 $0xFFFFEC00  }
0xb9: {  	_ =	swait.ge @!p0 [sflag:s5], $0x500  }
0xba: {  	[sflag:s5] =	ssyncset.done @!p0 $0x0  }
0xbb: {  	s22 =	rddreg [dreg:$0x16];
	[sflag:s5] =	ssyncadd.s32 @!p0 $0xFFFFFB00  }
0xbc: {  	[tilespmem:s16], [sflag:$0x6] =	stream.indirect.gather [hbm4b:s1+s17], $0x40, s22, s17, $0xb8;
	[tilespmem:$0x14A00] =	vst v63  }
0xbd: {  	_ =	swait.ge [sflag:s18], $0x1400  }
0xbe: {  	[sflag:s18] =	ssyncset.done $0x0  }
0xbf: {  	s0 =	simm.s32 @p0 $0x4;
	s23 =	rddreg [dreg:$0x17];
	[sflag:s18] =	ssyncadd.s32 $0xFFFFEC00  }
0xc0: {  	[spmem:s3] =	stream.indirect.scatter.add.f32 [tilespmem:s13], [sflag:$0x9], $0x40, s23, s17, $0xb8;
	[tilespmem:$0x14A00] =	vst v63  }
0xc1: {  	_ =	swait.ge @p0 [sflag:s0], $0x1400  }
0xc2: {  	[sflag:s0] =	ssyncset.done @p0 $0x0  }
0xc3: {  	s5 =	simm.s32 @p0 $0x4380;
	[sflag:s0] =	ssyncadd.s32 @p0 $0xFFFFEC00;
	s0 =	simm.s32 @p0 $0x690  }
0xc4: {  	[spmem:s3] =	stream.indirect.scatter.add.f32 @p0 [tilespmem:s5], [sflag:$0xA], $0x40, s0, s2, $0xb8;
	[tilespmem:$0x14A00] =	vst v63  }
0xc5: {  	s0 =	simm.s32 @!p0 $0x640  }
0xc6: {  	[spmem:s4] =	stream.indirect.scatter.add.f32 @!p0 [tilespmem:s8], [sflag:$0xF], $0x10, s0, s12, $0xb8;
	[tilespmem:$0x14A00] =	vst v63  }
0xc7: {  	s0 =	simm.s32 @!p0 $0x4  }
0xc8: {  	_ =	swait.ge @!p0 [sflag:s0], $0x1400  }
0xc9: {  	[sflag:s0] =	ssyncset.done @!p0 $0x0  }
0xca: {  	s2 =	simm.s32 @!p0 $0x4380;
	[sflag:s0] =	ssyncadd.s32 @!p0 $0xFFFFEC00;
	s0 =	simm.s32 @!p0 $0x690  }
0xcb: {  	[spmem:s3] =	stream.indirect.scatter.add.f32 @!p0 [tilespmem:s2], [sflag:$0xA], $0x40, s0, s12, $0xb8;
	[tilespmem:$0x14A00] =	vst v63  }
0xcc: {  	_ = 	snop  }
0xcd: {  	[spmem:s4] =	stream.indirect.scatter.add.f32 @!p0 [tilespmem:s8], [sflag:$0x10], $0x10, s0, s12, $0xb8;
	[tilespmem:$0x14A00] =	vst v63  }
0xce: {  	_ =	swait.ge [sflag:s20], $0x1400  }
0xcf: {  	[sflag:s20] =	ssyncset.done $0x0  }
0xd0: {  	s25 =	rddreg [dreg:$0x18];
	[sflag:s20] =	ssyncadd.s32 $0xFFFFEC00  }
0xd1: {  	[spmem:s3] =	stream.indirect.scatter.add.f32 [tilespmem:s21], [sflag:$0xB], $0x40, s25, s17, $0xb8;
	[tilespmem:$0x14A00] =	vst v63  }
0xd2: {  	s5 =	simm.s32 @p1 $0x11D80;
	s2 =	simm.s32 @p1 $0x6E0;
	s0 =	simm.s32 @p1 $0x50  }
0xd3: {  	[spmem:s4] =	stream.indirect.scatter.add.f32 @p1 [tilespmem:s5], [sflag:$0x11], $0x10, s2, s0, $0xb8;
	[tilespmem:$0x14A00] =	vst v63  }
0xd4: {  	s2 =	simm.s32 @p1 $0x6  }
0xd5: {  	_ =	swait.ge @p1 [sflag:s2], $0x1400  }
0xd6: {  	[sflag:s2] =	ssyncset.done @p1 $0x0  }
0xd7: {  	s6 =	simm.s32 @p1 $0x6B80;
	[sflag:s2] =	ssyncadd.s32 @p1 $0xFFFFEC00;
	s2 =	simm.s32 @p1 $0x730  }
0xd8: {  	[spmem:s3] =	stream.indirect.scatter.add.f32 @p1 [tilespmem:s6], [sflag:$0xC], $0x40, s2, s0, $0xb8;
	[tilespmem:$0x14A00] =	vst v63  }
0xd9: {  	_ = 	snop  }
0xda: {  	[spmem:s4] =	stream.indirect.scatter.add.f32 @p1 [tilespmem:s5], [sflag:$0x12], $0x10, s2, s0, $0xb8;
	[tilespmem:$0x14A00] =	vst v63  }
0xdb: {  	s0 =	simm.s32 @p1 $0x7  }
0xdc: {  	_ =	swait.ge @p1 [sflag:s0], $0x1400  }
0xdd: {  	[sflag:s0] =	ssyncset.done @p1 $0x0  }
0xde: {  	[sflag:s0] =	ssyncadd.s32 @p1 $0xFFFFEC00;
	s0 =	simm.s32 @p1 $0xD  }
0xdf: {  	_ =	swait.ge @p1 [sflag:s0], $0x500  }
0xe0: {  	[sflag:s0] =	ssyncset.done @p1 $0x0  }
0xe1: {  	[sflag:s0] =	ssyncadd.s32 @p1 $0xFFFFFB00;
	s0 =	simm.s32 @p1 $0x8  }
0xe2: {  	_ =	swait.ge @p1 [sflag:s0], $0x1400  }
0xe3: {  	[sflag:s0] =	ssyncset.done @p1 $0x0  }
0xe4: {  	[sflag:s0] =	ssyncadd.s32 @p1 $0xFFFFEC00;
	s0 =	simm.s32 @p1 $0xE  }
0xe5: {  	_ =	swait.ge @p1 [sflag:s0], $0x500  }
0xe6: {  	[sflag:s0] =	ssyncset.done @p1 $0x0  }
0xe7: {  	[sflag:s0] =	ssyncadd.s32 @p1 $0xFFFFFB00;
	s0 =	simm.s32 @p1 $0x9  }
0xe8: {  	_ =	swait.ge @p1 [sflag:s0], $0x1400  }
0xe9: {  	[sflag:s0] =	ssyncset.done @p1 $0x0  }
0xea: {  	[sflag:s0] =	ssyncadd.s32 @p1 $0xFFFFEC00;
	s0 =	simm.s32 @p1 $0xF  }
0xeb: {  	_ =	swait.ge @p1 [sflag:s0], $0x500  }
0xec: {  	[sflag:s0] =	ssyncset.done @p1 $0x0  }
0xed: {  	[sflag:s0] =	ssyncadd.s32 @p1 $0xFFFFFB00;
	s0 =	simm.s32 @p1 $0xA  }
0xee: {  	_ =	swait.ge @p1 [sflag:s0], $0x1400  }
0xef: {  	[sflag:s0] =	ssyncset.done @p1 $0x0  }
0xf0: {  	[sflag:s0] =	ssyncadd.s32 @p1 $0xFFFFEC00;
	s0 =	simm.s32 @p1 $0x10  }
0xf1: {  	_ =	swait.ge @p1 [sflag:s0], $0x500  }
0xf2: {  	[sflag:s0] =	ssyncset.done @p1 $0x0  }
0xf3: {  	[sflag:s0] =	ssyncadd.s32 @p1 $0xFFFFFB00;
	s0 =	simm.s32 @p1 $0xB  }
0xf4: {  	_ =	swait.ge @p1 [sflag:s0], $0x1400  }
0xf5: {  	[sflag:s0] =	ssyncset.done @p1 $0x0  }
0xf6: {  	[sflag:s0] =	ssyncadd.s32 @p1 $0xFFFFEC00;
	s0 =	simm.s32 @p1 $0x11  }
0xf7: {  	_ =	swait.ge @p1 [sflag:s0], $0x500  }
0xf8: {  	[sflag:s0] =	ssyncset.done @p1 $0x0  }
0xf9: {  	s25 =	simm.s32 @p1 $0xC;
	[sflag:s0] =	ssyncadd.s32 @p1 $0xFFFFFB00  }
0xfa: {  	_ =	swait.ge @p1 [sflag:s25], $0x1400  }
0xfb: {  	[sflag:s25] =	ssyncset.done @p1 $0x0  }
0xfc: {  	s28 =	simm.s32 @p1 $0x12;
	[sflag:s25] =	ssyncadd.s32 @p1 $0xFFFFEC00  }
0xfd: {  	_ =	swait.ge @p1 [sflag:s28], $0x500  }
0xfe: {  	[sflag:s28] =	ssyncset.done @p1 $0x0  }
0xff: {  	s29 =	simm.s32 @!p1 $0x6;
	[sflag:s28] =	ssyncadd.s32 @p1 $0xFFFFFB00  }
0x100: {  	_ =	swait.ge @!p1 [sflag:s29], $0x1400  }
0x101: {  	s30 =	simm.s32 @!p1 $0x7;
	s2 =	simm.s32 @!p1 $0x50;
	[sflag:s29] =	ssyncset.done @!p1 $0x0  }
0x102: {  	s5 =	simm.s32 @!p1 $0x730;
	s0 =	simm.s32 @!p1 $0x6B80;
	[sflag:s29] =	ssyncadd.s32 @!p1 $0xFFFFEC00  }
0x103: {  	[spmem:s3] =	stream.indirect.scatter.add.f32 @!p1 [tilespmem:s0], [sflag:$0xC], $0x40, s5, s2, $0xb8;
	[tilespmem:$0x14A00] =	vst v63  }
0x104: {  	_ =	swait.ge @!p1 [sflag:s30], $0x1400  }
0x105: {  	[sflag:s30] =	ssyncset.done @!p1 $0x0  }
0x106: {  	s6 =	simm.s32 @!p1 $0x8;
	[sflag:s30] =	ssyncadd.s32 @!p1 $0xFFFFEC00  }
0x107: {  	_ =	swait.ge @!p1 [sflag:s6], $0x1400  }
0x108: {  	[sflag:s6] =	ssyncset.done @!p1 $0x0  }
0x109: {  	s18 =	simm.s32 @!p1 $0x9;
	[sflag:s6] =	ssyncadd.s32 @!p1 $0xFFFFEC00  }
0x10a: {  	_ =	swait.ge @!p1 [sflag:s18], $0x1400  }
0x10b: {  	[sflag:s18] =	ssyncset.done @!p1 $0x0  }
0x10c: {  	s20 =	simm.s32 @!p1 $0xA;
	[sflag:s18] =	ssyncadd.s32 @!p1 $0xFFFFEC00  }
0x10d: {  	_ =	swait.ge @!p1 [sflag:s20], $0x1400  }
0x10e: {  	[sflag:s20] =	ssyncset.done @!p1 $0x0  }
0x10f: {  	s0 =	simm.s32 @!p1 $0xB;
	[sflag:s20] =	ssyncadd.s32 @!p1 $0xFFFFEC00  }
0x110: {  	_ =	swait.ge @!p1 [sflag:s0], $0x1400  }
0x111: {  	s31 =	simm.s32 $0xF0;
	s9 =	simm.s32 $0x3;
	[sflag:s0] =	ssyncset.done @!p1 $0x0  }
0x112: {  	s14 =	simm.s32 @!p1 $0xC;
	s15 =	simm.s32 $0x0;
	[sflag:s0] =	ssyncadd.s32 @!p1 $0xFFFFEC00  }
0x113: {  	s11 =	simm.s32 $0x1;
	s16 =	simm.s32 $0x5;
	_ =	swait.ge @!p1 [sflag:s14], $0x1400  }
0x114: {  	s2 =	simm.s32 $0x78;
	[sflag:s14] =	ssyncset.done @!p1 $0x0;
	s10 =	rddreg [dreg:$0x6]  }
.LBB2_4:
0x115: {  	[sflag:s14] =	ssyncadd.s32 @!p1 $0xFFFFEC00;
	s10 =	sadd.s32 s2, s10  }
0x116: {  	[tilespmem:s15], [sflag:$0x13] =	stream.linear.gather [hbm4b:s10+s15], $0x3C0, $0x38;
	[tilespmem:$0x14A00] =	vst v63  }
0x117: {  	_ =	swait.ge [sflag:s24], $0x3C0  }
0x118: {  	s21 =	rddreg [dreg:$0x7];
	[sflag:s24] =	ssyncset.done $0x0  }
0x119: {  	s7 =	simm.s32 $0x3C0;
	[sflag:s24] =	ssyncadd.s32 $0xFFFFFC40;
	s10 =	sadd.s32 s2, s21  }
0x11a: {  	[tilespmem:s7], [sflag:$0x13] =	stream.linear.gather [hbm4b:s10+s15], $0x3C0, $0x38;
	[tilespmem:$0x14A00] =	vst v63  }
0x11b: {  	_ =	swait.ge [sflag:s24], $0x3C0  }
0x11c: {  	[sflag:s24] =	ssyncset.done $0x0  }
0x11d: {  	[sflag:s24] =	ssyncadd.s32 $0xFFFFFC40  }
0x11e: {  	[tilespmem:s26], [sflag:$0x1] =	stream.indirect.gather [hbm4b:s1+s17], $0x40, s15, s17, $0xb8;
	[tilespmem:$0x14A00] =	vst v63  }
0x11f: {  	s21 =	simm.s32 $0x1B80  }
0x120: {  	[tilespmem:s21], [sflag:$0x2] =	stream.indirect.gather [hbm4b:s1+s17], $0x40, s17, s17, $0xb8;
	[tilespmem:$0x14A00] =	vst v63  }
0x121: {  	s5 =	simm.s32 $0x2F80;
	s23 =	rddreg [dreg:$0x8]  }
0x122: {  	[tilespmem:s5], [sflag:$0x3] =	stream.indirect.gather [hbm4b:s1+s17], $0x40, s23, s17, $0xb8;
	[tilespmem:$0x14A00] =	vst v63  }
0x123: {  	s13 =	simm.s32 $0x4380;
	s19 =	rddreg [dreg:$0x9]  }
0x124: {  	[tilespmem:s13], [sflag:$0x4] =	stream.indirect.gather [hbm4b:s1+s17], $0x40, s19, s17, $0xb8;
	[tilespmem:$0x14A00] =	vst v63  }
0x125: {  	_ =	swait.ge [sflag:s11], $0x1400  }
0x126: {  	[sflag:s11] =	ssyncset.done $0x0  }
0x127: {  	[sflag:s11] =	ssyncadd.s32 $0xFFFFEC00  }
0x128: {  	[spmem:s3] =	stream.indirect.scatter.add.f32 [tilespmem:s26], [sflag:$0x7], $0x40, s7, s17, $0xb8;
	[tilespmem:$0x14A00] =	vst v63  }
0x129: {  	s10 =	simm.s32 @p0 $0x5780;
	s13 =	simm.s32 @p0 $0x50;
	s7 =	simm.s32 @p0 $0x140  }
0x12a: {  	[tilespmem:s10], [sflag:$0x5] =	stream.indirect.gather @p0 [hbm4b:s1+s13], $0x40, s7, s13, $0xb8;
	[tilespmem:$0x14A00] =	vst v63  }
0x12b: {  	s7 =	simm.s32 @p0 $0x2  }
0x12c: {  	_ =	swait.ge @p0 [sflag:s7], $0x1400  }
0x12d: {  	[sflag:s7] =	ssyncset.done @p0 $0x0  }
0x12e: {  	s10 =	simm.s32 @p0 $0x1B80;
	[sflag:s7] =	ssyncadd.s32 @p0 $0xFFFFEC00;
	s7 =	simm.s32 @p0 $0x410  }
0x12f: {  	[spmem:s3] =	stream.indirect.scatter.add.f32 @p0 [tilespmem:s10], [sflag:$0x8], $0x40, s7, s13, $0xb8;
	[tilespmem:$0x14A00] =	vst v63  }
0x130: {  	s7 =	simm.s32 @!p0 $0x3C0  }
0x131: {  	[spmem:s4] =	stream.indirect.scatter.add.f32 @!p0 [tilespmem:s8], [sflag:$0xD], $0x10, s7, s12, $0xb8;
	[tilespmem:$0x14A00] =	vst v63  }
0x132: {  	s10 =	simm.s32 @!p0 $0x5780;
	s7 =	simm.s32 @!p0 $0x140  }
0x133: {  	[tilespmem:s10], [sflag:$0x5] =	stream.indirect.gather @!p0 [hbm4b:s1+s12], $0x40, s7, s12, $0xb8;
	[tilespmem:$0x14A00] =	vst v63  }
0x134: {  	s7 =	simm.s32 @!p0 $0x2  }
0x135: {  	_ =	swait.ge @!p0 [sflag:s7], $0x1400  }
0x136: {  	[sflag:s7] =	ssyncset.done @!p0 $0x0  }
0x137: {  	s10 =	simm.s32 @!p0 $0x1B80;
	[sflag:s7] =	ssyncadd.s32 @!p0 $0xFFFFEC00;
	s7 =	simm.s32 @!p0 $0x410  }
0x138: {  	[spmem:s3] =	stream.indirect.scatter.add.f32 @!p0 [tilespmem:s10], [sflag:$0x8], $0x40, s7, s12, $0xb8;
	[tilespmem:$0x14A00] =	vst v63  }
0x139: {  	_ = 	snop  }
0x13a: {  	[spmem:s4] =	stream.indirect.scatter.add.f32 @!p0 [tilespmem:s8], [sflag:$0xE], $0x10, s7, s12, $0xb8;
	[tilespmem:$0x14A00] =	vst v63  }
0x13b: {  	s19 =	simm.s32 $0x6B80;
	s23 =	rddreg [dreg:$0xa]  }
0x13c: {  	[tilespmem:s19], [sflag:$0x6] =	stream.indirect.gather [hbm4b:s1+s17], $0x40, s23, s17, $0xb8;
	[tilespmem:$0x14A00] =	vst v63  }
0x13d: {  	_ =	swait.ge [sflag:s9], $0x1400  }
0x13e: {  	[sflag:s9] =	ssyncset.done $0x0  }
0x13f: {  	s7 =	rddreg [dreg:$0xb];
	[sflag:s9] =	ssyncadd.s32 $0xFFFFEC00  }
0x140: {  	[spmem:s3] =	stream.indirect.scatter.add.f32 [tilespmem:s5], [sflag:$0x9], $0x40, s7, s17, $0xb8;
	[tilespmem:$0x14A00] =	vst v63  }
0x141: {  	s7 =	simm.s32 @p0 $0x7  }
0x142: {  	_ =	swait.ge @p0 [sflag:s7], $0x1400  }
0x143: {  	[sflag:s7] =	ssyncset.done @p0 $0x0  }
0x144: {  	[sflag:s7] =	ssyncadd.s32 @p0 $0xFFFFEC00;
	s7 =	simm.s32 @!p0 $0x460  }
0x145: {  	[spmem:s4] =	stream.indirect.scatter.add.f32 @!p0 [tilespmem:s8], [sflag:$0xF], $0x10, s7, s12, $0xb8;
	[tilespmem:$0x14A00] =	vst v63  }
0x146: {  	s7 =	simm.s32 @!p0 $0x7  }
0x147: {  	_ =	swait.ge @!p0 [sflag:s7], $0x1400  }
0x148: {  	[sflag:s7] =	ssyncset.done @!p0 $0x0  }
0x149: {  	[sflag:s7] =	ssyncadd.s32 @!p0 $0xFFFFEC00;
	s7 =	simm.s32 @!p0 $0xD  }
0x14a: {  	_ =	swait.ge @!p0 [sflag:s7], $0x500  }
0x14b: {  	[sflag:s7] =	ssyncset.done @!p0 $0x0  }
0x14c: {  	s10 =	simm.s32 $0x4;
	s23 =	rddreg [dreg:$0xc];
	[sflag:s7] =	ssyncadd.s32 @!p0 $0xFFFFFB00  }
0x14d: {  	[tilespmem:s26], [sflag:$0x1] =	stream.indirect.gather [hbm4b:s1+s17], $0x40, s23, s17, $0xb8;
	[tilespmem:$0x14A00] =	vst v63  }
0x14e: {  	s22 =	smov.u32 s31;
	_ =	swait.ge [sflag:s10], $0x1400  }
0x14f: {  	s2 =	smov.u32 s22;
	s22 =	simm.s32 $0x4380;
	[sflag:s10] =	ssyncset.done $0x0  }
0x150: {  	s7 =	simm.s32 @p0 $0x8;
	s23 =	rddreg [dreg:$0xd];
	[sflag:s10] =	ssyncadd.s32 $0xFFFFEC00  }
0x151: {  	[spmem:s3] =	stream.indirect.scatter.add.f32 [tilespmem:s22], [sflag:$0xA], $0x40, s23, s17, $0xb8;
	[tilespmem:$0x14A00] =	vst v63  }
0x152: {  	_ =	swait.ge @p0 [sflag:s7], $0x1400  }
0x153: {  	[sflag:s7] =	ssyncset.done @p0 $0x0  }
0x154: {  	[sflag:s7] =	ssyncadd.s32 @p0 $0xFFFFEC00;
	s7 =	simm.s32 @!p0 $0x4B0  }
0x155: {  	[spmem:s4] =	stream.indirect.scatter.add.f32 @!p0 [tilespmem:s8], [sflag:$0x10], $0x10, s7, s12, $0xb8;
	[tilespmem:$0x14A00] =	vst v63  }
0x156: {  	s7 =	simm.s32 @!p0 $0x8  }
0x157: {  	_ =	swait.ge @!p0 [sflag:s7], $0x1400  }
0x158: {  	[sflag:s7] =	ssyncset.done @!p0 $0x0  }
0x159: {  	[sflag:s7] =	ssyncadd.s32 @!p0 $0xFFFFEC00;
	s7 =	simm.s32 @!p0 $0xE  }
0x15a: {  	_ =	swait.ge @!p0 [sflag:s7], $0x500  }
0x15b: {  	[sflag:s7] =	ssyncset.done @!p0 $0x0  }
0x15c: {  	s23 =	rddreg [dreg:$0xe];
	[sflag:s7] =	ssyncadd.s32 @!p0 $0xFFFFFB00  }
0x15d: {  	[tilespmem:s21], [sflag:$0x2] =	stream.indirect.gather [hbm4b:s1+s17], $0x40, s23, s17, $0xb8;
	[tilespmem:$0x14A00] =	vst v63  }
0x15e: {  	_ =	swait.ge [sflag:s16], $0x1400  }
0x15f: {  	s10 =	simm.s32 @p0 $0x9;
	[sflag:s16] =	ssyncset.done $0x0  }
0x160: {  	s7 =	simm.s32 $0x5780;
	s23 =	rddreg [dreg:$0xf];
	[sflag:s16] =	ssyncadd.s32 $0xFFFFEC00  }
0x161: {  	[spmem:s3] =	stream.indirect.scatter.add.f32 [tilespmem:s7], [sflag:$0xB], $0x40, s23, s17, $0xb8;
	[tilespmem:$0x14A00] =	vst v63  }
0x162: {  	_ =	swait.ge @p0 [sflag:s10], $0x1400  }
0x163: {  	[sflag:s10] =	ssyncset.done @p0 $0x0  }
0x164: {  	[sflag:s10] =	ssyncadd.s32 @p0 $0xFFFFEC00;
	s10 =	simm.s32 @!p0 $0x500  }
0x165: {  	[spmem:s4] =	stream.indirect.scatter.add.f32 @!p0 [tilespmem:s8], [sflag:$0x11], $0x10, s10, s12, $0xb8;
	[tilespmem:$0x14A00] =	vst v63  }
0x166: {  	s10 =	simm.s32 @!p0 $0x9  }
0x167: {  	_ =	swait.ge @!p0 [sflag:s10], $0x1400  }
0x168: {  	[sflag:s10] =	ssyncset.done @!p0 $0x0  }
0x169: {  	s23 =	simm.s32 @!p0 $0xF;
	[sflag:s10] =	ssyncadd.s32 @!p0 $0xFFFFEC00  }
0x16a: {  	_ =	swait.ge @!p0 [sflag:s23], $0x500  }
0x16b: {  	[sflag:s23] =	ssyncset.done @!p0 $0x0  }
0x16c: {  	s10 =	rddreg [dreg:$0x10];
	[sflag:s23] =	ssyncadd.s32 @!p0 $0xFFFFFB00;
	s23 =	simm.s32 $0x6  }
0x16d: {  	[tilespmem:s5], [sflag:$0x3] =	stream.indirect.gather [hbm4b:s1+s17], $0x40, s10, s17, $0xb8;
	[tilespmem:$0x14A00] =	vst v63  }
0x16e: {  	_ =	swait.ge [sflag:s23], $0x1400  }
0x16f: {  	[sflag:s23] =	ssyncset.done $0x0  }
0x170: {  	s10 =	rddreg [dreg:$0x11];
	[sflag:s23] =	ssyncadd.s32 $0xFFFFEC00  }
0x171: {  	[spmem:s3] =	stream.indirect.scatter.add.f32 [tilespmem:s19], [sflag:$0xC], $0x40, s10, s17, $0xb8;
	[tilespmem:$0x14A00] =	vst v63  }
0x172: {  	s10 =	simm.s32 @p0 $0xA  }
0x173: {  	_ =	swait.ge @p0 [sflag:s10], $0x1400  }
0x174: {  	[sflag:s10] =	ssyncset.done @p0 $0x0  }
0x175: {  	[sflag:s10] =	ssyncadd.s32 @p0 $0xFFFFEC00;
	s10 =	simm.s32 @!p0 $0x550  }
0x176: {  	[spmem:s4] =	stream.indirect.scatter.add.f32 @!p0 [tilespmem:s8], [sflag:$0x12], $0x10, s10, s12, $0xb8;
	[tilespmem:$0x14A00] =	vst v63  }
0x177: {  	s10 =	simm.s32 @!p0 $0xA  }
0x178: {  	_ =	swait.ge @!p0 [sflag:s10], $0x1400  }
0x179: {  	[sflag:s10] =	ssyncset.done @!p0 $0x0  }
0x17a: {  	s23 =	simm.s32 @!p0 $0x10;
	[sflag:s10] =	ssyncadd.s32 @!p0 $0xFFFFEC00  }
0x17b: {  	_ =	swait.ge @!p0 [sflag:s23], $0x500  }
0x17c: {  	[sflag:s23] =	ssyncset.done @!p0 $0x0  }
0x17d: {  	s10 =	rddreg [dreg:$0x12];
	[sflag:s23] =	ssyncadd.s32 @!p0 $0xFFFFFB00  }
0x17e: {  	[tilespmem:s22], [sflag:$0x4] =	stream.indirect.gather [hbm4b:s1+s17], $0x40, s10, s17, $0xb8;
	[tilespmem:$0x14A00] =	vst v63  }
0x17f: {  	_ =	swait.ge [sflag:s11], $0x1400  }
0x180: {  	[sflag:s11] =	ssyncset.done $0x0  }
0x181: {  	s10 =	simm.s32 @p0 $0xB;
	s23 =	rddreg [dreg:$0x13];
	[sflag:s11] =	ssyncadd.s32 $0xFFFFEC00  }
0x182: {  	[spmem:s3] =	stream.indirect.scatter.add.f32 [tilespmem:s26], [sflag:$0x7], $0x40, s23, s17, $0xb8;
	[tilespmem:$0x14A00] =	vst v63  }
0x183: {  	_ =	swait.ge @p0 [sflag:s10], $0x1400  }
0x184: {  	[sflag:s10] =	ssyncset.done @p0 $0x0  }
0x185: {  	[sflag:s10] =	ssyncadd.s32 @p0 $0xFFFFEC00;
	s10 =	simm.s32 @!p0 $0x5A0  }
0x186: {  	[spmem:s4] =	stream.indirect.scatter.add.f32 @!p0 [tilespmem:s8], [sflag:$0xD], $0x10, s10, s12, $0xb8;
	[tilespmem:$0x14A00] =	vst v63  }
0x187: {  	s10 =	simm.s32 @!p0 $0xB  }
0x188: {  	_ =	swait.ge @!p0 [sflag:s10], $0x1400  }
0x189: {  	[sflag:s10] =	ssyncset.done @!p0 $0x0  }
0x18a: {  	s23 =	simm.s32 @!p0 $0x11;
	[sflag:s10] =	ssyncadd.s32 @!p0 $0xFFFFEC00  }
0x18b: {  	_ =	swait.ge @!p0 [sflag:s23], $0x500  }
0x18c: {  	[sflag:s23] =	ssyncset.done @!p0 $0x0  }
0x18d: {  	s10 =	rddreg [dreg:$0x14];
	[sflag:s23] =	ssyncadd.s32 @!p0 $0xFFFFFB00;
	s23 =	simm.s32 $0x2  }
0x18e: {  	[tilespmem:s7], [sflag:$0x5] =	stream.indirect.gather [hbm4b:s1+s17], $0x40, s10, s17, $0xb8;
	[tilespmem:$0x14A00] =	vst v63  }
0x18f: {  	_ =	swait.ge [sflag:s23], $0x1400  }
0x190: {  	[sflag:s23] =	ssyncset.done $0x0  }
0x191: {  	s10 =	rddreg [dreg:$0x15];
	[sflag:s23] =	ssyncadd.s32 $0xFFFFEC00  }
0x192: {  	[spmem:s3] =	stream.indirect.scatter.add.f32 [tilespmem:s21], [sflag:$0x8], $0x40, s10, s17, $0xb8;
	[tilespmem:$0x14A00] =	vst v63  }
0x193: {  	s10 =	simm.s32 @p0 $0xC  }
0x194: {  	_ =	swait.ge @p0 [sflag:s10], $0x1400  }
0x195: {  	[sflag:s10] =	ssyncset.done @p0 $0x0  }
0x196: {  	[sflag:s10] =	ssyncadd.s32 @p0 $0xFFFFEC00;
	s10 =	simm.s32 @!p0 $0x5F0  }
0x197: {  	[spmem:s4] =	stream.indirect.scatter.add.f32 @!p0 [tilespmem:s8], [sflag:$0xE], $0x10, s10, s12, $0xb8;
	[tilespmem:$0x14A00] =	vst v63  }
0x198: {  	s10 =	simm.s32 @!p0 $0xC  }
0x199: {  	_ =	swait.ge @!p0 [sflag:s10], $0x1400  }
0x19a: {  	[sflag:s10] =	ssyncset.done @!p0 $0x0  }
0x19b: {  	s21 =	simm.s32 @!p0 $0x12;
	[sflag:s10] =	ssyncadd.s32 @!p0 $0xFFFFEC00  }
0x19c: {  	_ =	swait.ge @!p0 [sflag:s21], $0x500  }
0x19d: {  	[sflag:s21] =	ssyncset.done @!p0 $0x0  }
0x19e: {  	s23 =	rddreg [dreg:$0x16];
	[sflag:s21] =	ssyncadd.s32 @!p0 $0xFFFFFB00  }
0x19f: {  	[tilespmem:s19], [sflag:$0x6] =	stream.indirect.gather [hbm4b:s1+s17], $0x40, s23, s17, $0xb8;
	[tilespmem:$0x14A00] =	vst v63  }
0x1a0: {  	_ =	swait.ge [sflag:s9], $0x1400  }
0x1a1: {  	[sflag:s9] =	ssyncset.done $0x0  }
0x1a2: {  	s21 =	rddreg [dreg:$0x17];
	[sflag:s9] =	ssyncadd.s32 $0xFFFFEC00  }
0x1a3: {  	[spmem:s3] =	stream.indirect.scatter.add.f32 [tilespmem:s5], [sflag:$0x9], $0x40, s21, s17, $0xb8;
	[tilespmem:$0x14A00] =	vst v63  }
0x1a4: {  	s5 =	simm.s32 @p0 $0x4  }
0x1a5: {  	_ =	swait.ge @p0 [sflag:s5], $0x1400  }
0x1a6: {  	[sflag:s5] =	ssyncset.done @p0 $0x0  }
0x1a7: {  	s10 =	simm.s32 @p0 $0x4380;
	[sflag:s5] =	ssyncadd.s32 @p0 $0xFFFFEC00;
	s5 =	simm.s32 @p0 $0x690  }
0x1a8: {  	[spmem:s3] =	stream.indirect.scatter.add.f32 @p0 [tilespmem:s10], [sflag:$0xA], $0x40, s5, s13, $0xb8;
	[tilespmem:$0x14A00] =	vst v63  }
0x1a9: {  	s5 =	simm.s32 @!p0 $0x640  }
0x1aa: {  	[spmem:s4] =	stream.indirect.scatter.add.f32 @!p0 [tilespmem:s8], [sflag:$0xF], $0x10, s5, s12, $0xb8;
	[tilespmem:$0x14A00] =	vst v63  }
0x1ab: {  	s5 =	simm.s32 @!p0 $0x4  }
0x1ac: {  	_ =	swait.ge @!p0 [sflag:s5], $0x1400  }
0x1ad: {  	[sflag:s5] =	ssyncset.done @!p0 $0x0  }
0x1ae: {  	s10 =	simm.s32 @!p0 $0x4380;
	[sflag:s5] =	ssyncadd.s32 @!p0 $0xFFFFEC00;
	s5 =	simm.s32 @!p0 $0x690  }
0x1af: {  	[spmem:s3] =	stream.indirect.scatter.add.f32 @!p0 [tilespmem:s10], [sflag:$0xA], $0x40, s5, s12, $0xb8;
	[tilespmem:$0x14A00] =	vst v63  }
0x1b0: {  	_ = 	snop  }
0x1b1: {  	[spmem:s4] =	stream.indirect.scatter.add.f32 @!p0 [tilespmem:s8], [sflag:$0x10], $0x10, s5, s12, $0xb8;
	[tilespmem:$0x14A00] =	vst v63  }
0x1b2: {  	_ =	swait.ge [sflag:s16], $0x1400  }
0x1b3: {  	[sflag:s16] =	ssyncset.done $0x0  }
0x1b4: {  	s23 =	rddreg [dreg:$0x18];
	[sflag:s16] =	ssyncadd.s32 $0xFFFFEC00  }
0x1b5: {  	[spmem:s3] =	stream.indirect.scatter.add.f32 [tilespmem:s7], [sflag:$0xB], $0x40, s23, s17, $0xb8;
	[tilespmem:$0x14A00] =	vst v63  }
0x1b6: {  	s10 =	simm.s32 @p1 $0x11D80;
	s5 =	simm.s32 @p1 $0x50;
	s7 =	simm.s32 @p1 $0x6E0  }
0x1b7: {  	[spmem:s4] =	stream.indirect.scatter.add.f32 @p1 [tilespmem:s10], [sflag:$0x11], $0x10, s7, s5, $0xb8;
	[tilespmem:$0x14A00] =	vst v63  }
0x1b8: {  	s7 =	simm.s32 @p1 $0x6  }
0x1b9: {  	_ =	swait.ge @p1 [sflag:s7], $0x1400  }
0x1ba: {  	[sflag:s7] =	ssyncset.done @p1 $0x0  }
0x1bb: {  	s13 =	simm.s32 @p1 $0x6B80;
	[sflag:s7] =	ssyncadd.s32 @p1 $0xFFFFEC00;
	s7 =	simm.s32 @p1 $0x730  }
0x1bc: {  	[spmem:s3] =	stream.indirect.scatter.add.f32 @p1 [tilespmem:s13], [sflag:$0xC], $0x40, s7, s5, $0xb8;
	[tilespmem:$0x14A00] =	vst v63  }
0x1bd: {  	_ = 	snop  }
0x1be: {  	[spmem:s4] =	stream.indirect.scatter.add.f32 @p1 [tilespmem:s10], [sflag:$0x12], $0x10, s7, s5, $0xb8;
	[tilespmem:$0x14A00] =	vst v63  }
0x1bf: {  	s5 =	simm.s32 @p1 $0x7  }
0x1c0: {  	_ =	swait.ge @p1 [sflag:s5], $0x1400  }
0x1c1: {  	[sflag:s5] =	ssyncset.done @p1 $0x0  }
0x1c2: {  	[sflag:s5] =	ssyncadd.s32 @p1 $0xFFFFEC00;
	s5 =	simm.s32 @p1 $0xD  }
0x1c3: {  	_ =	swait.ge @p1 [sflag:s5], $0x500  }
0x1c4: {  	[sflag:s5] =	ssyncset.done @p1 $0x0  }
0x1c5: {  	[sflag:s5] =	ssyncadd.s32 @p1 $0xFFFFFB00;
	s5 =	simm.s32 @p1 $0x8  }
0x1c6: {  	_ =	swait.ge @p1 [sflag:s5], $0x1400  }
0x1c7: {  	[sflag:s5] =	ssyncset.done @p1 $0x0  }
0x1c8: {  	[sflag:s5] =	ssyncadd.s32 @p1 $0xFFFFEC00;
	s5 =	simm.s32 @p1 $0xE  }
0x1c9: {  	_ =	swait.ge @p1 [sflag:s5], $0x500  }
0x1ca: {  	[sflag:s5] =	ssyncset.done @p1 $0x0  }
0x1cb: {  	[sflag:s5] =	ssyncadd.s32 @p1 $0xFFFFFB00;
	s5 =	simm.s32 @p1 $0x9  }
0x1cc: {  	_ =	swait.ge @p1 [sflag:s5], $0x1400  }
0x1cd: {  	[sflag:s5] =	ssyncset.done @p1 $0x0  }
0x1ce: {  	[sflag:s5] =	ssyncadd.s32 @p1 $0xFFFFEC00;
	s5 =	simm.s32 @p1 $0xF  }
0x1cf: {  	_ =	swait.ge @p1 [sflag:s5], $0x500  }
0x1d0: {  	[sflag:s5] =	ssyncset.done @p1 $0x0  }
0x1d1: {  	[sflag:s5] =	ssyncadd.s32 @p1 $0xFFFFFB00;
	s5 =	simm.s32 @p1 $0xA  }
0x1d2: {  	_ =	swait.ge @p1 [sflag:s5], $0x1400  }
0x1d3: {  	[sflag:s5] =	ssyncset.done @p1 $0x0  }
0x1d4: {  	[sflag:s5] =	ssyncadd.s32 @p1 $0xFFFFEC00;
	s5 =	simm.s32 @p1 $0x10  }
0x1d5: {  	_ =	swait.ge @p1 [sflag:s5], $0x500  }
0x1d6: {  	[sflag:s5] =	ssyncset.done @p1 $0x0  }
0x1d7: {  	[sflag:s5] =	ssyncadd.s32 @p1 $0xFFFFFB00;
	s5 =	simm.s32 @p1 $0xB  }
0x1d8: {  	_ =	swait.ge @p1 [sflag:s5], $0x1400  }
0x1d9: {  	[sflag:s5] =	ssyncset.done @p1 $0x0  }
0x1da: {  	[sflag:s5] =	ssyncadd.s32 @p1 $0xFFFFEC00;
	s5 =	simm.s32 @p1 $0x11  }
0x1db: {  	_ =	swait.ge @p1 [sflag:s5], $0x500  }
0x1dc: {  	[sflag:s5] =	ssyncset.done @p1 $0x0  }
0x1dd: {  	[sflag:s5] =	ssyncadd.s32 @p1 $0xFFFFFB00  }
0x1de: {  	_ =	swait.ge @p1 [sflag:s25], $0x1400  }
0x1df: {  	[sflag:s25] =	ssyncset.done @p1 $0x0  }
0x1e0: {  	[sflag:s25] =	ssyncadd.s32 @p1 $0xFFFFEC00  }
0x1e1: {  	_ =	swait.ge @p1 [sflag:s28], $0x500  }
0x1e2: {  	[sflag:s28] =	ssyncset.done @p1 $0x0  }
0x1e3: {  	[sflag:s28] =	ssyncadd.s32 @p1 $0xFFFFFB00  }
0x1e4: {  	_ =	swait.ge @!p1 [sflag:s29], $0x1400  }
0x1e5: {  	s7 =	simm.s32 @!p1 $0x50;
	[sflag:s29] =	ssyncset.done @!p1 $0x0  }
0x1e6: {  	s10 =	simm.s32 @!p1 $0x730;
	s5 =	simm.s32 @!p1 $0x6B80;
	[sflag:s29] =	ssyncadd.s32 @!p1 $0xFFFFEC00  }
0x1e7: {  	[spmem:s3] =	stream.indirect.scatter.add.f32 @!p1 [tilespmem:s5], [sflag:$0xC], $0x40, s10, s7, $0xb8;
	[tilespmem:$0x14A00] =	vst v63  }
0x1e8: {  	_ =	swait.ge @!p1 [sflag:s30], $0x1400  }
0x1e9: {  	[sflag:s30] =	ssyncset.done @!p1 $0x0  }
0x1ea: {  	[sflag:s30] =	ssyncadd.s32 @!p1 $0xFFFFEC00  }
0x1eb: {  	_ =	swait.ge @!p1 [sflag:s6], $0x1400  }
0x1ec: {  	[sflag:s6] =	ssyncset.done @!p1 $0x0  }
0x1ed: {  	[sflag:s6] =	ssyncadd.s32 @!p1 $0xFFFFEC00  }
0x1ee: {  	_ =	swait.ge @!p1 [sflag:s18], $0x1400  }
0x1ef: {  	[sflag:s18] =	ssyncset.done @!p1 $0x0  }
0x1f0: {  	[sflag:s18] =	ssyncadd.s32 @!p1 $0xFFFFEC00  }
0x1f1: {  	_ =	swait.ge @!p1 [sflag:s20], $0x1400  }
0x1f2: {  	s31 =	sadd.s32 $0x78, s31;
	[sflag:s20] =	ssyncset.done @!p1 $0x0  }
0x1f3: {  	p2 =	sne.s32 s31, $0x9D8;
	[sflag:s20] =	ssyncadd.s32 @!p1 $0xFFFFEC00  }
.Ltmp1:
0x1f4: {  	_ =	swait.ge @!p1 [sflag:s0], $0x1400;
	(pc) =	sbr.rel @p2 .LBB2_4-.Ltmp1, $4  }
0x1f5: {  	[sflag:s0] =	ssyncset.done @!p1 $0x0  }
0x1f6: {  	[sflag:s0] =	ssyncadd.s32 @!p1 $0xFFFFEC00  }
0x1f7: {  	_ =	swait.ge @!p1 [sflag:s14], $0x1400  }
0x1f8: {  	s10 =	rddreg [dreg:$0x6];
	[sflag:s14] =	ssyncset.done @!p1 $0x0  }
0x1f9: {  	[sflag:s14] =	ssyncadd.s32 @!p1 $0xFFFFEC00;
	s0 =	sadd.s32 s2, s10  }
0x1fa: {  	[tilespmem:s15], [sflag:$0x13] =	stream.linear.gather [hbm4b:s0+s15], $0x3C0, $0x38;
	[tilespmem:$0x14A00] =	vst v63  }
0x1fb: {  	_ =	swait.ge [sflag:s24], $0x3C0  }
0x1fc: {  	s14 =	rddreg [dreg:$0x7];
	[sflag:s24] =	ssyncset.done $0x0  }
0x1fd: {  	s5 =	simm.s32 $0x3C0;
	[sflag:s24] =	ssyncadd.s32 $0xFFFFFC40;
	s0 =	sadd.s32 s2, s14  }
0x1fe: {  	[tilespmem:s5], [sflag:$0x13] =	stream.linear.gather [hbm4b:s0+s15], $0x3C0, $0x38;
	[tilespmem:$0x14A00] =	vst v63  }
0x1ff: {  	_ =	swait.ge [sflag:s24], $0x3C0  }
0x200: {  	[sflag:s24] =	ssyncset.done $0x0  }
0x201: {  	[sflag:s24] =	ssyncadd.s32 $0xFFFFFC40  }
0x202: {  	[tilespmem:s26], [sflag:$0x1] =	stream.indirect.gather [hbm4b:s1+s17], $0x40, s15, s17, $0xb8;
	[tilespmem:$0x14A00] =	vst v63  }
0x203: {  	s13 =	simm.s32 $0x1B80  }
0x204: {  	[tilespmem:s13], [sflag:$0x2] =	stream.indirect.gather [hbm4b:s1+s17], $0x40, s17, s17, $0xb8;
	[tilespmem:$0x14A00] =	vst v63  }
0x205: {  	s8 =	simm.s32 $0x2F80;
	s15 =	rddreg [dreg:$0x8]  }
0x206: {  	[tilespmem:s8], [sflag:$0x3] =	stream.indirect.gather [hbm4b:s1+s17], $0x40, s15, s17, $0xb8;
	[tilespmem:$0x14A00] =	vst v63  }
0x207: {  	s18 =	rddreg [dreg:$0x9]  }
0x208: {  	[tilespmem:s22], [sflag:$0x4] =	stream.indirect.gather [hbm4b:s1+s17], $0x40, s18, s17, $0xb8;
	[tilespmem:$0x14A00] =	vst v63  }
0x209: {  	_ =	swait.ge [sflag:s11], $0x1400  }
0x20a: {  	[sflag:s11] =	ssyncset.done $0x0  }
0x20b: {  	s6 =	simm.s32 @p0 $0x5780;
	[sflag:s11] =	ssyncadd.s32 $0xFFFFEC00  }
0x20c: {  	[spmem:s3] =	stream.indirect.scatter.add.f32 [tilespmem:s26], [sflag:$0x7], $0x40, s5, s17, $0xb8;
	[tilespmem:$0x14A00] =	vst v63  }
0x20d: {  	s2 =	simm.s32 @p0 $0x2;
	s0 =	simm.s32 @p0 $0x50;
	s5 =	simm.s32 @p0 $0x140  }
0x20e: {  	[tilespmem:s6], [sflag:$0x5] =	stream.indirect.gather @p0 [hbm4b:s1+s0], $0x40, s5, s0, $0xb8;
	[tilespmem:$0x14A00] =	vst v63  }
0x20f: {  	_ =	swait.ge @p0 [sflag:s2], $0x1400  }
0x210: {  	[sflag:s2] =	ssyncset.done @p0 $0x0  }
0x211: {  	s5 =	simm.s32 @p0 $0x1B80;
	[sflag:s2] =	ssyncadd.s32 @p0 $0xFFFFEC00;
	s2 =	simm.s32 @p0 $0x410  }
0x212: {  	[spmem:s3] =	stream.indirect.scatter.add.f32 @p0 [tilespmem:s5], [sflag:$0x8], $0x40, s2, s0, $0xb8;
	[tilespmem:$0x14A00] =	vst v63  }
0x213: {  	s6 =	simm.s32 @!p0 $0x3C0;
	s2 =	simm.s32 @!p0 $0x50;
	s5 =	simm.s32 @!p0 $0x11D80  }
0x214: {  	[spmem:s4] =	stream.indirect.scatter.add.f32 @!p0 [tilespmem:s5], [sflag:$0xD], $0x10, s6, s2, $0xb8;
	[tilespmem:$0x14A00] =	vst v63  }
0x215: {  	s7 =	simm.s32 @!p0 $0x5780;
	s6 =	simm.s32 @!p0 $0x140  }
0x216: {  	[tilespmem:s7], [sflag:$0x5] =	stream.indirect.gather @!p0 [hbm4b:s1+s2], $0x40, s6, s2, $0xb8;
	[tilespmem:$0x14A00] =	vst v63  }
0x217: {  	s6 =	simm.s32 @!p0 $0x2  }
0x218: {  	_ =	swait.ge @!p0 [sflag:s6], $0x1400  }
0x219: {  	[sflag:s6] =	ssyncset.done @!p0 $0x0  }
0x21a: {  	s7 =	simm.s32 @!p0 $0x1B80;
	[sflag:s6] =	ssyncadd.s32 @!p0 $0xFFFFEC00;
	s6 =	simm.s32 @!p0 $0x410  }
0x21b: {  	[spmem:s3] =	stream.indirect.scatter.add.f32 @!p0 [tilespmem:s7], [sflag:$0x8], $0x40, s6, s2, $0xb8;
	[tilespmem:$0x14A00] =	vst v63  }
0x21c: {  	_ = 	snop  }
0x21d: {  	[spmem:s4] =	stream.indirect.scatter.add.f32 @!p0 [tilespmem:s5], [sflag:$0xE], $0x10, s6, s2, $0xb8;
	[tilespmem:$0x14A00] =	vst v63  }
0x21e: {  	s12 =	simm.s32 $0x6B80;
	s19 =	rddreg [dreg:$0xa]  }
0x21f: {  	[tilespmem:s12], [sflag:$0x6] =	stream.indirect.gather [hbm4b:s1+s17], $0x40, s19, s17, $0xb8;
	[tilespmem:$0x14A00] =	vst v63  }
0x220: {  	_ =	swait.ge [sflag:s9], $0x1400  }
0x221: {  	[sflag:s9] =	ssyncset.done $0x0  }
0x222: {  	s7 =	simm.s32 @p0 $0x7;
	s20 =	rddreg [dreg:$0xb];
	[sflag:s9] =	ssyncadd.s32 $0xFFFFEC00  }
0x223: {  	[spmem:s3] =	stream.indirect.scatter.add.f32 [tilespmem:s8], [sflag:$0x9], $0x40, s20, s17, $0xb8;
	[tilespmem:$0x14A00] =	vst v63  }
0x224: {  	_ =	swait.ge @p0 [sflag:s7], $0x1400  }
0x225: {  	[sflag:s7] =	ssyncset.done @p0 $0x0  }
0x226: {  	s6 =	simm.s32 @!p0 $0x460;
	[sflag:s7] =	ssyncadd.s32 @p0 $0xFFFFEC00;
	s7 =	simm.s32 @!p0 $0x7  }
0x227: {  	[spmem:s4] =	stream.indirect.scatter.add.f32 @!p0 [tilespmem:s5], [sflag:$0xF], $0x10, s6, s2, $0xb8;
	[tilespmem:$0x14A00] =	vst v63  }
0x228: {  	_ =	swait.ge @!p0 [sflag:s7], $0x1400  }
0x229: {  	[sflag:s7] =	ssyncset.done @!p0 $0x0  }
0x22a: {  	s6 =	simm.s32 @!p0 $0xD;
	[sflag:s7] =	ssyncadd.s32 @!p0 $0xFFFFEC00  }
0x22b: {  	_ =	swait.ge @!p0 [sflag:s6], $0x500  }
0x22c: {  	[sflag:s6] =	ssyncset.done @!p0 $0x0  }
0x22d: {  	s23 =	simm.s32 $0x4;
	s21 =	rddreg [dreg:$0xc];
	[sflag:s6] =	ssyncadd.s32 @!p0 $0xFFFFFB00  }
0x22e: {  	[tilespmem:s26], [sflag:$0x1] =	stream.indirect.gather [hbm4b:s1+s17], $0x40, s21, s17, $0xb8;
	[tilespmem:$0x14A00] =	vst v63  }
0x22f: {  	_ =	swait.ge [sflag:s23], $0x1400  }
0x230: {  	[sflag:s23] =	ssyncset.done $0x0  }
0x231: {  	s7 =	simm.s32 @p0 $0x8;
	s25 =	rddreg [dreg:$0xd];
	[sflag:s23] =	ssyncadd.s32 $0xFFFFEC00  }
0x232: {  	[spmem:s3] =	stream.indirect.scatter.add.f32 [tilespmem:s22], [sflag:$0xA], $0x40, s25, s17, $0xb8;
	[tilespmem:$0x14A00] =	vst v63  }
0x233: {  	_ =	swait.ge @p0 [sflag:s7], $0x1400  }
0x234: {  	[sflag:s7] =	ssyncset.done @p0 $0x0  }
0x235: {  	s6 =	simm.s32 @!p0 $0x4B0;
	[sflag:s7] =	ssyncadd.s32 @p0 $0xFFFFEC00;
	s7 =	simm.s32 @!p0 $0x8  }
0x236: {  	[spmem:s4] =	stream.indirect.scatter.add.f32 @!p0 [tilespmem:s5], [sflag:$0x10], $0x10, s6, s2, $0xb8;
	[tilespmem:$0x14A00] =	vst v63  }
0x237: {  	_ =	swait.ge @!p0 [sflag:s7], $0x1400  }
0x238: {  	[sflag:s7] =	ssyncset.done @!p0 $0x0  }
0x239: {  	s6 =	simm.s32 @!p0 $0xE;
	[sflag:s7] =	ssyncadd.s32 @!p0 $0xFFFFEC00  }
0x23a: {  	_ =	swait.ge @!p0 [sflag:s6], $0x500  }
0x23b: {  	[sflag:s6] =	ssyncset.done @!p0 $0x0  }
0x23c: {  	s28 =	rddreg [dreg:$0xe];
	[sflag:s6] =	ssyncadd.s32 @!p0 $0xFFFFFB00  }
0x23d: {  	[tilespmem:s13], [sflag:$0x2] =	stream.indirect.gather [hbm4b:s1+s17], $0x40, s28, s17, $0xb8;
	[tilespmem:$0x14A00] =	vst v63  }
0x23e: {  	_ =	swait.ge [sflag:s16], $0x1400  }
0x23f: {  	s30 =	simm.s32 $0x5780;
	[sflag:s16] =	ssyncset.done $0x0  }
0x240: {  	s7 =	simm.s32 @p0 $0x9;
	s29 =	rddreg [dreg:$0xf];
	[sflag:s16] =	ssyncadd.s32 $0xFFFFEC00  }
0x241: {  	[spmem:s3] =	stream.indirect.scatter.add.f32 [tilespmem:s30], [sflag:$0xB], $0x40, s29, s17, $0xb8;
	[tilespmem:$0x14A00] =	vst v63  }
0x242: {  	_ =	swait.ge @p0 [sflag:s7], $0x1400  }
0x243: {  	[sflag:s7] =	ssyncset.done @p0 $0x0  }
0x244: {  	s6 =	simm.s32 @!p0 $0x500;
	[sflag:s7] =	ssyncadd.s32 @p0 $0xFFFFEC00;
	s7 =	simm.s32 @!p0 $0x9  }
0x245: {  	[spmem:s4] =	stream.indirect.scatter.add.f32 @!p0 [tilespmem:s5], [sflag:$0x11], $0x10, s6, s2, $0xb8;
	[tilespmem:$0x14A00] =	vst v63  }
0x246: {  	_ =	swait.ge @!p0 [sflag:s7], $0x1400  }
0x247: {  	[sflag:s7] =	ssyncset.done @!p0 $0x0  }
0x248: {  	s6 =	simm.s32 @!p0 $0xF;
	[sflag:s7] =	ssyncadd.s32 @!p0 $0xFFFFEC00  }
0x249: {  	_ =	swait.ge @!p0 [sflag:s6], $0x500  }
0x24a: {  	[sflag:s6] =	ssyncset.done @!p0 $0x0  }
0x24b: {  	s31 =	rddreg [dreg:$0x10];
	[sflag:s6] =	ssyncadd.s32 @!p0 $0xFFFFFB00;
	s6 =	simm.s32 $0x6  }
0x24c: {  	[tilespmem:s8], [sflag:$0x3] =	stream.indirect.gather [hbm4b:s1+s17], $0x40, s31, s17, $0xb8;
	[tilespmem:$0x14A00] =	vst v63  }
0x24d: {  	_ =	swait.ge [sflag:s6], $0x1400  }
0x24e: {  	[sflag:s6] =	ssyncset.done $0x0  }
0x24f: {  	s7 =	simm.s32 @p0 $0xA;
	s14 =	rddreg [dreg:$0x11];
	[sflag:s6] =	ssyncadd.s32 $0xFFFFEC00  }
0x250: {  	[spmem:s3] =	stream.indirect.scatter.add.f32 [tilespmem:s12], [sflag:$0xC], $0x40, s14, s17, $0xb8;
	[tilespmem:$0x14A00] =	vst v63  }
0x251: {  	_ =	swait.ge @p0 [sflag:s7], $0x1400  }
0x252: {  	[sflag:s7] =	ssyncset.done @p0 $0x0  }
0x253: {  	s6 =	simm.s32 @!p0 $0x550;
	[sflag:s7] =	ssyncadd.s32 @p0 $0xFFFFEC00;
	s7 =	simm.s32 @!p0 $0xA  }
0x254: {  	[spmem:s4] =	stream.indirect.scatter.add.f32 @!p0 [tilespmem:s5], [sflag:$0x12], $0x10, s6, s2, $0xb8;
	[tilespmem:$0x14A00] =	vst v63  }
0x255: {  	_ =	swait.ge @!p0 [sflag:s7], $0x1400  }
0x256: {  	[sflag:s7] =	ssyncset.done @!p0 $0x0  }
0x257: {  	s6 =	simm.s32 @!p0 $0x10;
	[sflag:s7] =	ssyncadd.s32 @!p0 $0xFFFFEC00  }
0x258: {  	_ =	swait.ge @!p0 [sflag:s6], $0x500  }
0x259: {  	[sflag:s6] =	ssyncset.done @!p0 $0x0  }
0x25a: {  	s15 =	rddreg [dreg:$0x12];
	[sflag:s6] =	ssyncadd.s32 @!p0 $0xFFFFFB00  }
0x25b: {  	[tilespmem:s22], [sflag:$0x4] =	stream.indirect.gather [hbm4b:s1+s17], $0x40, s15, s17, $0xb8;
	[tilespmem:$0x14A00] =	vst v63  }
0x25c: {  	_ =	swait.ge [sflag:s11], $0x1400  }
0x25d: {  	[sflag:s11] =	ssyncset.done $0x0  }
0x25e: {  	s7 =	simm.s32 @p0 $0xB;
	s18 =	rddreg [dreg:$0x13];
	[sflag:s11] =	ssyncadd.s32 $0xFFFFEC00  }
0x25f: {  	[spmem:s3] =	stream.indirect.scatter.add.f32 [tilespmem:s26], [sflag:$0x7], $0x40, s18, s17, $0xb8;
	[tilespmem:$0x14A00] =	vst v63  }
0x260: {  	_ =	swait.ge @p0 [sflag:s7], $0x1400  }
0x261: {  	[sflag:s7] =	ssyncset.done @p0 $0x0  }
0x262: {  	s6 =	simm.s32 @!p0 $0x5A0;
	[sflag:s7] =	ssyncadd.s32 @p0 $0xFFFFEC00;
	s7 =	simm.s32 @!p0 $0xB  }
0x263: {  	[spmem:s4] =	stream.indirect.scatter.add.f32 @!p0 [tilespmem:s5], [sflag:$0xD], $0x10, s6, s2, $0xb8;
	[tilespmem:$0x14A00] =	vst v63  }
0x264: {  	_ =	swait.ge @!p0 [sflag:s7], $0x1400  }
0x265: {  	[sflag:s7] =	ssyncset.done @!p0 $0x0  }
0x266: {  	s6 =	simm.s32 @!p0 $0x11;
	[sflag:s7] =	ssyncadd.s32 @!p0 $0xFFFFEC00  }
0x267: {  	_ =	swait.ge @!p0 [sflag:s6], $0x500  }
0x268: {  	[sflag:s6] =	ssyncset.done @!p0 $0x0  }
0x269: {  	s20 =	simm.s32 $0x2;
	s19 =	rddreg [dreg:$0x14];
	[sflag:s6] =	ssyncadd.s32 @!p0 $0xFFFFFB00  }
0x26a: {  	[tilespmem:s30], [sflag:$0x5] =	stream.indirect.gather [hbm4b:s1+s17], $0x40, s19, s17, $0xb8;
	[tilespmem:$0x14A00] =	vst v63  }
0x26b: {  	_ =	swait.ge [sflag:s20], $0x1400  }
0x26c: {  	[sflag:s20] =	ssyncset.done $0x0  }
0x26d: {  	s7 =	simm.s32 @p0 $0xC;
	s21 =	rddreg [dreg:$0x15];
	[sflag:s20] =	ssyncadd.s32 $0xFFFFEC00  }
0x26e: {  	[spmem:s3] =	stream.indirect.scatter.add.f32 [tilespmem:s13], [sflag:$0x8], $0x40, s21, s17, $0xb8;
	[tilespmem:$0x14A00] =	vst v63  }
0x26f: {  	_ =	swait.ge @p0 [sflag:s7], $0x1400  }
0x270: {  	[sflag:s7] =	ssyncset.done @p0 $0x0  }
0x271: {  	s6 =	simm.s32 @!p0 $0x5F0;
	[sflag:s7] =	ssyncadd.s32 @p0 $0xFFFFEC00;
	s7 =	simm.s32 @!p0 $0xC  }
0x272: {  	[spmem:s4] =	stream.indirect.scatter.add.f32 @!p0 [tilespmem:s5], [sflag:$0xE], $0x10, s6, s2, $0xb8;
	[tilespmem:$0x14A00] =	vst v63  }
0x273: {  	_ =	swait.ge @!p0 [sflag:s7], $0x1400  }
0x274: {  	[sflag:s7] =	ssyncset.done @!p0 $0x0  }
0x275: {  	s6 =	simm.s32 @!p0 $0x12;
	[sflag:s7] =	ssyncadd.s32 @!p0 $0xFFFFEC00  }
0x276: {  	_ =	swait.ge @!p0 [sflag:s6], $0x500  }
0x277: {  	[sflag:s6] =	ssyncset.done @!p0 $0x0  }
0x278: {  	s23 =	rddreg [dreg:$0x16];
	[sflag:s6] =	ssyncadd.s32 @!p0 $0xFFFFFB00  }
0x279: {  	[tilespmem:s12], [sflag:$0x6] =	stream.indirect.gather [hbm4b:s1+s17], $0x40, s23, s17, $0xb8;
	[tilespmem:$0x14A00] =	vst v63  }
0x27a: {  	_ =	swait.ge [sflag:s9], $0x1400  }
0x27b: {  	[sflag:s9] =	ssyncset.done $0x0  }
0x27c: {  	s7 =	simm.s32 @p0 $0x4;
	s25 =	rddreg [dreg:$0x17];
	[sflag:s9] =	ssyncadd.s32 $0xFFFFEC00  }
0x27d: {  	[spmem:s3] =	stream.indirect.scatter.add.f32 [tilespmem:s8], [sflag:$0x9], $0x40, s25, s17, $0xb8;
	[tilespmem:$0x14A00] =	vst v63  }
0x27e: {  	_ =	swait.ge @p0 [sflag:s7], $0x1400  }
0x27f: {  	[sflag:s7] =	ssyncset.done @p0 $0x0  }
0x280: {  	s6 =	simm.s32 @p0 $0x690;
	[sflag:s7] =	ssyncadd.s32 @p0 $0xFFFFEC00;
	s7 =	simm.s32 @p0 $0x4380  }
0x281: {  	[spmem:s3] =	stream.indirect.scatter.add.f32 @p0 [tilespmem:s7], [sflag:$0xA], $0x40, s6, s0, $0xb8;
	[tilespmem:$0x14A00] =	vst v63  }
0x282: {  	s0 =	simm.s32 @!p0 $0x640;
	s6 =	simm.s32 @!p0 $0x4  }
0x283: {  	[spmem:s4] =	stream.indirect.scatter.add.f32 @!p0 [tilespmem:s5], [sflag:$0xF], $0x10, s0, s2, $0xb8;
	[tilespmem:$0x14A00] =	vst v63  }
0x284: {  	_ =	swait.ge @!p0 [sflag:s6], $0x1400  }
0x285: {  	[sflag:s6] =	ssyncset.done @!p0 $0x0  }
0x286: {  	s0 =	simm.s32 @!p0 $0x690;
	[sflag:s6] =	ssyncadd.s32 @!p0 $0xFFFFEC00;
	s6 =	simm.s32 @!p0 $0x4380  }
0x287: {  	[spmem:s3] =	stream.indirect.scatter.add.f32 @!p0 [tilespmem:s6], [sflag:$0xA], $0x40, s0, s2, $0xb8;
	[tilespmem:$0x14A00] =	vst v63  }
0x288: {  	_ = 	snop  }
0x289: {  	[spmem:s4] =	stream.indirect.scatter.add.f32 @!p0 [tilespmem:s5], [sflag:$0x10], $0x10, s0, s2, $0xb8;
	[tilespmem:$0x14A00] =	vst v63  }
0x28a: {  	_ =	swait.ge [sflag:s16], $0x1400  }
0x28b: {  	[sflag:s16] =	ssyncset.done $0x0  }
0x28c: {  	s6 =	simm.s32 @p1 $0x11D80;
	s28 =	rddreg [dreg:$0x18];
	[sflag:s16] =	ssyncadd.s32 $0xFFFFEC00  }
0x28d: {  	[spmem:s3] =	stream.indirect.scatter.add.f32 [tilespmem:s30], [sflag:$0xB], $0x40, s28, s17, $0xb8;
	[tilespmem:$0x14A00] =	vst v63  }
0x28e: {  	s2 =	simm.s32 @p1 $0x6;
	s0 =	simm.s32 @p1 $0x50;
	s5 =	simm.s32 @p1 $0x6E0  }
0x28f: {  	[spmem:s4] =	stream.indirect.scatter.add.f32 @p1 [tilespmem:s6], [sflag:$0x11], $0x10, s5, s0, $0xb8;
	[tilespmem:$0x14A00] =	vst v63  }
0x290: {  	_ =	swait.ge @p1 [sflag:s2], $0x1400  }
0x291: {  	[sflag:s2] =	ssyncset.done @p1 $0x0  }
0x292: {  	s5 =	simm.s32 @p1 $0x6B80;
	[sflag:s2] =	ssyncadd.s32 @p1 $0xFFFFEC00;
	s2 =	simm.s32 @p1 $0x730  }
0x293: {  	[spmem:s3] =	stream.indirect.scatter.add.f32 @p1 [tilespmem:s5], [sflag:$0xC], $0x40, s2, s0, $0xb8;
	[tilespmem:$0x14A00] =	vst v63  }
0x294: {  	_ = 	snop  }
0x295: {  	[spmem:s4] =	stream.indirect.scatter.add.f32 @p1 [tilespmem:s6], [sflag:$0x12], $0x10, s2, s0, $0xb8;
	[tilespmem:$0x14A00] =	vst v63  }
0x296: {  	s0 =	simm.s32 @p1 $0x7  }
0x297: {  	_ =	swait.ge @p1 [sflag:s0], $0x1400  }
0x298: {  	[sflag:s0] =	ssyncset.done @p1 $0x0  }
0x299: {  	[sflag:s0] =	ssyncadd.s32 @p1 $0xFFFFEC00;
	s0 =	simm.s32 @p1 $0xD  }
0x29a: {  	_ =	swait.ge @p1 [sflag:s0], $0x500  }
0x29b: {  	[sflag:s0] =	ssyncset.done @p1 $0x0  }
0x29c: {  	[sflag:s0] =	ssyncadd.s32 @p1 $0xFFFFFB00;
	s0 =	simm.s32 @p1 $0x8  }
0x29d: {  	_ =	swait.ge @p1 [sflag:s0], $0x1400  }
0x29e: {  	[sflag:s0] =	ssyncset.done @p1 $0x0  }
0x29f: {  	[sflag:s0] =	ssyncadd.s32 @p1 $0xFFFFEC00;
	s0 =	simm.s32 @p1 $0xE  }
0x2a0: {  	_ =	swait.ge @p1 [sflag:s0], $0x500  }
0x2a1: {  	[sflag:s0] =	ssyncset.done @p1 $0x0  }
0x2a2: {  	[sflag:s0] =	ssyncadd.s32 @p1 $0xFFFFFB00;
	s0 =	simm.s32 @p1 $0x9  }
0x2a3: {  	_ =	swait.ge @p1 [sflag:s0], $0x1400  }
0x2a4: {  	[sflag:s0] =	ssyncset.done @p1 $0x0  }
0x2a5: {  	[sflag:s0] =	ssyncadd.s32 @p1 $0xFFFFEC00;
	s0 =	simm.s32 @p1 $0xF  }
0x2a6: {  	_ =	swait.ge @p1 [sflag:s0], $0x500  }
0x2a7: {  	[sflag:s0] =	ssyncset.done @p1 $0x0  }
0x2a8: {  	[sflag:s0] =	ssyncadd.s32 @p1 $0xFFFFFB00;
	s0 =	simm.s32 @p1 $0xA  }
0x2a9: {  	_ =	swait.ge @p1 [sflag:s0], $0x1400  }
0x2aa: {  	[sflag:s0] =	ssyncset.done @p1 $0x0  }
0x2ab: {  	[sflag:s0] =	ssyncadd.s32 @p1 $0xFFFFEC00;
	s0 =	simm.s32 @p1 $0x10  }
0x2ac: {  	_ =	swait.ge @p1 [sflag:s0], $0x500  }
0x2ad: {  	[sflag:s0] =	ssyncset.done @p1 $0x0  }
0x2ae: {  	[sflag:s0] =	ssyncadd.s32 @p1 $0xFFFFFB00;
	s0 =	simm.s32 @p1 $0xB  }
0x2af: {  	_ =	swait.ge @p1 [sflag:s0], $0x1400  }
0x2b0: {  	[sflag:s0] =	ssyncset.done @p1 $0x0  }
0x2b1: {  	[sflag:s0] =	ssyncadd.s32 @p1 $0xFFFFEC00;
	s0 =	simm.s32 @p1 $0x11  }
0x2b2: {  	_ =	swait.ge @p1 [sflag:s0], $0x500  }
0x2b3: {  	[sflag:s0] =	ssyncset.done @p1 $0x0  }
0x2b4: {  	[sflag:s0] =	ssyncadd.s32 @p1 $0xFFFFFB00;
	s0 =	simm.s32 @p1 $0xC  }
0x2b5: {  	_ =	swait.ge @p1 [sflag:s0], $0x1400  }
0x2b6: {  	[sflag:s0] =	ssyncset.done @p1 $0x0  }
0x2b7: {  	[sflag:s0] =	ssyncadd.s32 @p1 $0xFFFFEC00;
	s0 =	simm.s32 @p1 $0x12  }
0x2b8: {  	_ =	swait.ge @p1 [sflag:s0], $0x500  }
0x2b9: {  	[sflag:s0] =	ssyncset.done @p1 $0x0  }
0x2ba: {  	[sflag:s0] =	ssyncadd.s32 @p1 $0xFFFFFB00;
	s0 =	simm.s32 @!p1 $0x6  }
0x2bb: {  	_ =	swait.ge @!p1 [sflag:s0], $0x1400  }
0x2bc: {  	s5 =	simm.s32 @!p1 $0x730;
	[sflag:s0] =	ssyncset.done @!p1 $0x0  }
0x2bd: {  	s2 =	simm.s32 @!p1 $0x6B80;
	[sflag:s0] =	ssyncadd.s32 @!p1 $0xFFFFEC00;
	s0 =	simm.s32 @!p1 $0x50  }
0x2be: {  	[spmem:s3] =	stream.indirect.scatter.add.f32 @!p1 [tilespmem:s2], [sflag:$0xC], $0x40, s5, s0, $0xb8;
	[tilespmem:$0x14A00] =	vst v63  }
0x2bf: {  	s0 =	simm.s32 @!p1 $0x7  }
0x2c0: {  	_ =	swait.ge @!p1 [sflag:s0], $0x1400  }
0x2c1: {  	[sflag:s0] =	ssyncset.done @!p1 $0x0  }
0x2c2: {  	[sflag:s0] =	ssyncadd.s32 @!p1 $0xFFFFEC00;
	s0 =	simm.s32 @!p1 $0x8  }
0x2c3: {  	_ =	swait.ge @!p1 [sflag:s0], $0x1400  }
0x2c4: {  	[sflag:s0] =	ssyncset.done @!p1 $0x0  }
0x2c5: {  	[sflag:s0] =	ssyncadd.s32 @!p1 $0xFFFFEC00;
	s0 =	simm.s32 @!p1 $0x9  }
0x2c6: {  	_ =	swait.ge @!p1 [sflag:s0], $0x1400  }
0x2c7: {  	[sflag:s0] =	ssyncset.done @!p1 $0x0  }
0x2c8: {  	[sflag:s0] =	ssyncadd.s32 @!p1 $0xFFFFEC00;
	s0 =	simm.s32 @!p1 $0xA  }
0x2c9: {  	_ =	swait.ge @!p1 [sflag:s0], $0x1400  }
0x2ca: {  	[sflag:s0] =	ssyncset.done @!p1 $0x0  }
0x2cb: {  	[sflag:s0] =	ssyncadd.s32 @!p1 $0xFFFFEC00;
	s0 =	simm.s32 @!p1 $0xB  }
0x2cc: {  	_ =	swait.ge @!p1 [sflag:s0], $0x1400  }
0x2cd: {  	[sflag:s0] =	ssyncset.done @!p1 $0x0  }
0x2ce: {  	[sflag:s0] =	ssyncadd.s32 @!p1 $0xFFFFEC00;
	s0 =	simm.s32 @!p1 $0xC  }
0x2cf: {  	_ =	swait.ge @!p1 [sflag:s0], $0x1400  }
0x2d0: {  	[sflag:s0] =	ssyncset.done @!p1 $0x0  }
0x2d1: {  	[sflag:s0] =	ssyncadd.s32 @!p1 $0xFFFFEC00  }
0x2d2: {  	[bflag:$0x0] =	sbarrier.arrive $0xFFFF  }
0x2d3: {  	s5 =	sld [smem:$0x7FD]  }
0x2d4: {  	s9 =	rddreg [dreg:$0x1a]  }
0x2d5: {  	s29 =	rddreg [dreg:$0x1d]  }
0x2d6: {  	[hbm:s29], [sflag:s9] =	dma.local [spmem:s5], $0x13C0  }
0x2d7: {  	_ =	swait.ge [sflag:s24], $0x13C0  }
0x2d8: {  	[sflag:s24] =	ssyncset.done $0x0;
	s0 =	rddreg [dreg:$0x1b]  }
0x2d9: {  	s2 =	rddreg [dreg:$0x1e];
	[sflag:s24] =	ssyncadd.s32 $0xFFFFEC40;
	s0 =	sshrl.u32 @!p0 s0, $0x3  }
0x2da: {  	[hbm:s2], [sflag:s9] =	dma.local @!p0 [spmem:s0], $0x4F0  }
0x2db: {  	s0 =	simm.s32 @!p0 $0x13  }
0x2dc: {  	_ =	swait.ge @!p0 [sflag:s0], $0x4F0  }
0x2dd: {  	s30 =	sld [smem:$0x7FB];
	_ =	sdelay $0x2  }
0x2de: {  	s31 =	rddreg [dreg:$0x1f];
	s8 =	sadd.s32 $0x1, s30  }
0x2df: {  	s10 =	simm.s32 $0x780;
	s14 =	simm.s32 $0x0;
	p2 =	sne.s32 s8, s31  }
.Ltmp2:
0x2e0: {  	s15 =	simm.s32 $0x1;
	s11 =	simm.s32 $0x1B80;
	(pc) =	sbr.rel @p2 .LBB2_1-.Ltmp2, $4  }
0x2e1: {  	s18 =	simm.s32 $0x3;
	s19 =	simm.s32 $0x4;
	s20 =	simm.s32 $0x5  }
0x2e2: {  	s13 =	simm.s32 $0x2F80;
	s21 =	simm.s32 $0x5780;
	s23 =	simm.s32 $0x6  }
0x2e3: {  	s25 =	simm.s32 $0x2;
	s7 =	simm.s32 $0x13;
	[sflag:s0] =	ssyncset.done @!p0 $0x0  }
0x2e4: {  	s16 =	simm.s32 $0x6B80;
	s6 =	simm.s32 $0x3C0;
	[sflag:s0] =	ssyncadd.s32 @!p0 $0xFFFFFB10  }
0x2e5: {  	_ =	sfence.sel $0x180000  }
0x2e6: {  	[bflag:$0x0] =	sbarrier.arrive $0xFFFF  }
0x2e7: {  	_ =	strace $0x90000047  }
0x2e8: {  	s0 =	stileid.u32;
	[bflag:$0x2] =	sbarrier.arrive $0xFFFF  }
0x2e9: {  	p0 =	sne.s32 s0, $0x0;
	s0 =	rddreg [dreg:$0x5]  }
0x2ea: {  	s0 =	sadd.s32 @!p0 $0x100000, s0  }
0x2eb: {  	[sflag:s0] =	ssyncadd.tile.s32 @!p0 $0x1;
	_ =	shalt  }
.Lfunc_end2:
_tile_overlayer_lowered:
.L_overlay_start_2:
0x2ec: {  	(tag) =	ssettag $0x2  }
0x2ed: {  	s0 =	rddreg [dreg:$0x0];
	s2 =	stileid.u32  }
0x2ee: {  	s1 =	rddreg [dreg:$0x1];
	p0 =	sne.s32 s2, $0x0  }
0x2ef: {  	s3 =	rddreg [dreg:$0x2];
	[bflag:$0x3] =	sbarrier.arrive $0xFFFF;
	s2 =	simm.s32 @!p0 $0x1C13  }
0x2f0: {  	[timem:s3], [sflag:s2] =	dma.local @!p0 [hbm:s0], s1  }
0x2f1: {  	s0 =	simm.s32 @!p0 $0x13  }
0x2f2: {  	_ =	swait.ge @!p0 [sflag:s0], s1  }
0x2f3: {  	s1 =	ssub.s32 @!p0 $0x0, s1;
	[sflag:s0] =	ssyncset.done @!p0 $0x0  }
0x2f4: {  	[sflag:s0] =	ssyncadd.s32 @!p0 s1  }
0x2f5: {  	[bflag:$0x3] =	sbarrier.arrive $0xFFFF  }
0x2f6: {  	_ =	shalt  }

</sc_bundles>
